<compile_context>
chip_gen: v7x
topology: tpu7x:2x2x1
jax: 0.10.2.dev20260603
libtpu: 0.0.44.dev20260713+nightly
codegen_flags: <defaults>
</compile_context>

<pallas_src>
import jax
import jax.numpy as jnp
from jax import lax
from jax.experimental import pallas as pl
from jax.experimental.pallas import tpu as pltpu
from jax.experimental.pallas import tpu_sc as plsc

_DIM = 64
_BATCH = 16384
_NEG = 20
_KP = 32
_PW = 128
_OW = 24

_NC = 2
_NS = 16
_NW = _NC * _NS
_BT = _BATCH // _NW
_CH = 16
_NCHUNK = _BT // _CH
_IW = 64
_NEG_ROWS = _CH * _NEG
_NEG_G = _NEG_ROWS // _IW
_TN = _BT * _NEG


def _sc_body(ip_ref, op_ref, on_ref, po_ref, win_ref, wout_ref, y_ref,
             ii_div, ip_div, in_div, poff,
             in_a, pos_a, neg_a, in_b, pos_b, neg_b, y_v, sem_a, sem_b):
  wid = lax.axis_index("s") * _NC + lax.axis_index("c")
  lane = lax.iota(jnp.int32, 16)
  bufs_a = (in_a, pos_a, neg_a, sem_a)
  bufs_b = (in_b, pos_b, neg_b, sem_b)

  pltpu.sync_copy(ip_ref.at[pl.ds(wid * _BT, _BT)], ii_div)
  pltpu.sync_copy(op_ref.at[pl.ds(wid * _BT, _BT)], ip_div)
  pltpu.sync_copy(on_ref.at[pl.ds(wid * _TN, _TN)], in_div)
  pltpu.sync_copy(po_ref.at[pl.ds(wid * _BT * _OW, _BT * _OW)], poff)

  def issue(c, bufs):
    in_r, pos_r, neg_r, sem = bufs
    pltpu.async_copy(win_ref.at[ii_div.at[pl.ds(c * _CH, _CH)]], in_r, sem)
    pltpu.async_copy(wout_ref.at[ip_div.at[pl.ds(c * _CH, _CH)]], pos_r, sem)
    for j in range(_NEG_G):
      pltpu.async_copy(
          wout_ref.at[in_div.at[pl.ds(c * _NEG_ROWS + j * _IW, _IW)]],
          neg_r.at[pl.ds(j * _IW, _IW)], sem)

  def drain(bufs):
    in_r, pos_r, neg_r, sem = bufs
    pltpu.make_async_copy(win_ref.at[ii_div.at[pl.ds(0, _CH)]], in_r, sem).wait()
    pltpu.make_async_copy(wout_ref.at[ip_div.at[pl.ds(0, _CH)]], pos_r, sem).wait()
    for j in range(_NEG_G):
      pltpu.make_async_copy(wout_ref.at[in_div.at[pl.ds(0, _IW)]],
                            neg_r.at[pl.ds(j * _IW, _IW)], sem).wait()

  def compute(c, bufs):
    in_r, pos_r, neg_r, _ = bufs

    @plsc.parallel_loop(0, _CH, unroll=2)
    def elem_body(e):
      ge = c * _CH + e
      v0 = poff[pl.ds(ge * _OW, 16)]
      v1 = poff[pl.ds(ge * _OW + 8, 16)]
      iv = [in_r[e, pl.ds(v0[0] + 16 * j, 16)] for j in range(4)]

      def dot(rows_ref, r, off):
        acc = iv[0] * rows_ref[r, pl.ds(off, 16)]
        for j in range(1, 4):
          acc += iv[j] * rows_ref[r, pl.ds(off + 16 * j, 16)]
        return jnp.sum(acc)

      def noff(k):
        return v0[k + 2] if k <= 13 else v1[k - 6]

      vec_a = jnp.full((16,), dot(pos_r, e, v0[1]), jnp.float32)
      for k in range(15):
        s = -dot(neg_r, e * _NEG + k, noff(k))
        vec_a = jnp.where(lane == k + 1, jnp.full((16,), s, jnp.float32), vec_a)
      vec_b = jnp.zeros((16,), jnp.float32)
      for k in range(15, _NEG):
        s = -dot(neg_r, e * _NEG + k, noff(k))
        vec_b = jnp.where(lane == k - 15, jnp.full((16,), s, jnp.float32), vec_b)

      y_v[pl.ds(e * _KP, 16)] = vec_a
      y_v[pl.ds(e * _KP + 16, 16)] = vec_b

    pltpu.sync_copy(y_v, y_ref.at[pl.ds((wid * _BT + c * _CH) * _KP, _CH * _KP)])

  issue(0, bufs_a)

  def pair_body(g, carry):
    c0 = 2 * g
    issue(c0 + 1, bufs_b)
    drain(bufs_a)
    compute(c0, bufs_a)
    issue(jnp.minimum(c0 + 2, _NCHUNK - 1), bufs_a)
    drain(bufs_b)
    compute(c0 + 1, bufs_b)
    return carry

  lax.fori_loop(0, _NCHUNK // 2, pair_body, 0)
  drain(bufs_a)


def _loss_body(y_ref, o_ref):
  x = jnp.clip(y_ref[...], -10.0, 10.0)
  ls = jnp.minimum(x, 0.0) - jnp.log1p(jnp.exp(-jnp.abs(x)))
  col = lax.broadcasted_iota(jnp.int32, y_ref.shape, 1) % _KP
  ls = jnp.where(col < _NEG + 1, ls, 0.0)
  o_ref[0, 0] = -jnp.sum(ls) * (1.0 / _BATCH)


@jax.jit
def kernel(input_pos, output_pos, output_neg, W_in, W_out):
  ii = jax.lax.shift_right_logical(input_pos, 1)
  ip = jax.lax.shift_right_logical(output_pos, 1)
  on = jax.lax.shift_right_logical(output_neg.reshape(_BATCH * _NEG), 1)
  cat = jnp.concatenate(
      [input_pos[:, None], output_pos[:, None], output_neg], axis=1)
  po = jnp.pad((cat & 1) * _DIM, ((0, 0), (0, _OW - _NEG - 2)))
  po = po.reshape(_BATCH * _OW)
  w_in2 = W_in.reshape(-1, _PW)
  w_out2 = W_out.reshape(-1, _PW)

  mesh = plsc.VectorSubcoreMesh(core_axis_name="c", subcore_axis_name="s")
  y = pl.kernel(
      _sc_body,
      out_type=jax.ShapeDtypeStruct((_BATCH * _KP,), jnp.float32),
      mesh=mesh,
      compiler_params=pltpu.CompilerParams(needs_layout_passes=False),
      scratch_types=[
          pltpu.VMEM((_BT,), jnp.int32),
          pltpu.VMEM((_BT,), jnp.int32),
          pltpu.VMEM((_TN,), jnp.int32),
          pltpu.VMEM((_BT * _OW,), jnp.int32),
          pltpu.VMEM((_CH, _PW), jnp.float32),
          pltpu.VMEM((_CH, _PW), jnp.float32),
          pltpu.VMEM((_NEG_ROWS, _PW), jnp.float32),
          pltpu.VMEM((_CH, _PW), jnp.float32),
          pltpu.VMEM((_CH, _PW), jnp.float32),
          pltpu.VMEM((_NEG_ROWS, _PW), jnp.float32),
          pltpu.VMEM((_CH * _KP,), jnp.float32),
          pltpu.SemaphoreType.DMA,
          pltpu.SemaphoreType.DMA,
      ],
  )(ii, ip, on, po, w_in2, w_out2)

  loss = pl.pallas_call(
      _loss_body,
      out_shape=jax.ShapeDtypeStruct((1, 1), jnp.float32),
      out_specs=pl.BlockSpec(memory_space=pltpu.SMEM),
  )(y.reshape(_BATCH * _KP // 128, 128))
  return loss[0, 0]

# --- scband reference (transcript-rebuilt; emitter-appended) ---
"""Pipeline reference for scband-skip-gram-ns-17523466568402 (READ-ONLY COPY).

The authoritative reference and input builder live on the scoring server;
editing this copy changes nothing except your own understanding.
"""

import jax, jax.numpy as jnp
import numpy as np

VOCAB = 1000000
DIM = 64
BATCH = 16384
NEG = 20


def setup_inputs(seed: int = 0) -> dict:
    key = jax.random.key(seed)
    k1, k2, k3, k4, k5 = jax.random.split(key, 5)
    r = 0.5 / DIM
    W_in = jax.random.uniform(k1, (VOCAB, DIM), minval=-r, maxval=r, dtype=jnp.float32)
    W_out = jax.random.uniform(k2, (VOCAB, DIM), minval=-r, maxval=r, dtype=jnp.float32)
    input_pos = jax.random.randint(k3, (BATCH,), 0, VOCAB, dtype=jnp.int32)
    output_pos = jax.random.randint(k4, (BATCH,), 0, VOCAB, dtype=jnp.int32)
    output_neg = jax.random.randint(k5, (BATCH, NEG), 0, VOCAB, dtype=jnp.int32)
    return {"input_pos": input_pos, "output_pos": output_pos, "output_neg": output_neg, "W_in": W_in, "W_out": W_out}


def reference(input_pos, output_pos, output_neg, W_in, W_out):
    input_v = jnp.take(W_in, input_pos, axis=0)            # [B, D]
    pos_output_v = jnp.take(W_out, output_pos, axis=0)     # [B, D]
    neg_output_m = jnp.take(W_out, output_neg, axis=0)     # [B, K, D]
    pos_sim = jnp.sum(pos_output_v * input_v, axis=1)
    pos_sim = jnp.clip(pos_sim, -10.0, 10.0)
    pos_sim = jax.nn.log_sigmoid(pos_sim)
    neg_sim = jnp.einsum('bkd,bd->bk', neg_output_m, input_v)  # bmm(neg_m, input_v.unsqueeze(2)).squeeze(2)
    neg_sim = jnp.clip(neg_sim, -10.0, 10.0)
    neg_sim = jnp.sum(jax.nn.log_sigmoid(-neg_sim), axis=1)
    loss = -jnp.mean(pos_sim + neg_sim)
    return loss

if __name__ == "__main__":
    import jax
    _d = setup_inputs()
    print(jax.jit(kernel)(*tuple(_d.values())))

</pallas_src>

<mosaic_0001>
#map = affine_map<(d0, d1) -> (0)>
#map1 = affine_map<(d0, d1) -> (0, 0)>
module attributes {stable_mosaic.version = 14 : i64} {
  func.func @_sc_body(%arg0: i32, %arg1: i32, %arg2: memref<16384xi32, #tpu.memory_space<hbm>>, %arg3: memref<16384xi32, #tpu.memory_space<hbm>>, %arg4: memref<327680xi32, #tpu.memory_space<hbm>>, %arg5: memref<393216xi32, #tpu.memory_space<hbm>>, %arg6: memref<500000x128xf32, #tpu.memory_space<hbm>>, %arg7: memref<500000x128xf32, #tpu.memory_space<hbm>>, %arg8: memref<524288xf32, #tpu.memory_space<hbm>>, %arg9: memref<512xi32, #tpu.memory_space<vmem>>, %arg10: memref<512xi32, #tpu.memory_space<vmem>>, %arg11: memref<10240xi32, #tpu.memory_space<vmem>>, %arg12: memref<12288xi32, #tpu.memory_space<vmem>>, %arg13: memref<16x128xf32, #tpu.memory_space<vmem>>, %arg14: memref<16x128xf32, #tpu.memory_space<vmem>>, %arg15: memref<320x128xf32, #tpu.memory_space<vmem>>, %arg16: memref<16x128xf32, #tpu.memory_space<vmem>>, %arg17: memref<16x128xf32, #tpu.memory_space<vmem>>, %arg18: memref<320x128xf32, #tpu.memory_space<vmem>>, %arg19: memref<512xf32, #tpu.memory_space<vmem>>, %arg20: memref<!tpu.dma_semaphore, #tpu.memory_space<semaphore_mem>>, %arg21: memref<!tpu.dma_semaphore, #tpu.memory_space<semaphore_mem>>) attributes {dimension_semantics = [#tpu.dimension_semantics<core_parallel>, #tpu.dimension_semantics<subcore_parallel>], iteration_bounds = array<i64: 2, 16>, scalar_prefetch = 0 : i64, scratch_operands = 13 : i64, tpu.core_type = #tpu.core_type<sc_vector_subcore>, window_params = [{transform_indices = #map}, {transform_indices = #map}, {transform_indices = #map}, {transform_indices = #map}, {transform_indices = #map1}, {transform_indices = #map1}, {transform_indices = #map}]} {
    %mul3A = arith.constant 2 : i32
    %mul3A_0 = arith.muli %arg1, %mul3A : i32
    %add3A = arith.addi %mul3A_0, %arg0 : i32
    %iota3A = tpu.iota {dimensions = array<i32: 0>} : vector<16xi32>
    %mul3A_1 = arith.constant 512 : i32
    %mul3A_2 = arith.muli %add3A, %mul3A_1 : i32
    "tpu.region"() ({
      %run_scoped3A = tpu.sem_alloc : memref<!tpu.dma_semaphore, #tpu.memory_space<semaphore_mem>>
      %dma_start3A_114 = tpu.memref_slice %arg2[%mul3A_2] : memref<16384xi32, #tpu.memory_space<hbm>> -> memref<512xi32, #tpu.memory_space<hbm>>
      %dma_start3A_115 = tpu.memref_slice %arg2[%mul3A_2] : memref<16384xi32, #tpu.memory_space<hbm>> -> memref<512xi32, #tpu.memory_space<hbm>>
      tpu.enqueue_dma source(%dma_start3A_115 : memref<512xi32, #tpu.memory_space<hbm>>) target(%arg9 : memref<512xi32, #tpu.memory_space<vmem>>) target_semaphore(%run_scoped3A : memref<!tpu.dma_semaphore, #tpu.memory_space<semaphore_mem>>)
      %dma_wait3A_116 = tpu.memref_slice %arg2[%mul3A_2] : memref<16384xi32, #tpu.memory_space<hbm>> -> memref<512xi32, #tpu.memory_space<hbm>>
      %dma_wait3A_117 = tpu.memref_slice %arg2[%mul3A_2] : memref<16384xi32, #tpu.memory_space<hbm>> -> memref<512xi32, #tpu.memory_space<hbm>>
      tpu.wait_dma2 semaphore(%run_scoped3A : memref<!tpu.dma_semaphore, #tpu.memory_space<semaphore_mem>>) src(%dma_wait3A_117 : memref<512xi32, #tpu.memory_space<hbm>>) dst(%arg9 : memref<512xi32, #tpu.memory_space<vmem>>)
      tpu.yield
    }) : () -> ()
    %mul3A_3 = arith.constant 512 : i32
    %mul3A_4 = arith.muli %add3A, %mul3A_3 : i32
    "tpu.region"() ({
      %run_scoped3A = tpu.sem_alloc : memref<!tpu.dma_semaphore, #tpu.memory_space<semaphore_mem>>
      %dma_start3A_114 = tpu.memref_slice %arg3[%mul3A_4] : memref<16384xi32, #tpu.memory_space<hbm>> -> memref<512xi32, #tpu.memory_space<hbm>>
      %dma_start3A_115 = tpu.memref_slice %arg3[%mul3A_4] : memref<16384xi32, #tpu.memory_space<hbm>> -> memref<512xi32, #tpu.memory_space<hbm>>
      tpu.enqueue_dma source(%dma_start3A_115 : memref<512xi32, #tpu.memory_space<hbm>>) target(%arg10 : memref<512xi32, #tpu.memory_space<vmem>>) target_semaphore(%run_scoped3A : memref<!tpu.dma_semaphore, #tpu.memory_space<semaphore_mem>>)
      %dma_wait3A_116 = tpu.memref_slice %arg3[%mul3A_4] : memref<16384xi32, #tpu.memory_space<hbm>> -> memref<512xi32, #tpu.memory_space<hbm>>
      %dma_wait3A_117 = tpu.memref_slice %arg3[%mul3A_4] : memref<16384xi32, #tpu.memory_space<hbm>> -> memref<512xi32, #tpu.memory_space<hbm>>
      tpu.wait_dma2 semaphore(%run_scoped3A : memref<!tpu.dma_semaphore, #tpu.memory_space<semaphore_mem>>) src(%dma_wait3A_117 : memref<512xi32, #tpu.memory_space<hbm>>) dst(%arg10 : memref<512xi32, #tpu.memory_space<vmem>>)
      tpu.yield
    }) : () -> ()
    %mul3A_5 = arith.constant 10240 : i32
    %mul3A_6 = arith.muli %add3A, %mul3A_5 : i32
    "tpu.region"() ({
      %run_scoped3A = tpu.sem_alloc : memref<!tpu.dma_semaphore, #tpu.memory_space<semaphore_mem>>
      %dma_start3A_114 = tpu.memref_slice %arg4[%mul3A_6] : memref<327680xi32, #tpu.memory_space<hbm>> -> memref<10240xi32, #tpu.memory_space<hbm>>
      %dma_start3A_115 = tpu.memref_slice %arg4[%mul3A_6] : memref<327680xi32, #tpu.memory_space<hbm>> -> memref<10240xi32, #tpu.memory_space<hbm>>
      tpu.enqueue_dma source(%dma_start3A_115 : memref<10240xi32, #tpu.memory_space<hbm>>) target(%arg11 : memref<10240xi32, #tpu.memory_space<vmem>>) target_semaphore(%run_scoped3A : memref<!tpu.dma_semaphore, #tpu.memory_space<semaphore_mem>>)
      %dma_wait3A_116 = tpu.memref_slice %arg4[%mul3A_6] : memref<327680xi32, #tpu.memory_space<hbm>> -> memref<10240xi32, #tpu.memory_space<hbm>>
      %dma_wait3A_117 = tpu.memref_slice %arg4[%mul3A_6] : memref<327680xi32, #tpu.memory_space<hbm>> -> memref<10240xi32, #tpu.memory_space<hbm>>
      tpu.wait_dma2 semaphore(%run_scoped3A : memref<!tpu.dma_semaphore, #tpu.memory_space<semaphore_mem>>) src(%dma_wait3A_117 : memref<10240xi32, #tpu.memory_space<hbm>>) dst(%arg11 : memref<10240xi32, #tpu.memory_space<vmem>>)
      tpu.yield
    }) : () -> ()
    %mul3A_7 = arith.constant 512 : i32
    %mul3A_8 = arith.muli %add3A, %mul3A_7 : i32
    %mul3A_9 = arith.constant 24 : i32
    %mul3A_10 = arith.muli %mul3A_8, %mul3A_9 : i32
    "tpu.region"() ({
      %run_scoped3A = tpu.sem_alloc : memref<!tpu.dma_semaphore, #tpu.memory_space<semaphore_mem>>
      %dma_start3A_114 = tpu.memref_slice %arg5[%mul3A_10] : memref<393216xi32, #tpu.memory_space<hbm>> -> memref<12288xi32, #tpu.memory_space<hbm>>
      %dma_start3A_115 = tpu.memref_slice %arg5[%mul3A_10] : memref<393216xi32, #tpu.memory_space<hbm>> -> memref<12288xi32, #tpu.memory_space<hbm>>
      tpu.enqueue_dma source(%dma_start3A_115 : memref<12288xi32, #tpu.memory_space<hbm>>) target(%arg12 : memref<12288xi32, #tpu.memory_space<vmem>>) target_semaphore(%run_scoped3A : memref<!tpu.dma_semaphore, #tpu.memory_space<semaphore_mem>>)
      %dma_wait3A_116 = tpu.memref_slice %arg5[%mul3A_10] : memref<393216xi32, #tpu.memory_space<hbm>> -> memref<12288xi32, #tpu.memory_space<hbm>>
      %dma_wait3A_117 = tpu.memref_slice %arg5[%mul3A_10] : memref<393216xi32, #tpu.memory_space<hbm>> -> memref<12288xi32, #tpu.memory_space<hbm>>
      tpu.wait_dma2 semaphore(%run_scoped3A : memref<!tpu.dma_semaphore, #tpu.memory_space<semaphore_mem>>) src(%dma_wait3A_117 : memref<12288xi32, #tpu.memory_space<hbm>>) dst(%arg12 : memref<12288xi32, #tpu.memory_space<vmem>>)
      tpu.yield
    }) : () -> ()
    %dma_start3A = arith.constant 0 : i32
    %dma_start3A_11 = tpu.memref_slice %arg9[%dma_start3A] : memref<512xi32, #tpu.memory_space<vmem>> -> memref<16xi32, #tpu.memory_space<vmem>>
    %dma_start3A_12 = arith.constant 0 : i32
    %dma_start3A_13 = arith.constant 0 : i32
    %dma_start3A_14 = tpu.memref_slice %arg6[%dma_start3A_12, %dma_start3A_13] : memref<500000x128xf32, #tpu.memory_space<hbm>> -> memref<500000x128xf32, #tpu.memory_space<hbm>>
    tpu.enqueue_indirect_dma source(%dma_start3A_14 : memref<500000x128xf32, #tpu.memory_space<hbm>>) target(%arg13 : memref<16x128xf32, #tpu.memory_space<vmem>>) offsets(%dma_start3A_11 : memref<16xi32, #tpu.memory_space<vmem>>) semaphore(%arg20 : memref<!tpu.dma_semaphore, #tpu.memory_space<semaphore_mem>>)
    %dma_start3A_15 = arith.constant 0 : i32
    %dma_start3A_16 = tpu.memref_slice %arg10[%dma_start3A_15] : memref<512xi32, #tpu.memory_space<vmem>> -> memref<16xi32, #tpu.memory_space<vmem>>
    %dma_start3A_17 = arith.constant 0 : i32
    %dma_start3A_18 = arith.constant 0 : i32
    %dma_start3A_19 = tpu.memref_slice %arg7[%dma_start3A_17, %dma_start3A_18] : memref<500000x128xf32, #tpu.memory_space<hbm>> -> memref<500000x128xf32, #tpu.memory_space<hbm>>
    tpu.enqueue_indirect_dma source(%dma_start3A_19 : memref<500000x128xf32, #tpu.memory_space<hbm>>) target(%arg14 : memref<16x128xf32, #tpu.memory_space<vmem>>) offsets(%dma_start3A_16 : memref<16xi32, #tpu.memory_space<vmem>>) semaphore(%arg20 : memref<!tpu.dma_semaphore, #tpu.memory_space<semaphore_mem>>)
    %dma_start3A_20 = arith.constant 0 : i32
    %dma_start3A_21 = arith.constant 0 : i32
    %dma_start3A_22 = tpu.memref_slice %arg15[%dma_start3A_20, %dma_start3A_21] : memref<320x128xf32, #tpu.memory_space<vmem>> -> memref<64x128xf32, #tpu.memory_space<vmem>>
    %dma_start3A_23 = arith.constant 0 : i32
    %dma_start3A_24 = tpu.memref_slice %arg11[%dma_start3A_23] : memref<10240xi32, #tpu.memory_space<vmem>> -> memref<64xi32, #tpu.memory_space<vmem>>
    %dma_start3A_25 = arith.constant 0 : i32
    %dma_start3A_26 = arith.constant 0 : i32
    %dma_start3A_27 = tpu.memref_slice %arg7[%dma_start3A_25, %dma_start3A_26] : memref<500000x128xf32, #tpu.memory_space<hbm>> -> memref<500000x128xf32, #tpu.memory_space<hbm>>
    tpu.enqueue_indirect_dma source(%dma_start3A_27 : memref<500000x128xf32, #tpu.memory_space<hbm>>) target(%dma_start3A_22 : memref<64x128xf32, #tpu.memory_space<vmem>>) offsets(%dma_start3A_24 : memref<64xi32, #tpu.memory_space<vmem>>) semaphore(%arg20 : memref<!tpu.dma_semaphore, #tpu.memory_space<semaphore_mem>>)
    %dma_start3A_28 = arith.constant 64 : i32
    %dma_start3A_29 = arith.constant 0 : i32
    %dma_start3A_30 = tpu.memref_slice %arg15[%dma_start3A_28, %dma_start3A_29] : memref<320x128xf32, #tpu.memory_space<vmem>> -> memref<64x128xf32, #tpu.memory_space<vmem>>
    %dma_start3A_31 = arith.constant 64 : i32
    %dma_start3A_32 = tpu.memref_slice %arg11[%dma_start3A_31] : memref<10240xi32, #tpu.memory_space<vmem>> -> memref<64xi32, #tpu.memory_space<vmem>>
    %dma_start3A_33 = arith.constant 0 : i32
    %dma_start3A_34 = arith.constant 0 : i32
    %dma_start3A_35 = tpu.memref_slice %arg7[%dma_start3A_33, %dma_start3A_34] : memref<500000x128xf32, #tpu.memory_space<hbm>> -> memref<500000x128xf32, #tpu.memory_space<hbm>>
    tpu.enqueue_indirect_dma source(%dma_start3A_35 : memref<500000x128xf32, #tpu.memory_space<hbm>>) target(%dma_start3A_30 : memref<64x128xf32, #tpu.memory_space<vmem>>) offsets(%dma_start3A_32 : memref<64xi32, #tpu.memory_space<vmem>>) semaphore(%arg20 : memref<!tpu.dma_semaphore, #tpu.memory_space<semaphore_mem>>)
    %dma_start3A_36 = arith.constant 128 : i32
    %dma_start3A_37 = arith.constant 0 : i32
    %dma_start3A_38 = tpu.memref_slice %arg15[%dma_start3A_36, %dma_start3A_37] : memref<320x128xf32, #tpu.memory_space<vmem>> -> memref<64x128xf32, #tpu.memory_space<vmem>>
    %dma_start3A_39 = arith.constant 128 : i32
    %dma_start3A_40 = tpu.memref_slice %arg11[%dma_start3A_39] : memref<10240xi32, #tpu.memory_space<vmem>> -> memref<64xi32, #tpu.memory_space<vmem>>
    %dma_start3A_41 = arith.constant 0 : i32
    %dma_start3A_42 = arith.constant 0 : i32
    %dma_start3A_43 = tpu.memref_slice %arg7[%dma_start3A_41, %dma_start3A_42] : memref<500000x128xf32, #tpu.memory_space<hbm>> -> memref<500000x128xf32, #tpu.memory_space<hbm>>
    tpu.enqueue_indirect_dma source(%dma_start3A_43 : memref<500000x128xf32, #tpu.memory_space<hbm>>) target(%dma_start3A_38 : memref<64x128xf32, #tpu.memory_space<vmem>>) offsets(%dma_start3A_40 : memref<64xi32, #tpu.memory_space<vmem>>) semaphore(%arg20 : memref<!tpu.dma_semaphore, #tpu.memory_space<semaphore_mem>>)
    %dma_start3A_44 = arith.constant 192 : i32
    %dma_start3A_45 = arith.constant 0 : i32
    %dma_start3A_46 = tpu.memref_slice %arg15[%dma_start3A_44, %dma_start3A_45] : memref<320x128xf32, #tpu.memory_space<vmem>> -> memref<64x128xf32, #tpu.memory_space<vmem>>
    %dma_start3A_47 = arith.constant 192 : i32
    %dma_start3A_48 = tpu.memref_slice %arg11[%dma_start3A_47] : memref<10240xi32, #tpu.memory_space<vmem>> -> memref<64xi32, #tpu.memory_space<vmem>>
    %dma_start3A_49 = arith.constant 0 : i32
    %dma_start3A_50 = arith.constant 0 : i32
    %dma_start3A_51 = tpu.memref_slice %arg7[%dma_start3A_49, %dma_start3A_50] : memref<500000x128xf32, #tpu.memory_space<hbm>> -> memref<500000x128xf32, #tpu.memory_space<hbm>>
    tpu.enqueue_indirect_dma source(%dma_start3A_51 : memref<500000x128xf32, #tpu.memory_space<hbm>>) target(%dma_start3A_46 : memref<64x128xf32, #tpu.memory_space<vmem>>) offsets(%dma_start3A_48 : memref<64xi32, #tpu.memory_space<vmem>>) semaphore(%arg20 : memref<!tpu.dma_semaphore, #tpu.memory_space<semaphore_mem>>)
    %dma_start3A_52 = arith.constant 256 : i32
    %dma_start3A_53 = arith.constant 0 : i32
    %dma_start3A_54 = tpu.memref_slice %arg15[%dma_start3A_52, %dma_start3A_53] : memref<320x128xf32, #tpu.memory_space<vmem>> -> memref<64x128xf32, #tpu.memory_space<vmem>>
    %dma_start3A_55 = arith.constant 256 : i32
    %dma_start3A_56 = tpu.memref_slice %arg11[%dma_start3A_55] : memref<10240xi32, #tpu.memory_space<vmem>> -> memref<64xi32, #tpu.memory_space<vmem>>
    %dma_start3A_57 = arith.constant 0 : i32
    %dma_start3A_58 = arith.constant 0 : i32
    %dma_start3A_59 = tpu.memref_slice %arg7[%dma_start3A_57, %dma_start3A_58] : memref<500000x128xf32, #tpu.memory_space<hbm>> -> memref<500000x128xf32, #tpu.memory_space<hbm>>
    tpu.enqueue_indirect_dma source(%dma_start3A_59 : memref<500000x128xf32, #tpu.memory_space<hbm>>) target(%dma_start3A_54 : memref<64x128xf32, #tpu.memory_space<vmem>>) offsets(%dma_start3A_56 : memref<64xi32, #tpu.memory_space<vmem>>) semaphore(%arg20 : memref<!tpu.dma_semaphore, #tpu.memory_space<semaphore_mem>>)
    %scan3A = arith.constant 0 : i32
    %scan3A_60 = arith.constant 0 : i32
    %scan3A_61 = arith.constant 16 : i32
    %scan3A_62 = arith.addi %scan3A_60, %scan3A_61 : i32
    %scan3A_63 = arith.constant 1 : i32
    scf.for %scan3A_114 = %scan3A_60 to %scan3A_62 step %scan3A_63  : i32 {
      %mul3A_115 = arith.constant 2 : i32
      %mul3A_116 = arith.muli %mul3A_115, %scan3A_114 : i32
      %add3A_117 = arith.constant 1 : i32
      %add3A_118 = arith.addi %mul3A_116, %add3A_117 : i32
      %mul3A_119 = arith.constant 16 : i32
      %mul3A_120 = arith.muli %add3A_118, %mul3A_119 : i32
      %dma_start3A_121 = tpu.memref_slice %arg9[%mul3A_120] : memref<512xi32, #tpu.memory_space<vmem>> -> memref<16xi32, #tpu.memory_space<vmem>>
      %dma_start3A_122 = arith.constant 0 : i32
      %dma_start3A_123 = arith.constant 0 : i32
      %dma_start3A_124 = tpu.memref_slice %arg6[%dma_start3A_122, %dma_start3A_123] : memref<500000x128xf32, #tpu.memory_space<hbm>> -> memref<500000x128xf32, #tpu.memory_space<hbm>>
      tpu.enqueue_indirect_dma source(%dma_start3A_124 : memref<500000x128xf32, #tpu.memory_space<hbm>>) target(%arg16 : memref<16x128xf32, #tpu.memory_space<vmem>>) offsets(%dma_start3A_121 : memref<16xi32, #tpu.memory_space<vmem>>) semaphore(%arg21 : memref<!tpu.dma_semaphore, #tpu.memory_space<semaphore_mem>>)
      %mul3A_125 = arith.constant 16 : i32
      %mul3A_126 = arith.muli %add3A_118, %mul3A_125 : i32
      %dma_start3A_127 = tpu.memref_slice %arg10[%mul3A_126] : memref<512xi32, #tpu.memory_space<vmem>> -> memref<16xi32, #tpu.memory_space<vmem>>
      %dma_start3A_128 = arith.constant 0 : i32
      %dma_start3A_129 = arith.constant 0 : i32
      %dma_start3A_130 = tpu.memref_slice %arg7[%dma_start3A_128, %dma_start3A_129] : memref<500000x128xf32, #tpu.memory_space<hbm>> -> memref<500000x128xf32, #tpu.memory_space<hbm>>
      tpu.enqueue_indirect_dma source(%dma_start3A_130 : memref<500000x128xf32, #tpu.memory_space<hbm>>) target(%arg17 : memref<16x128xf32, #tpu.memory_space<vmem>>) offsets(%dma_start3A_127 : memref<16xi32, #tpu.memory_space<vmem>>) semaphore(%arg21 : memref<!tpu.dma_semaphore, #tpu.memory_space<semaphore_mem>>)
      %mul3A_131 = arith.constant 320 : i32
      %mul3A_132 = arith.muli %add3A_118, %mul3A_131 : i32
      %add3A_133 = arith.constant 0 : i32
      %add3A_134 = arith.addi %mul3A_132, %add3A_133 : i32
      %dma_start3A_135 = arith.constant 0 : i32
      %dma_start3A_136 = arith.constant 0 : i32
      %dma_start3A_137 = tpu.memref_slice %arg18[%dma_start3A_135, %dma_start3A_136] : memref<320x128xf32, #tpu.memory_space<vmem>> -> memref<64x128xf32, #tpu.memory_space<vmem>>
      %dma_start3A_138 = tpu.memref_slice %arg11[%add3A_134] : memref<10240xi32, #tpu.memory_space<vmem>> -> memref<64xi32, #tpu.memory_space<vmem>>
      %dma_start3A_139 = arith.constant 0 : i32
      %dma_start3A_140 = arith.constant 0 : i32
      %dma_start3A_141 = tpu.memref_slice %arg7[%dma_start3A_139, %dma_start3A_140] : memref<500000x128xf32, #tpu.memory_space<hbm>> -> memref<500000x128xf32, #tpu.memory_space<hbm>>
      tpu.enqueue_indirect_dma source(%dma_start3A_141 : memref<500000x128xf32, #tpu.memory_space<hbm>>) target(%dma_start3A_137 : memref<64x128xf32, #tpu.memory_space<vmem>>) offsets(%dma_start3A_138 : memref<64xi32, #tpu.memory_space<vmem>>) semaphore(%arg21 : memref<!tpu.dma_semaphore, #tpu.memory_space<semaphore_mem>>)
      %mul3A_142 = arith.constant 320 : i32
      %mul3A_143 = arith.muli %add3A_118, %mul3A_142 : i32
      %add3A_144 = arith.constant 64 : i32
      %add3A_145 = arith.addi %mul3A_143, %add3A_144 : i32
      %dma_start3A_146 = arith.constant 64 : i32
      %dma_start3A_147 = arith.constant 0 : i32
      %dma_start3A_148 = tpu.memref_slice %arg18[%dma_start3A_146, %dma_start3A_147] : memref<320x128xf32, #tpu.memory_space<vmem>> -> memref<64x128xf32, #tpu.memory_space<vmem>>
      %dma_start3A_149 = tpu.memref_slice %arg11[%add3A_145] : memref<10240xi32, #tpu.memory_space<vmem>> -> memref<64xi32, #tpu.memory_space<vmem>>
      %dma_start3A_150 = arith.constant 0 : i32
      %dma_start3A_151 = arith.constant 0 : i32
      %dma_start3A_152 = tpu.memref_slice %arg7[%dma_start3A_150, %dma_start3A_151] : memref<500000x128xf32, #tpu.memory_space<hbm>> -> memref<500000x128xf32, #tpu.memory_space<hbm>>
      tpu.enqueue_indirect_dma source(%dma_start3A_152 : memref<500000x128xf32, #tpu.memory_space<hbm>>) target(%dma_start3A_148 : memref<64x128xf32, #tpu.memory_space<vmem>>) offsets(%dma_start3A_149 : memref<64xi32, #tpu.memory_space<vmem>>) semaphore(%arg21 : memref<!tpu.dma_semaphore, #tpu.memory_space<semaphore_mem>>)
      %mul3A_153 = arith.constant 320 : i32
      %mul3A_154 = arith.muli %add3A_118, %mul3A_153 : i32
      %add3A_155 = arith.constant 128 : i32
      %add3A_156 = arith.addi %mul3A_154, %add3A_155 : i32
      %dma_start3A_157 = arith.constant 128 : i32
      %dma_start3A_158 = arith.constant 0 : i32
      %dma_start3A_159 = tpu.memref_slice %arg18[%dma_start3A_157, %dma_start3A_158] : memref<320x128xf32, #tpu.memory_space<vmem>> -> memref<64x128xf32, #tpu.memory_space<vmem>>
      %dma_start3A_160 = tpu.memref_slice %arg11[%add3A_156] : memref<10240xi32, #tpu.memory_space<vmem>> -> memref<64xi32, #tpu.memory_space<vmem>>
      %dma_start3A_161 = arith.constant 0 : i32
      %dma_start3A_162 = arith.constant 0 : i32
      %dma_start3A_163 = tpu.memref_slice %arg7[%dma_start3A_161, %dma_start3A_162] : memref<500000x128xf32, #tpu.memory_space<hbm>> -> memref<500000x128xf32, #tpu.memory_space<hbm>>
      tpu.enqueue_indirect_dma source(%dma_start3A_163 : memref<500000x128xf32, #tpu.memory_space<hbm>>) target(%dma_start3A_159 : memref<64x128xf32, #tpu.memory_space<vmem>>) offsets(%dma_start3A_160 : memref<64xi32, #tpu.memory_space<vmem>>) semaphore(%arg21 : memref<!tpu.dma_semaphore, #tpu.memory_space<semaphore_mem>>)
      %mul3A_164 = arith.constant 320 : i32
      %mul3A_165 = arith.muli %add3A_118, %mul3A_164 : i32
      %add3A_166 = arith.constant 192 : i32
      %add3A_167 = arith.addi %mul3A_165, %add3A_166 : i32
      %dma_start3A_168 = arith.constant 192 : i32
      %dma_start3A_169 = arith.constant 0 : i32
      %dma_start3A_170 = tpu.memref_slice %arg18[%dma_start3A_168, %dma_start3A_169] : memref<320x128xf32, #tpu.memory_space<vmem>> -> memref<64x128xf32, #tpu.memory_space<vmem>>
      %dma_start3A_171 = tpu.memref_slice %arg11[%add3A_167] : memref<10240xi32, #tpu.memory_space<vmem>> -> memref<64xi32, #tpu.memory_space<vmem>>
      %dma_start3A_172 = arith.constant 0 : i32
      %dma_start3A_173 = arith.constant 0 : i32
      %dma_start3A_174 = tpu.memref_slice %arg7[%dma_start3A_172, %dma_start3A_173] : memref<500000x128xf32, #tpu.memory_space<hbm>> -> memref<500000x128xf32, #tpu.memory_space<hbm>>
      tpu.enqueue_indirect_dma source(%dma_start3A_174 : memref<500000x128xf32, #tpu.memory_space<hbm>>) target(%dma_start3A_170 : memref<64x128xf32, #tpu.memory_space<vmem>>) offsets(%dma_start3A_171 : memref<64xi32, #tpu.memory_space<vmem>>) semaphore(%arg21 : memref<!tpu.dma_semaphore, #tpu.memory_space<semaphore_mem>>)
      %mul3A_175 = arith.constant 320 : i32
      %mul3A_176 = arith.muli %add3A_118, %mul3A_175 : i32
      %add3A_177 = arith.constant 256 : i32
      %add3A_178 = arith.addi %mul3A_176, %add3A_177 : i32
      %dma_start3A_179 = arith.constant 256 : i32
      %dma_start3A_180 = arith.constant 0 : i32
      %dma_start3A_181 = tpu.memref_slice %arg18[%dma_start3A_179, %dma_start3A_180] : memref<320x128xf32, #tpu.memory_space<vmem>> -> memref<64x128xf32, #tpu.memory_space<vmem>>
      %dma_start3A_182 = tpu.memref_slice %arg11[%add3A_178] : memref<10240xi32, #tpu.memory_space<vmem>> -> memref<64xi32, #tpu.memory_space<vmem>>
      %dma_start3A_183 = arith.constant 0 : i32
      %dma_start3A_184 = arith.constant 0 : i32
      %dma_start3A_185 = tpu.memref_slice %arg7[%dma_start3A_183, %dma_start3A_184] : memref<500000x128xf32, #tpu.memory_space<hbm>> -> memref<500000x128xf32, #tpu.memory_space<hbm>>
      tpu.enqueue_indirect_dma source(%dma_start3A_185 : memref<500000x128xf32, #tpu.memory_space<hbm>>) target(%dma_start3A_181 : memref<64x128xf32, #tpu.memory_space<vmem>>) offsets(%dma_start3A_182 : memref<64xi32, #tpu.memory_space<vmem>>) semaphore(%arg21 : memref<!tpu.dma_semaphore, #tpu.memory_space<semaphore_mem>>)
      %dma_wait3A_186 = arith.constant 0 : i32
      %dma_wait3A_187 = tpu.memref_slice %arg9[%dma_wait3A_186] : memref<512xi32, #tpu.memory_space<vmem>> -> memref<16xi32, #tpu.memory_space<vmem>>
      %dma_wait3A_188 = arith.constant 0 : i32
      %dma_wait3A_189 = arith.constant 0 : i32
      %dma_wait3A_190 = tpu.memref_slice %arg6[%dma_wait3A_188, %dma_wait3A_189] : memref<500000x128xf32, #tpu.memory_space<hbm>> -> memref<500000x128xf32, #tpu.memory_space<hbm>>
      tpu.wait_indirect_dma semaphore(%arg20 : memref<!tpu.dma_semaphore, #tpu.memory_space<semaphore_mem>>) src(%dma_wait3A_190 : memref<500000x128xf32, #tpu.memory_space<hbm>>) dst(%arg13 : memref<16x128xf32, #tpu.memory_space<vmem>>)
      %dma_wait3A_191 = arith.constant 0 : i32
      %dma_wait3A_192 = tpu.memref_slice %arg10[%dma_wait3A_191] : memref<512xi32, #tpu.memory_space<vmem>> -> memref<16xi32, #tpu.memory_space<vmem>>
      %dma_wait3A_193 = arith.constant 0 : i32
      %dma_wait3A_194 = arith.constant 0 : i32
      %dma_wait3A_195 = tpu.memref_slice %arg7[%dma_wait3A_193, %dma_wait3A_194] : memref<500000x128xf32, #tpu.memory_space<hbm>> -> memref<500000x128xf32, #tpu.memory_space<hbm>>
      tpu.wait_indirect_dma semaphore(%arg20 : memref<!tpu.dma_semaphore, #tpu.memory_space<semaphore_mem>>) src(%dma_wait3A_195 : memref<500000x128xf32, #tpu.memory_space<hbm>>) dst(%arg14 : memref<16x128xf32, #tpu.memory_space<vmem>>)
      %dma_wait3A_196 = arith.constant 0 : i32
      %dma_wait3A_197 = arith.constant 0 : i32
      %dma_wait3A_198 = tpu.memref_slice %arg15[%dma_wait3A_196, %dma_wait3A_197] : memref<320x128xf32, #tpu.memory_space<vmem>> -> memref<64x128xf32, #tpu.memory_space<vmem>>
      %dma_wait3A_199 = arith.constant 0 : i32
      %dma_wait3A_200 = tpu.memref_slice %arg11[%dma_wait3A_199] : memref<10240xi32, #tpu.memory_space<vmem>> -> memref<64xi32, #tpu.memory_space<vmem>>
      %dma_wait3A_201 = arith.constant 0 : i32
      %dma_wait3A_202 = arith.constant 0 : i32
      %dma_wait3A_203 = tpu.memref_slice %arg7[%dma_wait3A_201, %dma_wait3A_202] : memref<500000x128xf32, #tpu.memory_space<hbm>> -> memref<500000x128xf32, #tpu.memory_space<hbm>>
      tpu.wait_indirect_dma semaphore(%arg20 : memref<!tpu.dma_semaphore, #tpu.memory_space<semaphore_mem>>) src(%dma_wait3A_203 : memref<500000x128xf32, #tpu.memory_space<hbm>>) dst(%dma_wait3A_198 : memref<64x128xf32, #tpu.memory_space<vmem>>)
      %dma_wait3A_204 = arith.constant 64 : i32
      %dma_wait3A_205 = arith.constant 0 : i32
      %dma_wait3A_206 = tpu.memref_slice %arg15[%dma_wait3A_204, %dma_wait3A_205] : memref<320x128xf32, #tpu.memory_space<vmem>> -> memref<64x128xf32, #tpu.memory_space<vmem>>
      %dma_wait3A_207 = arith.constant 0 : i32
      %dma_wait3A_208 = tpu.memref_slice %arg11[%dma_wait3A_207] : memref<10240xi32, #tpu.memory_space<vmem>> -> memref<64xi32, #tpu.memory_space<vmem>>
      %dma_wait3A_209 = arith.constant 0 : i32
      %dma_wait3A_210 = arith.constant 0 : i32
      %dma_wait3A_211 = tpu.memref_slice %arg7[%dma_wait3A_209, %dma_wait3A_210] : memref<500000x128xf32, #tpu.memory_space<hbm>> -> memref<500000x128xf32, #tpu.memory_space<hbm>>
      tpu.wait_indirect_dma semaphore(%arg20 : memref<!tpu.dma_semaphore, #tpu.memory_space<semaphore_mem>>) src(%dma_wait3A_211 : memref<500000x128xf32, #tpu.memory_space<hbm>>) dst(%dma_wait3A_206 : memref<64x128xf32, #tpu.memory_space<vmem>>)
      %dma_wait3A_212 = arith.constant 128 : i32
      %dma_wait3A_213 = arith.constant 0 : i32
      %dma_wait3A_214 = tpu.memref_slice %arg15[%dma_wait3A_212, %dma_wait3A_213] : memref<320x128xf32, #tpu.memory_space<vmem>> -> memref<64x128xf32, #tpu.memory_space<vmem>>
      %dma_wait3A_215 = arith.constant 0 : i32
      %dma_wait3A_216 = tpu.memref_slice %arg11[%dma_wait3A_215] : memref<10240xi32, #tpu.memory_space<vmem>> -> memref<64xi32, #tpu.memory_space<vmem>>
      %dma_wait3A_217 = arith.constant 0 : i32
      %dma_wait3A_218 = arith.constant 0 : i32
      %dma_wait3A_219 = tpu.memref_slice %arg7[%dma_wait3A_217, %dma_wait3A_218] : memref<500000x128xf32, #tpu.memory_space<hbm>> -> memref<500000x128xf32, #tpu.memory_space<hbm>>
      tpu.wait_indirect_dma semaphore(%arg20 : memref<!tpu.dma_semaphore, #tpu.memory_space<semaphore_mem>>) src(%dma_wait3A_219 : memref<500000x128xf32, #tpu.memory_space<hbm>>) dst(%dma_wait3A_214 : memref<64x128xf32, #tpu.memory_space<vmem>>)
      %dma_wait3A_220 = arith.constant 192 : i32
      %dma_wait3A_221 = arith.constant 0 : i32
      %dma_wait3A_222 = tpu.memref_slice %arg15[%dma_wait3A_220, %dma_wait3A_221] : memref<320x128xf32, #tpu.memory_space<vmem>> -> memref<64x128xf32, #tpu.memory_space<vmem>>
      %dma_wait3A_223 = arith.constant 0 : i32
      %dma_wait3A_224 = tpu.memref_slice %arg11[%dma_wait3A_223] : memref<10240xi32, #tpu.memory_space<vmem>> -> memref<64xi32, #tpu.memory_space<vmem>>
      %dma_wait3A_225 = arith.constant 0 : i32
      %dma_wait3A_226 = arith.constant 0 : i32
      %dma_wait3A_227 = tpu.memref_slice %arg7[%dma_wait3A_225, %dma_wait3A_226] : memref<500000x128xf32, #tpu.memory_space<hbm>> -> memref<500000x128xf32, #tpu.memory_space<hbm>>
      tpu.wait_indirect_dma semaphore(%arg20 : memref<!tpu.dma_semaphore, #tpu.memory_space<semaphore_mem>>) src(%dma_wait3A_227 : memref<500000x128xf32, #tpu.memory_space<hbm>>) dst(%dma_wait3A_222 : memref<64x128xf32, #tpu.memory_space<vmem>>)
      %dma_wait3A_228 = arith.constant 256 : i32
      %dma_wait3A_229 = arith.constant 0 : i32
      %dma_wait3A_230 = tpu.memref_slice %arg15[%dma_wait3A_228, %dma_wait3A_229] : memref<320x128xf32, #tpu.memory_space<vmem>> -> memref<64x128xf32, #tpu.memory_space<vmem>>
      %dma_wait3A_231 = arith.constant 0 : i32
      %dma_wait3A_232 = tpu.memref_slice %arg11[%dma_wait3A_231] : memref<10240xi32, #tpu.memory_space<vmem>> -> memref<64xi32, #tpu.memory_space<vmem>>
      %dma_wait3A_233 = arith.constant 0 : i32
      %dma_wait3A_234 = arith.constant 0 : i32
      %dma_wait3A_235 = tpu.memref_slice %arg7[%dma_wait3A_233, %dma_wait3A_234] : memref<500000x128xf32, #tpu.memory_space<hbm>> -> memref<500000x128xf32, #tpu.memory_space<hbm>>
      tpu.wait_indirect_dma semaphore(%arg20 : memref<!tpu.dma_semaphore, #tpu.memory_space<semaphore_mem>>) src(%dma_wait3A_235 : memref<500000x128xf32, #tpu.memory_space<hbm>>) dst(%dma_wait3A_230 : memref<64x128xf32, #tpu.memory_space<vmem>>)
      %parallel_loop3A = arith.constant 0 : i32
      %parallel_loop3A_236 = arith.constant 16 : i32
      %parallel_loop3A_237 = arith.constant 1 : i32
      scf.for %parallel_loop3A_377 = %parallel_loop3A to %parallel_loop3A_236 step %parallel_loop3A_237  : i32 {
        %parallel_loop3A_378 = arith.constant 16 : i32
        %parallel_loop3A_379 = arith.muli %mul3A_116, %parallel_loop3A_378 : i32
        %parallel_loop3A_380 = arith.addi %parallel_loop3A_379, %parallel_loop3A_377 : i32
        %parallel_loop3A_381 = arith.constant 24 : i32
        %parallel_loop3A_382 = arith.muli %parallel_loop3A_380, %parallel_loop3A_381 : i32
        %parallel_loop3A_383 = arith.index_cast %parallel_loop3A_382 : i32 to index
        %parallel_loop3A_384 = tpu.vector_load %arg12[%parallel_loop3A_383] {strides = array<i32>} : memref<12288xi32, #tpu.memory_space<vmem>>, vector<16xi32>,
        %parallel_loop3A_385 = arith.constant 24 : i32
        %parallel_loop3A_386 = arith.muli %parallel_loop3A_380, %parallel_loop3A_385 : i32
        %parallel_loop3A_387 = arith.constant 8 : i32
        %parallel_loop3A_388 = arith.addi %parallel_loop3A_386, %parallel_loop3A_387 : i32
        %parallel_loop3A_389 = arith.index_cast %parallel_loop3A_388 : i32 to index
        %parallel_loop3A_390 = tpu.vector_load %arg12[%parallel_loop3A_389] {strides = array<i32>} : memref<12288xi32, #tpu.memory_space<vmem>>, vector<16xi32>,
        %parallel_loop3A_391 = vector.extract_strided_slice %parallel_loop3A_384 {offsets = [0], sizes = [1], strides = [1]} : vector<16xi32> to vector<1xi32>
        %parallel_loop3A_392 = vector.extract %parallel_loop3A_391[0] : i32 from vector<1xi32>
        %parallel_loop3A_393 = arith.constant 0 : i32
        %parallel_loop3A_394 = arith.addi %parallel_loop3A_392, %parallel_loop3A_393 : i32
        %parallel_loop3A_395 = arith.index_cast %parallel_loop3A_377 : i32 to index
        %parallel_loop3A_396 = arith.index_cast %parallel_loop3A_394 : i32 to index
        %parallel_loop3A_397 = tpu.vector_load %arg13[%parallel_loop3A_395, %parallel_loop3A_396] {strides = array<i32>} : memref<16x128xf32, #tpu.memory_space<vmem>>, vector<16xf32>,
        %parallel_loop3A_398 = vector.extract_strided_slice %parallel_loop3A_384 {offsets = [0], sizes = [1], strides = [1]} : vector<16xi32> to vector<1xi32>
        %parallel_loop3A_399 = vector.extract %parallel_loop3A_398[0] : i32 from vector<1xi32>
        %parallel_loop3A_400 = arith.constant 16 : i32
        %parallel_loop3A_401 = arith.addi %parallel_loop3A_399, %parallel_loop3A_400 : i32
        %parallel_loop3A_402 = arith.index_cast %parallel_loop3A_377 : i32 to index
        %parallel_loop3A_403 = arith.index_cast %parallel_loop3A_401 : i32 to index
        %parallel_loop3A_404 = tpu.vector_load %arg13[%parallel_loop3A_402, %parallel_loop3A_403] {strides = array<i32>} : memref<16x128xf32, #tpu.memory_space<vmem>>, vector<16xf32>,
        %parallel_loop3A_405 = vector.extract_strided_slice %parallel_loop3A_384 {offsets = [0], sizes = [1], strides = [1]} : vector<16xi32> to vector<1xi32>
        %parallel_loop3A_406 = vector.extract %parallel_loop3A_405[0] : i32 from vector<1xi32>
        %parallel_loop3A_407 = arith.constant 32 : i32
        %parallel_loop3A_408 = arith.addi %parallel_loop3A_406, %parallel_loop3A_407 : i32
        %parallel_loop3A_409 = arith.index_cast %parallel_loop3A_377 : i32 to index
        %parallel_loop3A_410 = arith.index_cast %parallel_loop3A_408 : i32 to index
        %parallel_loop3A_411 = tpu.vector_load %arg13[%parallel_loop3A_409, %parallel_loop3A_410] {strides = array<i32>} : memref<16x128xf32, #tpu.memory_space<vmem>>, vector<16xf32>,
        %parallel_loop3A_412 = vector.extract_strided_slice %parallel_loop3A_384 {offsets = [0], sizes = [1], strides = [1]} : vector<16xi32> to vector<1xi32>
        %parallel_loop3A_413 = vector.extract %parallel_loop3A_412[0] : i32 from vector<1xi32>
        %parallel_loop3A_414 = arith.constant 48 : i32
        %parallel_loop3A_415 = arith.addi %parallel_loop3A_413, %parallel_loop3A_414 : i32
        %parallel_loop3A_416 = arith.index_cast %parallel_loop3A_377 : i32 to index
        %parallel_loop3A_417 = arith.index_cast %parallel_loop3A_415 : i32 to index
        %parallel_loop3A_418 = tpu.vector_load %arg13[%parallel_loop3A_416, %parallel_loop3A_417] {strides = array<i32>} : memref<16x128xf32, #tpu.memory_space<vmem>>, vector<16xf32>,
        %parallel_loop3A_419 = vector.extract_strided_slice %parallel_loop3A_384 {offsets = [1], sizes = [1], strides = [1]} : vector<16xi32> to vector<1xi32>
        %parallel_loop3A_420 = vector.extract %parallel_loop3A_419[0] : i32 from vector<1xi32>
        %parallel_loop3A_421 = arith.index_cast %parallel_loop3A_377 : i32 to index
        %parallel_loop3A_422 = arith.index_cast %parallel_loop3A_420 : i32 to index
        %parallel_loop3A_423 = tpu.vector_load %arg14[%parallel_loop3A_421, %parallel_loop3A_422] {strides = array<i32>} : memref<16x128xf32, #tpu.memory_space<vmem>>, vector<16xf32>,
        %parallel_loop3A_424 = arith.mulf %parallel_loop3A_397, %parallel_loop3A_423 : vector<16xf32>
        %parallel_loop3A_425 = arith.constant 16 : i32
        %parallel_loop3A_426 = arith.addi %parallel_loop3A_420, %parallel_loop3A_425 : i32
        %parallel_loop3A_427 = arith.index_cast %parallel_loop3A_377 : i32 to index
        %parallel_loop3A_428 = arith.index_cast %parallel_loop3A_426 : i32 to index
        %parallel_loop3A_429 = tpu.vector_load %arg14[%parallel_loop3A_427, %parallel_loop3A_428] {strides = array<i32>} : memref<16x128xf32, #tpu.memory_space<vmem>>, vector<16xf32>,
        %parallel_loop3A_430 = arith.mulf %parallel_loop3A_404, %parallel_loop3A_429 : vector<16xf32>
        %parallel_loop3A_431 = arith.addf %parallel_loop3A_424, %parallel_loop3A_430 : vector<16xf32>
        %parallel_loop3A_432 = arith.constant 32 : i32
        %parallel_loop3A_433 = arith.addi %parallel_loop3A_420, %parallel_loop3A_432 : i32
        %parallel_loop3A_434 = arith.index_cast %parallel_loop3A_377 : i32 to index
        %parallel_loop3A_435 = arith.index_cast %parallel_loop3A_433 : i32 to index
        %parallel_loop3A_436 = tpu.vector_load %arg14[%parallel_loop3A_434, %parallel_loop3A_435] {strides = array<i32>} : memref<16x128xf32, #tpu.memory_space<vmem>>, vector<16xf32>,
        %parallel_loop3A_437 = arith.mulf %parallel_loop3A_411, %parallel_loop3A_436 : vector<16xf32>
        %parallel_loop3A_438 = arith.addf %parallel_loop3A_431, %parallel_loop3A_437 : vector<16xf32>
        %parallel_loop3A_439 = arith.constant 48 : i32
        %parallel_loop3A_440 = arith.addi %parallel_loop3A_420, %parallel_loop3A_439 : i32
        %parallel_loop3A_441 = arith.index_cast %parallel_loop3A_377 : i32 to index
        %parallel_loop3A_442 = arith.index_cast %parallel_loop3A_440 : i32 to index
        %parallel_loop3A_443 = tpu.vector_load %arg14[%parallel_loop3A_441, %parallel_loop3A_442] {strides = array<i32>} : memref<16x128xf32, #tpu.memory_space<vmem>>, vector<16xf32>,
        %parallel_loop3A_444 = arith.mulf %parallel_loop3A_418, %parallel_loop3A_443 : vector<16xf32>
        %parallel_loop3A_445 = arith.addf %parallel_loop3A_438, %parallel_loop3A_444 : vector<16xf32>
        %parallel_loop3A_446 = arith.constant true
        %parallel_loop3A_447 = vector.broadcast %parallel_loop3A_446 : i1 to vector<16xi1>
        %parallel_loop3A_448 = tpu.scan <sum>, %parallel_loop3A_445 masked %parallel_loop3A_447 : vector<16xf32>, vector<16xi1> -> vector<16xf32>
        %parallel_loop3A_449 = vector.extract %parallel_loop3A_448[15] : f32 from vector<16xf32>
        %parallel_loop3A_450 = vector.broadcast %parallel_loop3A_449 : f32 to vector<16xf32>
        %parallel_loop3A_451 = arith.constant 20 : i32
        %parallel_loop3A_452 = arith.muli %parallel_loop3A_377, %parallel_loop3A_451 : i32
        %parallel_loop3A_453 = arith.constant 0 : i32
        %parallel_loop3A_454 = arith.addi %parallel_loop3A_452, %parallel_loop3A_453 : i32
        %parallel_loop3A_455 = vector.extract_strided_slice %parallel_loop3A_384 {offsets = [2], sizes = [1], strides = [1]} : vector<16xi32> to vector<1xi32>
        %parallel_loop3A_456 = vector.extract %parallel_loop3A_455[0] : i32 from vector<1xi32>
        %parallel_loop3A_457 = arith.index_cast %parallel_loop3A_454 : i32 to index
        %parallel_loop3A_458 = arith.index_cast %parallel_loop3A_456 : i32 to index
        %parallel_loop3A_459 = tpu.vector_load %arg15[%parallel_loop3A_457, %parallel_loop3A_458] {strides = array<i32>} : memref<320x128xf32, #tpu.memory_space<vmem>>, vector<16xf32>,
        %parallel_loop3A_460 = arith.mulf %parallel_loop3A_397, %parallel_loop3A_459 : vector<16xf32>
        %parallel_loop3A_461 = arith.constant 16 : i32
        %parallel_loop3A_462 = arith.addi %parallel_loop3A_456, %parallel_loop3A_461 : i32
        %parallel_loop3A_463 = arith.index_cast %parallel_loop3A_454 : i32 to index
        %parallel_loop3A_464 = arith.index_cast %parallel_loop3A_462 : i32 to index
        %parallel_loop3A_465 = tpu.vector_load %arg15[%parallel_loop3A_463, %parallel_loop3A_464] {strides = array<i32>} : memref<320x128xf32, #tpu.memory_space<vmem>>, vector<16xf32>,
        %parallel_loop3A_466 = arith.mulf %parallel_loop3A_404, %parallel_loop3A_465 : vector<16xf32>
        %parallel_loop3A_467 = arith.addf %parallel_loop3A_460, %parallel_loop3A_466 : vector<16xf32>
        %parallel_loop3A_468 = arith.constant 32 : i32
        %parallel_loop3A_469 = arith.addi %parallel_loop3A_456, %parallel_loop3A_468 : i32
        %parallel_loop3A_470 = arith.index_cast %parallel_loop3A_454 : i32 to index
        %parallel_loop3A_471 = arith.index_cast %parallel_loop3A_469 : i32 to index
        %parallel_loop3A_472 = tpu.vector_load %arg15[%parallel_loop3A_470, %parallel_loop3A_471] {strides = array<i32>} : memref<320x128xf32, #tpu.memory_space<vmem>>, vector<16xf32>,
        %parallel_loop3A_473 = arith.mulf %parallel_loop3A_411, %parallel_loop3A_472 : vector<16xf32>
        %parallel_loop3A_474 = arith.addf %parallel_loop3A_467, %parallel_loop3A_473 : vector<16xf32>
        %parallel_loop3A_475 = arith.constant 48 : i32
        %parallel_loop3A_476 = arith.addi %parallel_loop3A_456, %parallel_loop3A_475 : i32
        %parallel_loop3A_477 = arith.index_cast %parallel_loop3A_454 : i32 to index
        %parallel_loop3A_478 = arith.index_cast %parallel_loop3A_476 : i32 to index
        %parallel_loop3A_479 = tpu.vector_load %arg15[%parallel_loop3A_477, %parallel_loop3A_478] {strides = array<i32>} : memref<320x128xf32, #tpu.memory_space<vmem>>, vector<16xf32>,
        %parallel_loop3A_480 = arith.mulf %parallel_loop3A_418, %parallel_loop3A_479 : vector<16xf32>
        %parallel_loop3A_481 = arith.addf %parallel_loop3A_474, %parallel_loop3A_480 : vector<16xf32>
        %parallel_loop3A_482 = arith.constant true
        %parallel_loop3A_483 = vector.broadcast %parallel_loop3A_482 : i1 to vector<16xi1>
        %parallel_loop3A_484 = tpu.scan <sum>, %parallel_loop3A_481 masked %parallel_loop3A_483 : vector<16xf32>, vector<16xi1> -> vector<16xf32>
        %parallel_loop3A_485 = vector.extract %parallel_loop3A_484[15] : f32 from vector<16xf32>
        %parallel_loop3A_486 = arith.constant 0.000000e+00 : f32
        %parallel_loop3A_487 = arith.subf %parallel_loop3A_486, %parallel_loop3A_485 : f32
        %parallel_loop3A_488 = arith.constant 1 : i32
        %parallel_loop3A_489 = vector.broadcast %parallel_loop3A_488 : i32 to vector<16xi32>
        %parallel_loop3A_490 = arith.cmpi eq, %iota3A, %parallel_loop3A_489 : vector<16xi32>
        %parallel_loop3A_491 = vector.broadcast %parallel_loop3A_487 : f32 to vector<16xf32>
        %parallel_loop3A_492 = arith.select %parallel_loop3A_490, %parallel_loop3A_491, %parallel_loop3A_450 : vector<16xi1>, vector<16xf32>
        %parallel_loop3A_493 = arith.constant 20 : i32
        %parallel_loop3A_494 = arith.muli %parallel_loop3A_377, %parallel_loop3A_493 : i32
        %parallel_loop3A_495 = arith.constant 1 : i32
        %parallel_loop3A_496 = arith.addi %parallel_loop3A_494, %parallel_loop3A_495 : i32
        %parallel_loop3A_497 = vector.extract_strided_slice %parallel_loop3A_384 {offsets = [3], sizes = [1], strides = [1]} : vector<16xi32> to vector<1xi32>
        %parallel_loop3A_498 = vector.extract %parallel_loop3A_497[0] : i32 from vector<1xi32>
        %parallel_loop3A_499 = arith.index_cast %parallel_loop3A_496 : i32 to index
        %parallel_loop3A_500 = arith.index_cast %parallel_loop3A_498 : i32 to index
        %parallel_loop3A_501 = tpu.vector_load %arg15[%parallel_loop3A_499, %parallel_loop3A_500] {strides = array<i32>} : memref<320x128xf32, #tpu.memory_space<vmem>>, vector<16xf32>,
        %parallel_loop3A_502 = arith.mulf %parallel_loop3A_397, %parallel_loop3A_501 : vector<16xf32>
        %parallel_loop3A_503 = arith.constant 16 : i32
        %parallel_loop3A_504 = arith.addi %parallel_loop3A_498, %parallel_loop3A_503 : i32
        %parallel_loop3A_505 = arith.index_cast %parallel_loop3A_496 : i32 to index
        %parallel_loop3A_506 = arith.index_cast %parallel_loop3A_504 : i32 to index
        %parallel_loop3A_507 = tpu.vector_load %arg15[%parallel_loop3A_505, %parallel_loop3A_506] {strides = array<i32>} : memref<320x128xf32, #tpu.memory_space<vmem>>, vector<16xf32>,
        %parallel_loop3A_508 = arith.mulf %parallel_loop3A_404, %parallel_loop3A_507 : vector<16xf32>
        %parallel_loop3A_509 = arith.addf %parallel_loop3A_502, %parallel_loop3A_508 : vector<16xf32>
        %parallel_loop3A_510 = arith.constant 32 : i32
        %parallel_loop3A_511 = arith.addi %parallel_loop3A_498, %parallel_loop3A_510 : i32
        %parallel_loop3A_512 = arith.index_cast %parallel_loop3A_496 : i32 to index
        %parallel_loop3A_513 = arith.index_cast %parallel_loop3A_511 : i32 to index
        %parallel_loop3A_514 = tpu.vector_load %arg15[%parallel_loop3A_512, %parallel_loop3A_513] {strides = array<i32>} : memref<320x128xf32, #tpu.memory_space<vmem>>, vector<16xf32>,
        %parallel_loop3A_515 = arith.mulf %parallel_loop3A_411, %parallel_loop3A_514 : vector<16xf32>
        %parallel_loop3A_516 = arith.addf %parallel_loop3A_509, %parallel_loop3A_515 : vector<16xf32>
        %parallel_loop3A_517 = arith.constant 48 : i32
        %parallel_loop3A_518 = arith.addi %parallel_loop3A_498, %parallel_loop3A_517 : i32
        %parallel_loop3A_519 = arith.index_cast %parallel_loop3A_496 : i32 to index
        %parallel_loop3A_520 = arith.index_cast %parallel_loop3A_518 : i32 to index
        %parallel_loop3A_521 = tpu.vector_load %arg15[%parallel_loop3A_519, %parallel_loop3A_520] {strides = array<i32>} : memref<320x128xf32, #tpu.memory_space<vmem>>, vector<16xf32>,
        %parallel_loop3A_522 = arith.mulf %parallel_loop3A_418, %parallel_loop3A_521 : vector<16xf32>
        %parallel_loop3A_523 = arith.addf %parallel_loop3A_516, %parallel_loop3A_522 : vector<16xf32>
        %parallel_loop3A_524 = arith.constant true
        %parallel_loop3A_525 = vector.broadcast %parallel_loop3A_524 : i1 to vector<16xi1>
        %parallel_loop3A_526 = tpu.scan <sum>, %parallel_loop3A_523 masked %parallel_loop3A_525 : vector<16xf32>, vector<16xi1> -> vector<16xf32>
        %parallel_loop3A_527 = vector.extract %parallel_loop3A_526[15] : f32 from vector<16xf32>
        %parallel_loop3A_528 = arith.constant 0.000000e+00 : f32
        %parallel_loop3A_529 = arith.subf %parallel_loop3A_528, %parallel_loop3A_527 : f32
        %parallel_loop3A_530 = arith.constant 2 : i32
        %parallel_loop3A_531 = vector.broadcast %parallel_loop3A_530 : i32 to vector<16xi32>
        %parallel_loop3A_532 = arith.cmpi eq, %iota3A, %parallel_loop3A_531 : vector<16xi32>
        %parallel_loop3A_533 = vector.broadcast %parallel_loop3A_529 : f32 to vector<16xf32>
        %parallel_loop3A_534 = arith.select %parallel_loop3A_532, %parallel_loop3A_533, %parallel_loop3A_492 : vector<16xi1>, vector<16xf32>
        %parallel_loop3A_535 = arith.constant 20 : i32
        %parallel_loop3A_536 = arith.muli %parallel_loop3A_377, %parallel_loop3A_535 : i32
        %parallel_loop3A_537 = arith.constant 2 : i32
        %parallel_loop3A_538 = arith.addi %parallel_loop3A_536, %parallel_loop3A_537 : i32
        %parallel_loop3A_539 = vector.extract_strided_slice %parallel_loop3A_384 {offsets = [4], sizes = [1], strides = [1]} : vector<16xi32> to vector<1xi32>
        %parallel_loop3A_540 = vector.extract %parallel_loop3A_539[0] : i32 from vector<1xi32>
        %parallel_loop3A_541 = arith.index_cast %parallel_loop3A_538 : i32 to index
        %parallel_loop3A_542 = arith.index_cast %parallel_loop3A_540 : i32 to index
        %parallel_loop3A_543 = tpu.vector_load %arg15[%parallel_loop3A_541, %parallel_loop3A_542] {strides = array<i32>} : memref<320x128xf32, #tpu.memory_space<vmem>>, vector<16xf32>,
        %parallel_loop3A_544 = arith.mulf %parallel_loop3A_397, %parallel_loop3A_543 : vector<16xf32>
        %parallel_loop3A_545 = arith.constant 16 : i32
        %parallel_loop3A_546 = arith.addi %parallel_loop3A_540, %parallel_loop3A_545 : i32
        %parallel_loop3A_547 = arith.index_cast %parallel_loop3A_538 : i32 to index
        %parallel_loop3A_548 = arith.index_cast %parallel_loop3A_546 : i32 to index
        %parallel_loop3A_549 = tpu.vector_load %arg15[%parallel_loop3A_547, %parallel_loop3A_548] {strides = array<i32>} : memref<320x128xf32, #tpu.memory_space<vmem>>, vector<16xf32>,
        %parallel_loop3A_550 = arith.mulf %parallel_loop3A_404, %parallel_loop3A_549 : vector<16xf32>
        %parallel_loop3A_551 = arith.addf %parallel_loop3A_544, %parallel_loop3A_550 : vector<16xf32>
        %parallel_loop3A_552 = arith.constant 32 : i32
        %parallel_loop3A_553 = arith.addi %parallel_loop3A_540, %parallel_loop3A_552 : i32
        %parallel_loop3A_554 = arith.index_cast %parallel_loop3A_538 : i32 to index
        %parallel_loop3A_555 = arith.index_cast %parallel_loop3A_553 : i32 to index
        %parallel_loop3A_556 = tpu.vector_load %arg15[%parallel_loop3A_554, %parallel_loop3A_555] {strides = array<i32>} : memref<320x128xf32, #tpu.memory_space<vmem>>, vector<16xf32>,
        %parallel_loop3A_557 = arith.mulf %parallel_loop3A_411, %parallel_loop3A_556 : vector<16xf32>
        %parallel_loop3A_558 = arith.addf %parallel_loop3A_551, %parallel_loop3A_557 : vector<16xf32>
        %parallel_loop3A_559 = arith.constant 48 : i32
        %parallel_loop3A_560 = arith.addi %parallel_loop3A_540, %parallel_loop3A_559 : i32
        %parallel_loop3A_561 = arith.index_cast %parallel_loop3A_538 : i32 to index
        %parallel_loop3A_562 = arith.index_cast %parallel_loop3A_560 : i32 to index
        %parallel_loop3A_563 = tpu.vector_load %arg15[%parallel_loop3A_561, %parallel_loop3A_562] {strides = array<i32>} : memref<320x128xf32, #tpu.memory_space<vmem>>, vector<16xf32>,
        %parallel_loop3A_564 = arith.mulf %parallel_loop3A_418, %parallel_loop3A_563 : vector<16xf32>
        %parallel_loop3A_565 = arith.addf %parallel_loop3A_558, %parallel_loop3A_564 : vector<16xf32>
        %parallel_loop3A_566 = arith.constant true
        %parallel_loop3A_567 = vector.broadcast %parallel_loop3A_566 : i1 to vector<16xi1>
        %parallel_loop3A_568 = tpu.scan <sum>, %parallel_loop3A_565 masked %parallel_loop3A_567 : vector<16xf32>, vector<16xi1> -> vector<16xf32>
        %parallel_loop3A_569 = vector.extract %parallel_loop3A_568[15] : f32 from vector<16xf32>
        %parallel_loop3A_570 = arith.constant 0.000000e+00 : f32
        %parallel_loop3A_571 = arith.subf %parallel_loop3A_570, %parallel_loop3A_569 : f32
        %parallel_loop3A_572 = arith.constant 3 : i32
        %parallel_loop3A_573 = vector.broadcast %parallel_loop3A_572 : i32 to vector<16xi32>
        %parallel_loop3A_574 = arith.cmpi eq, %iota3A, %parallel_loop3A_573 : vector<16xi32>
        %parallel_loop3A_575 = vector.broadcast %parallel_loop3A_571 : f32 to vector<16xf32>
        %parallel_loop3A_576 = arith.select %parallel_loop3A_574, %parallel_loop3A_575, %parallel_loop3A_534 : vector<16xi1>, vector<16xf32>
        %parallel_loop3A_577 = arith.constant 20 : i32
        %parallel_loop3A_578 = arith.muli %parallel_loop3A_377, %parallel_loop3A_577 : i32
        %parallel_loop3A_579 = arith.constant 3 : i32
        %parallel_loop3A_580 = arith.addi %parallel_loop3A_578, %parallel_loop3A_579 : i32
        %parallel_loop3A_581 = vector.extract_strided_slice %parallel_loop3A_384 {offsets = [5], sizes = [1], strides = [1]} : vector<16xi32> to vector<1xi32>
        %parallel_loop3A_582 = vector.extract %parallel_loop3A_581[0] : i32 from vector<1xi32>
        %parallel_loop3A_583 = arith.index_cast %parallel_loop3A_580 : i32 to index
        %parallel_loop3A_584 = arith.index_cast %parallel_loop3A_582 : i32 to index
        %parallel_loop3A_585 = tpu.vector_load %arg15[%parallel_loop3A_583, %parallel_loop3A_584] {strides = array<i32>} : memref<320x128xf32, #tpu.memory_space<vmem>>, vector<16xf32>,
        %parallel_loop3A_586 = arith.mulf %parallel_loop3A_397, %parallel_loop3A_585 : vector<16xf32>
        %parallel_loop3A_587 = arith.constant 16 : i32
        %parallel_loop3A_588 = arith.addi %parallel_loop3A_582, %parallel_loop3A_587 : i32
        %parallel_loop3A_589 = arith.index_cast %parallel_loop3A_580 : i32 to index
        %parallel_loop3A_590 = arith.index_cast %parallel_loop3A_588 : i32 to index
        %parallel_loop3A_591 = tpu.vector_load %arg15[%parallel_loop3A_589, %parallel_loop3A_590] {strides = array<i32>} : memref<320x128xf32, #tpu.memory_space<vmem>>, vector<16xf32>,
        %parallel_loop3A_592 = arith.mulf %parallel_loop3A_404, %parallel_loop3A_591 : vector<16xf32>
        %parallel_loop3A_593 = arith.addf %parallel_loop3A_586, %parallel_loop3A_592 : vector<16xf32>
        %parallel_loop3A_594 = arith.constant 32 : i32
        %parallel_loop3A_595 = arith.addi %parallel_loop3A_582, %parallel_loop3A_594 : i32
        %parallel_loop3A_596 = arith.index_cast %parallel_loop3A_580 : i32 to index
        %parallel_loop3A_597 = arith.index_cast %parallel_loop3A_595 : i32 to index
        %parallel_loop3A_598 = tpu.vector_load %arg15[%parallel_loop3A_596, %parallel_loop3A_597] {strides = array<i32>} : memref<320x128xf32, #tpu.memory_space<vmem>>, vector<16xf32>,
        %parallel_loop3A_599 = arith.mulf %parallel_loop3A_411, %parallel_loop3A_598 : vector<16xf32>
        %parallel_loop3A_600 = arith.addf %parallel_loop3A_593, %parallel_loop3A_599 : vector<16xf32>
        %parallel_loop3A_601 = arith.constant 48 : i32
        %parallel_loop3A_602 = arith.addi %parallel_loop3A_582, %parallel_loop3A_601 : i32
        %parallel_loop3A_603 = arith.index_cast %parallel_loop3A_580 : i32 to index
        %parallel_loop3A_604 = arith.index_cast %parallel_loop3A_602 : i32 to index
        %parallel_loop3A_605 = tpu.vector_load %arg15[%parallel_loop3A_603, %parallel_loop3A_604] {strides = array<i32>} : memref<320x128xf32, #tpu.memory_space<vmem>>, vector<16xf32>,
        %parallel_loop3A_606 = arith.mulf %parallel_loop3A_418, %parallel_loop3A_605 : vector<16xf32>
        %parallel_loop3A_607 = arith.addf %parallel_loop3A_600, %parallel_loop3A_606 : vector<16xf32>
        %parallel_loop3A_608 = arith.constant true
        %parallel_loop3A_609 = vector.broadcast %parallel_loop3A_608 : i1 to vector<16xi1>
        %parallel_loop3A_610 = tpu.scan <sum>, %parallel_loop3A_607 masked %parallel_loop3A_609 : vector<16xf32>, vector<16xi1> -> vector<16xf32>
        %parallel_loop3A_611 = vector.extract %parallel_loop3A_610[15] : f32 from vector<16xf32>
        %parallel_loop3A_612 = arith.constant 0.000000e+00 : f32
        %parallel_loop3A_613 = arith.subf %parallel_loop3A_612, %parallel_loop3A_611 : f32
        %parallel_loop3A_614 = arith.constant 4 : i32
        %parallel_loop3A_615 = vector.broadcast %parallel_loop3A_614 : i32 to vector<16xi32>
        %parallel_loop3A_616 = arith.cmpi eq, %iota3A, %parallel_loop3A_615 : vector<16xi32>
        %parallel_loop3A_617 = vector.broadcast %parallel_loop3A_613 : f32 to vector<16xf32>
        %parallel_loop3A_618 = arith.select %parallel_loop3A_616, %parallel_loop3A_617, %parallel_loop3A_576 : vector<16xi1>, vector<16xf32>
        %parallel_loop3A_619 = arith.constant 20 : i32
        %parallel_loop3A_620 = arith.muli %parallel_loop3A_377, %parallel_loop3A_619 : i32
        %parallel_loop3A_621 = arith.constant 4 : i32
        %parallel_loop3A_622 = arith.addi %parallel_loop3A_620, %parallel_loop3A_621 : i32
        %parallel_loop3A_623 = vector.extract_strided_slice %parallel_loop3A_384 {offsets = [6], sizes = [1], strides = [1]} : vector<16xi32> to vector<1xi32>
        %parallel_loop3A_624 = vector.extract %parallel_loop3A_623[0] : i32 from vector<1xi32>
        %parallel_loop3A_625 = arith.index_cast %parallel_loop3A_622 : i32 to index
        %parallel_loop3A_626 = arith.index_cast %parallel_loop3A_624 : i32 to index
        %parallel_loop3A_627 = tpu.vector_load %arg15[%parallel_loop3A_625, %parallel_loop3A_626] {strides = array<i32>} : memref<320x128xf32, #tpu.memory_space<vmem>>, vector<16xf32>,
        %parallel_loop3A_628 = arith.mulf %parallel_loop3A_397, %parallel_loop3A_627 : vector<16xf32>
        %parallel_loop3A_629 = arith.constant 16 : i32
        %parallel_loop3A_630 = arith.addi %parallel_loop3A_624, %parallel_loop3A_629 : i32
        %parallel_loop3A_631 = arith.index_cast %parallel_loop3A_622 : i32 to index
        %parallel_loop3A_632 = arith.index_cast %parallel_loop3A_630 : i32 to index
        %parallel_loop3A_633 = tpu.vector_load %arg15[%parallel_loop3A_631, %parallel_loop3A_632] {strides = array<i32>} : memref<320x128xf32, #tpu.memory_space<vmem>>, vector<16xf32>,
        %parallel_loop3A_634 = arith.mulf %parallel_loop3A_404, %parallel_loop3A_633 : vector<16xf32>
        %parallel_loop3A_635 = arith.addf %parallel_loop3A_628, %parallel_loop3A_634 : vector<16xf32>
        %parallel_loop3A_636 = arith.constant 32 : i32
        %parallel_loop3A_637 = arith.addi %parallel_loop3A_624, %parallel_loop3A_636 : i32
        %parallel_loop3A_638 = arith.index_cast %parallel_loop3A_622 : i32 to index
        %parallel_loop3A_639 = arith.index_cast %parallel_loop3A_637 : i32 to index
        %parallel_loop3A_640 = tpu.vector_load %arg15[%parallel_loop3A_638, %parallel_loop3A_639] {strides = array<i32>} : memref<320x128xf32, #tpu.memory_space<vmem>>, vector<16xf32>,
        %parallel_loop3A_641 = arith.mulf %parallel_loop3A_411, %parallel_loop3A_640 : vector<16xf32>
        %parallel_loop3A_642 = arith.addf %parallel_loop3A_635, %parallel_loop3A_641 : vector<16xf32>
        %parallel_loop3A_643 = arith.constant 48 : i32
        %parallel_loop3A_644 = arith.addi %parallel_loop3A_624, %parallel_loop3A_643 : i32
        %parallel_loop3A_645 = arith.index_cast %parallel_loop3A_622 : i32 to index
        %parallel_loop3A_646 = arith.index_cast %parallel_loop3A_644 : i32 to index
        %parallel_loop3A_647 = tpu.vector_load %arg15[%parallel_loop3A_645, %parallel_loop3A_646] {strides = array<i32>} : memref<320x128xf32, #tpu.memory_space<vmem>>, vector<16xf32>,
        %parallel_loop3A_648 = arith.mulf %parallel_loop3A_418, %parallel_loop3A_647 : vector<16xf32>
        %parallel_loop3A_649 = arith.addf %parallel_loop3A_642, %parallel_loop3A_648 : vector<16xf32>
        %parallel_loop3A_650 = arith.constant true
        %parallel_loop3A_651 = vector.broadcast %parallel_loop3A_650 : i1 to vector<16xi1>
        %parallel_loop3A_652 = tpu.scan <sum>, %parallel_loop3A_649 masked %parallel_loop3A_651 : vector<16xf32>, vector<16xi1> -> vector<16xf32>
        %parallel_loop3A_653 = vector.extract %parallel_loop3A_652[15] : f32 from vector<16xf32>
        %parallel_loop3A_654 = arith.constant 0.000000e+00 : f32
        %parallel_loop3A_655 = arith.subf %parallel_loop3A_654, %parallel_loop3A_653 : f32
        %parallel_loop3A_656 = arith.constant 5 : i32
        %parallel_loop3A_657 = vector.broadcast %parallel_loop3A_656 : i32 to vector<16xi32>
        %parallel_loop3A_658 = arith.cmpi eq, %iota3A, %parallel_loop3A_657 : vector<16xi32>
        %parallel_loop3A_659 = vector.broadcast %parallel_loop3A_655 : f32 to vector<16xf32>
        %parallel_loop3A_660 = arith.select %parallel_loop3A_658, %parallel_loop3A_659, %parallel_loop3A_618 : vector<16xi1>, vector<16xf32>
        %parallel_loop3A_661 = arith.constant 20 : i32
        %parallel_loop3A_662 = arith.muli %parallel_loop3A_377, %parallel_loop3A_661 : i32
        %parallel_loop3A_663 = arith.constant 5 : i32
        %parallel_loop3A_664 = arith.addi %parallel_loop3A_662, %parallel_loop3A_663 : i32
        %parallel_loop3A_665 = vector.extract_strided_slice %parallel_loop3A_384 {offsets = [7], sizes = [1], strides = [1]} : vector<16xi32> to vector<1xi32>
        %parallel_loop3A_666 = vector.extract %parallel_loop3A_665[0] : i32 from vector<1xi32>
        %parallel_loop3A_667 = arith.index_cast %parallel_loop3A_664 : i32 to index
        %parallel_loop3A_668 = arith.index_cast %parallel_loop3A_666 : i32 to index
        %parallel_loop3A_669 = tpu.vector_load %arg15[%parallel_loop3A_667, %parallel_loop3A_668] {strides = array<i32>} : memref<320x128xf32, #tpu.memory_space<vmem>>, vector<16xf32>,
        %parallel_loop3A_670 = arith.mulf %parallel_loop3A_397, %parallel_loop3A_669 : vector<16xf32>
        %parallel_loop3A_671 = arith.constant 16 : i32
        %parallel_loop3A_672 = arith.addi %parallel_loop3A_666, %parallel_loop3A_671 : i32
        %parallel_loop3A_673 = arith.index_cast %parallel_loop3A_664 : i32 to index
        %parallel_loop3A_674 = arith.index_cast %parallel_loop3A_672 : i32 to index
        %parallel_loop3A_675 = tpu.vector_load %arg15[%parallel_loop3A_673, %parallel_loop3A_674] {strides = array<i32>} : memref<320x128xf32, #tpu.memory_space<vmem>>, vector<16xf32>,
        %parallel_loop3A_676 = arith.mulf %parallel_loop3A_404, %parallel_loop3A_675 : vector<16xf32>
        %parallel_loop3A_677 = arith.addf %parallel_loop3A_670, %parallel_loop3A_676 : vector<16xf32>
        %parallel_loop3A_678 = arith.constant 32 : i32
        %parallel_loop3A_679 = arith.addi %parallel_loop3A_666, %parallel_loop3A_678 : i32
        %parallel_loop3A_680 = arith.index_cast %parallel_loop3A_664 : i32 to index
        %parallel_loop3A_681 = arith.index_cast %parallel_loop3A_679 : i32 to index
        %parallel_loop3A_682 = tpu.vector_load %arg15[%parallel_loop3A_680, %parallel_loop3A_681] {strides = array<i32>} : memref<320x128xf32, #tpu.memory_space<vmem>>, vector<16xf32>,
        %parallel_loop3A_683 = arith.mulf %parallel_loop3A_411, %parallel_loop3A_682 : vector<16xf32>
        %parallel_loop3A_684 = arith.addf %parallel_loop3A_677, %parallel_loop3A_683 : vector<16xf32>
        %parallel_loop3A_685 = arith.constant 48 : i32
        %parallel_loop3A_686 = arith.addi %parallel_loop3A_666, %parallel_loop3A_685 : i32
        %parallel_loop3A_687 = arith.index_cast %parallel_loop3A_664 : i32 to index
        %parallel_loop3A_688 = arith.index_cast %parallel_loop3A_686 : i32 to index
        %parallel_loop3A_689 = tpu.vector_load %arg15[%parallel_loop3A_687, %parallel_loop3A_688] {strides = array<i32>} : memref<320x128xf32, #tpu.memory_space<vmem>>, vector<16xf32>,
        %parallel_loop3A_690 = arith.mulf %parallel_loop3A_418, %parallel_loop3A_689 : vector<16xf32>
        %parallel_loop3A_691 = arith.addf %parallel_loop3A_684, %parallel_loop3A_690 : vector<16xf32>
        %parallel_loop3A_692 = arith.constant true
        %parallel_loop3A_693 = vector.broadcast %parallel_loop3A_692 : i1 to vector<16xi1>
        %parallel_loop3A_694 = tpu.scan <sum>, %parallel_loop3A_691 masked %parallel_loop3A_693 : vector<16xf32>, vector<16xi1> -> vector<16xf32>
        %parallel_loop3A_695 = vector.extract %parallel_loop3A_694[15] : f32 from vector<16xf32>
        %parallel_loop3A_696 = arith.constant 0.000000e+00 : f32
        %parallel_loop3A_697 = arith.subf %parallel_loop3A_696, %parallel_loop3A_695 : f32
        %parallel_loop3A_698 = arith.constant 6 : i32
        %parallel_loop3A_699 = vector.broadcast %parallel_loop3A_698 : i32 to vector<16xi32>
        %parallel_loop3A_700 = arith.cmpi eq, %iota3A, %parallel_loop3A_699 : vector<16xi32>
        %parallel_loop3A_701 = vector.broadcast %parallel_loop3A_697 : f32 to vector<16xf32>
        %parallel_loop3A_702 = arith.select %parallel_loop3A_700, %parallel_loop3A_701, %parallel_loop3A_660 : vector<16xi1>, vector<16xf32>
        %parallel_loop3A_703 = arith.constant 20 : i32
        %parallel_loop3A_704 = arith.muli %parallel_loop3A_377, %parallel_loop3A_703 : i32
        %parallel_loop3A_705 = arith.constant 6 : i32
        %parallel_loop3A_706 = arith.addi %parallel_loop3A_704, %parallel_loop3A_705 : i32
        %parallel_loop3A_707 = vector.extract_strided_slice %parallel_loop3A_384 {offsets = [8], sizes = [1], strides = [1]} : vector<16xi32> to vector<1xi32>
        %parallel_loop3A_708 = vector.extract %parallel_loop3A_707[0] : i32 from vector<1xi32>
        %parallel_loop3A_709 = arith.index_cast %parallel_loop3A_706 : i32 to index
        %parallel_loop3A_710 = arith.index_cast %parallel_loop3A_708 : i32 to index
        %parallel_loop3A_711 = tpu.vector_load %arg15[%parallel_loop3A_709, %parallel_loop3A_710] {strides = array<i32>} : memref<320x128xf32, #tpu.memory_space<vmem>>, vector<16xf32>,
        %parallel_loop3A_712 = arith.mulf %parallel_loop3A_397, %parallel_loop3A_711 : vector<16xf32>
        %parallel_loop3A_713 = arith.constant 16 : i32
        %parallel_loop3A_714 = arith.addi %parallel_loop3A_708, %parallel_loop3A_713 : i32
        %parallel_loop3A_715 = arith.index_cast %parallel_loop3A_706 : i32 to index
        %parallel_loop3A_716 = arith.index_cast %parallel_loop3A_714 : i32 to index
        %parallel_loop3A_717 = tpu.vector_load %arg15[%parallel_loop3A_715, %parallel_loop3A_716] {strides = array<i32>} : memref<320x128xf32, #tpu.memory_space<vmem>>, vector<16xf32>,
        %parallel_loop3A_718 = arith.mulf %parallel_loop3A_404, %parallel_loop3A_717 : vector<16xf32>
        %parallel_loop3A_719 = arith.addf %parallel_loop3A_712, %parallel_loop3A_718 : vector<16xf32>
        %parallel_loop3A_720 = arith.constant 32 : i32
        %parallel_loop3A_721 = arith.addi %parallel_loop3A_708, %parallel_loop3A_720 : i32
        %parallel_loop3A_722 = arith.index_cast %parallel_loop3A_706 : i32 to index
        %parallel_loop3A_723 = arith.index_cast %parallel_loop3A_721 : i32 to index
        %parallel_loop3A_724 = tpu.vector_load %arg15[%parallel_loop3A_722, %parallel_loop3A_723] {strides = array<i32>} : memref<320x128xf32, #tpu.memory_space<vmem>>, vector<16xf32>,
        %parallel_loop3A_725 = arith.mulf %parallel_loop3A_411, %parallel_loop3A_724 : vector<16xf32>
        %parallel_loop3A_726 = arith.addf %parallel_loop3A_719, %parallel_loop3A_725 : vector<16xf32>
        %parallel_loop3A_727 = arith.constant 48 : i32
        %parallel_loop3A_728 = arith.addi %parallel_loop3A_708, %parallel_loop3A_727 : i32
        %parallel_loop3A_729 = arith.index_cast %parallel_loop3A_706 : i32 to index
        %parallel_loop3A_730 = arith.index_cast %parallel_loop3A_728 : i32 to index
        %parallel_loop3A_731 = tpu.vector_load %arg15[%parallel_loop3A_729, %parallel_loop3A_730] {strides = array<i32>} : memref<320x128xf32, #tpu.memory_space<vmem>>, vector<16xf32>,
        %parallel_loop3A_732 = arith.mulf %parallel_loop3A_418, %parallel_loop3A_731 : vector<16xf32>
        %parallel_loop3A_733 = arith.addf %parallel_loop3A_726, %parallel_loop3A_732 : vector<16xf32>
        %parallel_loop3A_734 = arith.constant true
        %parallel_loop3A_735 = vector.broadcast %parallel_loop3A_734 : i1 to vector<16xi1>
        %parallel_loop3A_736 = tpu.scan <sum>, %parallel_loop3A_733 masked %parallel_loop3A_735 : vector<16xf32>, vector<16xi1> -> vector<16xf32>
        %parallel_loop3A_737 = vector.extract %parallel_loop3A_736[15] : f32 from vector<16xf32>
        %parallel_loop3A_738 = arith.constant 0.000000e+00 : f32
        %parallel_loop3A_739 = arith.subf %parallel_loop3A_738, %parallel_loop3A_737 : f32
        %parallel_loop3A_740 = arith.constant 7 : i32
        %parallel_loop3A_741 = vector.broadcast %parallel_loop3A_740 : i32 to vector<16xi32>
        %parallel_loop3A_742 = arith.cmpi eq, %iota3A, %parallel_loop3A_741 : vector<16xi32>
        %parallel_loop3A_743 = vector.broadcast %parallel_loop3A_739 : f32 to vector<16xf32>
        %parallel_loop3A_744 = arith.select %parallel_loop3A_742, %parallel_loop3A_743, %parallel_loop3A_702 : vector<16xi1>, vector<16xf32>
        %parallel_loop3A_745 = arith.constant 20 : i32
        %parallel_loop3A_746 = arith.muli %parallel_loop3A_377, %parallel_loop3A_745 : i32
        %parallel_loop3A_747 = arith.constant 7 : i32
        %parallel_loop3A_748 = arith.addi %parallel_loop3A_746, %parallel_loop3A_747 : i32
        %parallel_loop3A_749 = vector.extract_strided_slice %parallel_loop3A_384 {offsets = [9], sizes = [1], strides = [1]} : vector<16xi32> to vector<1xi32>
        %parallel_loop3A_750 = vector.extract %parallel_loop3A_749[0] : i32 from vector<1xi32>
        %parallel_loop3A_751 = arith.index_cast %parallel_loop3A_748 : i32 to index
        %parallel_loop3A_752 = arith.index_cast %parallel_loop3A_750 : i32 to index
        %parallel_loop3A_753 = tpu.vector_load %arg15[%parallel_loop3A_751, %parallel_loop3A_752] {strides = array<i32>} : memref<320x128xf32, #tpu.memory_space<vmem>>, vector<16xf32>,
        %parallel_loop3A_754 = arith.mulf %parallel_loop3A_397, %parallel_loop3A_753 : vector<16xf32>
        %parallel_loop3A_755 = arith.constant 16 : i32
        %parallel_loop3A_756 = arith.addi %parallel_loop3A_750, %parallel_loop3A_755 : i32
        %parallel_loop3A_757 = arith.index_cast %parallel_loop3A_748 : i32 to index
        %parallel_loop3A_758 = arith.index_cast %parallel_loop3A_756 : i32 to index
        %parallel_loop3A_759 = tpu.vector_load %arg15[%parallel_loop3A_757, %parallel_loop3A_758] {strides = array<i32>} : memref<320x128xf32, #tpu.memory_space<vmem>>, vector<16xf32>,
        %parallel_loop3A_760 = arith.mulf %parallel_loop3A_404, %parallel_loop3A_759 : vector<16xf32>
        %parallel_loop3A_761 = arith.addf %parallel_loop3A_754, %parallel_loop3A_760 : vector<16xf32>
        %parallel_loop3A_762 = arith.constant 32 : i32
        %parallel_loop3A_763 = arith.addi %parallel_loop3A_750, %parallel_loop3A_762 : i32
        %parallel_loop3A_764 = arith.index_cast %parallel_loop3A_748 : i32 to index
        %parallel_loop3A_765 = arith.index_cast %parallel_loop3A_763 : i32 to index
        %parallel_loop3A_766 = tpu.vector_load %arg15[%parallel_loop3A_764, %parallel_loop3A_765] {strides = array<i32>} : memref<320x128xf32, #tpu.memory_space<vmem>>, vector<16xf32>,
        %parallel_loop3A_767 = arith.mulf %parallel_loop3A_411, %parallel_loop3A_766 : vector<16xf32>
        %parallel_loop3A_768 = arith.addf %parallel_loop3A_761, %parallel_loop3A_767 : vector<16xf32>
        %parallel_loop3A_769 = arith.constant 48 : i32
        %parallel_loop3A_770 = arith.addi %parallel_loop3A_750, %parallel_loop3A_769 : i32
        %parallel_loop3A_771 = arith.index_cast %parallel_loop3A_748 : i32 to index
        %parallel_loop3A_772 = arith.index_cast %parallel_loop3A_770 : i32 to index
        %parallel_loop3A_773 = tpu.vector_load %arg15[%parallel_loop3A_771, %parallel_loop3A_772] {strides = array<i32>} : memref<320x128xf32, #tpu.memory_space<vmem>>, vector<16xf32>,
        %parallel_loop3A_774 = arith.mulf %parallel_loop3A_418, %parallel_loop3A_773 : vector<16xf32>
        %parallel_loop3A_775 = arith.addf %parallel_loop3A_768, %parallel_loop3A_774 : vector<16xf32>
        %parallel_loop3A_776 = arith.constant true
        %parallel_loop3A_777 = vector.broadcast %parallel_loop3A_776 : i1 to vector<16xi1>
        %parallel_loop3A_778 = tpu.scan <sum>, %parallel_loop3A_775 masked %parallel_loop3A_777 : vector<16xf32>, vector<16xi1> -> vector<16xf32>
        %parallel_loop3A_779 = vector.extract %parallel_loop3A_778[15] : f32 from vector<16xf32>
        %parallel_loop3A_780 = arith.constant 0.000000e+00 : f32
        %parallel_loop3A_781 = arith.subf %parallel_loop3A_780, %parallel_loop3A_779 : f32
        %parallel_loop3A_782 = arith.constant 8 : i32
        %parallel_loop3A_783 = vector.broadcast %parallel_loop3A_782 : i32 to vector<16xi32>
        %parallel_loop3A_784 = arith.cmpi eq, %iota3A, %parallel_loop3A_783 : vector<16xi32>
        %parallel_loop3A_785 = vector.broadcast %parallel_loop3A_781 : f32 to vector<16xf32>
        %parallel_loop3A_786 = arith.select %parallel_loop3A_784, %parallel_loop3A_785, %parallel_loop3A_744 : vector<16xi1>, vector<16xf32>
        %parallel_loop3A_787 = arith.constant 20 : i32
        %parallel_loop3A_788 = arith.muli %parallel_loop3A_377, %parallel_loop3A_787 : i32
        %parallel_loop3A_789 = arith.constant 8 : i32
        %parallel_loop3A_790 = arith.addi %parallel_loop3A_788, %parallel_loop3A_789 : i32
        %parallel_loop3A_791 = vector.extract_strided_slice %parallel_loop3A_384 {offsets = [10], sizes = [1], strides = [1]} : vector<16xi32> to vector<1xi32>
        %parallel_loop3A_792 = vector.extract %parallel_loop3A_791[0] : i32 from vector<1xi32>
        %parallel_loop3A_793 = arith.index_cast %parallel_loop3A_790 : i32 to index
        %parallel_loop3A_794 = arith.index_cast %parallel_loop3A_792 : i32 to index
        %parallel_loop3A_795 = tpu.vector_load %arg15[%parallel_loop3A_793, %parallel_loop3A_794] {strides = array<i32>} : memref<320x128xf32, #tpu.memory_space<vmem>>, vector<16xf32>,
        %parallel_loop3A_796 = arith.mulf %parallel_loop3A_397, %parallel_loop3A_795 : vector<16xf32>
        %parallel_loop3A_797 = arith.constant 16 : i32
        %parallel_loop3A_798 = arith.addi %parallel_loop3A_792, %parallel_loop3A_797 : i32
        %parallel_loop3A_799 = arith.index_cast %parallel_loop3A_790 : i32 to index
        %parallel_loop3A_800 = arith.index_cast %parallel_loop3A_798 : i32 to index
        %parallel_loop3A_801 = tpu.vector_load %arg15[%parallel_loop3A_799, %parallel_loop3A_800] {strides = array<i32>} : memref<320x128xf32, #tpu.memory_space<vmem>>, vector<16xf32>,
        %parallel_loop3A_802 = arith.mulf %parallel_loop3A_404, %parallel_loop3A_801 : vector<16xf32>
        %parallel_loop3A_803 = arith.addf %parallel_loop3A_796, %parallel_loop3A_802 : vector<16xf32>
        %parallel_loop3A_804 = arith.constant 32 : i32
        %parallel_loop3A_805 = arith.addi %parallel_loop3A_792, %parallel_loop3A_804 : i32
        %parallel_loop3A_806 = arith.index_cast %parallel_loop3A_790 : i32 to index
        %parallel_loop3A_807 = arith.index_cast %parallel_loop3A_805 : i32 to index
        %parallel_loop3A_808 = tpu.vector_load %arg15[%parallel_loop3A_806, %parallel_loop3A_807] {strides = array<i32>} : memref<320x128xf32, #tpu.memory_space<vmem>>, vector<16xf32>,
        %parallel_loop3A_809 = arith.mulf %parallel_loop3A_411, %parallel_loop3A_808 : vector<16xf32>
        %parallel_loop3A_810 = arith.addf %parallel_loop3A_803, %parallel_loop3A_809 : vector<16xf32>
        %parallel_loop3A_811 = arith.constant 48 : i32
        %parallel_loop3A_812 = arith.addi %parallel_loop3A_792, %parallel_loop3A_811 : i32
        %parallel_loop3A_813 = arith.index_cast %parallel_loop3A_790 : i32 to index
        %parallel_loop3A_814 = arith.index_cast %parallel_loop3A_812 : i32 to index
        %parallel_loop3A_815 = tpu.vector_load %arg15[%parallel_loop3A_813, %parallel_loop3A_814] {strides = array<i32>} : memref<320x128xf32, #tpu.memory_space<vmem>>, vector<16xf32>,
        %parallel_loop3A_816 = arith.mulf %parallel_loop3A_418, %parallel_loop3A_815 : vector<16xf32>
        %parallel_loop3A_817 = arith.addf %parallel_loop3A_810, %parallel_loop3A_816 : vector<16xf32>
        %parallel_loop3A_818 = arith.constant true
        %parallel_loop3A_819 = vector.broadcast %parallel_loop3A_818 : i1 to vector<16xi1>
        %parallel_loop3A_820 = tpu.scan <sum>, %parallel_loop3A_817 masked %parallel_loop3A_819 : vector<16xf32>, vector<16xi1> -> vector<16xf32>
        %parallel_loop3A_821 = vector.extract %parallel_loop3A_820[15] : f32 from vector<16xf32>
        %parallel_loop3A_822 = arith.constant 0.000000e+00 : f32
        %parallel_loop3A_823 = arith.subf %parallel_loop3A_822, %parallel_loop3A_821 : f32
        %parallel_loop3A_824 = arith.constant 9 : i32
        %parallel_loop3A_825 = vector.broadcast %parallel_loop3A_824 : i32 to vector<16xi32>
        %parallel_loop3A_826 = arith.cmpi eq, %iota3A, %parallel_loop3A_825 : vector<16xi32>
        %parallel_loop3A_827 = vector.broadcast %parallel_loop3A_823 : f32 to vector<16xf32>
        %parallel_loop3A_828 = arith.select %parallel_loop3A_826, %parallel_loop3A_827, %parallel_loop3A_786 : vector<16xi1>, vector<16xf32>
        %parallel_loop3A_829 = arith.constant 20 : i32
        %parallel_loop3A_830 = arith.muli %parallel_loop3A_377, %parallel_loop3A_829 : i32
        %parallel_loop3A_831 = arith.constant 9 : i32
        %parallel_loop3A_832 = arith.addi %parallel_loop3A_830, %parallel_loop3A_831 : i32
        %parallel_loop3A_833 = vector.extract_strided_slice %parallel_loop3A_384 {offsets = [11], sizes = [1], strides = [1]} : vector<16xi32> to vector<1xi32>
        %parallel_loop3A_834 = vector.extract %parallel_loop3A_833[0] : i32 from vector<1xi32>
        %parallel_loop3A_835 = arith.index_cast %parallel_loop3A_832 : i32 to index
        %parallel_loop3A_836 = arith.index_cast %parallel_loop3A_834 : i32 to index
        %parallel_loop3A_837 = tpu.vector_load %arg15[%parallel_loop3A_835, %parallel_loop3A_836] {strides = array<i32>} : memref<320x128xf32, #tpu.memory_space<vmem>>, vector<16xf32>,
        %parallel_loop3A_838 = arith.mulf %parallel_loop3A_397, %parallel_loop3A_837 : vector<16xf32>
        %parallel_loop3A_839 = arith.constant 16 : i32
        %parallel_loop3A_840 = arith.addi %parallel_loop3A_834, %parallel_loop3A_839 : i32
        %parallel_loop3A_841 = arith.index_cast %parallel_loop3A_832 : i32 to index
        %parallel_loop3A_842 = arith.index_cast %parallel_loop3A_840 : i32 to index
        %parallel_loop3A_843 = tpu.vector_load %arg15[%parallel_loop3A_841, %parallel_loop3A_842] {strides = array<i32>} : memref<320x128xf32, #tpu.memory_space<vmem>>, vector<16xf32>,
        %parallel_loop3A_844 = arith.mulf %parallel_loop3A_404, %parallel_loop3A_843 : vector<16xf32>
        %parallel_loop3A_845 = arith.addf %parallel_loop3A_838, %parallel_loop3A_844 : vector<16xf32>
        %parallel_loop3A_846 = arith.constant 32 : i32
        %parallel_loop3A_847 = arith.addi %parallel_loop3A_834, %parallel_loop3A_846 : i32
        %parallel_loop3A_848 = arith.index_cast %parallel_loop3A_832 : i32 to index
        %parallel_loop3A_849 = arith.index_cast %parallel_loop3A_847 : i32 to index
        %parallel_loop3A_850 = tpu.vector_load %arg15[%parallel_loop3A_848, %parallel_loop3A_849] {strides = array<i32>} : memref<320x128xf32, #tpu.memory_space<vmem>>, vector<16xf32>,
        %parallel_loop3A_851 = arith.mulf %parallel_loop3A_411, %parallel_loop3A_850 : vector<16xf32>
        %parallel_loop3A_852 = arith.addf %parallel_loop3A_845, %parallel_loop3A_851 : vector<16xf32>
        %parallel_loop3A_853 = arith.constant 48 : i32
        %parallel_loop3A_854 = arith.addi %parallel_loop3A_834, %parallel_loop3A_853 : i32
        %parallel_loop3A_855 = arith.index_cast %parallel_loop3A_832 : i32 to index
        %parallel_loop3A_856 = arith.index_cast %parallel_loop3A_854 : i32 to index
        %parallel_loop3A_857 = tpu.vector_load %arg15[%parallel_loop3A_855, %parallel_loop3A_856] {strides = array<i32>} : memref<320x128xf32, #tpu.memory_space<vmem>>, vector<16xf32>,
        %parallel_loop3A_858 = arith.mulf %parallel_loop3A_418, %parallel_loop3A_857 : vector<16xf32>
        %parallel_loop3A_859 = arith.addf %parallel_loop3A_852, %parallel_loop3A_858 : vector<16xf32>
        %parallel_loop3A_860 = arith.constant true
        %parallel_loop3A_861 = vector.broadcast %parallel_loop3A_860 : i1 to vector<16xi1>
        %parallel_loop3A_862 = tpu.scan <sum>, %parallel_loop3A_859 masked %parallel_loop3A_861 : vector<16xf32>, vector<16xi1> -> vector<16xf32>
        %parallel_loop3A_863 = vector.extract %parallel_loop3A_862[15] : f32 from vector<16xf32>
        %parallel_loop3A_864 = arith.constant 0.000000e+00 : f32
        %parallel_loop3A_865 = arith.subf %parallel_loop3A_864, %parallel_loop3A_863 : f32
        %parallel_loop3A_866 = arith.constant 10 : i32
        %parallel_loop3A_867 = vector.broadcast %parallel_loop3A_866 : i32 to vector<16xi32>
        %parallel_loop3A_868 = arith.cmpi eq, %iota3A, %parallel_loop3A_867 : vector<16xi32>
        %parallel_loop3A_869 = vector.broadcast %parallel_loop3A_865 : f32 to vector<16xf32>
        %parallel_loop3A_870 = arith.select %parallel_loop3A_868, %parallel_loop3A_869, %parallel_loop3A_828 : vector<16xi1>, vector<16xf32>
        %parallel_loop3A_871 = arith.constant 20 : i32
        %parallel_loop3A_872 = arith.muli %parallel_loop3A_377, %parallel_loop3A_871 : i32
        %parallel_loop3A_873 = arith.constant 10 : i32
        %parallel_loop3A_874 = arith.addi %parallel_loop3A_872, %parallel_loop3A_873 : i32
        %parallel_loop3A_875 = vector.extract_strided_slice %parallel_loop3A_384 {offsets = [12], sizes = [1], strides = [1]} : vector<16xi32> to vector<1xi32>
        %parallel_loop3A_876 = vector.extract %parallel_loop3A_875[0] : i32 from vector<1xi32>
        %parallel_loop3A_877 = arith.index_cast %parallel_loop3A_874 : i32 to index
        %parallel_loop3A_878 = arith.index_cast %parallel_loop3A_876 : i32 to index
        %parallel_loop3A_879 = tpu.vector_load %arg15[%parallel_loop3A_877, %parallel_loop3A_878] {strides = array<i32>} : memref<320x128xf32, #tpu.memory_space<vmem>>, vector<16xf32>,
        %parallel_loop3A_880 = arith.mulf %parallel_loop3A_397, %parallel_loop3A_879 : vector<16xf32>
        %parallel_loop3A_881 = arith.constant 16 : i32
        %parallel_loop3A_882 = arith.addi %parallel_loop3A_876, %parallel_loop3A_881 : i32
        %parallel_loop3A_883 = arith.index_cast %parallel_loop3A_874 : i32 to index
        %parallel_loop3A_884 = arith.index_cast %parallel_loop3A_882 : i32 to index
        %parallel_loop3A_885 = tpu.vector_load %arg15[%parallel_loop3A_883, %parallel_loop3A_884] {strides = array<i32>} : memref<320x128xf32, #tpu.memory_space<vmem>>, vector<16xf32>,
        %parallel_loop3A_886 = arith.mulf %parallel_loop3A_404, %parallel_loop3A_885 : vector<16xf32>
        %parallel_loop3A_887 = arith.addf %parallel_loop3A_880, %parallel_loop3A_886 : vector<16xf32>
        %parallel_loop3A_888 = arith.constant 32 : i32
        %parallel_loop3A_889 = arith.addi %parallel_loop3A_876, %parallel_loop3A_888 : i32
        %parallel_loop3A_890 = arith.index_cast %parallel_loop3A_874 : i32 to index
        %parallel_loop3A_891 = arith.index_cast %parallel_loop3A_889 : i32 to index
        %parallel_loop3A_892 = tpu.vector_load %arg15[%parallel_loop3A_890, %parallel_loop3A_891] {strides = array<i32>} : memref<320x128xf32, #tpu.memory_space<vmem>>, vector<16xf32>,
        %parallel_loop3A_893 = arith.mulf %parallel_loop3A_411, %parallel_loop3A_892 : vector<16xf32>
        %parallel_loop3A_894 = arith.addf %parallel_loop3A_887, %parallel_loop3A_893 : vector<16xf32>
        %parallel_loop3A_895 = arith.constant 48 : i32
        %parallel_loop3A_896 = arith.addi %parallel_loop3A_876, %parallel_loop3A_895 : i32
        %parallel_loop3A_897 = arith.index_cast %parallel_loop3A_874 : i32 to index
        %parallel_loop3A_898 = arith.index_cast %parallel_loop3A_896 : i32 to index
        %parallel_loop3A_899 = tpu.vector_load %arg15[%parallel_loop3A_897, %parallel_loop3A_898] {strides = array<i32>} : memref<320x128xf32, #tpu.memory_space<vmem>>, vector<16xf32>,
        %parallel_loop3A_900 = arith.mulf %parallel_loop3A_418, %parallel_loop3A_899 : vector<16xf32>
        %parallel_loop3A_901 = arith.addf %parallel_loop3A_894, %parallel_loop3A_900 : vector<16xf32>
        %parallel_loop3A_902 = arith.constant true
        %parallel_loop3A_903 = vector.broadcast %parallel_loop3A_902 : i1 to vector<16xi1>
        %parallel_loop3A_904 = tpu.scan <sum>, %parallel_loop3A_901 masked %parallel_loop3A_903 : vector<16xf32>, vector<16xi1> -> vector<16xf32>
        %parallel_loop3A_905 = vector.extract %parallel_loop3A_904[15] : f32 from vector<16xf32>
        %parallel_loop3A_906 = arith.constant 0.000000e+00 : f32
        %parallel_loop3A_907 = arith.subf %parallel_loop3A_906, %parallel_loop3A_905 : f32
        %parallel_loop3A_908 = arith.constant 11 : i32
        %parallel_loop3A_909 = vector.broadcast %parallel_loop3A_908 : i32 to vector<16xi32>
        %parallel_loop3A_910 = arith.cmpi eq, %iota3A, %parallel_loop3A_909 : vector<16xi32>
        %parallel_loop3A_911 = vector.broadcast %parallel_loop3A_907 : f32 to vector<16xf32>
        %parallel_loop3A_912 = arith.select %parallel_loop3A_910, %parallel_loop3A_911, %parallel_loop3A_870 : vector<16xi1>, vector<16xf32>
        %parallel_loop3A_913 = arith.constant 20 : i32
        %parallel_loop3A_914 = arith.muli %parallel_loop3A_377, %parallel_loop3A_913 : i32
        %parallel_loop3A_915 = arith.constant 11 : i32
        %parallel_loop3A_916 = arith.addi %parallel_loop3A_914, %parallel_loop3A_915 : i32
        %parallel_loop3A_917 = vector.extract_strided_slice %parallel_loop3A_384 {offsets = [13], sizes = [1], strides = [1]} : vector<16xi32> to vector<1xi32>
        %parallel_loop3A_918 = vector.extract %parallel_loop3A_917[0] : i32 from vector<1xi32>
        %parallel_loop3A_919 = arith.index_cast %parallel_loop3A_916 : i32 to index
        %parallel_loop3A_920 = arith.index_cast %parallel_loop3A_918 : i32 to index
        %parallel_loop3A_921 = tpu.vector_load %arg15[%parallel_loop3A_919, %parallel_loop3A_920] {strides = array<i32>} : memref<320x128xf32, #tpu.memory_space<vmem>>, vector<16xf32>,
        %parallel_loop3A_922 = arith.mulf %parallel_loop3A_397, %parallel_loop3A_921 : vector<16xf32>
        %parallel_loop3A_923 = arith.constant 16 : i32
        %parallel_loop3A_924 = arith.addi %parallel_loop3A_918, %parallel_loop3A_923 : i32
        %parallel_loop3A_925 = arith.index_cast %parallel_loop3A_916 : i32 to index
        %parallel_loop3A_926 = arith.index_cast %parallel_loop3A_924 : i32 to index
        %parallel_loop3A_927 = tpu.vector_load %arg15[%parallel_loop3A_925, %parallel_loop3A_926] {strides = array<i32>} : memref<320x128xf32, #tpu.memory_space<vmem>>, vector<16xf32>,
        %parallel_loop3A_928 = arith.mulf %parallel_loop3A_404, %parallel_loop3A_927 : vector<16xf32>
        %parallel_loop3A_929 = arith.addf %parallel_loop3A_922, %parallel_loop3A_928 : vector<16xf32>
        %parallel_loop3A_930 = arith.constant 32 : i32
        %parallel_loop3A_931 = arith.addi %parallel_loop3A_918, %parallel_loop3A_930 : i32
        %parallel_loop3A_932 = arith.index_cast %parallel_loop3A_916 : i32 to index
        %parallel_loop3A_933 = arith.index_cast %parallel_loop3A_931 : i32 to index
        %parallel_loop3A_934 = tpu.vector_load %arg15[%parallel_loop3A_932, %parallel_loop3A_933] {strides = array<i32>} : memref<320x128xf32, #tpu.memory_space<vmem>>, vector<16xf32>,
        %parallel_loop3A_935 = arith.mulf %parallel_loop3A_411, %parallel_loop3A_934 : vector<16xf32>
        %parallel_loop3A_936 = arith.addf %parallel_loop3A_929, %parallel_loop3A_935 : vector<16xf32>
        %parallel_loop3A_937 = arith.constant 48 : i32
        %parallel_loop3A_938 = arith.addi %parallel_loop3A_918, %parallel_loop3A_937 : i32
        %parallel_loop3A_939 = arith.index_cast %parallel_loop3A_916 : i32 to index
        %parallel_loop3A_940 = arith.index_cast %parallel_loop3A_938 : i32 to index
        %parallel_loop3A_941 = tpu.vector_load %arg15[%parallel_loop3A_939, %parallel_loop3A_940] {strides = array<i32>} : memref<320x128xf32, #tpu.memory_space<vmem>>, vector<16xf32>,
        %parallel_loop3A_942 = arith.mulf %parallel_loop3A_418, %parallel_loop3A_941 : vector<16xf32>
        %parallel_loop3A_943 = arith.addf %parallel_loop3A_936, %parallel_loop3A_942 : vector<16xf32>
        %parallel_loop3A_944 = arith.constant true
        %parallel_loop3A_945 = vector.broadcast %parallel_loop3A_944 : i1 to vector<16xi1>
        %parallel_loop3A_946 = tpu.scan <sum>, %parallel_loop3A_943 masked %parallel_loop3A_945 : vector<16xf32>, vector<16xi1> -> vector<16xf32>
        %parallel_loop3A_947 = vector.extract %parallel_loop3A_946[15] : f32 from vector<16xf32>
        %parallel_loop3A_948 = arith.constant 0.000000e+00 : f32
        %parallel_loop3A_949 = arith.subf %parallel_loop3A_948, %parallel_loop3A_947 : f32
        %parallel_loop3A_950 = arith.constant 12 : i32
        %parallel_loop3A_951 = vector.broadcast %parallel_loop3A_950 : i32 to vector<16xi32>
        %parallel_loop3A_952 = arith.cmpi eq, %iota3A, %parallel_loop3A_951 : vector<16xi32>
        %parallel_loop3A_953 = vector.broadcast %parallel_loop3A_949 : f32 to vector<16xf32>
        %parallel_loop3A_954 = arith.select %parallel_loop3A_952, %parallel_loop3A_953, %parallel_loop3A_912 : vector<16xi1>, vector<16xf32>
        %parallel_loop3A_955 = arith.constant 20 : i32
        %parallel_loop3A_956 = arith.muli %parallel_loop3A_377, %parallel_loop3A_955 : i32
        %parallel_loop3A_957 = arith.constant 12 : i32
        %parallel_loop3A_958 = arith.addi %parallel_loop3A_956, %parallel_loop3A_957 : i32
        %parallel_loop3A_959 = vector.extract_strided_slice %parallel_loop3A_384 {offsets = [14], sizes = [1], strides = [1]} : vector<16xi32> to vector<1xi32>
        %parallel_loop3A_960 = vector.extract %parallel_loop3A_959[0] : i32 from vector<1xi32>
        %parallel_loop3A_961 = arith.index_cast %parallel_loop3A_958 : i32 to index
        %parallel_loop3A_962 = arith.index_cast %parallel_loop3A_960 : i32 to index
        %parallel_loop3A_963 = tpu.vector_load %arg15[%parallel_loop3A_961, %parallel_loop3A_962] {strides = array<i32>} : memref<320x128xf32, #tpu.memory_space<vmem>>, vector<16xf32>,
        %parallel_loop3A_964 = arith.mulf %parallel_loop3A_397, %parallel_loop3A_963 : vector<16xf32>
        %parallel_loop3A_965 = arith.constant 16 : i32
        %parallel_loop3A_966 = arith.addi %parallel_loop3A_960, %parallel_loop3A_965 : i32
        %parallel_loop3A_967 = arith.index_cast %parallel_loop3A_958 : i32 to index
        %parallel_loop3A_968 = arith.index_cast %parallel_loop3A_966 : i32 to index
        %parallel_loop3A_969 = tpu.vector_load %arg15[%parallel_loop3A_967, %parallel_loop3A_968] {strides = array<i32>} : memref<320x128xf32, #tpu.memory_space<vmem>>, vector<16xf32>,
        %parallel_loop3A_970 = arith.mulf %parallel_loop3A_404, %parallel_loop3A_969 : vector<16xf32>
        %parallel_loop3A_971 = arith.addf %parallel_loop3A_964, %parallel_loop3A_970 : vector<16xf32>
        %parallel_loop3A_972 = arith.constant 32 : i32
        %parallel_loop3A_973 = arith.addi %parallel_loop3A_960, %parallel_loop3A_972 : i32
        %parallel_loop3A_974 = arith.index_cast %parallel_loop3A_958 : i32 to index
        %parallel_loop3A_975 = arith.index_cast %parallel_loop3A_973 : i32 to index
        %parallel_loop3A_976 = tpu.vector_load %arg15[%parallel_loop3A_974, %parallel_loop3A_975] {strides = array<i32>} : memref<320x128xf32, #tpu.memory_space<vmem>>, vector<16xf32>,
        %parallel_loop3A_977 = arith.mulf %parallel_loop3A_411, %parallel_loop3A_976 : vector<16xf32>
        %parallel_loop3A_978 = arith.addf %parallel_loop3A_971, %parallel_loop3A_977 : vector<16xf32>
        %parallel_loop3A_979 = arith.constant 48 : i32
        %parallel_loop3A_980 = arith.addi %parallel_loop3A_960, %parallel_loop3A_979 : i32
        %parallel_loop3A_981 = arith.index_cast %parallel_loop3A_958 : i32 to index
        %parallel_loop3A_982 = arith.index_cast %parallel_loop3A_980 : i32 to index
        %parallel_loop3A_983 = tpu.vector_load %arg15[%parallel_loop3A_981, %parallel_loop3A_982] {strides = array<i32>} : memref<320x128xf32, #tpu.memory_space<vmem>>, vector<16xf32>,
        %parallel_loop3A_984 = arith.mulf %parallel_loop3A_418, %parallel_loop3A_983 : vector<16xf32>
        %parallel_loop3A_985 = arith.addf %parallel_loop3A_978, %parallel_loop3A_984 : vector<16xf32>
        %parallel_loop3A_986 = arith.constant true
        %parallel_loop3A_987 = vector.broadcast %parallel_loop3A_986 : i1 to vector<16xi1>
        %parallel_loop3A_988 = tpu.scan <sum>, %parallel_loop3A_985 masked %parallel_loop3A_987 : vector<16xf32>, vector<16xi1> -> vector<16xf32>
        %parallel_loop3A_989 = vector.extract %parallel_loop3A_988[15] : f32 from vector<16xf32>
        %parallel_loop3A_990 = arith.constant 0.000000e+00 : f32
        %parallel_loop3A_991 = arith.subf %parallel_loop3A_990, %parallel_loop3A_989 : f32
        %parallel_loop3A_992 = arith.constant 13 : i32
        %parallel_loop3A_993 = vector.broadcast %parallel_loop3A_992 : i32 to vector<16xi32>
        %parallel_loop3A_994 = arith.cmpi eq, %iota3A, %parallel_loop3A_993 : vector<16xi32>
        %parallel_loop3A_995 = vector.broadcast %parallel_loop3A_991 : f32 to vector<16xf32>
        %parallel_loop3A_996 = arith.select %parallel_loop3A_994, %parallel_loop3A_995, %parallel_loop3A_954 : vector<16xi1>, vector<16xf32>
        %parallel_loop3A_997 = arith.constant 20 : i32
        %parallel_loop3A_998 = arith.muli %parallel_loop3A_377, %parallel_loop3A_997 : i32
        %parallel_loop3A_999 = arith.constant 13 : i32
        %parallel_loop3A_1000 = arith.addi %parallel_loop3A_998, %parallel_loop3A_999 : i32
        %parallel_loop3A_1001 = vector.extract_strided_slice %parallel_loop3A_384 {offsets = [15], sizes = [1], strides = [1]} : vector<16xi32> to vector<1xi32>
        %parallel_loop3A_1002 = vector.extract %parallel_loop3A_1001[0] : i32 from vector<1xi32>
        %parallel_loop3A_1003 = arith.index_cast %parallel_loop3A_1000 : i32 to index
        %parallel_loop3A_1004 = arith.index_cast %parallel_loop3A_1002 : i32 to index
        %parallel_loop3A_1005 = tpu.vector_load %arg15[%parallel_loop3A_1003, %parallel_loop3A_1004] {strides = array<i32>} : memref<320x128xf32, #tpu.memory_space<vmem>>, vector<16xf32>,
        %parallel_loop3A_1006 = arith.mulf %parallel_loop3A_397, %parallel_loop3A_1005 : vector<16xf32>
        %parallel_loop3A_1007 = arith.constant 16 : i32
        %parallel_loop3A_1008 = arith.addi %parallel_loop3A_1002, %parallel_loop3A_1007 : i32
        %parallel_loop3A_1009 = arith.index_cast %parallel_loop3A_1000 : i32 to index
        %parallel_loop3A_1010 = arith.index_cast %parallel_loop3A_1008 : i32 to index
        %parallel_loop3A_1011 = tpu.vector_load %arg15[%parallel_loop3A_1009, %parallel_loop3A_1010] {strides = array<i32>} : memref<320x128xf32, #tpu.memory_space<vmem>>, vector<16xf32>,
        %parallel_loop3A_1012 = arith.mulf %parallel_loop3A_404, %parallel_loop3A_1011 : vector<16xf32>
        %parallel_loop3A_1013 = arith.addf %parallel_loop3A_1006, %parallel_loop3A_1012 : vector<16xf32>
        %parallel_loop3A_1014 = arith.constant 32 : i32
        %parallel_loop3A_1015 = arith.addi %parallel_loop3A_1002, %parallel_loop3A_1014 : i32
        %parallel_loop3A_1016 = arith.index_cast %parallel_loop3A_1000 : i32 to index
        %parallel_loop3A_1017 = arith.index_cast %parallel_loop3A_1015 : i32 to index
        %parallel_loop3A_1018 = tpu.vector_load %arg15[%parallel_loop3A_1016, %parallel_loop3A_1017] {strides = array<i32>} : memref<320x128xf32, #tpu.memory_space<vmem>>, vector<16xf32>,
        %parallel_loop3A_1019 = arith.mulf %parallel_loop3A_411, %parallel_loop3A_1018 : vector<16xf32>
        %parallel_loop3A_1020 = arith.addf %parallel_loop3A_1013, %parallel_loop3A_1019 : vector<16xf32>
        %parallel_loop3A_1021 = arith.constant 48 : i32
        %parallel_loop3A_1022 = arith.addi %parallel_loop3A_1002, %parallel_loop3A_1021 : i32
        %parallel_loop3A_1023 = arith.index_cast %parallel_loop3A_1000 : i32 to index
        %parallel_loop3A_1024 = arith.index_cast %parallel_loop3A_1022 : i32 to index
        %parallel_loop3A_1025 = tpu.vector_load %arg15[%parallel_loop3A_1023, %parallel_loop3A_1024] {strides = array<i32>} : memref<320x128xf32, #tpu.memory_space<vmem>>, vector<16xf32>,
        %parallel_loop3A_1026 = arith.mulf %parallel_loop3A_418, %parallel_loop3A_1025 : vector<16xf32>
        %parallel_loop3A_1027 = arith.addf %parallel_loop3A_1020, %parallel_loop3A_1026 : vector<16xf32>
        %parallel_loop3A_1028 = arith.constant true
        %parallel_loop3A_1029 = vector.broadcast %parallel_loop3A_1028 : i1 to vector<16xi1>
        %parallel_loop3A_1030 = tpu.scan <sum>, %parallel_loop3A_1027 masked %parallel_loop3A_1029 : vector<16xf32>, vector<16xi1> -> vector<16xf32>
        %parallel_loop3A_1031 = vector.extract %parallel_loop3A_1030[15] : f32 from vector<16xf32>
        %parallel_loop3A_1032 = arith.constant 0.000000e+00 : f32
        %parallel_loop3A_1033 = arith.subf %parallel_loop3A_1032, %parallel_loop3A_1031 : f32
        %parallel_loop3A_1034 = arith.constant 14 : i32
        %parallel_loop3A_1035 = vector.broadcast %parallel_loop3A_1034 : i32 to vector<16xi32>
        %parallel_loop3A_1036 = arith.cmpi eq, %iota3A, %parallel_loop3A_1035 : vector<16xi32>
        %parallel_loop3A_1037 = vector.broadcast %parallel_loop3A_1033 : f32 to vector<16xf32>
        %parallel_loop3A_1038 = arith.select %parallel_loop3A_1036, %parallel_loop3A_1037, %parallel_loop3A_996 : vector<16xi1>, vector<16xf32>
        %parallel_loop3A_1039 = arith.constant 20 : i32
        %parallel_loop3A_1040 = arith.muli %parallel_loop3A_377, %parallel_loop3A_1039 : i32
        %parallel_loop3A_1041 = arith.constant 14 : i32
        %parallel_loop3A_1042 = arith.addi %parallel_loop3A_1040, %parallel_loop3A_1041 : i32
        %parallel_loop3A_1043 = vector.extract_strided_slice %parallel_loop3A_390 {offsets = [8], sizes = [1], strides = [1]} : vector<16xi32> to vector<1xi32>
        %parallel_loop3A_1044 = vector.extract %parallel_loop3A_1043[0] : i32 from vector<1xi32>
        %parallel_loop3A_1045 = arith.index_cast %parallel_loop3A_1042 : i32 to index
        %parallel_loop3A_1046 = arith.index_cast %parallel_loop3A_1044 : i32 to index
        %parallel_loop3A_1047 = tpu.vector_load %arg15[%parallel_loop3A_1045, %parallel_loop3A_1046] {strides = array<i32>} : memref<320x128xf32, #tpu.memory_space<vmem>>, vector<16xf32>,
        %parallel_loop3A_1048 = arith.mulf %parallel_loop3A_397, %parallel_loop3A_1047 : vector<16xf32>
        %parallel_loop3A_1049 = arith.constant 16 : i32
        %parallel_loop3A_1050 = arith.addi %parallel_loop3A_1044, %parallel_loop3A_1049 : i32
        %parallel_loop3A_1051 = arith.index_cast %parallel_loop3A_1042 : i32 to index
        %parallel_loop3A_1052 = arith.index_cast %parallel_loop3A_1050 : i32 to index
        %parallel_loop3A_1053 = tpu.vector_load %arg15[%parallel_loop3A_1051, %parallel_loop3A_1052] {strides = array<i32>} : memref<320x128xf32, #tpu.memory_space<vmem>>, vector<16xf32>,
        %parallel_loop3A_1054 = arith.mulf %parallel_loop3A_404, %parallel_loop3A_1053 : vector<16xf32>
        %parallel_loop3A_1055 = arith.addf %parallel_loop3A_1048, %parallel_loop3A_1054 : vector<16xf32>
        %parallel_loop3A_1056 = arith.constant 32 : i32
        %parallel_loop3A_1057 = arith.addi %parallel_loop3A_1044, %parallel_loop3A_1056 : i32
        %parallel_loop3A_1058 = arith.index_cast %parallel_loop3A_1042 : i32 to index
        %parallel_loop3A_1059 = arith.index_cast %parallel_loop3A_1057 : i32 to index
        %parallel_loop3A_1060 = tpu.vector_load %arg15[%parallel_loop3A_1058, %parallel_loop3A_1059] {strides = array<i32>} : memref<320x128xf32, #tpu.memory_space<vmem>>, vector<16xf32>,
        %parallel_loop3A_1061 = arith.mulf %parallel_loop3A_411, %parallel_loop3A_1060 : vector<16xf32>
        %parallel_loop3A_1062 = arith.addf %parallel_loop3A_1055, %parallel_loop3A_1061 : vector<16xf32>
        %parallel_loop3A_1063 = arith.constant 48 : i32
        %parallel_loop3A_1064 = arith.addi %parallel_loop3A_1044, %parallel_loop3A_1063 : i32
        %parallel_loop3A_1065 = arith.index_cast %parallel_loop3A_1042 : i32 to index
        %parallel_loop3A_1066 = arith.index_cast %parallel_loop3A_1064 : i32 to index
        %parallel_loop3A_1067 = tpu.vector_load %arg15[%parallel_loop3A_1065, %parallel_loop3A_1066] {strides = array<i32>} : memref<320x128xf32, #tpu.memory_space<vmem>>, vector<16xf32>,
        %parallel_loop3A_1068 = arith.mulf %parallel_loop3A_418, %parallel_loop3A_1067 : vector<16xf32>
        %parallel_loop3A_1069 = arith.addf %parallel_loop3A_1062, %parallel_loop3A_1068 : vector<16xf32>
        %parallel_loop3A_1070 = arith.constant true
        %parallel_loop3A_1071 = vector.broadcast %parallel_loop3A_1070 : i1 to vector<16xi1>
        %parallel_loop3A_1072 = tpu.scan <sum>, %parallel_loop3A_1069 masked %parallel_loop3A_1071 : vector<16xf32>, vector<16xi1> -> vector<16xf32>
        %parallel_loop3A_1073 = vector.extract %parallel_loop3A_1072[15] : f32 from vector<16xf32>
        %parallel_loop3A_1074 = arith.constant 0.000000e+00 : f32
        %parallel_loop3A_1075 = arith.subf %parallel_loop3A_1074, %parallel_loop3A_1073 : f32
        %parallel_loop3A_1076 = arith.constant 15 : i32
        %parallel_loop3A_1077 = vector.broadcast %parallel_loop3A_1076 : i32 to vector<16xi32>
        %parallel_loop3A_1078 = arith.cmpi eq, %iota3A, %parallel_loop3A_1077 : vector<16xi32>
        %parallel_loop3A_1079 = vector.broadcast %parallel_loop3A_1075 : f32 to vector<16xf32>
        %parallel_loop3A_1080 = arith.select %parallel_loop3A_1078, %parallel_loop3A_1079, %parallel_loop3A_1038 : vector<16xi1>, vector<16xf32>
        %parallel_loop3A_1081 = arith.constant 0.000000e+00 : f32
        %parallel_loop3A_1082 = vector.broadcast %parallel_loop3A_1081 : f32 to vector<16xf32>
        %parallel_loop3A_1083 = arith.constant 20 : i32
        %parallel_loop3A_1084 = arith.muli %parallel_loop3A_377, %parallel_loop3A_1083 : i32
        %parallel_loop3A_1085 = arith.constant 15 : i32
        %parallel_loop3A_1086 = arith.addi %parallel_loop3A_1084, %parallel_loop3A_1085 : i32
        %parallel_loop3A_1087 = vector.extract_strided_slice %parallel_loop3A_390 {offsets = [9], sizes = [1], strides = [1]} : vector<16xi32> to vector<1xi32>
        %parallel_loop3A_1088 = vector.extract %parallel_loop3A_1087[0] : i32 from vector<1xi32>
        %parallel_loop3A_1089 = arith.index_cast %parallel_loop3A_1086 : i32 to index
        %parallel_loop3A_1090 = arith.index_cast %parallel_loop3A_1088 : i32 to index
        %parallel_loop3A_1091 = tpu.vector_load %arg15[%parallel_loop3A_1089, %parallel_loop3A_1090] {strides = array<i32>} : memref<320x128xf32, #tpu.memory_space<vmem>>, vector<16xf32>,
        %parallel_loop3A_1092 = arith.mulf %parallel_loop3A_397, %parallel_loop3A_1091 : vector<16xf32>
        %parallel_loop3A_1093 = arith.constant 16 : i32
        %parallel_loop3A_1094 = arith.addi %parallel_loop3A_1088, %parallel_loop3A_1093 : i32
        %parallel_loop3A_1095 = arith.index_cast %parallel_loop3A_1086 : i32 to index
        %parallel_loop3A_1096 = arith.index_cast %parallel_loop3A_1094 : i32 to index
        %parallel_loop3A_1097 = tpu.vector_load %arg15[%parallel_loop3A_1095, %parallel_loop3A_1096] {strides = array<i32>} : memref<320x128xf32, #tpu.memory_space<vmem>>, vector<16xf32>,
        %parallel_loop3A_1098 = arith.mulf %parallel_loop3A_404, %parallel_loop3A_1097 : vector<16xf32>
        %parallel_loop3A_1099 = arith.addf %parallel_loop3A_1092, %parallel_loop3A_1098 : vector<16xf32>
        %parallel_loop3A_1100 = arith.constant 32 : i32
        %parallel_loop3A_1101 = arith.addi %parallel_loop3A_1088, %parallel_loop3A_1100 : i32
        %parallel_loop3A_1102 = arith.index_cast %parallel_loop3A_1086 : i32 to index
        %parallel_loop3A_1103 = arith.index_cast %parallel_loop3A_1101 : i32 to index
        %parallel_loop3A_1104 = tpu.vector_load %arg15[%parallel_loop3A_1102, %parallel_loop3A_1103] {strides = array<i32>} : memref<320x128xf32, #tpu.memory_space<vmem>>, vector<16xf32>,
        %parallel_loop3A_1105 = arith.mulf %parallel_loop3A_411, %parallel_loop3A_1104 : vector<16xf32>
        %parallel_loop3A_1106 = arith.addf %parallel_loop3A_1099, %parallel_loop3A_1105 : vector<16xf32>
        %parallel_loop3A_1107 = arith.constant 48 : i32
        %parallel_loop3A_1108 = arith.addi %parallel_loop3A_1088, %parallel_loop3A_1107 : i32
        %parallel_loop3A_1109 = arith.index_cast %parallel_loop3A_1086 : i32 to index
        %parallel_loop3A_1110 = arith.index_cast %parallel_loop3A_1108 : i32 to index
        %parallel_loop3A_1111 = tpu.vector_load %arg15[%parallel_loop3A_1109, %parallel_loop3A_1110] {strides = array<i32>} : memref<320x128xf32, #tpu.memory_space<vmem>>, vector<16xf32>,
        %parallel_loop3A_1112 = arith.mulf %parallel_loop3A_418, %parallel_loop3A_1111 : vector<16xf32>
        %parallel_loop3A_1113 = arith.addf %parallel_loop3A_1106, %parallel_loop3A_1112 : vector<16xf32>
        %parallel_loop3A_1114 = arith.constant true
        %parallel_loop3A_1115 = vector.broadcast %parallel_loop3A_1114 : i1 to vector<16xi1>
        %parallel_loop3A_1116 = tpu.scan <sum>, %parallel_loop3A_1113 masked %parallel_loop3A_1115 : vector<16xf32>, vector<16xi1> -> vector<16xf32>
        %parallel_loop3A_1117 = vector.extract %parallel_loop3A_1116[15] : f32 from vector<16xf32>
        %parallel_loop3A_1118 = arith.constant 0.000000e+00 : f32
        %parallel_loop3A_1119 = arith.subf %parallel_loop3A_1118, %parallel_loop3A_1117 : f32
        %parallel_loop3A_1120 = arith.constant 0 : i32
        %parallel_loop3A_1121 = vector.broadcast %parallel_loop3A_1120 : i32 to vector<16xi32>
        %parallel_loop3A_1122 = arith.cmpi eq, %iota3A, %parallel_loop3A_1121 : vector<16xi32>
        %parallel_loop3A_1123 = vector.broadcast %parallel_loop3A_1119 : f32 to vector<16xf32>
        %parallel_loop3A_1124 = arith.select %parallel_loop3A_1122, %parallel_loop3A_1123, %parallel_loop3A_1082 : vector<16xi1>, vector<16xf32>
        %parallel_loop3A_1125 = arith.constant 20 : i32
        %parallel_loop3A_1126 = arith.muli %parallel_loop3A_377, %parallel_loop3A_1125 : i32
        %parallel_loop3A_1127 = arith.constant 16 : i32
        %parallel_loop3A_1128 = arith.addi %parallel_loop3A_1126, %parallel_loop3A_1127 : i32
        %parallel_loop3A_1129 = vector.extract_strided_slice %parallel_loop3A_390 {offsets = [10], sizes = [1], strides = [1]} : vector<16xi32> to vector<1xi32>
        %parallel_loop3A_1130 = vector.extract %parallel_loop3A_1129[0] : i32 from vector<1xi32>
        %parallel_loop3A_1131 = arith.index_cast %parallel_loop3A_1128 : i32 to index
        %parallel_loop3A_1132 = arith.index_cast %parallel_loop3A_1130 : i32 to index
        %parallel_loop3A_1133 = tpu.vector_load %arg15[%parallel_loop3A_1131, %parallel_loop3A_1132] {strides = array<i32>} : memref<320x128xf32, #tpu.memory_space<vmem>>, vector<16xf32>,
        %parallel_loop3A_1134 = arith.mulf %parallel_loop3A_397, %parallel_loop3A_1133 : vector<16xf32>
        %parallel_loop3A_1135 = arith.constant 16 : i32
        %parallel_loop3A_1136 = arith.addi %parallel_loop3A_1130, %parallel_loop3A_1135 : i32
        %parallel_loop3A_1137 = arith.index_cast %parallel_loop3A_1128 : i32 to index
        %parallel_loop3A_1138 = arith.index_cast %parallel_loop3A_1136 : i32 to index
        %parallel_loop3A_1139 = tpu.vector_load %arg15[%parallel_loop3A_1137, %parallel_loop3A_1138] {strides = array<i32>} : memref<320x128xf32, #tpu.memory_space<vmem>>, vector<16xf32>,
        %parallel_loop3A_1140 = arith.mulf %parallel_loop3A_404, %parallel_loop3A_1139 : vector<16xf32>
        %parallel_loop3A_1141 = arith.addf %parallel_loop3A_1134, %parallel_loop3A_1140 : vector<16xf32>
        %parallel_loop3A_1142 = arith.constant 32 : i32
        %parallel_loop3A_1143 = arith.addi %parallel_loop3A_1130, %parallel_loop3A_1142 : i32
        %parallel_loop3A_1144 = arith.index_cast %parallel_loop3A_1128 : i32 to index
        %parallel_loop3A_1145 = arith.index_cast %parallel_loop3A_1143 : i32 to index
        %parallel_loop3A_1146 = tpu.vector_load %arg15[%parallel_loop3A_1144, %parallel_loop3A_1145] {strides = array<i32>} : memref<320x128xf32, #tpu.memory_space<vmem>>, vector<16xf32>,
        %parallel_loop3A_1147 = arith.mulf %parallel_loop3A_411, %parallel_loop3A_1146 : vector<16xf32>
        %parallel_loop3A_1148 = arith.addf %parallel_loop3A_1141, %parallel_loop3A_1147 : vector<16xf32>
        %parallel_loop3A_1149 = arith.constant 48 : i32
        %parallel_loop3A_1150 = arith.addi %parallel_loop3A_1130, %parallel_loop3A_1149 : i32
        %parallel_loop3A_1151 = arith.index_cast %parallel_loop3A_1128 : i32 to index
        %parallel_loop3A_1152 = arith.index_cast %parallel_loop3A_1150 : i32 to index
        %parallel_loop3A_1153 = tpu.vector_load %arg15[%parallel_loop3A_1151, %parallel_loop3A_1152] {strides = array<i32>} : memref<320x128xf32, #tpu.memory_space<vmem>>, vector<16xf32>,
        %parallel_loop3A_1154 = arith.mulf %parallel_loop3A_418, %parallel_loop3A_1153 : vector<16xf32>
        %parallel_loop3A_1155 = arith.addf %parallel_loop3A_1148, %parallel_loop3A_1154 : vector<16xf32>
        %parallel_loop3A_1156 = arith.constant true
        %parallel_loop3A_1157 = vector.broadcast %parallel_loop3A_1156 : i1 to vector<16xi1>
        %parallel_loop3A_1158 = tpu.scan <sum>, %parallel_loop3A_1155 masked %parallel_loop3A_1157 : vector<16xf32>, vector<16xi1> -> vector<16xf32>
        %parallel_loop3A_1159 = vector.extract %parallel_loop3A_1158[15] : f32 from vector<16xf32>
        %parallel_loop3A_1160 = arith.constant 0.000000e+00 : f32
        %parallel_loop3A_1161 = arith.subf %parallel_loop3A_1160, %parallel_loop3A_1159 : f32
        %parallel_loop3A_1162 = arith.constant 1 : i32
        %parallel_loop3A_1163 = vector.broadcast %parallel_loop3A_1162 : i32 to vector<16xi32>
        %parallel_loop3A_1164 = arith.cmpi eq, %iota3A, %parallel_loop3A_1163 : vector<16xi32>
        %parallel_loop3A_1165 = vector.broadcast %parallel_loop3A_1161 : f32 to vector<16xf32>
        %parallel_loop3A_1166 = arith.select %parallel_loop3A_1164, %parallel_loop3A_1165, %parallel_loop3A_1124 : vector<16xi1>, vector<16xf32>
        %parallel_loop3A_1167 = arith.constant 20 : i32
        %parallel_loop3A_1168 = arith.muli %parallel_loop3A_377, %parallel_loop3A_1167 : i32
        %parallel_loop3A_1169 = arith.constant 17 : i32
        %parallel_loop3A_1170 = arith.addi %parallel_loop3A_1168, %parallel_loop3A_1169 : i32
        %parallel_loop3A_1171 = vector.extract_strided_slice %parallel_loop3A_390 {offsets = [11], sizes = [1], strides = [1]} : vector<16xi32> to vector<1xi32>
        %parallel_loop3A_1172 = vector.extract %parallel_loop3A_1171[0] : i32 from vector<1xi32>
        %parallel_loop3A_1173 = arith.index_cast %parallel_loop3A_1170 : i32 to index
        %parallel_loop3A_1174 = arith.index_cast %parallel_loop3A_1172 : i32 to index
        %parallel_loop3A_1175 = tpu.vector_load %arg15[%parallel_loop3A_1173, %parallel_loop3A_1174] {strides = array<i32>} : memref<320x128xf32, #tpu.memory_space<vmem>>, vector<16xf32>,
        %parallel_loop3A_1176 = arith.mulf %parallel_loop3A_397, %parallel_loop3A_1175 : vector<16xf32>
        %parallel_loop3A_1177 = arith.constant 16 : i32
        %parallel_loop3A_1178 = arith.addi %parallel_loop3A_1172, %parallel_loop3A_1177 : i32
        %parallel_loop3A_1179 = arith.index_cast %parallel_loop3A_1170 : i32 to index
        %parallel_loop3A_1180 = arith.index_cast %parallel_loop3A_1178 : i32 to index
        %parallel_loop3A_1181 = tpu.vector_load %arg15[%parallel_loop3A_1179, %parallel_loop3A_1180] {strides = array<i32>} : memref<320x128xf32, #tpu.memory_space<vmem>>, vector<16xf32>,
        %parallel_loop3A_1182 = arith.mulf %parallel_loop3A_404, %parallel_loop3A_1181 : vector<16xf32>
        %parallel_loop3A_1183 = arith.addf %parallel_loop3A_1176, %parallel_loop3A_1182 : vector<16xf32>
        %parallel_loop3A_1184 = arith.constant 32 : i32
        %parallel_loop3A_1185 = arith.addi %parallel_loop3A_1172, %parallel_loop3A_1184 : i32
        %parallel_loop3A_1186 = arith.index_cast %parallel_loop3A_1170 : i32 to index
        %parallel_loop3A_1187 = arith.index_cast %parallel_loop3A_1185 : i32 to index
        %parallel_loop3A_1188 = tpu.vector_load %arg15[%parallel_loop3A_1186, %parallel_loop3A_1187] {strides = array<i32>} : memref<320x128xf32, #tpu.memory_space<vmem>>, vector<16xf32>,
        %parallel_loop3A_1189 = arith.mulf %parallel_loop3A_411, %parallel_loop3A_1188 : vector<16xf32>
        %parallel_loop3A_1190 = arith.addf %parallel_loop3A_1183, %parallel_loop3A_1189 : vector<16xf32>
        %parallel_loop3A_1191 = arith.constant 48 : i32
        %parallel_loop3A_1192 = arith.addi %parallel_loop3A_1172, %parallel_loop3A_1191 : i32
        %parallel_loop3A_1193 = arith.index_cast %parallel_loop3A_1170 : i32 to index
        %parallel_loop3A_1194 = arith.index_cast %parallel_loop3A_1192 : i32 to index
        %parallel_loop3A_1195 = tpu.vector_load %arg15[%parallel_loop3A_1193, %parallel_loop3A_1194] {strides = array<i32>} : memref<320x128xf32, #tpu.memory_space<vmem>>, vector<16xf32>,
        %parallel_loop3A_1196 = arith.mulf %parallel_loop3A_418, %parallel_loop3A_1195 : vector<16xf32>
        %parallel_loop3A_1197 = arith.addf %parallel_loop3A_1190, %parallel_loop3A_1196 : vector<16xf32>
        %parallel_loop3A_1198 = arith.constant true
        %parallel_loop3A_1199 = vector.broadcast %parallel_loop3A_1198 : i1 to vector<16xi1>
        %parallel_loop3A_1200 = tpu.scan <sum>, %parallel_loop3A_1197 masked %parallel_loop3A_1199 : vector<16xf32>, vector<16xi1> -> vector<16xf32>
        %parallel_loop3A_1201 = vector.extract %parallel_loop3A_1200[15] : f32 from vector<16xf32>
        %parallel_loop3A_1202 = arith.constant 0.000000e+00 : f32
        %parallel_loop3A_1203 = arith.subf %parallel_loop3A_1202, %parallel_loop3A_1201 : f32
        %parallel_loop3A_1204 = arith.constant 2 : i32
        %parallel_loop3A_1205 = vector.broadcast %parallel_loop3A_1204 : i32 to vector<16xi32>
        %parallel_loop3A_1206 = arith.cmpi eq, %iota3A, %parallel_loop3A_1205 : vector<16xi32>
        %parallel_loop3A_1207 = vector.broadcast %parallel_loop3A_1203 : f32 to vector<16xf32>
        %parallel_loop3A_1208 = arith.select %parallel_loop3A_1206, %parallel_loop3A_1207, %parallel_loop3A_1166 : vector<16xi1>, vector<16xf32>
        %parallel_loop3A_1209 = arith.constant 20 : i32
        %parallel_loop3A_1210 = arith.muli %parallel_loop3A_377, %parallel_loop3A_1209 : i32
        %parallel_loop3A_1211 = arith.constant 18 : i32
        %parallel_loop3A_1212 = arith.addi %parallel_loop3A_1210, %parallel_loop3A_1211 : i32
        %parallel_loop3A_1213 = vector.extract_strided_slice %parallel_loop3A_390 {offsets = [12], sizes = [1], strides = [1]} : vector<16xi32> to vector<1xi32>
        %parallel_loop3A_1214 = vector.extract %parallel_loop3A_1213[0] : i32 from vector<1xi32>
        %parallel_loop3A_1215 = arith.index_cast %parallel_loop3A_1212 : i32 to index
        %parallel_loop3A_1216 = arith.index_cast %parallel_loop3A_1214 : i32 to index
        %parallel_loop3A_1217 = tpu.vector_load %arg15[%parallel_loop3A_1215, %parallel_loop3A_1216] {strides = array<i32>} : memref<320x128xf32, #tpu.memory_space<vmem>>, vector<16xf32>,
        %parallel_loop3A_1218 = arith.mulf %parallel_loop3A_397, %parallel_loop3A_1217 : vector<16xf32>
        %parallel_loop3A_1219 = arith.constant 16 : i32
        %parallel_loop3A_1220 = arith.addi %parallel_loop3A_1214, %parallel_loop3A_1219 : i32
        %parallel_loop3A_1221 = arith.index_cast %parallel_loop3A_1212 : i32 to index
        %parallel_loop3A_1222 = arith.index_cast %parallel_loop3A_1220 : i32 to index
        %parallel_loop3A_1223 = tpu.vector_load %arg15[%parallel_loop3A_1221, %parallel_loop3A_1222] {strides = array<i32>} : memref<320x128xf32, #tpu.memory_space<vmem>>, vector<16xf32>,
        %parallel_loop3A_1224 = arith.mulf %parallel_loop3A_404, %parallel_loop3A_1223 : vector<16xf32>
        %parallel_loop3A_1225 = arith.addf %parallel_loop3A_1218, %parallel_loop3A_1224 : vector<16xf32>
        %parallel_loop3A_1226 = arith.constant 32 : i32
        %parallel_loop3A_1227 = arith.addi %parallel_loop3A_1214, %parallel_loop3A_1226 : i32
        %parallel_loop3A_1228 = arith.index_cast %parallel_loop3A_1212 : i32 to index
        %parallel_loop3A_1229 = arith.index_cast %parallel_loop3A_1227 : i32 to index
        %parallel_loop3A_1230 = tpu.vector_load %arg15[%parallel_loop3A_1228, %parallel_loop3A_1229] {strides = array<i32>} : memref<320x128xf32, #tpu.memory_space<vmem>>, vector<16xf32>,
        %parallel_loop3A_1231 = arith.mulf %parallel_loop3A_411, %parallel_loop3A_1230 : vector<16xf32>
        %parallel_loop3A_1232 = arith.addf %parallel_loop3A_1225, %parallel_loop3A_1231 : vector<16xf32>
        %parallel_loop3A_1233 = arith.constant 48 : i32
        %parallel_loop3A_1234 = arith.addi %parallel_loop3A_1214, %parallel_loop3A_1233 : i32
        %parallel_loop3A_1235 = arith.index_cast %parallel_loop3A_1212 : i32 to index
        %parallel_loop3A_1236 = arith.index_cast %parallel_loop3A_1234 : i32 to index
        %parallel_loop3A_1237 = tpu.vector_load %arg15[%parallel_loop3A_1235, %parallel_loop3A_1236] {strides = array<i32>} : memref<320x128xf32, #tpu.memory_space<vmem>>, vector<16xf32>,
        %parallel_loop3A_1238 = arith.mulf %parallel_loop3A_418, %parallel_loop3A_1237 : vector<16xf32>
        %parallel_loop3A_1239 = arith.addf %parallel_loop3A_1232, %parallel_loop3A_1238 : vector<16xf32>
        %parallel_loop3A_1240 = arith.constant true
        %parallel_loop3A_1241 = vector.broadcast %parallel_loop3A_1240 : i1 to vector<16xi1>
        %parallel_loop3A_1242 = tpu.scan <sum>, %parallel_loop3A_1239 masked %parallel_loop3A_1241 : vector<16xf32>, vector<16xi1> -> vector<16xf32>
        %parallel_loop3A_1243 = vector.extract %parallel_loop3A_1242[15] : f32 from vector<16xf32>
        %parallel_loop3A_1244 = arith.constant 0.000000e+00 : f32
        %parallel_loop3A_1245 = arith.subf %parallel_loop3A_1244, %parallel_loop3A_1243 : f32
        %parallel_loop3A_1246 = arith.constant 3 : i32
        %parallel_loop3A_1247 = vector.broadcast %parallel_loop3A_1246 : i32 to vector<16xi32>
        %parallel_loop3A_1248 = arith.cmpi eq, %iota3A, %parallel_loop3A_1247 : vector<16xi32>
        %parallel_loop3A_1249 = vector.broadcast %parallel_loop3A_1245 : f32 to vector<16xf32>
        %parallel_loop3A_1250 = arith.select %parallel_loop3A_1248, %parallel_loop3A_1249, %parallel_loop3A_1208 : vector<16xi1>, vector<16xf32>
        %parallel_loop3A_1251 = arith.constant 20 : i32
        %parallel_loop3A_1252 = arith.muli %parallel_loop3A_377, %parallel_loop3A_1251 : i32
        %parallel_loop3A_1253 = arith.constant 19 : i32
        %parallel_loop3A_1254 = arith.addi %parallel_loop3A_1252, %parallel_loop3A_1253 : i32
        %parallel_loop3A_1255 = vector.extract_strided_slice %parallel_loop3A_390 {offsets = [13], sizes = [1], strides = [1]} : vector<16xi32> to vector<1xi32>
        %parallel_loop3A_1256 = vector.extract %parallel_loop3A_1255[0] : i32 from vector<1xi32>
        %parallel_loop3A_1257 = arith.index_cast %parallel_loop3A_1254 : i32 to index
        %parallel_loop3A_1258 = arith.index_cast %parallel_loop3A_1256 : i32 to index
        %parallel_loop3A_1259 = tpu.vector_load %arg15[%parallel_loop3A_1257, %parallel_loop3A_1258] {strides = array<i32>} : memref<320x128xf32, #tpu.memory_space<vmem>>, vector<16xf32>,
        %parallel_loop3A_1260 = arith.mulf %parallel_loop3A_397, %parallel_loop3A_1259 : vector<16xf32>
        %parallel_loop3A_1261 = arith.constant 16 : i32
        %parallel_loop3A_1262 = arith.addi %parallel_loop3A_1256, %parallel_loop3A_1261 : i32
        %parallel_loop3A_1263 = arith.index_cast %parallel_loop3A_1254 : i32 to index
        %parallel_loop3A_1264 = arith.index_cast %parallel_loop3A_1262 : i32 to index
        %parallel_loop3A_1265 = tpu.vector_load %arg15[%parallel_loop3A_1263, %parallel_loop3A_1264] {strides = array<i32>} : memref<320x128xf32, #tpu.memory_space<vmem>>, vector<16xf32>,
        %parallel_loop3A_1266 = arith.mulf %parallel_loop3A_404, %parallel_loop3A_1265 : vector<16xf32>
        %parallel_loop3A_1267 = arith.addf %parallel_loop3A_1260, %parallel_loop3A_1266 : vector<16xf32>
        %parallel_loop3A_1268 = arith.constant 32 : i32
        %parallel_loop3A_1269 = arith.addi %parallel_loop3A_1256, %parallel_loop3A_1268 : i32
        %parallel_loop3A_1270 = arith.index_cast %parallel_loop3A_1254 : i32 to index
        %parallel_loop3A_1271 = arith.index_cast %parallel_loop3A_1269 : i32 to index
        %parallel_loop3A_1272 = tpu.vector_load %arg15[%parallel_loop3A_1270, %parallel_loop3A_1271] {strides = array<i32>} : memref<320x128xf32, #tpu.memory_space<vmem>>, vector<16xf32>,
        %parallel_loop3A_1273 = arith.mulf %parallel_loop3A_411, %parallel_loop3A_1272 : vector<16xf32>
        %parallel_loop3A_1274 = arith.addf %parallel_loop3A_1267, %parallel_loop3A_1273 : vector<16xf32>
        %parallel_loop3A_1275 = arith.constant 48 : i32
        %parallel_loop3A_1276 = arith.addi %parallel_loop3A_1256, %parallel_loop3A_1275 : i32
        %parallel_loop3A_1277 = arith.index_cast %parallel_loop3A_1254 : i32 to index
        %parallel_loop3A_1278 = arith.index_cast %parallel_loop3A_1276 : i32 to index
        %parallel_loop3A_1279 = tpu.vector_load %arg15[%parallel_loop3A_1277, %parallel_loop3A_1278] {strides = array<i32>} : memref<320x128xf32, #tpu.memory_space<vmem>>, vector<16xf32>,
        %parallel_loop3A_1280 = arith.mulf %parallel_loop3A_418, %parallel_loop3A_1279 : vector<16xf32>
        %parallel_loop3A_1281 = arith.addf %parallel_loop3A_1274, %parallel_loop3A_1280 : vector<16xf32>
        %parallel_loop3A_1282 = arith.constant true
        %parallel_loop3A_1283 = vector.broadcast %parallel_loop3A_1282 : i1 to vector<16xi1>
        %parallel_loop3A_1284 = tpu.scan <sum>, %parallel_loop3A_1281 masked %parallel_loop3A_1283 : vector<16xf32>, vector<16xi1> -> vector<16xf32>
        %parallel_loop3A_1285 = vector.extract %parallel_loop3A_1284[15] : f32 from vector<16xf32>
        %parallel_loop3A_1286 = arith.constant 0.000000e+00 : f32
        %parallel_loop3A_1287 = arith.subf %parallel_loop3A_1286, %parallel_loop3A_1285 : f32
        %parallel_loop3A_1288 = arith.constant 4 : i32
        %parallel_loop3A_1289 = vector.broadcast %parallel_loop3A_1288 : i32 to vector<16xi32>
        %parallel_loop3A_1290 = arith.cmpi eq, %iota3A, %parallel_loop3A_1289 : vector<16xi32>
        %parallel_loop3A_1291 = vector.broadcast %parallel_loop3A_1287 : f32 to vector<16xf32>
        %parallel_loop3A_1292 = arith.select %parallel_loop3A_1290, %parallel_loop3A_1291, %parallel_loop3A_1250 : vector<16xi1>, vector<16xf32>
        %parallel_loop3A_1293 = arith.constant 32 : i32
        %parallel_loop3A_1294 = arith.muli %parallel_loop3A_377, %parallel_loop3A_1293 : i32
        %parallel_loop3A_1295 = arith.index_cast %parallel_loop3A_1294 : i32 to index
        %parallel_loop3A_1296 = tpu.vector_load %arg19[%parallel_loop3A_1295] {strides = array<i32>} : memref<512xf32, #tpu.memory_space<vmem>>, vector<16xf32>,
        tpu.vector_store %arg19[%parallel_loop3A_1295], %parallel_loop3A_1080 {strides = array<i32>} : memref<512xf32, #tpu.memory_space<vmem>>, vector<16xf32>,
        %parallel_loop3A_1297 = arith.constant 32 : i32
        %parallel_loop3A_1298 = arith.muli %parallel_loop3A_377, %parallel_loop3A_1297 : i32
        %parallel_loop3A_1299 = arith.constant 16 : i32
        %parallel_loop3A_1300 = arith.addi %parallel_loop3A_1298, %parallel_loop3A_1299 : i32
        %parallel_loop3A_1301 = arith.index_cast %parallel_loop3A_1300 : i32 to index
        %parallel_loop3A_1302 = tpu.vector_load %arg19[%parallel_loop3A_1301] {strides = array<i32>} : memref<512xf32, #tpu.memory_space<vmem>>, vector<16xf32>,
        tpu.vector_store %arg19[%parallel_loop3A_1301], %parallel_loop3A_1292 {strides = array<i32>} : memref<512xf32, #tpu.memory_space<vmem>>, vector<16xf32>,
      } {sc.loop_unroll_factor = 2 : i64, sc.parallel_access}
      %mul3A_238 = arith.constant 512 : i32
      %mul3A_239 = arith.muli %add3A, %mul3A_238 : i32
      %mul3A_240 = arith.constant 16 : i32
      %mul3A_241 = arith.muli %mul3A_116, %mul3A_240 : i32
      %add3A_242 = arith.addi %mul3A_239, %mul3A_241 : i32
      %mul3A_243 = arith.constant 32 : i32
      %mul3A_244 = arith.muli %add3A_242, %mul3A_243 : i32
      "tpu.region"() ({
        %run_scoped3A = tpu.sem_alloc : memref<!tpu.dma_semaphore, #tpu.memory_space<semaphore_mem>>
        %dma_start3A_377 = tpu.memref_slice %arg8[%mul3A_244] : memref<524288xf32, #tpu.memory_space<hbm>> -> memref<512xf32, #tpu.memory_space<hbm>>
        %dma_start3A_378 = tpu.memref_slice %arg8[%mul3A_244] : memref<524288xf32, #tpu.memory_space<hbm>> -> memref<512xf32, #tpu.memory_space<hbm>>
        tpu.enqueue_dma source(%arg19 : memref<512xf32, #tpu.memory_space<vmem>>) target(%dma_start3A_378 : memref<512xf32, #tpu.memory_space<hbm>>) target_semaphore(%run_scoped3A : memref<!tpu.dma_semaphore, #tpu.memory_space<semaphore_mem>>)
        %dma_wait3A_379 = tpu.memref_slice %arg8[%mul3A_244] : memref<524288xf32, #tpu.memory_space<hbm>> -> memref<512xf32, #tpu.memory_space<hbm>>
        %dma_wait3A_380 = tpu.memref_slice %arg8[%mul3A_244] : memref<524288xf32, #tpu.memory_space<hbm>> -> memref<512xf32, #tpu.memory_space<hbm>>
        tpu.wait_dma2 semaphore(%run_scoped3A : memref<!tpu.dma_semaphore, #tpu.memory_space<semaphore_mem>>) src(%arg19 : memref<512xf32, #tpu.memory_space<vmem>>) dst(%dma_wait3A_380 : memref<512xf32, #tpu.memory_space<hbm>>)
        tpu.yield
      }) : () -> ()
      %add3A_245 = arith.constant 2 : i32
      %add3A_246 = arith.addi %mul3A_116, %add3A_245 : i32
      %min3A = arith.constant 31 : i32
      %min3A_247 = arith.minsi %add3A_246, %min3A : i32
      %mul3A_248 = arith.constant 16 : i32
      %mul3A_249 = arith.muli %min3A_247, %mul3A_248 : i32
      %dma_start3A_250 = tpu.memref_slice %arg9[%mul3A_249] : memref<512xi32, #tpu.memory_space<vmem>> -> memref<16xi32, #tpu.memory_space<vmem>>
      %dma_start3A_251 = arith.constant 0 : i32
      %dma_start3A_252 = arith.constant 0 : i32
      %dma_start3A_253 = tpu.memref_slice %arg6[%dma_start3A_251, %dma_start3A_252] : memref<500000x128xf32, #tpu.memory_space<hbm>> -> memref<500000x128xf32, #tpu.memory_space<hbm>>
      tpu.enqueue_indirect_dma source(%dma_start3A_253 : memref<500000x128xf32, #tpu.memory_space<hbm>>) target(%arg13 : memref<16x128xf32, #tpu.memory_space<vmem>>) offsets(%dma_start3A_250 : memref<16xi32, #tpu.memory_space<vmem>>) semaphore(%arg20 : memref<!tpu.dma_semaphore, #tpu.memory_space<semaphore_mem>>)
      %mul3A_254 = arith.constant 16 : i32
      %mul3A_255 = arith.muli %min3A_247, %mul3A_254 : i32
      %dma_start3A_256 = tpu.memref_slice %arg10[%mul3A_255] : memref<512xi32, #tpu.memory_space<vmem>> -> memref<16xi32, #tpu.memory_space<vmem>>
      %dma_start3A_257 = arith.constant 0 : i32
      %dma_start3A_258 = arith.constant 0 : i32
      %dma_start3A_259 = tpu.memref_slice %arg7[%dma_start3A_257, %dma_start3A_258] : memref<500000x128xf32, #tpu.memory_space<hbm>> -> memref<500000x128xf32, #tpu.memory_space<hbm>>
      tpu.enqueue_indirect_dma source(%dma_start3A_259 : memref<500000x128xf32, #tpu.memory_space<hbm>>) target(%arg14 : memref<16x128xf32, #tpu.memory_space<vmem>>) offsets(%dma_start3A_256 : memref<16xi32, #tpu.memory_space<vmem>>) semaphore(%arg20 : memref<!tpu.dma_semaphore, #tpu.memory_space<semaphore_mem>>)
      %mul3A_260 = arith.constant 320 : i32
      %mul3A_261 = arith.muli %min3A_247, %mul3A_260 : i32
      %add3A_262 = arith.constant 0 : i32
      %add3A_263 = arith.addi %mul3A_261, %add3A_262 : i32
      %dma_start3A_264 = arith.constant 0 : i32
      %dma_start3A_265 = arith.constant 0 : i32
      %dma_start3A_266 = tpu.memref_slice %arg15[%dma_start3A_264, %dma_start3A_265] : memref<320x128xf32, #tpu.memory_space<vmem>> -> memref<64x128xf32, #tpu.memory_space<vmem>>
      %dma_start3A_267 = tpu.memref_slice %arg11[%add3A_263] : memref<10240xi32, #tpu.memory_space<vmem>> -> memref<64xi32, #tpu.memory_space<vmem>>
      %dma_start3A_268 = arith.constant 0 : i32
      %dma_start3A_269 = arith.constant 0 : i32
      %dma_start3A_270 = tpu.memref_slice %arg7[%dma_start3A_268, %dma_start3A_269] : memref<500000x128xf32, #tpu.memory_space<hbm>> -> memref<500000x128xf32, #tpu.memory_space<hbm>>
      tpu.enqueue_indirect_dma source(%dma_start3A_270 : memref<500000x128xf32, #tpu.memory_space<hbm>>) target(%dma_start3A_266 : memref<64x128xf32, #tpu.memory_space<vmem>>) offsets(%dma_start3A_267 : memref<64xi32, #tpu.memory_space<vmem>>) semaphore(%arg20 : memref<!tpu.dma_semaphore, #tpu.memory_space<semaphore_mem>>)
      %mul3A_271 = arith.constant 320 : i32
      %mul3A_272 = arith.muli %min3A_247, %mul3A_271 : i32
      %add3A_273 = arith.constant 64 : i32
      %add3A_274 = arith.addi %mul3A_272, %add3A_273 : i32
      %dma_start3A_275 = arith.constant 64 : i32
      %dma_start3A_276 = arith.constant 0 : i32
      %dma_start3A_277 = tpu.memref_slice %arg15[%dma_start3A_275, %dma_start3A_276] : memref<320x128xf32, #tpu.memory_space<vmem>> -> memref<64x128xf32, #tpu.memory_space<vmem>>
      %dma_start3A_278 = tpu.memref_slice %arg11[%add3A_274] : memref<10240xi32, #tpu.memory_space<vmem>> -> memref<64xi32, #tpu.memory_space<vmem>>
      %dma_start3A_279 = arith.constant 0 : i32
      %dma_start3A_280 = arith.constant 0 : i32
      %dma_start3A_281 = tpu.memref_slice %arg7[%dma_start3A_279, %dma_start3A_280] : memref<500000x128xf32, #tpu.memory_space<hbm>> -> memref<500000x128xf32, #tpu.memory_space<hbm>>
      tpu.enqueue_indirect_dma source(%dma_start3A_281 : memref<500000x128xf32, #tpu.memory_space<hbm>>) target(%dma_start3A_277 : memref<64x128xf32, #tpu.memory_space<vmem>>) offsets(%dma_start3A_278 : memref<64xi32, #tpu.memory_space<vmem>>) semaphore(%arg20 : memref<!tpu.dma_semaphore, #tpu.memory_space<semaphore_mem>>)
      %mul3A_282 = arith.constant 320 : i32
      %mul3A_283 = arith.muli %min3A_247, %mul3A_282 : i32
      %add3A_284 = arith.constant 128 : i32
      %add3A_285 = arith.addi %mul3A_283, %add3A_284 : i32
      %dma_start3A_286 = arith.constant 128 : i32
      %dma_start3A_287 = arith.constant 0 : i32
      %dma_start3A_288 = tpu.memref_slice %arg15[%dma_start3A_286, %dma_start3A_287] : memref<320x128xf32, #tpu.memory_space<vmem>> -> memref<64x128xf32, #tpu.memory_space<vmem>>
      %dma_start3A_289 = tpu.memref_slice %arg11[%add3A_285] : memref<10240xi32, #tpu.memory_space<vmem>> -> memref<64xi32, #tpu.memory_space<vmem>>
      %dma_start3A_290 = arith.constant 0 : i32
      %dma_start3A_291 = arith.constant 0 : i32
      %dma_start3A_292 = tpu.memref_slice %arg7[%dma_start3A_290, %dma_start3A_291] : memref<500000x128xf32, #tpu.memory_space<hbm>> -> memref<500000x128xf32, #tpu.memory_space<hbm>>
      tpu.enqueue_indirect_dma source(%dma_start3A_292 : memref<500000x128xf32, #tpu.memory_space<hbm>>) target(%dma_start3A_288 : memref<64x128xf32, #tpu.memory_space<vmem>>) offsets(%dma_start3A_289 : memref<64xi32, #tpu.memory_space<vmem>>) semaphore(%arg20 : memref<!tpu.dma_semaphore, #tpu.memory_space<semaphore_mem>>)
      %mul3A_293 = arith.constant 320 : i32
      %mul3A_294 = arith.muli %min3A_247, %mul3A_293 : i32
      %add3A_295 = arith.constant 192 : i32
      %add3A_296 = arith.addi %mul3A_294, %add3A_295 : i32
      %dma_start3A_297 = arith.constant 192 : i32
      %dma_start3A_298 = arith.constant 0 : i32
      %dma_start3A_299 = tpu.memref_slice %arg15[%dma_start3A_297, %dma_start3A_298] : memref<320x128xf32, #tpu.memory_space<vmem>> -> memref<64x128xf32, #tpu.memory_space<vmem>>
      %dma_start3A_300 = tpu.memref_slice %arg11[%add3A_296] : memref<10240xi32, #tpu.memory_space<vmem>> -> memref<64xi32, #tpu.memory_space<vmem>>
      %dma_start3A_301 = arith.constant 0 : i32
      %dma_start3A_302 = arith.constant 0 : i32
      %dma_start3A_303 = tpu.memref_slice %arg7[%dma_start3A_301, %dma_start3A_302] : memref<500000x128xf32, #tpu.memory_space<hbm>> -> memref<500000x128xf32, #tpu.memory_space<hbm>>
      tpu.enqueue_indirect_dma source(%dma_start3A_303 : memref<500000x128xf32, #tpu.memory_space<hbm>>) target(%dma_start3A_299 : memref<64x128xf32, #tpu.memory_space<vmem>>) offsets(%dma_start3A_300 : memref<64xi32, #tpu.memory_space<vmem>>) semaphore(%arg20 : memref<!tpu.dma_semaphore, #tpu.memory_space<semaphore_mem>>)
      %mul3A_304 = arith.constant 320 : i32
      %mul3A_305 = arith.muli %min3A_247, %mul3A_304 : i32
      %add3A_306 = arith.constant 256 : i32
      %add3A_307 = arith.addi %mul3A_305, %add3A_306 : i32
      %dma_start3A_308 = arith.constant 256 : i32
      %dma_start3A_309 = arith.constant 0 : i32
      %dma_start3A_310 = tpu.memref_slice %arg15[%dma_start3A_308, %dma_start3A_309] : memref<320x128xf32, #tpu.memory_space<vmem>> -> memref<64x128xf32, #tpu.memory_space<vmem>>
      %dma_start3A_311 = tpu.memref_slice %arg11[%add3A_307] : memref<10240xi32, #tpu.memory_space<vmem>> -> memref<64xi32, #tpu.memory_space<vmem>>
      %dma_start3A_312 = arith.constant 0 : i32
      %dma_start3A_313 = arith.constant 0 : i32
      %dma_start3A_314 = tpu.memref_slice %arg7[%dma_start3A_312, %dma_start3A_313] : memref<500000x128xf32, #tpu.memory_space<hbm>> -> memref<500000x128xf32, #tpu.memory_space<hbm>>
      tpu.enqueue_indirect_dma source(%dma_start3A_314 : memref<500000x128xf32, #tpu.memory_space<hbm>>) target(%dma_start3A_310 : memref<64x128xf32, #tpu.memory_space<vmem>>) offsets(%dma_start3A_311 : memref<64xi32, #tpu.memory_space<vmem>>) semaphore(%arg20 : memref<!tpu.dma_semaphore, #tpu.memory_space<semaphore_mem>>)
      %dma_wait3A_315 = arith.constant 0 : i32
      %dma_wait3A_316 = tpu.memref_slice %arg9[%dma_wait3A_315] : memref<512xi32, #tpu.memory_space<vmem>> -> memref<16xi32, #tpu.memory_space<vmem>>
      %dma_wait3A_317 = arith.constant 0 : i32
      %dma_wait3A_318 = arith.constant 0 : i32
      %dma_wait3A_319 = tpu.memref_slice %arg6[%dma_wait3A_317, %dma_wait3A_318] : memref<500000x128xf32, #tpu.memory_space<hbm>> -> memref<500000x128xf32, #tpu.memory_space<hbm>>
      tpu.wait_indirect_dma semaphore(%arg21 : memref<!tpu.dma_semaphore, #tpu.memory_space<semaphore_mem>>) src(%dma_wait3A_319 : memref<500000x128xf32, #tpu.memory_space<hbm>>) dst(%arg16 : memref<16x128xf32, #tpu.memory_space<vmem>>)
      %dma_wait3A_320 = arith.constant 0 : i32
      %dma_wait3A_321 = tpu.memref_slice %arg10[%dma_wait3A_320] : memref<512xi32, #tpu.memory_space<vmem>> -> memref<16xi32, #tpu.memory_space<vmem>>
      %dma_wait3A_322 = arith.constant 0 : i32
      %dma_wait3A_323 = arith.constant 0 : i32
      %dma_wait3A_324 = tpu.memref_slice %arg7[%dma_wait3A_322, %dma_wait3A_323] : memref<500000x128xf32, #tpu.memory_space<hbm>> -> memref<500000x128xf32, #tpu.memory_space<hbm>>
      tpu.wait_indirect_dma semaphore(%arg21 : memref<!tpu.dma_semaphore, #tpu.memory_space<semaphore_mem>>) src(%dma_wait3A_324 : memref<500000x128xf32, #tpu.memory_space<hbm>>) dst(%arg17 : memref<16x128xf32, #tpu.memory_space<vmem>>)
      %dma_wait3A_325 = arith.constant 0 : i32
      %dma_wait3A_326 = arith.constant 0 : i32
      %dma_wait3A_327 = tpu.memref_slice %arg18[%dma_wait3A_325, %dma_wait3A_326] : memref<320x128xf32, #tpu.memory_space<vmem>> -> memref<64x128xf32, #tpu.memory_space<vmem>>
      %dma_wait3A_328 = arith.constant 0 : i32
      %dma_wait3A_329 = tpu.memref_slice %arg11[%dma_wait3A_328] : memref<10240xi32, #tpu.memory_space<vmem>> -> memref<64xi32, #tpu.memory_space<vmem>>
      %dma_wait3A_330 = arith.constant 0 : i32
      %dma_wait3A_331 = arith.constant 0 : i32
      %dma_wait3A_332 = tpu.memref_slice %arg7[%dma_wait3A_330, %dma_wait3A_331] : memref<500000x128xf32, #tpu.memory_space<hbm>> -> memref<500000x128xf32, #tpu.memory_space<hbm>>
      tpu.wait_indirect_dma semaphore(%arg21 : memref<!tpu.dma_semaphore, #tpu.memory_space<semaphore_mem>>) src(%dma_wait3A_332 : memref<500000x128xf32, #tpu.memory_space<hbm>>) dst(%dma_wait3A_327 : memref<64x128xf32, #tpu.memory_space<vmem>>)
      %dma_wait3A_333 = arith.constant 64 : i32
      %dma_wait3A_334 = arith.constant 0 : i32
      %dma_wait3A_335 = tpu.memref_slice %arg18[%dma_wait3A_333, %dma_wait3A_334] : memref<320x128xf32, #tpu.memory_space<vmem>> -> memref<64x128xf32, #tpu.memory_space<vmem>>
      %dma_wait3A_336 = arith.constant 0 : i32
      %dma_wait3A_337 = tpu.memref_slice %arg11[%dma_wait3A_336] : memref<10240xi32, #tpu.memory_space<vmem>> -> memref<64xi32, #tpu.memory_space<vmem>>
      %dma_wait3A_338 = arith.constant 0 : i32
      %dma_wait3A_339 = arith.constant 0 : i32
      %dma_wait3A_340 = tpu.memref_slice %arg7[%dma_wait3A_338, %dma_wait3A_339] : memref<500000x128xf32, #tpu.memory_space<hbm>> -> memref<500000x128xf32, #tpu.memory_space<hbm>>
      tpu.wait_indirect_dma semaphore(%arg21 : memref<!tpu.dma_semaphore, #tpu.memory_space<semaphore_mem>>) src(%dma_wait3A_340 : memref<500000x128xf32, #tpu.memory_space<hbm>>) dst(%dma_wait3A_335 : memref<64x128xf32, #tpu.memory_space<vmem>>)
      %dma_wait3A_341 = arith.constant 128 : i32
      %dma_wait3A_342 = arith.constant 0 : i32
      %dma_wait3A_343 = tpu.memref_slice %arg18[%dma_wait3A_341, %dma_wait3A_342] : memref<320x128xf32, #tpu.memory_space<vmem>> -> memref<64x128xf32, #tpu.memory_space<vmem>>
      %dma_wait3A_344 = arith.constant 0 : i32
      %dma_wait3A_345 = tpu.memref_slice %arg11[%dma_wait3A_344] : memref<10240xi32, #tpu.memory_space<vmem>> -> memref<64xi32, #tpu.memory_space<vmem>>
      %dma_wait3A_346 = arith.constant 0 : i32
      %dma_wait3A_347 = arith.constant 0 : i32
      %dma_wait3A_348 = tpu.memref_slice %arg7[%dma_wait3A_346, %dma_wait3A_347] : memref<500000x128xf32, #tpu.memory_space<hbm>> -> memref<500000x128xf32, #tpu.memory_space<hbm>>
      tpu.wait_indirect_dma semaphore(%arg21 : memref<!tpu.dma_semaphore, #tpu.memory_space<semaphore_mem>>) src(%dma_wait3A_348 : memref<500000x128xf32, #tpu.memory_space<hbm>>) dst(%dma_wait3A_343 : memref<64x128xf32, #tpu.memory_space<vmem>>)
      %dma_wait3A_349 = arith.constant 192 : i32
      %dma_wait3A_350 = arith.constant 0 : i32
      %dma_wait3A_351 = tpu.memref_slice %arg18[%dma_wait3A_349, %dma_wait3A_350] : memref<320x128xf32, #tpu.memory_space<vmem>> -> memref<64x128xf32, #tpu.memory_space<vmem>>
      %dma_wait3A_352 = arith.constant 0 : i32
      %dma_wait3A_353 = tpu.memref_slice %arg11[%dma_wait3A_352] : memref<10240xi32, #tpu.memory_space<vmem>> -> memref<64xi32, #tpu.memory_space<vmem>>
      %dma_wait3A_354 = arith.constant 0 : i32
      %dma_wait3A_355 = arith.constant 0 : i32
      %dma_wait3A_356 = tpu.memref_slice %arg7[%dma_wait3A_354, %dma_wait3A_355] : memref<500000x128xf32, #tpu.memory_space<hbm>> -> memref<500000x128xf32, #tpu.memory_space<hbm>>
      tpu.wait_indirect_dma semaphore(%arg21 : memref<!tpu.dma_semaphore, #tpu.memory_space<semaphore_mem>>) src(%dma_wait3A_356 : memref<500000x128xf32, #tpu.memory_space<hbm>>) dst(%dma_wait3A_351 : memref<64x128xf32, #tpu.memory_space<vmem>>)
      %dma_wait3A_357 = arith.constant 256 : i32
      %dma_wait3A_358 = arith.constant 0 : i32
      %dma_wait3A_359 = tpu.memref_slice %arg18[%dma_wait3A_357, %dma_wait3A_358] : memref<320x128xf32, #tpu.memory_space<vmem>> -> memref<64x128xf32, #tpu.memory_space<vmem>>
      %dma_wait3A_360 = arith.constant 0 : i32
      %dma_wait3A_361 = tpu.memref_slice %arg11[%dma_wait3A_360] : memref<10240xi32, #tpu.memory_space<vmem>> -> memref<64xi32, #tpu.memory_space<vmem>>
      %dma_wait3A_362 = arith.constant 0 : i32
      %dma_wait3A_363 = arith.constant 0 : i32
      %dma_wait3A_364 = tpu.memref_slice %arg7[%dma_wait3A_362, %dma_wait3A_363] : memref<500000x128xf32, #tpu.memory_space<hbm>> -> memref<500000x128xf32, #tpu.memory_space<hbm>>
      tpu.wait_indirect_dma semaphore(%arg21 : memref<!tpu.dma_semaphore, #tpu.memory_space<semaphore_mem>>) src(%dma_wait3A_364 : memref<500000x128xf32, #tpu.memory_space<hbm>>) dst(%dma_wait3A_359 : memref<64x128xf32, #tpu.memory_space<vmem>>)
      %add3A_365 = arith.constant 1 : i32
      %add3A_366 = arith.addi %mul3A_116, %add3A_365 : i32
      %parallel_loop3A_367 = arith.constant 0 : i32
      %parallel_loop3A_368 = arith.constant 16 : i32
      %parallel_loop3A_369 = arith.constant 1 : i32
      scf.for %parallel_loop3A_377 = %parallel_loop3A_367 to %parallel_loop3A_368 step %parallel_loop3A_369  : i32 {
        %parallel_loop3A_378 = arith.constant 16 : i32
        %parallel_loop3A_379 = arith.muli %add3A_366, %parallel_loop3A_378 : i32
        %parallel_loop3A_380 = arith.addi %parallel_loop3A_379, %parallel_loop3A_377 : i32
        %parallel_loop3A_381 = arith.constant 24 : i32
        %parallel_loop3A_382 = arith.muli %parallel_loop3A_380, %parallel_loop3A_381 : i32
        %parallel_loop3A_383 = arith.index_cast %parallel_loop3A_382 : i32 to index
        %parallel_loop3A_384 = tpu.vector_load %arg12[%parallel_loop3A_383] {strides = array<i32>} : memref<12288xi32, #tpu.memory_space<vmem>>, vector<16xi32>,
        %parallel_loop3A_385 = arith.constant 24 : i32
        %parallel_loop3A_386 = arith.muli %parallel_loop3A_380, %parallel_loop3A_385 : i32
        %parallel_loop3A_387 = arith.constant 8 : i32
        %parallel_loop3A_388 = arith.addi %parallel_loop3A_386, %parallel_loop3A_387 : i32
        %parallel_loop3A_389 = arith.index_cast %parallel_loop3A_388 : i32 to index
        %parallel_loop3A_390 = tpu.vector_load %arg12[%parallel_loop3A_389] {strides = array<i32>} : memref<12288xi32, #tpu.memory_space<vmem>>, vector<16xi32>,
        %parallel_loop3A_391 = vector.extract_strided_slice %parallel_loop3A_384 {offsets = [0], sizes = [1], strides = [1]} : vector<16xi32> to vector<1xi32>
        %parallel_loop3A_392 = vector.extract %parallel_loop3A_391[0] : i32 from vector<1xi32>
        %parallel_loop3A_393 = arith.constant 0 : i32
        %parallel_loop3A_394 = arith.addi %parallel_loop3A_392, %parallel_loop3A_393 : i32
        %parallel_loop3A_395 = arith.index_cast %parallel_loop3A_377 : i32 to index
        %parallel_loop3A_396 = arith.index_cast %parallel_loop3A_394 : i32 to index
        %parallel_loop3A_397 = tpu.vector_load %arg16[%parallel_loop3A_395, %parallel_loop3A_396] {strides = array<i32>} : memref<16x128xf32, #tpu.memory_space<vmem>>, vector<16xf32>,
        %parallel_loop3A_398 = vector.extract_strided_slice %parallel_loop3A_384 {offsets = [0], sizes = [1], strides = [1]} : vector<16xi32> to vector<1xi32>
        %parallel_loop3A_399 = vector.extract %parallel_loop3A_398[0] : i32 from vector<1xi32>
        %parallel_loop3A_400 = arith.constant 16 : i32
        %parallel_loop3A_401 = arith.addi %parallel_loop3A_399, %parallel_loop3A_400 : i32
        %parallel_loop3A_402 = arith.index_cast %parallel_loop3A_377 : i32 to index
        %parallel_loop3A_403 = arith.index_cast %parallel_loop3A_401 : i32 to index
        %parallel_loop3A_404 = tpu.vector_load %arg16[%parallel_loop3A_402, %parallel_loop3A_403] {strides = array<i32>} : memref<16x128xf32, #tpu.memory_space<vmem>>, vector<16xf32>,
        %parallel_loop3A_405 = vector.extract_strided_slice %parallel_loop3A_384 {offsets = [0], sizes = [1], strides = [1]} : vector<16xi32> to vector<1xi32>
        %parallel_loop3A_406 = vector.extract %parallel_loop3A_405[0] : i32 from vector<1xi32>
        %parallel_loop3A_407 = arith.constant 32 : i32
        %parallel_loop3A_408 = arith.addi %parallel_loop3A_406, %parallel_loop3A_407 : i32
        %parallel_loop3A_409 = arith.index_cast %parallel_loop3A_377 : i32 to index
        %parallel_loop3A_410 = arith.index_cast %parallel_loop3A_408 : i32 to index
        %parallel_loop3A_411 = tpu.vector_load %arg16[%parallel_loop3A_409, %parallel_loop3A_410] {strides = array<i32>} : memref<16x128xf32, #tpu.memory_space<vmem>>, vector<16xf32>,
        %parallel_loop3A_412 = vector.extract_strided_slice %parallel_loop3A_384 {offsets = [0], sizes = [1], strides = [1]} : vector<16xi32> to vector<1xi32>
        %parallel_loop3A_413 = vector.extract %parallel_loop3A_412[0] : i32 from vector<1xi32>
        %parallel_loop3A_414 = arith.constant 48 : i32
        %parallel_loop3A_415 = arith.addi %parallel_loop3A_413, %parallel_loop3A_414 : i32
        %parallel_loop3A_416 = arith.index_cast %parallel_loop3A_377 : i32 to index
        %parallel_loop3A_417 = arith.index_cast %parallel_loop3A_415 : i32 to index
        %parallel_loop3A_418 = tpu.vector_load %arg16[%parallel_loop3A_416, %parallel_loop3A_417] {strides = array<i32>} : memref<16x128xf32, #tpu.memory_space<vmem>>, vector<16xf32>,
        %parallel_loop3A_419 = vector.extract_strided_slice %parallel_loop3A_384 {offsets = [1], sizes = [1], strides = [1]} : vector<16xi32> to vector<1xi32>
        %parallel_loop3A_420 = vector.extract %parallel_loop3A_419[0] : i32 from vector<1xi32>
        %parallel_loop3A_421 = arith.index_cast %parallel_loop3A_377 : i32 to index
        %parallel_loop3A_422 = arith.index_cast %parallel_loop3A_420 : i32 to index
        %parallel_loop3A_423 = tpu.vector_load %arg17[%parallel_loop3A_421, %parallel_loop3A_422] {strides = array<i32>} : memref<16x128xf32, #tpu.memory_space<vmem>>, vector<16xf32>,
        %parallel_loop3A_424 = arith.mulf %parallel_loop3A_397, %parallel_loop3A_423 : vector<16xf32>
        %parallel_loop3A_425 = arith.constant 16 : i32
        %parallel_loop3A_426 = arith.addi %parallel_loop3A_420, %parallel_loop3A_425 : i32
        %parallel_loop3A_427 = arith.index_cast %parallel_loop3A_377 : i32 to index
        %parallel_loop3A_428 = arith.index_cast %parallel_loop3A_426 : i32 to index
        %parallel_loop3A_429 = tpu.vector_load %arg17[%parallel_loop3A_427, %parallel_loop3A_428] {strides = array<i32>} : memref<16x128xf32, #tpu.memory_space<vmem>>, vector<16xf32>,
        %parallel_loop3A_430 = arith.mulf %parallel_loop3A_404, %parallel_loop3A_429 : vector<16xf32>
        %parallel_loop3A_431 = arith.addf %parallel_loop3A_424, %parallel_loop3A_430 : vector<16xf32>
        %parallel_loop3A_432 = arith.constant 32 : i32
        %parallel_loop3A_433 = arith.addi %parallel_loop3A_420, %parallel_loop3A_432 : i32
        %parallel_loop3A_434 = arith.index_cast %parallel_loop3A_377 : i32 to index
        %parallel_loop3A_435 = arith.index_cast %parallel_loop3A_433 : i32 to index
        %parallel_loop3A_436 = tpu.vector_load %arg17[%parallel_loop3A_434, %parallel_loop3A_435] {strides = array<i32>} : memref<16x128xf32, #tpu.memory_space<vmem>>, vector<16xf32>,
        %parallel_loop3A_437 = arith.mulf %parallel_loop3A_411, %parallel_loop3A_436 : vector<16xf32>
        %parallel_loop3A_438 = arith.addf %parallel_loop3A_431, %parallel_loop3A_437 : vector<16xf32>
        %parallel_loop3A_439 = arith.constant 48 : i32
        %parallel_loop3A_440 = arith.addi %parallel_loop3A_420, %parallel_loop3A_439 : i32
        %parallel_loop3A_441 = arith.index_cast %parallel_loop3A_377 : i32 to index
        %parallel_loop3A_442 = arith.index_cast %parallel_loop3A_440 : i32 to index
        %parallel_loop3A_443 = tpu.vector_load %arg17[%parallel_loop3A_441, %parallel_loop3A_442] {strides = array<i32>} : memref<16x128xf32, #tpu.memory_space<vmem>>, vector<16xf32>,
        %parallel_loop3A_444 = arith.mulf %parallel_loop3A_418, %parallel_loop3A_443 : vector<16xf32>
        %parallel_loop3A_445 = arith.addf %parallel_loop3A_438, %parallel_loop3A_444 : vector<16xf32>
        %parallel_loop3A_446 = arith.constant true
        %parallel_loop3A_447 = vector.broadcast %parallel_loop3A_446 : i1 to vector<16xi1>
        %parallel_loop3A_448 = tpu.scan <sum>, %parallel_loop3A_445 masked %parallel_loop3A_447 : vector<16xf32>, vector<16xi1> -> vector<16xf32>
        %parallel_loop3A_449 = vector.extract %parallel_loop3A_448[15] : f32 from vector<16xf32>
        %parallel_loop3A_450 = vector.broadcast %parallel_loop3A_449 : f32 to vector<16xf32>
        %parallel_loop3A_451 = arith.constant 20 : i32
        %parallel_loop3A_452 = arith.muli %parallel_loop3A_377, %parallel_loop3A_451 : i32
        %parallel_loop3A_453 = arith.constant 0 : i32
        %parallel_loop3A_454 = arith.addi %parallel_loop3A_452, %parallel_loop3A_453 : i32
        %parallel_loop3A_455 = vector.extract_strided_slice %parallel_loop3A_384 {offsets = [2], sizes = [1], strides = [1]} : vector<16xi32> to vector<1xi32>
        %parallel_loop3A_456 = vector.extract %parallel_loop3A_455[0] : i32 from vector<1xi32>
        %parallel_loop3A_457 = arith.index_cast %parallel_loop3A_454 : i32 to index
        %parallel_loop3A_458 = arith.index_cast %parallel_loop3A_456 : i32 to index
        %parallel_loop3A_459 = tpu.vector_load %arg18[%parallel_loop3A_457, %parallel_loop3A_458] {strides = array<i32>} : memref<320x128xf32, #tpu.memory_space<vmem>>, vector<16xf32>,
        %parallel_loop3A_460 = arith.mulf %parallel_loop3A_397, %parallel_loop3A_459 : vector<16xf32>
        %parallel_loop3A_461 = arith.constant 16 : i32
        %parallel_loop3A_462 = arith.addi %parallel_loop3A_456, %parallel_loop3A_461 : i32
        %parallel_loop3A_463 = arith.index_cast %parallel_loop3A_454 : i32 to index
        %parallel_loop3A_464 = arith.index_cast %parallel_loop3A_462 : i32 to index
        %parallel_loop3A_465 = tpu.vector_load %arg18[%parallel_loop3A_463, %parallel_loop3A_464] {strides = array<i32>} : memref<320x128xf32, #tpu.memory_space<vmem>>, vector<16xf32>,
        %parallel_loop3A_466 = arith.mulf %parallel_loop3A_404, %parallel_loop3A_465 : vector<16xf32>
        %parallel_loop3A_467 = arith.addf %parallel_loop3A_460, %parallel_loop3A_466 : vector<16xf32>
        %parallel_loop3A_468 = arith.constant 32 : i32
        %parallel_loop3A_469 = arith.addi %parallel_loop3A_456, %parallel_loop3A_468 : i32
        %parallel_loop3A_470 = arith.index_cast %parallel_loop3A_454 : i32 to index
        %parallel_loop3A_471 = arith.index_cast %parallel_loop3A_469 : i32 to index
        %parallel_loop3A_472 = tpu.vector_load %arg18[%parallel_loop3A_470, %parallel_loop3A_471] {strides = array<i32>} : memref<320x128xf32, #tpu.memory_space<vmem>>, vector<16xf32>,
        %parallel_loop3A_473 = arith.mulf %parallel_loop3A_411, %parallel_loop3A_472 : vector<16xf32>
        %parallel_loop3A_474 = arith.addf %parallel_loop3A_467, %parallel_loop3A_473 : vector<16xf32>
        %parallel_loop3A_475 = arith.constant 48 : i32
        %parallel_loop3A_476 = arith.addi %parallel_loop3A_456, %parallel_loop3A_475 : i32
        %parallel_loop3A_477 = arith.index_cast %parallel_loop3A_454 : i32 to index
        %parallel_loop3A_478 = arith.index_cast %parallel_loop3A_476 : i32 to index
        %parallel_loop3A_479 = tpu.vector_load %arg18[%parallel_loop3A_477, %parallel_loop3A_478] {strides = array<i32>} : memref<320x128xf32, #tpu.memory_space<vmem>>, vector<16xf32>,
        %parallel_loop3A_480 = arith.mulf %parallel_loop3A_418, %parallel_loop3A_479 : vector<16xf32>
        %parallel_loop3A_481 = arith.addf %parallel_loop3A_474, %parallel_loop3A_480 : vector<16xf32>
        %parallel_loop3A_482 = arith.constant true
        %parallel_loop3A_483 = vector.broadcast %parallel_loop3A_482 : i1 to vector<16xi1>
        %parallel_loop3A_484 = tpu.scan <sum>, %parallel_loop3A_481 masked %parallel_loop3A_483 : vector<16xf32>, vector<16xi1> -> vector<16xf32>
        %parallel_loop3A_485 = vector.extract %parallel_loop3A_484[15] : f32 from vector<16xf32>
        %parallel_loop3A_486 = arith.constant 0.000000e+00 : f32
        %parallel_loop3A_487 = arith.subf %parallel_loop3A_486, %parallel_loop3A_485 : f32
        %parallel_loop3A_488 = arith.constant 1 : i32
        %parallel_loop3A_489 = vector.broadcast %parallel_loop3A_488 : i32 to vector<16xi32>
        %parallel_loop3A_490 = arith.cmpi eq, %iota3A, %parallel_loop3A_489 : vector<16xi32>
        %parallel_loop3A_491 = vector.broadcast %parallel_loop3A_487 : f32 to vector<16xf32>
        %parallel_loop3A_492 = arith.select %parallel_loop3A_490, %parallel_loop3A_491, %parallel_loop3A_450 : vector<16xi1>, vector<16xf32>
        %parallel_loop3A_493 = arith.constant 20 : i32
        %parallel_loop3A_494 = arith.muli %parallel_loop3A_377, %parallel_loop3A_493 : i32
        %parallel_loop3A_495 = arith.constant 1 : i32
        %parallel_loop3A_496 = arith.addi %parallel_loop3A_494, %parallel_loop3A_495 : i32
        %parallel_loop3A_497 = vector.extract_strided_slice %parallel_loop3A_384 {offsets = [3], sizes = [1], strides = [1]} : vector<16xi32> to vector<1xi32>
        %parallel_loop3A_498 = vector.extract %parallel_loop3A_497[0] : i32 from vector<1xi32>
        %parallel_loop3A_499 = arith.index_cast %parallel_loop3A_496 : i32 to index
        %parallel_loop3A_500 = arith.index_cast %parallel_loop3A_498 : i32 to index
        %parallel_loop3A_501 = tpu.vector_load %arg18[%parallel_loop3A_499, %parallel_loop3A_500] {strides = array<i32>} : memref<320x128xf32, #tpu.memory_space<vmem>>, vector<16xf32>,
        %parallel_loop3A_502 = arith.mulf %parallel_loop3A_397, %parallel_loop3A_501 : vector<16xf32>
        %parallel_loop3A_503 = arith.constant 16 : i32
        %parallel_loop3A_504 = arith.addi %parallel_loop3A_498, %parallel_loop3A_503 : i32
        %parallel_loop3A_505 = arith.index_cast %parallel_loop3A_496 : i32 to index
        %parallel_loop3A_506 = arith.index_cast %parallel_loop3A_504 : i32 to index
        %parallel_loop3A_507 = tpu.vector_load %arg18[%parallel_loop3A_505, %parallel_loop3A_506] {strides = array<i32>} : memref<320x128xf32, #tpu.memory_space<vmem>>, vector<16xf32>,
        %parallel_loop3A_508 = arith.mulf %parallel_loop3A_404, %parallel_loop3A_507 : vector<16xf32>
        %parallel_loop3A_509 = arith.addf %parallel_loop3A_502, %parallel_loop3A_508 : vector<16xf32>
        %parallel_loop3A_510 = arith.constant 32 : i32
        %parallel_loop3A_511 = arith.addi %parallel_loop3A_498, %parallel_loop3A_510 : i32
        %parallel_loop3A_512 = arith.index_cast %parallel_loop3A_496 : i32 to index
        %parallel_loop3A_513 = arith.index_cast %parallel_loop3A_511 : i32 to index
        %parallel_loop3A_514 = tpu.vector_load %arg18[%parallel_loop3A_512, %parallel_loop3A_513] {strides = array<i32>} : memref<320x128xf32, #tpu.memory_space<vmem>>, vector<16xf32>,
        %parallel_loop3A_515 = arith.mulf %parallel_loop3A_411, %parallel_loop3A_514 : vector<16xf32>
        %parallel_loop3A_516 = arith.addf %parallel_loop3A_509, %parallel_loop3A_515 : vector<16xf32>
        %parallel_loop3A_517 = arith.constant 48 : i32
        %parallel_loop3A_518 = arith.addi %parallel_loop3A_498, %parallel_loop3A_517 : i32
        %parallel_loop3A_519 = arith.index_cast %parallel_loop3A_496 : i32 to index
        %parallel_loop3A_520 = arith.index_cast %parallel_loop3A_518 : i32 to index
        %parallel_loop3A_521 = tpu.vector_load %arg18[%parallel_loop3A_519, %parallel_loop3A_520] {strides = array<i32>} : memref<320x128xf32, #tpu.memory_space<vmem>>, vector<16xf32>,
        %parallel_loop3A_522 = arith.mulf %parallel_loop3A_418, %parallel_loop3A_521 : vector<16xf32>
        %parallel_loop3A_523 = arith.addf %parallel_loop3A_516, %parallel_loop3A_522 : vector<16xf32>
        %parallel_loop3A_524 = arith.constant true
        %parallel_loop3A_525 = vector.broadcast %parallel_loop3A_524 : i1 to vector<16xi1>
        %parallel_loop3A_526 = tpu.scan <sum>, %parallel_loop3A_523 masked %parallel_loop3A_525 : vector<16xf32>, vector<16xi1> -> vector<16xf32>
        %parallel_loop3A_527 = vector.extract %parallel_loop3A_526[15] : f32 from vector<16xf32>
        %parallel_loop3A_528 = arith.constant 0.000000e+00 : f32
        %parallel_loop3A_529 = arith.subf %parallel_loop3A_528, %parallel_loop3A_527 : f32
        %parallel_loop3A_530 = arith.constant 2 : i32
        %parallel_loop3A_531 = vector.broadcast %parallel_loop3A_530 : i32 to vector<16xi32>
        %parallel_loop3A_532 = arith.cmpi eq, %iota3A, %parallel_loop3A_531 : vector<16xi32>
        %parallel_loop3A_533 = vector.broadcast %parallel_loop3A_529 : f32 to vector<16xf32>
        %parallel_loop3A_534 = arith.select %parallel_loop3A_532, %parallel_loop3A_533, %parallel_loop3A_492 : vector<16xi1>, vector<16xf32>
        %parallel_loop3A_535 = arith.constant 20 : i32
        %parallel_loop3A_536 = arith.muli %parallel_loop3A_377, %parallel_loop3A_535 : i32
        %parallel_loop3A_537 = arith.constant 2 : i32
        %parallel_loop3A_538 = arith.addi %parallel_loop3A_536, %parallel_loop3A_537 : i32
        %parallel_loop3A_539 = vector.extract_strided_slice %parallel_loop3A_384 {offsets = [4], sizes = [1], strides = [1]} : vector<16xi32> to vector<1xi32>
        %parallel_loop3A_540 = vector.extract %parallel_loop3A_539[0] : i32 from vector<1xi32>
        %parallel_loop3A_541 = arith.index_cast %parallel_loop3A_538 : i32 to index
        %parallel_loop3A_542 = arith.index_cast %parallel_loop3A_540 : i32 to index
        %parallel_loop3A_543 = tpu.vector_load %arg18[%parallel_loop3A_541, %parallel_loop3A_542] {strides = array<i32>} : memref<320x128xf32, #tpu.memory_space<vmem>>, vector<16xf32>,
        %parallel_loop3A_544 = arith.mulf %parallel_loop3A_397, %parallel_loop3A_543 : vector<16xf32>
        %parallel_loop3A_545 = arith.constant 16 : i32
        %parallel_loop3A_546 = arith.addi %parallel_loop3A_540, %parallel_loop3A_545 : i32
        %parallel_loop3A_547 = arith.index_cast %parallel_loop3A_538 : i32 to index
        %parallel_loop3A_548 = arith.index_cast %parallel_loop3A_546 : i32 to index
        %parallel_loop3A_549 = tpu.vector_load %arg18[%parallel_loop3A_547, %parallel_loop3A_548] {strides = array<i32>} : memref<320x128xf32, #tpu.memory_space<vmem>>, vector<16xf32>,
        %parallel_loop3A_550 = arith.mulf %parallel_loop3A_404, %parallel_loop3A_549 : vector<16xf32>
        %parallel_loop3A_551 = arith.addf %parallel_loop3A_544, %parallel_loop3A_550 : vector<16xf32>
        %parallel_loop3A_552 = arith.constant 32 : i32
        %parallel_loop3A_553 = arith.addi %parallel_loop3A_540, %parallel_loop3A_552 : i32
        %parallel_loop3A_554 = arith.index_cast %parallel_loop3A_538 : i32 to index
        %parallel_loop3A_555 = arith.index_cast %parallel_loop3A_553 : i32 to index
        %parallel_loop3A_556 = tpu.vector_load %arg18[%parallel_loop3A_554, %parallel_loop3A_555] {strides = array<i32>} : memref<320x128xf32, #tpu.memory_space<vmem>>, vector<16xf32>,
        %parallel_loop3A_557 = arith.mulf %parallel_loop3A_411, %parallel_loop3A_556 : vector<16xf32>
        %parallel_loop3A_558 = arith.addf %parallel_loop3A_551, %parallel_loop3A_557 : vector<16xf32>
        %parallel_loop3A_559 = arith.constant 48 : i32
        %parallel_loop3A_560 = arith.addi %parallel_loop3A_540, %parallel_loop3A_559 : i32
        %parallel_loop3A_561 = arith.index_cast %parallel_loop3A_538 : i32 to index
        %parallel_loop3A_562 = arith.index_cast %parallel_loop3A_560 : i32 to index
        %parallel_loop3A_563 = tpu.vector_load %arg18[%parallel_loop3A_561, %parallel_loop3A_562] {strides = array<i32>} : memref<320x128xf32, #tpu.memory_space<vmem>>, vector<16xf32>,
        %parallel_loop3A_564 = arith.mulf %parallel_loop3A_418, %parallel_loop3A_563 : vector<16xf32>
        %parallel_loop3A_565 = arith.addf %parallel_loop3A_558, %parallel_loop3A_564 : vector<16xf32>
        %parallel_loop3A_566 = arith.constant true
        %parallel_loop3A_567 = vector.broadcast %parallel_loop3A_566 : i1 to vector<16xi1>
        %parallel_loop3A_568 = tpu.scan <sum>, %parallel_loop3A_565 masked %parallel_loop3A_567 : vector<16xf32>, vector<16xi1> -> vector<16xf32>
        %parallel_loop3A_569 = vector.extract %parallel_loop3A_568[15] : f32 from vector<16xf32>
        %parallel_loop3A_570 = arith.constant 0.000000e+00 : f32
        %parallel_loop3A_571 = arith.subf %parallel_loop3A_570, %parallel_loop3A_569 : f32
        %parallel_loop3A_572 = arith.constant 3 : i32
        %parallel_loop3A_573 = vector.broadcast %parallel_loop3A_572 : i32 to vector<16xi32>
        %parallel_loop3A_574 = arith.cmpi eq, %iota3A, %parallel_loop3A_573 : vector<16xi32>
        %parallel_loop3A_575 = vector.broadcast %parallel_loop3A_571 : f32 to vector<16xf32>
        %parallel_loop3A_576 = arith.select %parallel_loop3A_574, %parallel_loop3A_575, %parallel_loop3A_534 : vector<16xi1>, vector<16xf32>
        %parallel_loop3A_577 = arith.constant 20 : i32
        %parallel_loop3A_578 = arith.muli %parallel_loop3A_377, %parallel_loop3A_577 : i32
        %parallel_loop3A_579 = arith.constant 3 : i32
        %parallel_loop3A_580 = arith.addi %parallel_loop3A_578, %parallel_loop3A_579 : i32
        %parallel_loop3A_581 = vector.extract_strided_slice %parallel_loop3A_384 {offsets = [5], sizes = [1], strides = [1]} : vector<16xi32> to vector<1xi32>
        %parallel_loop3A_582 = vector.extract %parallel_loop3A_581[0] : i32 from vector<1xi32>
        %parallel_loop3A_583 = arith.index_cast %parallel_loop3A_580 : i32 to index
        %parallel_loop3A_584 = arith.index_cast %parallel_loop3A_582 : i32 to index
        %parallel_loop3A_585 = tpu.vector_load %arg18[%parallel_loop3A_583, %parallel_loop3A_584] {strides = array<i32>} : memref<320x128xf32, #tpu.memory_space<vmem>>, vector<16xf32>,
        %parallel_loop3A_586 = arith.mulf %parallel_loop3A_397, %parallel_loop3A_585 : vector<16xf32>
        %parallel_loop3A_587 = arith.constant 16 : i32
        %parallel_loop3A_588 = arith.addi %parallel_loop3A_582, %parallel_loop3A_587 : i32
        %parallel_loop3A_589 = arith.index_cast %parallel_loop3A_580 : i32 to index
        %parallel_loop3A_590 = arith.index_cast %parallel_loop3A_588 : i32 to index
        %parallel_loop3A_591 = tpu.vector_load %arg18[%parallel_loop3A_589, %parallel_loop3A_590] {strides = array<i32>} : memref<320x128xf32, #tpu.memory_space<vmem>>, vector<16xf32>,
        %parallel_loop3A_592 = arith.mulf %parallel_loop3A_404, %parallel_loop3A_591 : vector<16xf32>
        %parallel_loop3A_593 = arith.addf %parallel_loop3A_586, %parallel_loop3A_592 : vector<16xf32>
        %parallel_loop3A_594 = arith.constant 32 : i32
        %parallel_loop3A_595 = arith.addi %parallel_loop3A_582, %parallel_loop3A_594 : i32
        %parallel_loop3A_596 = arith.index_cast %parallel_loop3A_580 : i32 to index
        %parallel_loop3A_597 = arith.index_cast %parallel_loop3A_595 : i32 to index
        %parallel_loop3A_598 = tpu.vector_load %arg18[%parallel_loop3A_596, %parallel_loop3A_597] {strides = array<i32>} : memref<320x128xf32, #tpu.memory_space<vmem>>, vector<16xf32>,
        %parallel_loop3A_599 = arith.mulf %parallel_loop3A_411, %parallel_loop3A_598 : vector<16xf32>
        %parallel_loop3A_600 = arith.addf %parallel_loop3A_593, %parallel_loop3A_599 : vector<16xf32>
        %parallel_loop3A_601 = arith.constant 48 : i32
        %parallel_loop3A_602 = arith.addi %parallel_loop3A_582, %parallel_loop3A_601 : i32
        %parallel_loop3A_603 = arith.index_cast %parallel_loop3A_580 : i32 to index
        %parallel_loop3A_604 = arith.index_cast %parallel_loop3A_602 : i32 to index
        %parallel_loop3A_605 = tpu.vector_load %arg18[%parallel_loop3A_603, %parallel_loop3A_604] {strides = array<i32>} : memref<320x128xf32, #tpu.memory_space<vmem>>, vector<16xf32>,
        %parallel_loop3A_606 = arith.mulf %parallel_loop3A_418, %parallel_loop3A_605 : vector<16xf32>
        %parallel_loop3A_607 = arith.addf %parallel_loop3A_600, %parallel_loop3A_606 : vector<16xf32>
        %parallel_loop3A_608 = arith.constant true
        %parallel_loop3A_609 = vector.broadcast %parallel_loop3A_608 : i1 to vector<16xi1>
        %parallel_loop3A_610 = tpu.scan <sum>, %parallel_loop3A_607 masked %parallel_loop3A_609 : vector<16xf32>, vector<16xi1> -> vector<16xf32>
        %parallel_loop3A_611 = vector.extract %parallel_loop3A_610[15] : f32 from vector<16xf32>
        %parallel_loop3A_612 = arith.constant 0.000000e+00 : f32
        %parallel_loop3A_613 = arith.subf %parallel_loop3A_612, %parallel_loop3A_611 : f32
        %parallel_loop3A_614 = arith.constant 4 : i32
        %parallel_loop3A_615 = vector.broadcast %parallel_loop3A_614 : i32 to vector<16xi32>
        %parallel_loop3A_616 = arith.cmpi eq, %iota3A, %parallel_loop3A_615 : vector<16xi32>
        %parallel_loop3A_617 = vector.broadcast %parallel_loop3A_613 : f32 to vector<16xf32>
        %parallel_loop3A_618 = arith.select %parallel_loop3A_616, %parallel_loop3A_617, %parallel_loop3A_576 : vector<16xi1>, vector<16xf32>
        %parallel_loop3A_619 = arith.constant 20 : i32
        %parallel_loop3A_620 = arith.muli %parallel_loop3A_377, %parallel_loop3A_619 : i32
        %parallel_loop3A_621 = arith.constant 4 : i32
        %parallel_loop3A_622 = arith.addi %parallel_loop3A_620, %parallel_loop3A_621 : i32
        %parallel_loop3A_623 = vector.extract_strided_slice %parallel_loop3A_384 {offsets = [6], sizes = [1], strides = [1]} : vector<16xi32> to vector<1xi32>
        %parallel_loop3A_624 = vector.extract %parallel_loop3A_623[0] : i32 from vector<1xi32>
        %parallel_loop3A_625 = arith.index_cast %parallel_loop3A_622 : i32 to index
        %parallel_loop3A_626 = arith.index_cast %parallel_loop3A_624 : i32 to index
        %parallel_loop3A_627 = tpu.vector_load %arg18[%parallel_loop3A_625, %parallel_loop3A_626] {strides = array<i32>} : memref<320x128xf32, #tpu.memory_space<vmem>>, vector<16xf32>,
        %parallel_loop3A_628 = arith.mulf %parallel_loop3A_397, %parallel_loop3A_627 : vector<16xf32>
        %parallel_loop3A_629 = arith.constant 16 : i32
        %parallel_loop3A_630 = arith.addi %parallel_loop3A_624, %parallel_loop3A_629 : i32
        %parallel_loop3A_631 = arith.index_cast %parallel_loop3A_622 : i32 to index
        %parallel_loop3A_632 = arith.index_cast %parallel_loop3A_630 : i32 to index
        %parallel_loop3A_633 = tpu.vector_load %arg18[%parallel_loop3A_631, %parallel_loop3A_632] {strides = array<i32>} : memref<320x128xf32, #tpu.memory_space<vmem>>, vector<16xf32>,
        %parallel_loop3A_634 = arith.mulf %parallel_loop3A_404, %parallel_loop3A_633 : vector<16xf32>
        %parallel_loop3A_635 = arith.addf %parallel_loop3A_628, %parallel_loop3A_634 : vector<16xf32>
        %parallel_loop3A_636 = arith.constant 32 : i32
        %parallel_loop3A_637 = arith.addi %parallel_loop3A_624, %parallel_loop3A_636 : i32
        %parallel_loop3A_638 = arith.index_cast %parallel_loop3A_622 : i32 to index
        %parallel_loop3A_639 = arith.index_cast %parallel_loop3A_637 : i32 to index
        %parallel_loop3A_640 = tpu.vector_load %arg18[%parallel_loop3A_638, %parallel_loop3A_639] {strides = array<i32>} : memref<320x128xf32, #tpu.memory_space<vmem>>, vector<16xf32>,
        %parallel_loop3A_641 = arith.mulf %parallel_loop3A_411, %parallel_loop3A_640 : vector<16xf32>
        %parallel_loop3A_642 = arith.addf %parallel_loop3A_635, %parallel_loop3A_641 : vector<16xf32>
        %parallel_loop3A_643 = arith.constant 48 : i32
        %parallel_loop3A_644 = arith.addi %parallel_loop3A_624, %parallel_loop3A_643 : i32
        %parallel_loop3A_645 = arith.index_cast %parallel_loop3A_622 : i32 to index
        %parallel_loop3A_646 = arith.index_cast %parallel_loop3A_644 : i32 to index
        %parallel_loop3A_647 = tpu.vector_load %arg18[%parallel_loop3A_645, %parallel_loop3A_646] {strides = array<i32>} : memref<320x128xf32, #tpu.memory_space<vmem>>, vector<16xf32>,
        %parallel_loop3A_648 = arith.mulf %parallel_loop3A_418, %parallel_loop3A_647 : vector<16xf32>
        %parallel_loop3A_649 = arith.addf %parallel_loop3A_642, %parallel_loop3A_648 : vector<16xf32>
        %parallel_loop3A_650 = arith.constant true
        %parallel_loop3A_651 = vector.broadcast %parallel_loop3A_650 : i1 to vector<16xi1>
        %parallel_loop3A_652 = tpu.scan <sum>, %parallel_loop3A_649 masked %parallel_loop3A_651 : vector<16xf32>, vector<16xi1> -> vector<16xf32>
        %parallel_loop3A_653 = vector.extract %parallel_loop3A_652[15] : f32 from vector<16xf32>
        %parallel_loop3A_654 = arith.constant 0.000000e+00 : f32
        %parallel_loop3A_655 = arith.subf %parallel_loop3A_654, %parallel_loop3A_653 : f32
        %parallel_loop3A_656 = arith.constant 5 : i32
        %parallel_loop3A_657 = vector.broadcast %parallel_loop3A_656 : i32 to vector<16xi32>
        %parallel_loop3A_658 = arith.cmpi eq, %iota3A, %parallel_loop3A_657 : vector<16xi32>
        %parallel_loop3A_659 = vector.broadcast %parallel_loop3A_655 : f32 to vector<16xf32>
        %parallel_loop3A_660 = arith.select %parallel_loop3A_658, %parallel_loop3A_659, %parallel_loop3A_618 : vector<16xi1>, vector<16xf32>
        %parallel_loop3A_661 = arith.constant 20 : i32
        %parallel_loop3A_662 = arith.muli %parallel_loop3A_377, %parallel_loop3A_661 : i32
        %parallel_loop3A_663 = arith.constant 5 : i32
        %parallel_loop3A_664 = arith.addi %parallel_loop3A_662, %parallel_loop3A_663 : i32
        %parallel_loop3A_665 = vector.extract_strided_slice %parallel_loop3A_384 {offsets = [7], sizes = [1], strides = [1]} : vector<16xi32> to vector<1xi32>
        %parallel_loop3A_666 = vector.extract %parallel_loop3A_665[0] : i32 from vector<1xi32>
        %parallel_loop3A_667 = arith.index_cast %parallel_loop3A_664 : i32 to index
        %parallel_loop3A_668 = arith.index_cast %parallel_loop3A_666 : i32 to index
        %parallel_loop3A_669 = tpu.vector_load %arg18[%parallel_loop3A_667, %parallel_loop3A_668] {strides = array<i32>} : memref<320x128xf32, #tpu.memory_space<vmem>>, vector<16xf32>,
        %parallel_loop3A_670 = arith.mulf %parallel_loop3A_397, %parallel_loop3A_669 : vector<16xf32>
        %parallel_loop3A_671 = arith.constant 16 : i32
        %parallel_loop3A_672 = arith.addi %parallel_loop3A_666, %parallel_loop3A_671 : i32
        %parallel_loop3A_673 = arith.index_cast %parallel_loop3A_664 : i32 to index
        %parallel_loop3A_674 = arith.index_cast %parallel_loop3A_672 : i32 to index
        %parallel_loop3A_675 = tpu.vector_load %arg18[%parallel_loop3A_673, %parallel_loop3A_674] {strides = array<i32>} : memref<320x128xf32, #tpu.memory_space<vmem>>, vector<16xf32>,
        %parallel_loop3A_676 = arith.mulf %parallel_loop3A_404, %parallel_loop3A_675 : vector<16xf32>
        %parallel_loop3A_677 = arith.addf %parallel_loop3A_670, %parallel_loop3A_676 : vector<16xf32>
        %parallel_loop3A_678 = arith.constant 32 : i32
        %parallel_loop3A_679 = arith.addi %parallel_loop3A_666, %parallel_loop3A_678 : i32
        %parallel_loop3A_680 = arith.index_cast %parallel_loop3A_664 : i32 to index
        %parallel_loop3A_681 = arith.index_cast %parallel_loop3A_679 : i32 to index
        %parallel_loop3A_682 = tpu.vector_load %arg18[%parallel_loop3A_680, %parallel_loop3A_681] {strides = array<i32>} : memref<320x128xf32, #tpu.memory_space<vmem>>, vector<16xf32>,
        %parallel_loop3A_683 = arith.mulf %parallel_loop3A_411, %parallel_loop3A_682 : vector<16xf32>
        %parallel_loop3A_684 = arith.addf %parallel_loop3A_677, %parallel_loop3A_683 : vector<16xf32>
        %parallel_loop3A_685 = arith.constant 48 : i32
        %parallel_loop3A_686 = arith.addi %parallel_loop3A_666, %parallel_loop3A_685 : i32
        %parallel_loop3A_687 = arith.index_cast %parallel_loop3A_664 : i32 to index
        %parallel_loop3A_688 = arith.index_cast %parallel_loop3A_686 : i32 to index
        %parallel_loop3A_689 = tpu.vector_load %arg18[%parallel_loop3A_687, %parallel_loop3A_688] {strides = array<i32>} : memref<320x128xf32, #tpu.memory_space<vmem>>, vector<16xf32>,
        %parallel_loop3A_690 = arith.mulf %parallel_loop3A_418, %parallel_loop3A_689 : vector<16xf32>
        %parallel_loop3A_691 = arith.addf %parallel_loop3A_684, %parallel_loop3A_690 : vector<16xf32>
        %parallel_loop3A_692 = arith.constant true
        %parallel_loop3A_693 = vector.broadcast %parallel_loop3A_692 : i1 to vector<16xi1>
        %parallel_loop3A_694 = tpu.scan <sum>, %parallel_loop3A_691 masked %parallel_loop3A_693 : vector<16xf32>, vector<16xi1> -> vector<16xf32>
        %parallel_loop3A_695 = vector.extract %parallel_loop3A_694[15] : f32 from vector<16xf32>
        %parallel_loop3A_696 = arith.constant 0.000000e+00 : f32
        %parallel_loop3A_697 = arith.subf %parallel_loop3A_696, %parallel_loop3A_695 : f32
        %parallel_loop3A_698 = arith.constant 6 : i32
        %parallel_loop3A_699 = vector.broadcast %parallel_loop3A_698 : i32 to vector<16xi32>
        %parallel_loop3A_700 = arith.cmpi eq, %iota3A, %parallel_loop3A_699 : vector<16xi32>
        %parallel_loop3A_701 = vector.broadcast %parallel_loop3A_697 : f32 to vector<16xf32>
        %parallel_loop3A_702 = arith.select %parallel_loop3A_700, %parallel_loop3A_701, %parallel_loop3A_660 : vector<16xi1>, vector<16xf32>
        %parallel_loop3A_703 = arith.constant 20 : i32
        %parallel_loop3A_704 = arith.muli %parallel_loop3A_377, %parallel_loop3A_703 : i32
        %parallel_loop3A_705 = arith.constant 6 : i32
        %parallel_loop3A_706 = arith.addi %parallel_loop3A_704, %parallel_loop3A_705 : i32
        %parallel_loop3A_707 = vector.extract_strided_slice %parallel_loop3A_384 {offsets = [8], sizes = [1], strides = [1]} : vector<16xi32> to vector<1xi32>
        %parallel_loop3A_708 = vector.extract %parallel_loop3A_707[0] : i32 from vector<1xi32>
        %parallel_loop3A_709 = arith.index_cast %parallel_loop3A_706 : i32 to index
        %parallel_loop3A_710 = arith.index_cast %parallel_loop3A_708 : i32 to index
        %parallel_loop3A_711 = tpu.vector_load %arg18[%parallel_loop3A_709, %parallel_loop3A_710] {strides = array<i32>} : memref<320x128xf32, #tpu.memory_space<vmem>>, vector<16xf32>,
        %parallel_loop3A_712 = arith.mulf %parallel_loop3A_397, %parallel_loop3A_711 : vector<16xf32>
        %parallel_loop3A_713 = arith.constant 16 : i32
        %parallel_loop3A_714 = arith.addi %parallel_loop3A_708, %parallel_loop3A_713 : i32
        %parallel_loop3A_715 = arith.index_cast %parallel_loop3A_706 : i32 to index
        %parallel_loop3A_716 = arith.index_cast %parallel_loop3A_714 : i32 to index
        %parallel_loop3A_717 = tpu.vector_load %arg18[%parallel_loop3A_715, %parallel_loop3A_716] {strides = array<i32>} : memref<320x128xf32, #tpu.memory_space<vmem>>, vector<16xf32>,
        %parallel_loop3A_718 = arith.mulf %parallel_loop3A_404, %parallel_loop3A_717 : vector<16xf32>
        %parallel_loop3A_719 = arith.addf %parallel_loop3A_712, %parallel_loop3A_718 : vector<16xf32>
        %parallel_loop3A_720 = arith.constant 32 : i32
        %parallel_loop3A_721 = arith.addi %parallel_loop3A_708, %parallel_loop3A_720 : i32
        %parallel_loop3A_722 = arith.index_cast %parallel_loop3A_706 : i32 to index
        %parallel_loop3A_723 = arith.index_cast %parallel_loop3A_721 : i32 to index
        %parallel_loop3A_724 = tpu.vector_load %arg18[%parallel_loop3A_722, %parallel_loop3A_723] {strides = array<i32>} : memref<320x128xf32, #tpu.memory_space<vmem>>, vector<16xf32>,
        %parallel_loop3A_725 = arith.mulf %parallel_loop3A_411, %parallel_loop3A_724 : vector<16xf32>
        %parallel_loop3A_726 = arith.addf %parallel_loop3A_719, %parallel_loop3A_725 : vector<16xf32>
        %parallel_loop3A_727 = arith.constant 48 : i32
        %parallel_loop3A_728 = arith.addi %parallel_loop3A_708, %parallel_loop3A_727 : i32
        %parallel_loop3A_729 = arith.index_cast %parallel_loop3A_706 : i32 to index
        %parallel_loop3A_730 = arith.index_cast %parallel_loop3A_728 : i32 to index
        %parallel_loop3A_731 = tpu.vector_load %arg18[%parallel_loop3A_729, %parallel_loop3A_730] {strides = array<i32>} : memref<320x128xf32, #tpu.memory_space<vmem>>, vector<16xf32>,
        %parallel_loop3A_732 = arith.mulf %parallel_loop3A_418, %parallel_loop3A_731 : vector<16xf32>
        %parallel_loop3A_733 = arith.addf %parallel_loop3A_726, %parallel_loop3A_732 : vector<16xf32>
        %parallel_loop3A_734 = arith.constant true
        %parallel_loop3A_735 = vector.broadcast %parallel_loop3A_734 : i1 to vector<16xi1>
        %parallel_loop3A_736 = tpu.scan <sum>, %parallel_loop3A_733 masked %parallel_loop3A_735 : vector<16xf32>, vector<16xi1> -> vector<16xf32>
        %parallel_loop3A_737 = vector.extract %parallel_loop3A_736[15] : f32 from vector<16xf32>
        %parallel_loop3A_738 = arith.constant 0.000000e+00 : f32
        %parallel_loop3A_739 = arith.subf %parallel_loop3A_738, %parallel_loop3A_737 : f32
        %parallel_loop3A_740 = arith.constant 7 : i32
        %parallel_loop3A_741 = vector.broadcast %parallel_loop3A_740 : i32 to vector<16xi32>
        %parallel_loop3A_742 = arith.cmpi eq, %iota3A, %parallel_loop3A_741 : vector<16xi32>
        %parallel_loop3A_743 = vector.broadcast %parallel_loop3A_739 : f32 to vector<16xf32>
        %parallel_loop3A_744 = arith.select %parallel_loop3A_742, %parallel_loop3A_743, %parallel_loop3A_702 : vector<16xi1>, vector<16xf32>
        %parallel_loop3A_745 = arith.constant 20 : i32
        %parallel_loop3A_746 = arith.muli %parallel_loop3A_377, %parallel_loop3A_745 : i32
        %parallel_loop3A_747 = arith.constant 7 : i32
        %parallel_loop3A_748 = arith.addi %parallel_loop3A_746, %parallel_loop3A_747 : i32
        %parallel_loop3A_749 = vector.extract_strided_slice %parallel_loop3A_384 {offsets = [9], sizes = [1], strides = [1]} : vector<16xi32> to vector<1xi32>
        %parallel_loop3A_750 = vector.extract %parallel_loop3A_749[0] : i32 from vector<1xi32>
        %parallel_loop3A_751 = arith.index_cast %parallel_loop3A_748 : i32 to index
        %parallel_loop3A_752 = arith.index_cast %parallel_loop3A_750 : i32 to index
        %parallel_loop3A_753 = tpu.vector_load %arg18[%parallel_loop3A_751, %parallel_loop3A_752] {strides = array<i32>} : memref<320x128xf32, #tpu.memory_space<vmem>>, vector<16xf32>,
        %parallel_loop3A_754 = arith.mulf %parallel_loop3A_397, %parallel_loop3A_753 : vector<16xf32>
        %parallel_loop3A_755 = arith.constant 16 : i32
        %parallel_loop3A_756 = arith.addi %parallel_loop3A_750, %parallel_loop3A_755 : i32
        %parallel_loop3A_757 = arith.index_cast %parallel_loop3A_748 : i32 to index
        %parallel_loop3A_758 = arith.index_cast %parallel_loop3A_756 : i32 to index
        %parallel_loop3A_759 = tpu.vector_load %arg18[%parallel_loop3A_757, %parallel_loop3A_758] {strides = array<i32>} : memref<320x128xf32, #tpu.memory_space<vmem>>, vector<16xf32>,
        %parallel_loop3A_760 = arith.mulf %parallel_loop3A_404, %parallel_loop3A_759 : vector<16xf32>
        %parallel_loop3A_761 = arith.addf %parallel_loop3A_754, %parallel_loop3A_760 : vector<16xf32>
        %parallel_loop3A_762 = arith.constant 32 : i32
        %parallel_loop3A_763 = arith.addi %parallel_loop3A_750, %parallel_loop3A_762 : i32
        %parallel_loop3A_764 = arith.index_cast %parallel_loop3A_748 : i32 to index
        %parallel_loop3A_765 = arith.index_cast %parallel_loop3A_763 : i32 to index
        %parallel_loop3A_766 = tpu.vector_load %arg18[%parallel_loop3A_764, %parallel_loop3A_765] {strides = array<i32>} : memref<320x128xf32, #tpu.memory_space<vmem>>, vector<16xf32>,
        %parallel_loop3A_767 = arith.mulf %parallel_loop3A_411, %parallel_loop3A_766 : vector<16xf32>
        %parallel_loop3A_768 = arith.addf %parallel_loop3A_761, %parallel_loop3A_767 : vector<16xf32>
        %parallel_loop3A_769 = arith.constant 48 : i32
        %parallel_loop3A_770 = arith.addi %parallel_loop3A_750, %parallel_loop3A_769 : i32
        %parallel_loop3A_771 = arith.index_cast %parallel_loop3A_748 : i32 to index
        %parallel_loop3A_772 = arith.index_cast %parallel_loop3A_770 : i32 to index
        %parallel_loop3A_773 = tpu.vector_load %arg18[%parallel_loop3A_771, %parallel_loop3A_772] {strides = array<i32>} : memref<320x128xf32, #tpu.memory_space<vmem>>, vector<16xf32>,
        %parallel_loop3A_774 = arith.mulf %parallel_loop3A_418, %parallel_loop3A_773 : vector<16xf32>
        %parallel_loop3A_775 = arith.addf %parallel_loop3A_768, %parallel_loop3A_774 : vector<16xf32>
        %parallel_loop3A_776 = arith.constant true
        %parallel_loop3A_777 = vector.broadcast %parallel_loop3A_776 : i1 to vector<16xi1>
        %parallel_loop3A_778 = tpu.scan <sum>, %parallel_loop3A_775 masked %parallel_loop3A_777 : vector<16xf32>, vector<16xi1> -> vector<16xf32>
        %parallel_loop3A_779 = vector.extract %parallel_loop3A_778[15] : f32 from vector<16xf32>
        %parallel_loop3A_780 = arith.constant 0.000000e+00 : f32
        %parallel_loop3A_781 = arith.subf %parallel_loop3A_780, %parallel_loop3A_779 : f32
        %parallel_loop3A_782 = arith.constant 8 : i32
        %parallel_loop3A_783 = vector.broadcast %parallel_loop3A_782 : i32 to vector<16xi32>
        %parallel_loop3A_784 = arith.cmpi eq, %iota3A, %parallel_loop3A_783 : vector<16xi32>
        %parallel_loop3A_785 = vector.broadcast %parallel_loop3A_781 : f32 to vector<16xf32>
        %parallel_loop3A_786 = arith.select %parallel_loop3A_784, %parallel_loop3A_785, %parallel_loop3A_744 : vector<16xi1>, vector<16xf32>
        %parallel_loop3A_787 = arith.constant 20 : i32
        %parallel_loop3A_788 = arith.muli %parallel_loop3A_377, %parallel_loop3A_787 : i32
        %parallel_loop3A_789 = arith.constant 8 : i32
        %parallel_loop3A_790 = arith.addi %parallel_loop3A_788, %parallel_loop3A_789 : i32
        %parallel_loop3A_791 = vector.extract_strided_slice %parallel_loop3A_384 {offsets = [10], sizes = [1], strides = [1]} : vector<16xi32> to vector<1xi32>
        %parallel_loop3A_792 = vector.extract %parallel_loop3A_791[0] : i32 from vector<1xi32>
        %parallel_loop3A_793 = arith.index_cast %parallel_loop3A_790 : i32 to index
        %parallel_loop3A_794 = arith.index_cast %parallel_loop3A_792 : i32 to index
        %parallel_loop3A_795 = tpu.vector_load %arg18[%parallel_loop3A_793, %parallel_loop3A_794] {strides = array<i32>} : memref<320x128xf32, #tpu.memory_space<vmem>>, vector<16xf32>,
        %parallel_loop3A_796 = arith.mulf %parallel_loop3A_397, %parallel_loop3A_795 : vector<16xf32>
        %parallel_loop3A_797 = arith.constant 16 : i32
        %parallel_loop3A_798 = arith.addi %parallel_loop3A_792, %parallel_loop3A_797 : i32
        %parallel_loop3A_799 = arith.index_cast %parallel_loop3A_790 : i32 to index
        %parallel_loop3A_800 = arith.index_cast %parallel_loop3A_798 : i32 to index
        %parallel_loop3A_801 = tpu.vector_load %arg18[%parallel_loop3A_799, %parallel_loop3A_800] {strides = array<i32>} : memref<320x128xf32, #tpu.memory_space<vmem>>, vector<16xf32>,
        %parallel_loop3A_802 = arith.mulf %parallel_loop3A_404, %parallel_loop3A_801 : vector<16xf32>
        %parallel_loop3A_803 = arith.addf %parallel_loop3A_796, %parallel_loop3A_802 : vector<16xf32>
        %parallel_loop3A_804 = arith.constant 32 : i32
        %parallel_loop3A_805 = arith.addi %parallel_loop3A_792, %parallel_loop3A_804 : i32
        %parallel_loop3A_806 = arith.index_cast %parallel_loop3A_790 : i32 to index
        %parallel_loop3A_807 = arith.index_cast %parallel_loop3A_805 : i32 to index
        %parallel_loop3A_808 = tpu.vector_load %arg18[%parallel_loop3A_806, %parallel_loop3A_807] {strides = array<i32>} : memref<320x128xf32, #tpu.memory_space<vmem>>, vector<16xf32>,
        %parallel_loop3A_809 = arith.mulf %parallel_loop3A_411, %parallel_loop3A_808 : vector<16xf32>
        %parallel_loop3A_810 = arith.addf %parallel_loop3A_803, %parallel_loop3A_809 : vector<16xf32>
        %parallel_loop3A_811 = arith.constant 48 : i32
        %parallel_loop3A_812 = arith.addi %parallel_loop3A_792, %parallel_loop3A_811 : i32
        %parallel_loop3A_813 = arith.index_cast %parallel_loop3A_790 : i32 to index
        %parallel_loop3A_814 = arith.index_cast %parallel_loop3A_812 : i32 to index
        %parallel_loop3A_815 = tpu.vector_load %arg18[%parallel_loop3A_813, %parallel_loop3A_814] {strides = array<i32>} : memref<320x128xf32, #tpu.memory_space<vmem>>, vector<16xf32>,
        %parallel_loop3A_816 = arith.mulf %parallel_loop3A_418, %parallel_loop3A_815 : vector<16xf32>
        %parallel_loop3A_817 = arith.addf %parallel_loop3A_810, %parallel_loop3A_816 : vector<16xf32>
        %parallel_loop3A_818 = arith.constant true
        %parallel_loop3A_819 = vector.broadcast %parallel_loop3A_818 : i1 to vector<16xi1>
        %parallel_loop3A_820 = tpu.scan <sum>, %parallel_loop3A_817 masked %parallel_loop3A_819 : vector<16xf32>, vector<16xi1> -> vector<16xf32>
        %parallel_loop3A_821 = vector.extract %parallel_loop3A_820[15] : f32 from vector<16xf32>
        %parallel_loop3A_822 = arith.constant 0.000000e+00 : f32
        %parallel_loop3A_823 = arith.subf %parallel_loop3A_822, %parallel_loop3A_821 : f32
        %parallel_loop3A_824 = arith.constant 9 : i32
        %parallel_loop3A_825 = vector.broadcast %parallel_loop3A_824 : i32 to vector<16xi32>
        %parallel_loop3A_826 = arith.cmpi eq, %iota3A, %parallel_loop3A_825 : vector<16xi32>
        %parallel_loop3A_827 = vector.broadcast %parallel_loop3A_823 : f32 to vector<16xf32>
        %parallel_loop3A_828 = arith.select %parallel_loop3A_826, %parallel_loop3A_827, %parallel_loop3A_786 : vector<16xi1>, vector<16xf32>
        %parallel_loop3A_829 = arith.constant 20 : i32
        %parallel_loop3A_830 = arith.muli %parallel_loop3A_377, %parallel_loop3A_829 : i32
        %parallel_loop3A_831 = arith.constant 9 : i32
        %parallel_loop3A_832 = arith.addi %parallel_loop3A_830, %parallel_loop3A_831 : i32
        %parallel_loop3A_833 = vector.extract_strided_slice %parallel_loop3A_384 {offsets = [11], sizes = [1], strides = [1]} : vector<16xi32> to vector<1xi32>
        %parallel_loop3A_834 = vector.extract %parallel_loop3A_833[0] : i32 from vector<1xi32>
        %parallel_loop3A_835 = arith.index_cast %parallel_loop3A_832 : i32 to index
        %parallel_loop3A_836 = arith.index_cast %parallel_loop3A_834 : i32 to index
        %parallel_loop3A_837 = tpu.vector_load %arg18[%parallel_loop3A_835, %parallel_loop3A_836] {strides = array<i32>} : memref<320x128xf32, #tpu.memory_space<vmem>>, vector<16xf32>,
        %parallel_loop3A_838 = arith.mulf %parallel_loop3A_397, %parallel_loop3A_837 : vector<16xf32>
        %parallel_loop3A_839 = arith.constant 16 : i32
        %parallel_loop3A_840 = arith.addi %parallel_loop3A_834, %parallel_loop3A_839 : i32
        %parallel_loop3A_841 = arith.index_cast %parallel_loop3A_832 : i32 to index
        %parallel_loop3A_842 = arith.index_cast %parallel_loop3A_840 : i32 to index
        %parallel_loop3A_843 = tpu.vector_load %arg18[%parallel_loop3A_841, %parallel_loop3A_842] {strides = array<i32>} : memref<320x128xf32, #tpu.memory_space<vmem>>, vector<16xf32>,
        %parallel_loop3A_844 = arith.mulf %parallel_loop3A_404, %parallel_loop3A_843 : vector<16xf32>
        %parallel_loop3A_845 = arith.addf %parallel_loop3A_838, %parallel_loop3A_844 : vector<16xf32>
        %parallel_loop3A_846 = arith.constant 32 : i32
        %parallel_loop3A_847 = arith.addi %parallel_loop3A_834, %parallel_loop3A_846 : i32
        %parallel_loop3A_848 = arith.index_cast %parallel_loop3A_832 : i32 to index
        %parallel_loop3A_849 = arith.index_cast %parallel_loop3A_847 : i32 to index
        %parallel_loop3A_850 = tpu.vector_load %arg18[%parallel_loop3A_848, %parallel_loop3A_849] {strides = array<i32>} : memref<320x128xf32, #tpu.memory_space<vmem>>, vector<16xf32>,
        %parallel_loop3A_851 = arith.mulf %parallel_loop3A_411, %parallel_loop3A_850 : vector<16xf32>
        %parallel_loop3A_852 = arith.addf %parallel_loop3A_845, %parallel_loop3A_851 : vector<16xf32>
        %parallel_loop3A_853 = arith.constant 48 : i32
        %parallel_loop3A_854 = arith.addi %parallel_loop3A_834, %parallel_loop3A_853 : i32
        %parallel_loop3A_855 = arith.index_cast %parallel_loop3A_832 : i32 to index
        %parallel_loop3A_856 = arith.index_cast %parallel_loop3A_854 : i32 to index
        %parallel_loop3A_857 = tpu.vector_load %arg18[%parallel_loop3A_855, %parallel_loop3A_856] {strides = array<i32>} : memref<320x128xf32, #tpu.memory_space<vmem>>, vector<16xf32>,
        %parallel_loop3A_858 = arith.mulf %parallel_loop3A_418, %parallel_loop3A_857 : vector<16xf32>
        %parallel_loop3A_859 = arith.addf %parallel_loop3A_852, %parallel_loop3A_858 : vector<16xf32>
        %parallel_loop3A_860 = arith.constant true
        %parallel_loop3A_861 = vector.broadcast %parallel_loop3A_860 : i1 to vector<16xi1>
        %parallel_loop3A_862 = tpu.scan <sum>, %parallel_loop3A_859 masked %parallel_loop3A_861 : vector<16xf32>, vector<16xi1> -> vector<16xf32>
        %parallel_loop3A_863 = vector.extract %parallel_loop3A_862[15] : f32 from vector<16xf32>
        %parallel_loop3A_864 = arith.constant 0.000000e+00 : f32
        %parallel_loop3A_865 = arith.subf %parallel_loop3A_864, %parallel_loop3A_863 : f32
        %parallel_loop3A_866 = arith.constant 10 : i32
        %parallel_loop3A_867 = vector.broadcast %parallel_loop3A_866 : i32 to vector<16xi32>
        %parallel_loop3A_868 = arith.cmpi eq, %iota3A, %parallel_loop3A_867 : vector<16xi32>
        %parallel_loop3A_869 = vector.broadcast %parallel_loop3A_865 : f32 to vector<16xf32>
        %parallel_loop3A_870 = arith.select %parallel_loop3A_868, %parallel_loop3A_869, %parallel_loop3A_828 : vector<16xi1>, vector<16xf32>
        %parallel_loop3A_871 = arith.constant 20 : i32
        %parallel_loop3A_872 = arith.muli %parallel_loop3A_377, %parallel_loop3A_871 : i32
        %parallel_loop3A_873 = arith.constant 10 : i32
        %parallel_loop3A_874 = arith.addi %parallel_loop3A_872, %parallel_loop3A_873 : i32
        %parallel_loop3A_875 = vector.extract_strided_slice %parallel_loop3A_384 {offsets = [12], sizes = [1], strides = [1]} : vector<16xi32> to vector<1xi32>
        %parallel_loop3A_876 = vector.extract %parallel_loop3A_875[0] : i32 from vector<1xi32>
        %parallel_loop3A_877 = arith.index_cast %parallel_loop3A_874 : i32 to index
        %parallel_loop3A_878 = arith.index_cast %parallel_loop3A_876 : i32 to index
        %parallel_loop3A_879 = tpu.vector_load %arg18[%parallel_loop3A_877, %parallel_loop3A_878] {strides = array<i32>} : memref<320x128xf32, #tpu.memory_space<vmem>>, vector<16xf32>,
        %parallel_loop3A_880 = arith.mulf %parallel_loop3A_397, %parallel_loop3A_879 : vector<16xf32>
        %parallel_loop3A_881 = arith.constant 16 : i32
        %parallel_loop3A_882 = arith.addi %parallel_loop3A_876, %parallel_loop3A_881 : i32
        %parallel_loop3A_883 = arith.index_cast %parallel_loop3A_874 : i32 to index
        %parallel_loop3A_884 = arith.index_cast %parallel_loop3A_882 : i32 to index
        %parallel_loop3A_885 = tpu.vector_load %arg18[%parallel_loop3A_883, %parallel_loop3A_884] {strides = array<i32>} : memref<320x128xf32, #tpu.memory_space<vmem>>, vector<16xf32>,
        %parallel_loop3A_886 = arith.mulf %parallel_loop3A_404, %parallel_loop3A_885 : vector<16xf32>
        %parallel_loop3A_887 = arith.addf %parallel_loop3A_880, %parallel_loop3A_886 : vector<16xf32>
        %parallel_loop3A_888 = arith.constant 32 : i32
        %parallel_loop3A_889 = arith.addi %parallel_loop3A_876, %parallel_loop3A_888 : i32
        %parallel_loop3A_890 = arith.index_cast %parallel_loop3A_874 : i32 to index
        %parallel_loop3A_891 = arith.index_cast %parallel_loop3A_889 : i32 to index
        %parallel_loop3A_892 = tpu.vector_load %arg18[%parallel_loop3A_890, %parallel_loop3A_891] {strides = array<i32>} : memref<320x128xf32, #tpu.memory_space<vmem>>, vector<16xf32>,
        %parallel_loop3A_893 = arith.mulf %parallel_loop3A_411, %parallel_loop3A_892 : vector<16xf32>
        %parallel_loop3A_894 = arith.addf %parallel_loop3A_887, %parallel_loop3A_893 : vector<16xf32>
        %parallel_loop3A_895 = arith.constant 48 : i32
        %parallel_loop3A_896 = arith.addi %parallel_loop3A_876, %parallel_loop3A_895 : i32
        %parallel_loop3A_897 = arith.index_cast %parallel_loop3A_874 : i32 to index
        %parallel_loop3A_898 = arith.index_cast %parallel_loop3A_896 : i32 to index
        %parallel_loop3A_899 = tpu.vector_load %arg18[%parallel_loop3A_897, %parallel_loop3A_898] {strides = array<i32>} : memref<320x128xf32, #tpu.memory_space<vmem>>, vector<16xf32>,
        %parallel_loop3A_900 = arith.mulf %parallel_loop3A_418, %parallel_loop3A_899 : vector<16xf32>
        %parallel_loop3A_901 = arith.addf %parallel_loop3A_894, %parallel_loop3A_900 : vector<16xf32>
        %parallel_loop3A_902 = arith.constant true
        %parallel_loop3A_903 = vector.broadcast %parallel_loop3A_902 : i1 to vector<16xi1>
        %parallel_loop3A_904 = tpu.scan <sum>, %parallel_loop3A_901 masked %parallel_loop3A_903 : vector<16xf32>, vector<16xi1> -> vector<16xf32>
        %parallel_loop3A_905 = vector.extract %parallel_loop3A_904[15] : f32 from vector<16xf32>
        %parallel_loop3A_906 = arith.constant 0.000000e+00 : f32
        %parallel_loop3A_907 = arith.subf %parallel_loop3A_906, %parallel_loop3A_905 : f32
        %parallel_loop3A_908 = arith.constant 11 : i32
        %parallel_loop3A_909 = vector.broadcast %parallel_loop3A_908 : i32 to vector<16xi32>
        %parallel_loop3A_910 = arith.cmpi eq, %iota3A, %parallel_loop3A_909 : vector<16xi32>
        %parallel_loop3A_911 = vector.broadcast %parallel_loop3A_907 : f32 to vector<16xf32>
        %parallel_loop3A_912 = arith.select %parallel_loop3A_910, %parallel_loop3A_911, %parallel_loop3A_870 : vector<16xi1>, vector<16xf32>
        %parallel_loop3A_913 = arith.constant 20 : i32
        %parallel_loop3A_914 = arith.muli %parallel_loop3A_377, %parallel_loop3A_913 : i32
        %parallel_loop3A_915 = arith.constant 11 : i32
        %parallel_loop3A_916 = arith.addi %parallel_loop3A_914, %parallel_loop3A_915 : i32
        %parallel_loop3A_917 = vector.extract_strided_slice %parallel_loop3A_384 {offsets = [13], sizes = [1], strides = [1]} : vector<16xi32> to vector<1xi32>
        %parallel_loop3A_918 = vector.extract %parallel_loop3A_917[0] : i32 from vector<1xi32>
        %parallel_loop3A_919 = arith.index_cast %parallel_loop3A_916 : i32 to index
        %parallel_loop3A_920 = arith.index_cast %parallel_loop3A_918 : i32 to index
        %parallel_loop3A_921 = tpu.vector_load %arg18[%parallel_loop3A_919, %parallel_loop3A_920] {strides = array<i32>} : memref<320x128xf32, #tpu.memory_space<vmem>>, vector<16xf32>,
        %parallel_loop3A_922 = arith.mulf %parallel_loop3A_397, %parallel_loop3A_921 : vector<16xf32>
        %parallel_loop3A_923 = arith.constant 16 : i32
        %parallel_loop3A_924 = arith.addi %parallel_loop3A_918, %parallel_loop3A_923 : i32
        %parallel_loop3A_925 = arith.index_cast %parallel_loop3A_916 : i32 to index
        %parallel_loop3A_926 = arith.index_cast %parallel_loop3A_924 : i32 to index
        %parallel_loop3A_927 = tpu.vector_load %arg18[%parallel_loop3A_925, %parallel_loop3A_926] {strides = array<i32>} : memref<320x128xf32, #tpu.memory_space<vmem>>, vector<16xf32>,
        %parallel_loop3A_928 = arith.mulf %parallel_loop3A_404, %parallel_loop3A_927 : vector<16xf32>
        %parallel_loop3A_929 = arith.addf %parallel_loop3A_922, %parallel_loop3A_928 : vector<16xf32>
        %parallel_loop3A_930 = arith.constant 32 : i32
        %parallel_loop3A_931 = arith.addi %parallel_loop3A_918, %parallel_loop3A_930 : i32
        %parallel_loop3A_932 = arith.index_cast %parallel_loop3A_916 : i32 to index
        %parallel_loop3A_933 = arith.index_cast %parallel_loop3A_931 : i32 to index
        %parallel_loop3A_934 = tpu.vector_load %arg18[%parallel_loop3A_932, %parallel_loop3A_933] {strides = array<i32>} : memref<320x128xf32, #tpu.memory_space<vmem>>, vector<16xf32>,
        %parallel_loop3A_935 = arith.mulf %parallel_loop3A_411, %parallel_loop3A_934 : vector<16xf32>
        %parallel_loop3A_936 = arith.addf %parallel_loop3A_929, %parallel_loop3A_935 : vector<16xf32>
        %parallel_loop3A_937 = arith.constant 48 : i32
        %parallel_loop3A_938 = arith.addi %parallel_loop3A_918, %parallel_loop3A_937 : i32
        %parallel_loop3A_939 = arith.index_cast %parallel_loop3A_916 : i32 to index
        %parallel_loop3A_940 = arith.index_cast %parallel_loop3A_938 : i32 to index
        %parallel_loop3A_941 = tpu.vector_load %arg18[%parallel_loop3A_939, %parallel_loop3A_940] {strides = array<i32>} : memref<320x128xf32, #tpu.memory_space<vmem>>, vector<16xf32>,
        %parallel_loop3A_942 = arith.mulf %parallel_loop3A_418, %parallel_loop3A_941 : vector<16xf32>
        %parallel_loop3A_943 = arith.addf %parallel_loop3A_936, %parallel_loop3A_942 : vector<16xf32>
        %parallel_loop3A_944 = arith.constant true
        %parallel_loop3A_945 = vector.broadcast %parallel_loop3A_944 : i1 to vector<16xi1>
        %parallel_loop3A_946 = tpu.scan <sum>, %parallel_loop3A_943 masked %parallel_loop3A_945 : vector<16xf32>, vector<16xi1> -> vector<16xf32>
        %parallel_loop3A_947 = vector.extract %parallel_loop3A_946[15] : f32 from vector<16xf32>
        %parallel_loop3A_948 = arith.constant 0.000000e+00 : f32
        %parallel_loop3A_949 = arith.subf %parallel_loop3A_948, %parallel_loop3A_947 : f32
        %parallel_loop3A_950 = arith.constant 12 : i32
        %parallel_loop3A_951 = vector.broadcast %parallel_loop3A_950 : i32 to vector<16xi32>
        %parallel_loop3A_952 = arith.cmpi eq, %iota3A, %parallel_loop3A_951 : vector<16xi32>
        %parallel_loop3A_953 = vector.broadcast %parallel_loop3A_949 : f32 to vector<16xf32>
        %parallel_loop3A_954 = arith.select %parallel_loop3A_952, %parallel_loop3A_953, %parallel_loop3A_912 : vector<16xi1>, vector<16xf32>
        %parallel_loop3A_955 = arith.constant 20 : i32
        %parallel_loop3A_956 = arith.muli %parallel_loop3A_377, %parallel_loop3A_955 : i32
        %parallel_loop3A_957 = arith.constant 12 : i32
        %parallel_loop3A_958 = arith.addi %parallel_loop3A_956, %parallel_loop3A_957 : i32
        %parallel_loop3A_959 = vector.extract_strided_slice %parallel_loop3A_384 {offsets = [14], sizes = [1], strides = [1]} : vector<16xi32> to vector<1xi32>
        %parallel_loop3A_960 = vector.extract %parallel_loop3A_959[0] : i32 from vector<1xi32>
        %parallel_loop3A_961 = arith.index_cast %parallel_loop3A_958 : i32 to index
        %parallel_loop3A_962 = arith.index_cast %parallel_loop3A_960 : i32 to index
        %parallel_loop3A_963 = tpu.vector_load %arg18[%parallel_loop3A_961, %parallel_loop3A_962] {strides = array<i32>} : memref<320x128xf32, #tpu.memory_space<vmem>>, vector<16xf32>,
        %parallel_loop3A_964 = arith.mulf %parallel_loop3A_397, %parallel_loop3A_963 : vector<16xf32>
        %parallel_loop3A_965 = arith.constant 16 : i32
        %parallel_loop3A_966 = arith.addi %parallel_loop3A_960, %parallel_loop3A_965 : i32
        %parallel_loop3A_967 = arith.index_cast %parallel_loop3A_958 : i32 to index
        %parallel_loop3A_968 = arith.index_cast %parallel_loop3A_966 : i32 to index
        %parallel_loop3A_969 = tpu.vector_load %arg18[%parallel_loop3A_967, %parallel_loop3A_968] {strides = array<i32>} : memref<320x128xf32, #tpu.memory_space<vmem>>, vector<16xf32>,
        %parallel_loop3A_970 = arith.mulf %parallel_loop3A_404, %parallel_loop3A_969 : vector<16xf32>
        %parallel_loop3A_971 = arith.addf %parallel_loop3A_964, %parallel_loop3A_970 : vector<16xf32>
        %parallel_loop3A_972 = arith.constant 32 : i32
        %parallel_loop3A_973 = arith.addi %parallel_loop3A_960, %parallel_loop3A_972 : i32
        %parallel_loop3A_974 = arith.index_cast %parallel_loop3A_958 : i32 to index
        %parallel_loop3A_975 = arith.index_cast %parallel_loop3A_973 : i32 to index
        %parallel_loop3A_976 = tpu.vector_load %arg18[%parallel_loop3A_974, %parallel_loop3A_975] {strides = array<i32>} : memref<320x128xf32, #tpu.memory_space<vmem>>, vector<16xf32>,
        %parallel_loop3A_977 = arith.mulf %parallel_loop3A_411, %parallel_loop3A_976 : vector<16xf32>
        %parallel_loop3A_978 = arith.addf %parallel_loop3A_971, %parallel_loop3A_977 : vector<16xf32>
        %parallel_loop3A_979 = arith.constant 48 : i32
        %parallel_loop3A_980 = arith.addi %parallel_loop3A_960, %parallel_loop3A_979 : i32
        %parallel_loop3A_981 = arith.index_cast %parallel_loop3A_958 : i32 to index
        %parallel_loop3A_982 = arith.index_cast %parallel_loop3A_980 : i32 to index
        %parallel_loop3A_983 = tpu.vector_load %arg18[%parallel_loop3A_981, %parallel_loop3A_982] {strides = array<i32>} : memref<320x128xf32, #tpu.memory_space<vmem>>, vector<16xf32>,
        %parallel_loop3A_984 = arith.mulf %parallel_loop3A_418, %parallel_loop3A_983 : vector<16xf32>
        %parallel_loop3A_985 = arith.addf %parallel_loop3A_978, %parallel_loop3A_984 : vector<16xf32>
        %parallel_loop3A_986 = arith.constant true
        %parallel_loop3A_987 = vector.broadcast %parallel_loop3A_986 : i1 to vector<16xi1>
        %parallel_loop3A_988 = tpu.scan <sum>, %parallel_loop3A_985 masked %parallel_loop3A_987 : vector<16xf32>, vector<16xi1> -> vector<16xf32>
        %parallel_loop3A_989 = vector.extract %parallel_loop3A_988[15] : f32 from vector<16xf32>
        %parallel_loop3A_990 = arith.constant 0.000000e+00 : f32
        %parallel_loop3A_991 = arith.subf %parallel_loop3A_990, %parallel_loop3A_989 : f32
        %parallel_loop3A_992 = arith.constant 13 : i32
        %parallel_loop3A_993 = vector.broadcast %parallel_loop3A_992 : i32 to vector<16xi32>
        %parallel_loop3A_994 = arith.cmpi eq, %iota3A, %parallel_loop3A_993 : vector<16xi32>
        %parallel_loop3A_995 = vector.broadcast %parallel_loop3A_991 : f32 to vector<16xf32>
        %parallel_loop3A_996 = arith.select %parallel_loop3A_994, %parallel_loop3A_995, %parallel_loop3A_954 : vector<16xi1>, vector<16xf32>
        %parallel_loop3A_997 = arith.constant 20 : i32
        %parallel_loop3A_998 = arith.muli %parallel_loop3A_377, %parallel_loop3A_997 : i32
        %parallel_loop3A_999 = arith.constant 13 : i32
        %parallel_loop3A_1000 = arith.addi %parallel_loop3A_998, %parallel_loop3A_999 : i32
        %parallel_loop3A_1001 = vector.extract_strided_slice %parallel_loop3A_384 {offsets = [15], sizes = [1], strides = [1]} : vector<16xi32> to vector<1xi32>
        %parallel_loop3A_1002 = vector.extract %parallel_loop3A_1001[0] : i32 from vector<1xi32>
        %parallel_loop3A_1003 = arith.index_cast %parallel_loop3A_1000 : i32 to index
        %parallel_loop3A_1004 = arith.index_cast %parallel_loop3A_1002 : i32 to index
        %parallel_loop3A_1005 = tpu.vector_load %arg18[%parallel_loop3A_1003, %parallel_loop3A_1004] {strides = array<i32>} : memref<320x128xf32, #tpu.memory_space<vmem>>, vector<16xf32>,
        %parallel_loop3A_1006 = arith.mulf %parallel_loop3A_397, %parallel_loop3A_1005 : vector<16xf32>
        %parallel_loop3A_1007 = arith.constant 16 : i32
        %parallel_loop3A_1008 = arith.addi %parallel_loop3A_1002, %parallel_loop3A_1007 : i32
        %parallel_loop3A_1009 = arith.index_cast %parallel_loop3A_1000 : i32 to index
        %parallel_loop3A_1010 = arith.index_cast %parallel_loop3A_1008 : i32 to index
        %parallel_loop3A_1011 = tpu.vector_load %arg18[%parallel_loop3A_1009, %parallel_loop3A_1010] {strides = array<i32>} : memref<320x128xf32, #tpu.memory_space<vmem>>, vector<16xf32>,
        %parallel_loop3A_1012 = arith.mulf %parallel_loop3A_404, %parallel_loop3A_1011 : vector<16xf32>
        %parallel_loop3A_1013 = arith.addf %parallel_loop3A_1006, %parallel_loop3A_1012 : vector<16xf32>
        %parallel_loop3A_1014 = arith.constant 32 : i32
        %parallel_loop3A_1015 = arith.addi %parallel_loop3A_1002, %parallel_loop3A_1014 : i32
        %parallel_loop3A_1016 = arith.index_cast %parallel_loop3A_1000 : i32 to index
        %parallel_loop3A_1017 = arith.index_cast %parallel_loop3A_1015 : i32 to index
        %parallel_loop3A_1018 = tpu.vector_load %arg18[%parallel_loop3A_1016, %parallel_loop3A_1017] {strides = array<i32>} : memref<320x128xf32, #tpu.memory_space<vmem>>, vector<16xf32>,
        %parallel_loop3A_1019 = arith.mulf %parallel_loop3A_411, %parallel_loop3A_1018 : vector<16xf32>
        %parallel_loop3A_1020 = arith.addf %parallel_loop3A_1013, %parallel_loop3A_1019 : vector<16xf32>
        %parallel_loop3A_1021 = arith.constant 48 : i32
        %parallel_loop3A_1022 = arith.addi %parallel_loop3A_1002, %parallel_loop3A_1021 : i32
        %parallel_loop3A_1023 = arith.index_cast %parallel_loop3A_1000 : i32 to index
        %parallel_loop3A_1024 = arith.index_cast %parallel_loop3A_1022 : i32 to index
        %parallel_loop3A_1025 = tpu.vector_load %arg18[%parallel_loop3A_1023, %parallel_loop3A_1024] {strides = array<i32>} : memref<320x128xf32, #tpu.memory_space<vmem>>, vector<16xf32>,
        %parallel_loop3A_1026 = arith.mulf %parallel_loop3A_418, %parallel_loop3A_1025 : vector<16xf32>
        %parallel_loop3A_1027 = arith.addf %parallel_loop3A_1020, %parallel_loop3A_1026 : vector<16xf32>
        %parallel_loop3A_1028 = arith.constant true
        %parallel_loop3A_1029 = vector.broadcast %parallel_loop3A_1028 : i1 to vector<16xi1>
        %parallel_loop3A_1030 = tpu.scan <sum>, %parallel_loop3A_1027 masked %parallel_loop3A_1029 : vector<16xf32>, vector<16xi1> -> vector<16xf32>
        %parallel_loop3A_1031 = vector.extract %parallel_loop3A_1030[15] : f32 from vector<16xf32>
        %parallel_loop3A_1032 = arith.constant 0.000000e+00 : f32
        %parallel_loop3A_1033 = arith.subf %parallel_loop3A_1032, %parallel_loop3A_1031 : f32
        %parallel_loop3A_1034 = arith.constant 14 : i32
        %parallel_loop3A_1035 = vector.broadcast %parallel_loop3A_1034 : i32 to vector<16xi32>
        %parallel_loop3A_1036 = arith.cmpi eq, %iota3A, %parallel_loop3A_1035 : vector<16xi32>
        %parallel_loop3A_1037 = vector.broadcast %parallel_loop3A_1033 : f32 to vector<16xf32>
        %parallel_loop3A_1038 = arith.select %parallel_loop3A_1036, %parallel_loop3A_1037, %parallel_loop3A_996 : vector<16xi1>, vector<16xf32>
        %parallel_loop3A_1039 = arith.constant 20 : i32
        %parallel_loop3A_1040 = arith.muli %parallel_loop3A_377, %parallel_loop3A_1039 : i32
        %parallel_loop3A_1041 = arith.constant 14 : i32
        %parallel_loop3A_1042 = arith.addi %parallel_loop3A_1040, %parallel_loop3A_1041 : i32
        %parallel_loop3A_1043 = vector.extract_strided_slice %parallel_loop3A_390 {offsets = [8], sizes = [1], strides = [1]} : vector<16xi32> to vector<1xi32>
        %parallel_loop3A_1044 = vector.extract %parallel_loop3A_1043[0] : i32 from vector<1xi32>
        %parallel_loop3A_1045 = arith.index_cast %parallel_loop3A_1042 : i32 to index
        %parallel_loop3A_1046 = arith.index_cast %parallel_loop3A_1044 : i32 to index
        %parallel_loop3A_1047 = tpu.vector_load %arg18[%parallel_loop3A_1045, %parallel_loop3A_1046] {strides = array<i32>} : memref<320x128xf32, #tpu.memory_space<vmem>>, vector<16xf32>,
        %parallel_loop3A_1048 = arith.mulf %parallel_loop3A_397, %parallel_loop3A_1047 : vector<16xf32>
        %parallel_loop3A_1049 = arith.constant 16 : i32
        %parallel_loop3A_1050 = arith.addi %parallel_loop3A_1044, %parallel_loop3A_1049 : i32
        %parallel_loop3A_1051 = arith.index_cast %parallel_loop3A_1042 : i32 to index
        %parallel_loop3A_1052 = arith.index_cast %parallel_loop3A_1050 : i32 to index
        %parallel_loop3A_1053 = tpu.vector_load %arg18[%parallel_loop3A_1051, %parallel_loop3A_1052] {strides = array<i32>} : memref<320x128xf32, #tpu.memory_space<vmem>>, vector<16xf32>,
        %parallel_loop3A_1054 = arith.mulf %parallel_loop3A_404, %parallel_loop3A_1053 : vector<16xf32>
        %parallel_loop3A_1055 = arith.addf %parallel_loop3A_1048, %parallel_loop3A_1054 : vector<16xf32>
        %parallel_loop3A_1056 = arith.constant 32 : i32
        %parallel_loop3A_1057 = arith.addi %parallel_loop3A_1044, %parallel_loop3A_1056 : i32
        %parallel_loop3A_1058 = arith.index_cast %parallel_loop3A_1042 : i32 to index
        %parallel_loop3A_1059 = arith.index_cast %parallel_loop3A_1057 : i32 to index
        %parallel_loop3A_1060 = tpu.vector_load %arg18[%parallel_loop3A_1058, %parallel_loop3A_1059] {strides = array<i32>} : memref<320x128xf32, #tpu.memory_space<vmem>>, vector<16xf32>,
        %parallel_loop3A_1061 = arith.mulf %parallel_loop3A_411, %parallel_loop3A_1060 : vector<16xf32>
        %parallel_loop3A_1062 = arith.addf %parallel_loop3A_1055, %parallel_loop3A_1061 : vector<16xf32>
        %parallel_loop3A_1063 = arith.constant 48 : i32
        %parallel_loop3A_1064 = arith.addi %parallel_loop3A_1044, %parallel_loop3A_1063 : i32
        %parallel_loop3A_1065 = arith.index_cast %parallel_loop3A_1042 : i32 to index
        %parallel_loop3A_1066 = arith.index_cast %parallel_loop3A_1064 : i32 to index
        %parallel_loop3A_1067 = tpu.vector_load %arg18[%parallel_loop3A_1065, %parallel_loop3A_1066] {strides = array<i32>} : memref<320x128xf32, #tpu.memory_space<vmem>>, vector<16xf32>,
        %parallel_loop3A_1068 = arith.mulf %parallel_loop3A_418, %parallel_loop3A_1067 : vector<16xf32>
        %parallel_loop3A_1069 = arith.addf %parallel_loop3A_1062, %parallel_loop3A_1068 : vector<16xf32>
        %parallel_loop3A_1070 = arith.constant true
        %parallel_loop3A_1071 = vector.broadcast %parallel_loop3A_1070 : i1 to vector<16xi1>
        %parallel_loop3A_1072 = tpu.scan <sum>, %parallel_loop3A_1069 masked %parallel_loop3A_1071 : vector<16xf32>, vector<16xi1> -> vector<16xf32>
        %parallel_loop3A_1073 = vector.extract %parallel_loop3A_1072[15] : f32 from vector<16xf32>
        %parallel_loop3A_1074 = arith.constant 0.000000e+00 : f32
        %parallel_loop3A_1075 = arith.subf %parallel_loop3A_1074, %parallel_loop3A_1073 : f32
        %parallel_loop3A_1076 = arith.constant 15 : i32
        %parallel_loop3A_1077 = vector.broadcast %parallel_loop3A_1076 : i32 to vector<16xi32>
        %parallel_loop3A_1078 = arith.cmpi eq, %iota3A, %parallel_loop3A_1077 : vector<16xi32>
        %parallel_loop3A_1079 = vector.broadcast %parallel_loop3A_1075 : f32 to vector<16xf32>
        %parallel_loop3A_1080 = arith.select %parallel_loop3A_1078, %parallel_loop3A_1079, %parallel_loop3A_1038 : vector<16xi1>, vector<16xf32>
        %parallel_loop3A_1081 = arith.constant 0.000000e+00 : f32
        %parallel_loop3A_1082 = vector.broadcast %parallel_loop3A_1081 : f32 to vector<16xf32>
        %parallel_loop3A_1083 = arith.constant 20 : i32
        %parallel_loop3A_1084 = arith.muli %parallel_loop3A_377, %parallel_loop3A_1083 : i32
        %parallel_loop3A_1085 = arith.constant 15 : i32
        %parallel_loop3A_1086 = arith.addi %parallel_loop3A_1084, %parallel_loop3A_1085 : i32
        %parallel_loop3A_1087 = vector.extract_strided_slice %parallel_loop3A_390 {offsets = [9], sizes = [1], strides = [1]} : vector<16xi32> to vector<1xi32>
        %parallel_loop3A_1088 = vector.extract %parallel_loop3A_1087[0] : i32 from vector<1xi32>
        %parallel_loop3A_1089 = arith.index_cast %parallel_loop3A_1086 : i32 to index
        %parallel_loop3A_1090 = arith.index_cast %parallel_loop3A_1088 : i32 to index
        %parallel_loop3A_1091 = tpu.vector_load %arg18[%parallel_loop3A_1089, %parallel_loop3A_1090] {strides = array<i32>} : memref<320x128xf32, #tpu.memory_space<vmem>>, vector<16xf32>,
        %parallel_loop3A_1092 = arith.mulf %parallel_loop3A_397, %parallel_loop3A_1091 : vector<16xf32>
        %parallel_loop3A_1093 = arith.constant 16 : i32
        %parallel_loop3A_1094 = arith.addi %parallel_loop3A_1088, %parallel_loop3A_1093 : i32
        %parallel_loop3A_1095 = arith.index_cast %parallel_loop3A_1086 : i32 to index
        %parallel_loop3A_1096 = arith.index_cast %parallel_loop3A_1094 : i32 to index
        %parallel_loop3A_1097 = tpu.vector_load %arg18[%parallel_loop3A_1095, %parallel_loop3A_1096] {strides = array<i32>} : memref<320x128xf32, #tpu.memory_space<vmem>>, vector<16xf32>,
        %parallel_loop3A_1098 = arith.mulf %parallel_loop3A_404, %parallel_loop3A_1097 : vector<16xf32>
        %parallel_loop3A_1099 = arith.addf %parallel_loop3A_1092, %parallel_loop3A_1098 : vector<16xf32>
        %parallel_loop3A_1100 = arith.constant 32 : i32
        %parallel_loop3A_1101 = arith.addi %parallel_loop3A_1088, %parallel_loop3A_1100 : i32
        %parallel_loop3A_1102 = arith.index_cast %parallel_loop3A_1086 : i32 to index
        %parallel_loop3A_1103 = arith.index_cast %parallel_loop3A_1101 : i32 to index
        %parallel_loop3A_1104 = tpu.vector_load %arg18[%parallel_loop3A_1102, %parallel_loop3A_1103] {strides = array<i32>} : memref<320x128xf32, #tpu.memory_space<vmem>>, vector<16xf32>,
        %parallel_loop3A_1105 = arith.mulf %parallel_loop3A_411, %parallel_loop3A_1104 : vector<16xf32>
        %parallel_loop3A_1106 = arith.addf %parallel_loop3A_1099, %parallel_loop3A_1105 : vector<16xf32>
        %parallel_loop3A_1107 = arith.constant 48 : i32
        %parallel_loop3A_1108 = arith.addi %parallel_loop3A_1088, %parallel_loop3A_1107 : i32
        %parallel_loop3A_1109 = arith.index_cast %parallel_loop3A_1086 : i32 to index
        %parallel_loop3A_1110 = arith.index_cast %parallel_loop3A_1108 : i32 to index
        %parallel_loop3A_1111 = tpu.vector_load %arg18[%parallel_loop3A_1109, %parallel_loop3A_1110] {strides = array<i32>} : memref<320x128xf32, #tpu.memory_space<vmem>>, vector<16xf32>,
        %parallel_loop3A_1112 = arith.mulf %parallel_loop3A_418, %parallel_loop3A_1111 : vector<16xf32>
        %parallel_loop3A_1113 = arith.addf %parallel_loop3A_1106, %parallel_loop3A_1112 : vector<16xf32>
        %parallel_loop3A_1114 = arith.constant true
        %parallel_loop3A_1115 = vector.broadcast %parallel_loop3A_1114 : i1 to vector<16xi1>
        %parallel_loop3A_1116 = tpu.scan <sum>, %parallel_loop3A_1113 masked %parallel_loop3A_1115 : vector<16xf32>, vector<16xi1> -> vector<16xf32>
        %parallel_loop3A_1117 = vector.extract %parallel_loop3A_1116[15] : f32 from vector<16xf32>
        %parallel_loop3A_1118 = arith.constant 0.000000e+00 : f32
        %parallel_loop3A_1119 = arith.subf %parallel_loop3A_1118, %parallel_loop3A_1117 : f32
        %parallel_loop3A_1120 = arith.constant 0 : i32
        %parallel_loop3A_1121 = vector.broadcast %parallel_loop3A_1120 : i32 to vector<16xi32>
        %parallel_loop3A_1122 = arith.cmpi eq, %iota3A, %parallel_loop3A_1121 : vector<16xi32>
        %parallel_loop3A_1123 = vector.broadcast %parallel_loop3A_1119 : f32 to vector<16xf32>
        %parallel_loop3A_1124 = arith.select %parallel_loop3A_1122, %parallel_loop3A_1123, %parallel_loop3A_1082 : vector<16xi1>, vector<16xf32>
        %parallel_loop3A_1125 = arith.constant 20 : i32
        %parallel_loop3A_1126 = arith.muli %parallel_loop3A_377, %parallel_loop3A_1125 : i32
        %parallel_loop3A_1127 = arith.constant 16 : i32
        %parallel_loop3A_1128 = arith.addi %parallel_loop3A_1126, %parallel_loop3A_1127 : i32
        %parallel_loop3A_1129 = vector.extract_strided_slice %parallel_loop3A_390 {offsets = [10], sizes = [1], strides = [1]} : vector<16xi32> to vector<1xi32>
        %parallel_loop3A_1130 = vector.extract %parallel_loop3A_1129[0] : i32 from vector<1xi32>
        %parallel_loop3A_1131 = arith.index_cast %parallel_loop3A_1128 : i32 to index
        %parallel_loop3A_1132 = arith.index_cast %parallel_loop3A_1130 : i32 to index
        %parallel_loop3A_1133 = tpu.vector_load %arg18[%parallel_loop3A_1131, %parallel_loop3A_1132] {strides = array<i32>} : memref<320x128xf32, #tpu.memory_space<vmem>>, vector<16xf32>,
        %parallel_loop3A_1134 = arith.mulf %parallel_loop3A_397, %parallel_loop3A_1133 : vector<16xf32>
        %parallel_loop3A_1135 = arith.constant 16 : i32
        %parallel_loop3A_1136 = arith.addi %parallel_loop3A_1130, %parallel_loop3A_1135 : i32
        %parallel_loop3A_1137 = arith.index_cast %parallel_loop3A_1128 : i32 to index
        %parallel_loop3A_1138 = arith.index_cast %parallel_loop3A_1136 : i32 to index
        %parallel_loop3A_1139 = tpu.vector_load %arg18[%parallel_loop3A_1137, %parallel_loop3A_1138] {strides = array<i32>} : memref<320x128xf32, #tpu.memory_space<vmem>>, vector<16xf32>,
        %parallel_loop3A_1140 = arith.mulf %parallel_loop3A_404, %parallel_loop3A_1139 : vector<16xf32>
        %parallel_loop3A_1141 = arith.addf %parallel_loop3A_1134, %parallel_loop3A_1140 : vector<16xf32>
        %parallel_loop3A_1142 = arith.constant 32 : i32
        %parallel_loop3A_1143 = arith.addi %parallel_loop3A_1130, %parallel_loop3A_1142 : i32
        %parallel_loop3A_1144 = arith.index_cast %parallel_loop3A_1128 : i32 to index
        %parallel_loop3A_1145 = arith.index_cast %parallel_loop3A_1143 : i32 to index
        %parallel_loop3A_1146 = tpu.vector_load %arg18[%parallel_loop3A_1144, %parallel_loop3A_1145] {strides = array<i32>} : memref<320x128xf32, #tpu.memory_space<vmem>>, vector<16xf32>,
        %parallel_loop3A_1147 = arith.mulf %parallel_loop3A_411, %parallel_loop3A_1146 : vector<16xf32>
        %parallel_loop3A_1148 = arith.addf %parallel_loop3A_1141, %parallel_loop3A_1147 : vector<16xf32>
        %parallel_loop3A_1149 = arith.constant 48 : i32
        %parallel_loop3A_1150 = arith.addi %parallel_loop3A_1130, %parallel_loop3A_1149 : i32
        %parallel_loop3A_1151 = arith.index_cast %parallel_loop3A_1128 : i32 to index
        %parallel_loop3A_1152 = arith.index_cast %parallel_loop3A_1150 : i32 to index
        %parallel_loop3A_1153 = tpu.vector_load %arg18[%parallel_loop3A_1151, %parallel_loop3A_1152] {strides = array<i32>} : memref<320x128xf32, #tpu.memory_space<vmem>>, vector<16xf32>,
        %parallel_loop3A_1154 = arith.mulf %parallel_loop3A_418, %parallel_loop3A_1153 : vector<16xf32>
        %parallel_loop3A_1155 = arith.addf %parallel_loop3A_1148, %parallel_loop3A_1154 : vector<16xf32>
        %parallel_loop3A_1156 = arith.constant true
        %parallel_loop3A_1157 = vector.broadcast %parallel_loop3A_1156 : i1 to vector<16xi1>
        %parallel_loop3A_1158 = tpu.scan <sum>, %parallel_loop3A_1155 masked %parallel_loop3A_1157 : vector<16xf32>, vector<16xi1> -> vector<16xf32>
        %parallel_loop3A_1159 = vector.extract %parallel_loop3A_1158[15] : f32 from vector<16xf32>
        %parallel_loop3A_1160 = arith.constant 0.000000e+00 : f32
        %parallel_loop3A_1161 = arith.subf %parallel_loop3A_1160, %parallel_loop3A_1159 : f32
        %parallel_loop3A_1162 = arith.constant 1 : i32
        %parallel_loop3A_1163 = vector.broadcast %parallel_loop3A_1162 : i32 to vector<16xi32>
        %parallel_loop3A_1164 = arith.cmpi eq, %iota3A, %parallel_loop3A_1163 : vector<16xi32>
        %parallel_loop3A_1165 = vector.broadcast %parallel_loop3A_1161 : f32 to vector<16xf32>
        %parallel_loop3A_1166 = arith.select %parallel_loop3A_1164, %parallel_loop3A_1165, %parallel_loop3A_1124 : vector<16xi1>, vector<16xf32>
        %parallel_loop3A_1167 = arith.constant 20 : i32
        %parallel_loop3A_1168 = arith.muli %parallel_loop3A_377, %parallel_loop3A_1167 : i32
        %parallel_loop3A_1169 = arith.constant 17 : i32
        %parallel_loop3A_1170 = arith.addi %parallel_loop3A_1168, %parallel_loop3A_1169 : i32
        %parallel_loop3A_1171 = vector.extract_strided_slice %parallel_loop3A_390 {offsets = [11], sizes = [1], strides = [1]} : vector<16xi32> to vector<1xi32>
        %parallel_loop3A_1172 = vector.extract %parallel_loop3A_1171[0] : i32 from vector<1xi32>
        %parallel_loop3A_1173 = arith.index_cast %parallel_loop3A_1170 : i32 to index
        %parallel_loop3A_1174 = arith.index_cast %parallel_loop3A_1172 : i32 to index
        %parallel_loop3A_1175 = tpu.vector_load %arg18[%parallel_loop3A_1173, %parallel_loop3A_1174] {strides = array<i32>} : memref<320x128xf32, #tpu.memory_space<vmem>>, vector<16xf32>,
        %parallel_loop3A_1176 = arith.mulf %parallel_loop3A_397, %parallel_loop3A_1175 : vector<16xf32>
        %parallel_loop3A_1177 = arith.constant 16 : i32
        %parallel_loop3A_1178 = arith.addi %parallel_loop3A_1172, %parallel_loop3A_1177 : i32
        %parallel_loop3A_1179 = arith.index_cast %parallel_loop3A_1170 : i32 to index
        %parallel_loop3A_1180 = arith.index_cast %parallel_loop3A_1178 : i32 to index
        %parallel_loop3A_1181 = tpu.vector_load %arg18[%parallel_loop3A_1179, %parallel_loop3A_1180] {strides = array<i32>} : memref<320x128xf32, #tpu.memory_space<vmem>>, vector<16xf32>,
        %parallel_loop3A_1182 = arith.mulf %parallel_loop3A_404, %parallel_loop3A_1181 : vector<16xf32>
        %parallel_loop3A_1183 = arith.addf %parallel_loop3A_1176, %parallel_loop3A_1182 : vector<16xf32>
        %parallel_loop3A_1184 = arith.constant 32 : i32
        %parallel_loop3A_1185 = arith.addi %parallel_loop3A_1172, %parallel_loop3A_1184 : i32
        %parallel_loop3A_1186 = arith.index_cast %parallel_loop3A_1170 : i32 to index
        %parallel_loop3A_1187 = arith.index_cast %parallel_loop3A_1185 : i32 to index
        %parallel_loop3A_1188 = tpu.vector_load %arg18[%parallel_loop3A_1186, %parallel_loop3A_1187] {strides = array<i32>} : memref<320x128xf32, #tpu.memory_space<vmem>>, vector<16xf32>,
        %parallel_loop3A_1189 = arith.mulf %parallel_loop3A_411, %parallel_loop3A_1188 : vector<16xf32>
        %parallel_loop3A_1190 = arith.addf %parallel_loop3A_1183, %parallel_loop3A_1189 : vector<16xf32>
        %parallel_loop3A_1191 = arith.constant 48 : i32
        %parallel_loop3A_1192 = arith.addi %parallel_loop3A_1172, %parallel_loop3A_1191 : i32
        %parallel_loop3A_1193 = arith.index_cast %parallel_loop3A_1170 : i32 to index
        %parallel_loop3A_1194 = arith.index_cast %parallel_loop3A_1192 : i32 to index
        %parallel_loop3A_1195 = tpu.vector_load %arg18[%parallel_loop3A_1193, %parallel_loop3A_1194] {strides = array<i32>} : memref<320x128xf32, #tpu.memory_space<vmem>>, vector<16xf32>,
        %parallel_loop3A_1196 = arith.mulf %parallel_loop3A_418, %parallel_loop3A_1195 : vector<16xf32>
        %parallel_loop3A_1197 = arith.addf %parallel_loop3A_1190, %parallel_loop3A_1196 : vector<16xf32>
        %parallel_loop3A_1198 = arith.constant true
        %parallel_loop3A_1199 = vector.broadcast %parallel_loop3A_1198 : i1 to vector<16xi1>
        %parallel_loop3A_1200 = tpu.scan <sum>, %parallel_loop3A_1197 masked %parallel_loop3A_1199 : vector<16xf32>, vector<16xi1> -> vector<16xf32>
        %parallel_loop3A_1201 = vector.extract %parallel_loop3A_1200[15] : f32 from vector<16xf32>
        %parallel_loop3A_1202 = arith.constant 0.000000e+00 : f32
        %parallel_loop3A_1203 = arith.subf %parallel_loop3A_1202, %parallel_loop3A_1201 : f32
        %parallel_loop3A_1204 = arith.constant 2 : i32
        %parallel_loop3A_1205 = vector.broadcast %parallel_loop3A_1204 : i32 to vector<16xi32>
        %parallel_loop3A_1206 = arith.cmpi eq, %iota3A, %parallel_loop3A_1205 : vector<16xi32>
        %parallel_loop3A_1207 = vector.broadcast %parallel_loop3A_1203 : f32 to vector<16xf32>
        %parallel_loop3A_1208 = arith.select %parallel_loop3A_1206, %parallel_loop3A_1207, %parallel_loop3A_1166 : vector<16xi1>, vector<16xf32>
        %parallel_loop3A_1209 = arith.constant 20 : i32
        %parallel_loop3A_1210 = arith.muli %parallel_loop3A_377, %parallel_loop3A_1209 : i32
        %parallel_loop3A_1211 = arith.constant 18 : i32
        %parallel_loop3A_1212 = arith.addi %parallel_loop3A_1210, %parallel_loop3A_1211 : i32
        %parallel_loop3A_1213 = vector.extract_strided_slice %parallel_loop3A_390 {offsets = [12], sizes = [1], strides = [1]} : vector<16xi32> to vector<1xi32>
        %parallel_loop3A_1214 = vector.extract %parallel_loop3A_1213[0] : i32 from vector<1xi32>
        %parallel_loop3A_1215 = arith.index_cast %parallel_loop3A_1212 : i32 to index
        %parallel_loop3A_1216 = arith.index_cast %parallel_loop3A_1214 : i32 to index
        %parallel_loop3A_1217 = tpu.vector_load %arg18[%parallel_loop3A_1215, %parallel_loop3A_1216] {strides = array<i32>} : memref<320x128xf32, #tpu.memory_space<vmem>>, vector<16xf32>,
        %parallel_loop3A_1218 = arith.mulf %parallel_loop3A_397, %parallel_loop3A_1217 : vector<16xf32>
        %parallel_loop3A_1219 = arith.constant 16 : i32
        %parallel_loop3A_1220 = arith.addi %parallel_loop3A_1214, %parallel_loop3A_1219 : i32
        %parallel_loop3A_1221 = arith.index_cast %parallel_loop3A_1212 : i32 to index
        %parallel_loop3A_1222 = arith.index_cast %parallel_loop3A_1220 : i32 to index
        %parallel_loop3A_1223 = tpu.vector_load %arg18[%parallel_loop3A_1221, %parallel_loop3A_1222] {strides = array<i32>} : memref<320x128xf32, #tpu.memory_space<vmem>>, vector<16xf32>,
        %parallel_loop3A_1224 = arith.mulf %parallel_loop3A_404, %parallel_loop3A_1223 : vector<16xf32>
        %parallel_loop3A_1225 = arith.addf %parallel_loop3A_1218, %parallel_loop3A_1224 : vector<16xf32>
        %parallel_loop3A_1226 = arith.constant 32 : i32
        %parallel_loop3A_1227 = arith.addi %parallel_loop3A_1214, %parallel_loop3A_1226 : i32
        %parallel_loop3A_1228 = arith.index_cast %parallel_loop3A_1212 : i32 to index
        %parallel_loop3A_1229 = arith.index_cast %parallel_loop3A_1227 : i32 to index
        %parallel_loop3A_1230 = tpu.vector_load %arg18[%parallel_loop3A_1228, %parallel_loop3A_1229] {strides = array<i32>} : memref<320x128xf32, #tpu.memory_space<vmem>>, vector<16xf32>,
        %parallel_loop3A_1231 = arith.mulf %parallel_loop3A_411, %parallel_loop3A_1230 : vector<16xf32>
        %parallel_loop3A_1232 = arith.addf %parallel_loop3A_1225, %parallel_loop3A_1231 : vector<16xf32>
        %parallel_loop3A_1233 = arith.constant 48 : i32
        %parallel_loop3A_1234 = arith.addi %parallel_loop3A_1214, %parallel_loop3A_1233 : i32
        %parallel_loop3A_1235 = arith.index_cast %parallel_loop3A_1212 : i32 to index
        %parallel_loop3A_1236 = arith.index_cast %parallel_loop3A_1234 : i32 to index
        %parallel_loop3A_1237 = tpu.vector_load %arg18[%parallel_loop3A_1235, %parallel_loop3A_1236] {strides = array<i32>} : memref<320x128xf32, #tpu.memory_space<vmem>>, vector<16xf32>,
        %parallel_loop3A_1238 = arith.mulf %parallel_loop3A_418, %parallel_loop3A_1237 : vector<16xf32>
        %parallel_loop3A_1239 = arith.addf %parallel_loop3A_1232, %parallel_loop3A_1238 : vector<16xf32>
        %parallel_loop3A_1240 = arith.constant true
        %parallel_loop3A_1241 = vector.broadcast %parallel_loop3A_1240 : i1 to vector<16xi1>
        %parallel_loop3A_1242 = tpu.scan <sum>, %parallel_loop3A_1239 masked %parallel_loop3A_1241 : vector<16xf32>, vector<16xi1> -> vector<16xf32>
        %parallel_loop3A_1243 = vector.extract %parallel_loop3A_1242[15] : f32 from vector<16xf32>
        %parallel_loop3A_1244 = arith.constant 0.000000e+00 : f32
        %parallel_loop3A_1245 = arith.subf %parallel_loop3A_1244, %parallel_loop3A_1243 : f32
        %parallel_loop3A_1246 = arith.constant 3 : i32
        %parallel_loop3A_1247 = vector.broadcast %parallel_loop3A_1246 : i32 to vector<16xi32>
        %parallel_loop3A_1248 = arith.cmpi eq, %iota3A, %parallel_loop3A_1247 : vector<16xi32>
        %parallel_loop3A_1249 = vector.broadcast %parallel_loop3A_1245 : f32 to vector<16xf32>
        %parallel_loop3A_1250 = arith.select %parallel_loop3A_1248, %parallel_loop3A_1249, %parallel_loop3A_1208 : vector<16xi1>, vector<16xf32>
        %parallel_loop3A_1251 = arith.constant 20 : i32
        %parallel_loop3A_1252 = arith.muli %parallel_loop3A_377, %parallel_loop3A_1251 : i32
        %parallel_loop3A_1253 = arith.constant 19 : i32
        %parallel_loop3A_1254 = arith.addi %parallel_loop3A_1252, %parallel_loop3A_1253 : i32
        %parallel_loop3A_1255 = vector.extract_strided_slice %parallel_loop3A_390 {offsets = [13], sizes = [1], strides = [1]} : vector<16xi32> to vector<1xi32>
        %parallel_loop3A_1256 = vector.extract %parallel_loop3A_1255[0] : i32 from vector<1xi32>
        %parallel_loop3A_1257 = arith.index_cast %parallel_loop3A_1254 : i32 to index
        %parallel_loop3A_1258 = arith.index_cast %parallel_loop3A_1256 : i32 to index
        %parallel_loop3A_1259 = tpu.vector_load %arg18[%parallel_loop3A_1257, %parallel_loop3A_1258] {strides = array<i32>} : memref<320x128xf32, #tpu.memory_space<vmem>>, vector<16xf32>,
        %parallel_loop3A_1260 = arith.mulf %parallel_loop3A_397, %parallel_loop3A_1259 : vector<16xf32>
        %parallel_loop3A_1261 = arith.constant 16 : i32
        %parallel_loop3A_1262 = arith.addi %parallel_loop3A_1256, %parallel_loop3A_1261 : i32
        %parallel_loop3A_1263 = arith.index_cast %parallel_loop3A_1254 : i32 to index
        %parallel_loop3A_1264 = arith.index_cast %parallel_loop3A_1262 : i32 to index
        %parallel_loop3A_1265 = tpu.vector_load %arg18[%parallel_loop3A_1263, %parallel_loop3A_1264] {strides = array<i32>} : memref<320x128xf32, #tpu.memory_space<vmem>>, vector<16xf32>,
        %parallel_loop3A_1266 = arith.mulf %parallel_loop3A_404, %parallel_loop3A_1265 : vector<16xf32>
        %parallel_loop3A_1267 = arith.addf %parallel_loop3A_1260, %parallel_loop3A_1266 : vector<16xf32>
        %parallel_loop3A_1268 = arith.constant 32 : i32
        %parallel_loop3A_1269 = arith.addi %parallel_loop3A_1256, %parallel_loop3A_1268 : i32
        %parallel_loop3A_1270 = arith.index_cast %parallel_loop3A_1254 : i32 to index
        %parallel_loop3A_1271 = arith.index_cast %parallel_loop3A_1269 : i32 to index
        %parallel_loop3A_1272 = tpu.vector_load %arg18[%parallel_loop3A_1270, %parallel_loop3A_1271] {strides = array<i32>} : memref<320x128xf32, #tpu.memory_space<vmem>>, vector<16xf32>,
        %parallel_loop3A_1273 = arith.mulf %parallel_loop3A_411, %parallel_loop3A_1272 : vector<16xf32>
        %parallel_loop3A_1274 = arith.addf %parallel_loop3A_1267, %parallel_loop3A_1273 : vector<16xf32>
        %parallel_loop3A_1275 = arith.constant 48 : i32
        %parallel_loop3A_1276 = arith.addi %parallel_loop3A_1256, %parallel_loop3A_1275 : i32
        %parallel_loop3A_1277 = arith.index_cast %parallel_loop3A_1254 : i32 to index
        %parallel_loop3A_1278 = arith.index_cast %parallel_loop3A_1276 : i32 to index
        %parallel_loop3A_1279 = tpu.vector_load %arg18[%parallel_loop3A_1277, %parallel_loop3A_1278] {strides = array<i32>} : memref<320x128xf32, #tpu.memory_space<vmem>>, vector<16xf32>,
        %parallel_loop3A_1280 = arith.mulf %parallel_loop3A_418, %parallel_loop3A_1279 : vector<16xf32>
        %parallel_loop3A_1281 = arith.addf %parallel_loop3A_1274, %parallel_loop3A_1280 : vector<16xf32>
        %parallel_loop3A_1282 = arith.constant true
        %parallel_loop3A_1283 = vector.broadcast %parallel_loop3A_1282 : i1 to vector<16xi1>
        %parallel_loop3A_1284 = tpu.scan <sum>, %parallel_loop3A_1281 masked %parallel_loop3A_1283 : vector<16xf32>, vector<16xi1> -> vector<16xf32>
        %parallel_loop3A_1285 = vector.extract %parallel_loop3A_1284[15] : f32 from vector<16xf32>
        %parallel_loop3A_1286 = arith.constant 0.000000e+00 : f32
        %parallel_loop3A_1287 = arith.subf %parallel_loop3A_1286, %parallel_loop3A_1285 : f32
        %parallel_loop3A_1288 = arith.constant 4 : i32
        %parallel_loop3A_1289 = vector.broadcast %parallel_loop3A_1288 : i32 to vector<16xi32>
        %parallel_loop3A_1290 = arith.cmpi eq, %iota3A, %parallel_loop3A_1289 : vector<16xi32>
        %parallel_loop3A_1291 = vector.broadcast %parallel_loop3A_1287 : f32 to vector<16xf32>
        %parallel_loop3A_1292 = arith.select %parallel_loop3A_1290, %parallel_loop3A_1291, %parallel_loop3A_1250 : vector<16xi1>, vector<16xf32>
        %parallel_loop3A_1293 = arith.constant 32 : i32
        %parallel_loop3A_1294 = arith.muli %parallel_loop3A_377, %parallel_loop3A_1293 : i32
        %parallel_loop3A_1295 = arith.index_cast %parallel_loop3A_1294 : i32 to index
        %parallel_loop3A_1296 = tpu.vector_load %arg19[%parallel_loop3A_1295] {strides = array<i32>} : memref<512xf32, #tpu.memory_space<vmem>>, vector<16xf32>,
        tpu.vector_store %arg19[%parallel_loop3A_1295], %parallel_loop3A_1080 {strides = array<i32>} : memref<512xf32, #tpu.memory_space<vmem>>, vector<16xf32>,
        %parallel_loop3A_1297 = arith.constant 32 : i32
        %parallel_loop3A_1298 = arith.muli %parallel_loop3A_377, %parallel_loop3A_1297 : i32
        %parallel_loop3A_1299 = arith.constant 16 : i32
        %parallel_loop3A_1300 = arith.addi %parallel_loop3A_1298, %parallel_loop3A_1299 : i32
        %parallel_loop3A_1301 = arith.index_cast %parallel_loop3A_1300 : i32 to index
        %parallel_loop3A_1302 = tpu.vector_load %arg19[%parallel_loop3A_1301] {strides = array<i32>} : memref<512xf32, #tpu.memory_space<vmem>>, vector<16xf32>,
        tpu.vector_store %arg19[%parallel_loop3A_1301], %parallel_loop3A_1292 {strides = array<i32>} : memref<512xf32, #tpu.memory_space<vmem>>, vector<16xf32>,
      } {sc.loop_unroll_factor = 2 : i64, sc.parallel_access}
      %mul3A_370 = arith.constant 512 : i32
      %mul3A_371 = arith.muli %add3A, %mul3A_370 : i32
      %mul3A_372 = arith.constant 16 : i32
      %mul3A_373 = arith.muli %add3A_366, %mul3A_372 : i32
      %add3A_374 = arith.addi %mul3A_371, %mul3A_373 : i32
      %mul3A_375 = arith.constant 32 : i32
      %mul3A_376 = arith.muli %add3A_374, %mul3A_375 : i32
      "tpu.region"() ({
        %run_scoped3A = tpu.sem_alloc : memref<!tpu.dma_semaphore, #tpu.memory_space<semaphore_mem>>
        %dma_start3A_377 = tpu.memref_slice %arg8[%mul3A_376] : memref<524288xf32, #tpu.memory_space<hbm>> -> memref<512xf32, #tpu.memory_space<hbm>>
        %dma_start3A_378 = tpu.memref_slice %arg8[%mul3A_376] : memref<524288xf32, #tpu.memory_space<hbm>> -> memref<512xf32, #tpu.memory_space<hbm>>
        tpu.enqueue_dma source(%arg19 : memref<512xf32, #tpu.memory_space<vmem>>) target(%dma_start3A_378 : memref<512xf32, #tpu.memory_space<hbm>>) target_semaphore(%run_scoped3A : memref<!tpu.dma_semaphore, #tpu.memory_space<semaphore_mem>>)
        %dma_wait3A_379 = tpu.memref_slice %arg8[%mul3A_376] : memref<524288xf32, #tpu.memory_space<hbm>> -> memref<512xf32, #tpu.memory_space<hbm>>
        %dma_wait3A_380 = tpu.memref_slice %arg8[%mul3A_376] : memref<524288xf32, #tpu.memory_space<hbm>> -> memref<512xf32, #tpu.memory_space<hbm>>
        tpu.wait_dma2 semaphore(%run_scoped3A : memref<!tpu.dma_semaphore, #tpu.memory_space<semaphore_mem>>) src(%arg19 : memref<512xf32, #tpu.memory_space<vmem>>) dst(%dma_wait3A_380 : memref<512xf32, #tpu.memory_space<hbm>>)
        tpu.yield
      }) : () -> ()
    }
    %scan3A_64 = arith.constant 16 : i32
    %dma_wait3A = arith.constant 0 : i32
    %dma_wait3A_65 = tpu.memref_slice %arg9[%dma_wait3A] : memref<512xi32, #tpu.memory_space<vmem>> -> memref<16xi32, #tpu.memory_space<vmem>>
    %dma_wait3A_66 = arith.constant 0 : i32
    %dma_wait3A_67 = arith.constant 0 : i32
    %dma_wait3A_68 = tpu.memref_slice %arg6[%dma_wait3A_66, %dma_wait3A_67] : memref<500000x128xf32, #tpu.memory_space<hbm>> -> memref<500000x128xf32, #tpu.memory_space<hbm>>
    tpu.wait_indirect_dma semaphore(%arg20 : memref<!tpu.dma_semaphore, #tpu.memory_space<semaphore_mem>>) src(%dma_wait3A_68 : memref<500000x128xf32, #tpu.memory_space<hbm>>) dst(%arg13 : memref<16x128xf32, #tpu.memory_space<vmem>>)
    %dma_wait3A_69 = arith.constant 0 : i32
    %dma_wait3A_70 = tpu.memref_slice %arg10[%dma_wait3A_69] : memref<512xi32, #tpu.memory_space<vmem>> -> memref<16xi32, #tpu.memory_space<vmem>>
    %dma_wait3A_71 = arith.constant 0 : i32
    %dma_wait3A_72 = arith.constant 0 : i32
    %dma_wait3A_73 = tpu.memref_slice %arg7[%dma_wait3A_71, %dma_wait3A_72] : memref<500000x128xf32, #tpu.memory_space<hbm>> -> memref<500000x128xf32, #tpu.memory_space<hbm>>
    tpu.wait_indirect_dma semaphore(%arg20 : memref<!tpu.dma_semaphore, #tpu.memory_space<semaphore_mem>>) src(%dma_wait3A_73 : memref<500000x128xf32, #tpu.memory_space<hbm>>) dst(%arg14 : memref<16x128xf32, #tpu.memory_space<vmem>>)
    %dma_wait3A_74 = arith.constant 0 : i32
    %dma_wait3A_75 = arith.constant 0 : i32
    %dma_wait3A_76 = tpu.memref_slice %arg15[%dma_wait3A_74, %dma_wait3A_75] : memref<320x128xf32, #tpu.memory_space<vmem>> -> memref<64x128xf32, #tpu.memory_space<vmem>>
    %dma_wait3A_77 = arith.constant 0 : i32
    %dma_wait3A_78 = tpu.memref_slice %arg11[%dma_wait3A_77] : memref<10240xi32, #tpu.memory_space<vmem>> -> memref<64xi32, #tpu.memory_space<vmem>>
    %dma_wait3A_79 = arith.constant 0 : i32
    %dma_wait3A_80 = arith.constant 0 : i32
    %dma_wait3A_81 = tpu.memref_slice %arg7[%dma_wait3A_79, %dma_wait3A_80] : memref<500000x128xf32, #tpu.memory_space<hbm>> -> memref<500000x128xf32, #tpu.memory_space<hbm>>
    tpu.wait_indirect_dma semaphore(%arg20 : memref<!tpu.dma_semaphore, #tpu.memory_space<semaphore_mem>>) src(%dma_wait3A_81 : memref<500000x128xf32, #tpu.memory_space<hbm>>) dst(%dma_wait3A_76 : memref<64x128xf32, #tpu.memory_space<vmem>>)
    %dma_wait3A_82 = arith.constant 64 : i32
    %dma_wait3A_83 = arith.constant 0 : i32
    %dma_wait3A_84 = tpu.memref_slice %arg15[%dma_wait3A_82, %dma_wait3A_83] : memref<320x128xf32, #tpu.memory_space<vmem>> -> memref<64x128xf32, #tpu.memory_space<vmem>>
    %dma_wait3A_85 = arith.constant 0 : i32
    %dma_wait3A_86 = tpu.memref_slice %arg11[%dma_wait3A_85] : memref<10240xi32, #tpu.memory_space<vmem>> -> memref<64xi32, #tpu.memory_space<vmem>>
    %dma_wait3A_87 = arith.constant 0 : i32
    %dma_wait3A_88 = arith.constant 0 : i32
    %dma_wait3A_89 = tpu.memref_slice %arg7[%dma_wait3A_87, %dma_wait3A_88] : memref<500000x128xf32, #tpu.memory_space<hbm>> -> memref<500000x128xf32, #tpu.memory_space<hbm>>
    tpu.wait_indirect_dma semaphore(%arg20 : memref<!tpu.dma_semaphore, #tpu.memory_space<semaphore_mem>>) src(%dma_wait3A_89 : memref<500000x128xf32, #tpu.memory_space<hbm>>) dst(%dma_wait3A_84 : memref<64x128xf32, #tpu.memory_space<vmem>>)
    %dma_wait3A_90 = arith.constant 128 : i32
    %dma_wait3A_91 = arith.constant 0 : i32
    %dma_wait3A_92 = tpu.memref_slice %arg15[%dma_wait3A_90, %dma_wait3A_91] : memref<320x128xf32, #tpu.memory_space<vmem>> -> memref<64x128xf32, #tpu.memory_space<vmem>>
    %dma_wait3A_93 = arith.constant 0 : i32
    %dma_wait3A_94 = tpu.memref_slice %arg11[%dma_wait3A_93] : memref<10240xi32, #tpu.memory_space<vmem>> -> memref<64xi32, #tpu.memory_space<vmem>>
    %dma_wait3A_95 = arith.constant 0 : i32
    %dma_wait3A_96 = arith.constant 0 : i32
    %dma_wait3A_97 = tpu.memref_slice %arg7[%dma_wait3A_95, %dma_wait3A_96] : memref<500000x128xf32, #tpu.memory_space<hbm>> -> memref<500000x128xf32, #tpu.memory_space<hbm>>
    tpu.wait_indirect_dma semaphore(%arg20 : memref<!tpu.dma_semaphore, #tpu.memory_space<semaphore_mem>>) src(%dma_wait3A_97 : memref<500000x128xf32, #tpu.memory_space<hbm>>) dst(%dma_wait3A_92 : memref<64x128xf32, #tpu.memory_space<vmem>>)
    %dma_wait3A_98 = arith.constant 192 : i32
    %dma_wait3A_99 = arith.constant 0 : i32
    %dma_wait3A_100 = tpu.memref_slice %arg15[%dma_wait3A_98, %dma_wait3A_99] : memref<320x128xf32, #tpu.memory_space<vmem>> -> memref<64x128xf32, #tpu.memory_space<vmem>>
    %dma_wait3A_101 = arith.constant 0 : i32
    %dma_wait3A_102 = tpu.memref_slice %arg11[%dma_wait3A_101] : memref<10240xi32, #tpu.memory_space<vmem>> -> memref<64xi32, #tpu.memory_space<vmem>>
    %dma_wait3A_103 = arith.constant 0 : i32
    %dma_wait3A_104 = arith.constant 0 : i32
    %dma_wait3A_105 = tpu.memref_slice %arg7[%dma_wait3A_103, %dma_wait3A_104] : memref<500000x128xf32, #tpu.memory_space<hbm>> -> memref<500000x128xf32, #tpu.memory_space<hbm>>
    tpu.wait_indirect_dma semaphore(%arg20 : memref<!tpu.dma_semaphore, #tpu.memory_space<semaphore_mem>>) src(%dma_wait3A_105 : memref<500000x128xf32, #tpu.memory_space<hbm>>) dst(%dma_wait3A_100 : memref<64x128xf32, #tpu.memory_space<vmem>>)
    %dma_wait3A_106 = arith.constant 256 : i32
    %dma_wait3A_107 = arith.constant 0 : i32
    %dma_wait3A_108 = tpu.memref_slice %arg15[%dma_wait3A_106, %dma_wait3A_107] : memref<320x128xf32, #tpu.memory_space<vmem>> -> memref<64x128xf32, #tpu.memory_space<vmem>>
    %dma_wait3A_109 = arith.constant 0 : i32
    %dma_wait3A_110 = tpu.memref_slice %arg11[%dma_wait3A_109] : memref<10240xi32, #tpu.memory_space<vmem>> -> memref<64xi32, #tpu.memory_space<vmem>>
    %dma_wait3A_111 = arith.constant 0 : i32
    %dma_wait3A_112 = arith.constant 0 : i32
    %dma_wait3A_113 = tpu.memref_slice %arg7[%dma_wait3A_111, %dma_wait3A_112] : memref<500000x128xf32, #tpu.memory_space<hbm>> -> memref<500000x128xf32, #tpu.memory_space<hbm>>
    tpu.wait_indirect_dma semaphore(%arg20 : memref<!tpu.dma_semaphore, #tpu.memory_space<semaphore_mem>>) src(%dma_wait3A_113 : memref<500000x128xf32, #tpu.memory_space<hbm>>) dst(%dma_wait3A_108 : memref<64x128xf32, #tpu.memory_space<vmem>>)
    return
  }
}

module attributes {stable_mosaic.version = 14 : i64} {
  func.func @_loss_body(%arg0: memref<4096x128xf32, #tpu.memory_space<vmem>>, %arg1: memref<1x1xf32, #tpu.memory_space<smem>>) attributes {dimension_semantics = [], scalar_prefetch = 0 : i64, scratch_operands = 0 : i64, tpu.core_type = #tpu.core_type<tc>} {
    %get3A = arith.constant 0 : index
    %get3A_0 = arith.constant 0 : index
    %get3A_1 = vector.load %arg0[%get3A, %get3A_0] : memref<4096x128xf32, #tpu.memory_space<vmem>>, vector<4096x128xf32>
    %jit3A = arith.constant -1.000000e+01 : f32
    %jit3A_2 = arith.constant 1.000000e+01 : f32
    %max3A = vector.broadcast %jit3A : f32 to vector<4096x128xf32>
    %max3A_3 = arith.maximumf %max3A, %get3A_1 : vector<4096x128xf32>
    %min3A = vector.broadcast %jit3A_2 : f32 to vector<4096x128xf32>
    %min3A_4 = arith.minimumf %min3A, %max3A_3 : vector<4096x128xf32>
    %min3A_5 = arith.constant 0.000000e+00 : f32
    %min3A_6 = vector.broadcast %min3A_5 : f32 to vector<4096x128xf32>
    %min3A_7 = arith.minimumf %min3A_4, %min3A_6 : vector<4096x128xf32>
    %abs3A = math.absf %min3A_4 : vector<4096x128xf32>
    %neg3A = arith.constant 0.000000e+00 : f32
    %neg3A_8 = vector.broadcast %neg3A : f32 to vector<4096x128xf32>
    %neg3A_9 = arith.subf %neg3A_8, %abs3A : vector<4096x128xf32>
    %exp3A = math.exp %neg3A_9 : vector<4096x128xf32>
    %log1p3A = math.log1p %exp3A : vector<4096x128xf32>
    %sub3A = arith.subf %min3A_7, %log1p3A : vector<4096x128xf32>
    %iota3A = tpu.iota {dimensions = array<i32: 1>} : vector<4096x128xi32>
    %jit3A_10 = arith.constant 32 : i32
    %eq3A = arith.constant 0 : i32
    %eq3A_11 = arith.cmpi eq, %jit3A_10, %eq3A : i32
    %jit3A_12 = arith.constant 1 : i32
    %select_n3A = arith.select %eq3A_11, %jit3A_12, %jit3A_10 : i32
    %rem3A = vector.broadcast %select_n3A : i32 to vector<4096x128xi32>
    %rem3A_13 = arith.remsi %iota3A, %rem3A : vector<4096x128xi32>
    %ne3A = arith.constant 0 : i32
    %ne3A_14 = vector.broadcast %ne3A : i32 to vector<4096x128xi32>
    %ne3A_15 = arith.cmpi ne, %rem3A_13, %ne3A_14 : vector<4096x128xi32>
    %lt3A = arith.constant 0 : i32
    %lt3A_16 = vector.broadcast %lt3A : i32 to vector<4096x128xi32>
    %lt3A_17 = arith.cmpi slt, %rem3A_13, %lt3A_16 : vector<4096x128xi32>
    %lt3A_18 = arith.constant 0 : i32
    %lt3A_19 = arith.cmpi slt, %select_n3A, %lt3A_18 : i32
    %ne3A_20 = vector.broadcast %lt3A_19 : i1 to vector<4096x128xi1>
    %ne3A_21 = vector.broadcast %ne3A_20 : vector<4096x128xi1> to vector<4096x128xi1>
    %ne3A_22 = arith.xori %lt3A_17, %ne3A_21 : vector<4096x128xi1>
    %and3A = arith.andi %ne3A_22, %ne3A_15 : vector<4096x128xi1>
    %add3A = vector.broadcast %select_n3A : i32 to vector<4096x128xi32>
    %add3A_23 = arith.addi %rem3A_13, %add3A : vector<4096x128xi32>
    %select_n3A_24 = arith.select %and3A, %add3A_23, %rem3A_13 : vector<4096x128xi1>, vector<4096x128xi32>
    %lt3A_25 = arith.constant 21 : i32
    %lt3A_26 = vector.broadcast %lt3A_25 : i32 to vector<4096x128xi32>
    %lt3A_27 = arith.cmpi slt, %select_n3A_24, %lt3A_26 : vector<4096x128xi32>
    %jit3A_28 = arith.constant 0.000000e+00 : f32
    %broadcast_in_dim3A = vector.broadcast %jit3A_28 : f32 to vector<4096x128xf32>
    %select_n3A_29 = arith.select %lt3A_27, %sub3A, %broadcast_in_dim3A : vector<4096x128xi1>, vector<4096x128xf32>
    %reduce_sum3A = vector.shape_cast %select_n3A_29 : vector<4096x128xf32> to vector<1x4096x128xf32>
    %reduce_sum3A_30 = arith.constant dense<0.000000e+00> : vector<1xf32>
    %reduce_sum3A_31 = vector.multi_reduction <add>, %reduce_sum3A, %reduce_sum3A_30 [1, 2] : vector<1x4096x128xf32> to vector<1xf32>
    %reduce_sum3A_32 = vector.shape_cast %reduce_sum3A_31 : vector<1xf32> to vector<1x1x1xf32>
    %reduce_sum3A_33 = vector.extract %reduce_sum3A_32[0, 0, 0] : f32 from vector<1x1x1xf32>
    %neg3A_34 = arith.constant 0.000000e+00 : f32
    %neg3A_35 = arith.subf %neg3A_34, %reduce_sum3A_33 : f32
    %mul3A = arith.constant 6.10351563E-5 : f32
    %mul3A_36 = arith.mulf %neg3A_35, %mul3A : f32
    %swap3A = arith.constant 0 : index
    %swap3A_37 = arith.constant 0 : index
    %swap3A_38 = memref.load %arg1[%swap3A, %swap3A_37] : memref<1x1xf32, #tpu.memory_space<smem>>
    memref.store %mul3A_36, %arg1[%swap3A, %swap3A_37] : memref<1x1xf32, #tpu.memory_space<smem>>
    return
  }
}

</mosaic_0001>

<sc_bundles>
// kernel: kernel.4.cloned.1.call-start
scs
__scs_entry_jumppad:
0x0: {  	(pc) =	sbr.rel $0x88, $3  }
0x1: {  	(tag) =	ssettag $0x0;
	lr =	simm.s32 $0x1  }
0x2: {  	[smem:$0x3F9C] =	sst lr;
	_ =	strace $0xD0000000  }
0x3: {  	_ = 	snop  }
0x4: {  	_ = 	snop  }
0x5: {  	_ = 	snop  }
0x6: {  	_ = 	snop  }
0x7: {  	_ = 	snop  }
__scs_overlays_trampoline_lowered:
0x8: {  	[smem:$0x3FAB] =	sst s0  }
0x9: {  	[smem:$0x3FAC] =	sst s1  }
0xa: {  	[smem:$0x3FAD] =	sst s2  }
0xb: {  	[smem:$0x3FAE] =	sst s3  }
0xc: {  	[smem:$0x3FAF] =	sst s4  }
0xd: {  	[smem:$0x3FB0] =	sst s5  }
0xe: {  	[smem:$0x3FB1] =	sst s6  }
0xf: {  	[smem:$0x3FB2] =	sst s7  }
0x10: {  	[smem:$0x3FB3] =	sst s8  }
0x11: {  	[smem:$0x3FB4] =	sst s9;
	s0 =	simm.s32 @!p0 $0x0  }
0x12: {  	s1 =	sld [smem:$0x3F9A];
	s0 =	simm.s32 @p0 $0x1  }
0x13: {  	[smem:$0x3FB5] =	sst s0;
	s0 =	simm.s32 @!p1 $0x0  }
0x14: {  	s2 =	sld [smem:$0x3F99];
	s0 =	simm.s32 @p1 $0x1  }
0x15: {  	[smem:$0x3FB6] =	sst s0;
	s0 =	simm.s32 @!p2 $0x0  }
0x16: {  	s3 =	sld [smem:$0x3FDB];
	s0 =	simm.s32 @p2 $0x1  }
0x17: {  	s4 =	simm.s32 $0x1BF5;
	[smem:$0x3FB8] =	sst s0  }
0x18: {  	s0 =	sld [smem:$0x3F9B];
	_ =	swait.ge [sflag:s4], $0x0  }
0x19: {  	s7 =	sld [smem:$0x3F9C]  }
0x1a: {  	s8 =	sadd.s32 $0xFFFFE003, lr  }
0x1b: {  	s9 =	sadd.s32 $0xFFFFFEF7, lr;
	s5 =	simm.s32 $0xFFFFFFFF;
	p2 =	slt.u32 s8, $0xFFFFF086  }
0x1c: {  	p1 =	slt.u32 s9, $0xF7A;
	s5 =	simm.s32 @!p2 $0x0  }
0x1d: {  	s5 =	simm.s32 @p1 $0x1;
	p0 =	seq.s32 s7, s2  }
0x1e: {  	s7 =	smul.u32 @!p0 $0xF7A, s2;
	p2 =	seq.s32 @!p0 s5, $0x0  }
0x1f: {  	s9 =	smul.u32 $0xF7A, s1;
	s8 =	simm.s32 @!p0 $0x1BF5;
	p2 =	por !p2, p0  }
0x20: {  	[sflag:s8] =	ssyncset.s32 @!p0 $0xFFFFF086;
	s6 =	sadd.s32 @!p0 s3, s7;
	s7 =	simm.s32 @!p0 $0x108  }
0x21: {  	s3 =	sadd.s32 s3, s9;
	s6 =	sadd.s32 @!p0 $0x88, s6;
	s7 =	simm.s32 @p2 $0x1082  }
0x22: {  	[simem:s7], [sflag:s8] =	dma.local @!p0 [hbm:s6], $0xF7A  }
0x23: {  	s9 =	sor.u32 $0xD0000000, s2;
	s6 =	simm.s32 $0x108;
	_ =	swait.ge @!p0 [sflag:s8], $0x0  }
0x24: {  	s3 =	sadd.s32 $0x88, s3;
	s6 =	simm.s32 @!p1 $0x1082;
	[sflag:s4] =	ssyncset.s32 $0xFFFFF086  }
0x25: {  	[simem:s6], [sflag:s4] =	dma.local [hbm:s3], $0xF7A  }
0x26: {  	[smem:$0x3F9C] =	sst s1;
	(tag) =	ssettag s2;
	_ =	strace s9  }
0x27: {  	s1 =	sld [smem:$0x3FAC]  }
0x28: {  	s2 =	sld [smem:$0x3FAD]  }
0x29: {  	s4 =	sld [smem:$0x3FAF]  }
0x2a: {  	p0 =	seq.s32 s5, $0x0;
	s5 =	sld [smem:$0x3FB0]  }
0x2b: {  	s6 =	sld [smem:$0x3FB1]  }
0x2c: {  	s7 =	sld [smem:$0x3FB2]  }
0x2d: {  	s3 =	simm.s32 $0x108;
	s8 =	sld [smem:$0x3FB3]  }
0x2e: {  	s3 =	simm.s32 @!p0 $0x1082;
	s9 =	sld [smem:$0x3FB4]  }
0x2f: {  	lr =	sadd.s32 s0, s3;
	s0 =	sld [smem:$0x3FAB]  }
0x30: {  	s3 =	sld [smem:$0x3FAE]  }
0x31: {  	[smem:$0x3FB7] =	sst s10  }
0x32: {  	s10 =	sld [smem:$0x3FB5];
	_ =	sdelay $0x3  }
0x33: {  	p0 =	seq.s32 s10, $0x1;
	s10 =	sld [smem:$0x3FB7];
	_ =	sdelay $0x3  }
0x34: {  	[smem:$0x3FB7] =	sst s10  }
0x35: {  	s10 =	sld [smem:$0x3FB6];
	_ =	sdelay $0x3  }
0x36: {  	p1 =	seq.s32 s10, $0x1;
	s10 =	sld [smem:$0x3FB7];
	_ =	sdelay $0x3  }
0x37: {  	[smem:$0x3FB7] =	sst s10  }
0x38: {  	s10 =	sld [smem:$0x3FB8]  }
0x39: {  	_ = 	snop;
	(pc) =	sbr.ind lr, $3  }
0x3a: {  	_ = 	snop  }
0x3b: {  	_ = 	snop  }
0x3c: {  	p2 =	seq.s32 s10, $0x1;
	s10 =	sld [smem:$0x3FB7]  }
0x3d: {  	_ =	shalt  }
0x3e: {  	_ =	shalt  }
0x3f: {  	_ =	shalt  }
0x40: {  	_ =	shalt  }
0x41: {  	_ =	shalt  }
0x42: {  	_ =	shalt  }
0x43: {  	_ =	shalt  }
0x44: {  	_ =	shalt  }
0x45: {  	_ =	shalt  }
0x46: {  	_ =	shalt  }
0x47: {  	_ =	shalt  }
0x48: {  	_ =	shalt  }
0x49: {  	_ =	shalt  }
0x4a: {  	_ =	shalt  }
0x4b: {  	_ =	shalt  }
0x4c: {  	_ =	shalt  }
0x4d: {  	_ =	shalt  }
0x4e: {  	_ =	shalt  }
0x4f: {  	_ =	shalt  }
0x50: {  	_ =	shalt  }
0x51: {  	_ =	shalt  }
0x52: {  	_ =	shalt  }
0x53: {  	_ =	shalt  }
0x54: {  	_ =	shalt  }
0x55: {  	_ =	shalt  }
0x56: {  	_ =	shalt  }
0x57: {  	_ =	shalt  }
0x58: {  	_ =	shalt  }
0x59: {  	_ =	shalt  }
0x5a: {  	_ =	shalt  }
0x5b: {  	_ =	shalt  }
0x5c: {  	_ =	shalt  }
0x5d: {  	_ =	shalt  }
0x5e: {  	_ =	shalt  }
0x5f: {  	_ =	shalt  }
0x60: {  	_ =	shalt  }
0x61: {  	_ =	shalt  }
0x62: {  	_ =	shalt  }
0x63: {  	_ =	shalt  }
0x64: {  	_ =	shalt  }
0x65: {  	_ =	shalt  }
0x66: {  	_ =	shalt  }
0x67: {  	_ =	shalt  }
0x68: {  	_ =	shalt  }
0x69: {  	_ =	shalt  }
0x6a: {  	_ =	shalt  }
0x6b: {  	_ =	shalt  }
0x6c: {  	_ =	shalt  }
0x6d: {  	_ =	shalt  }
0x6e: {  	_ =	shalt  }
0x6f: {  	_ =	shalt  }
0x70: {  	_ =	shalt  }
0x71: {  	_ =	shalt  }
0x72: {  	_ =	shalt  }
0x73: {  	_ =	shalt  }
0x74: {  	_ =	shalt  }
0x75: {  	_ =	shalt  }
0x76: {  	_ =	shalt  }
0x77: {  	_ =	shalt  }
0x78: {  	_ =	shalt  }
0x79: {  	_ =	shalt  }
0x7a: {  	_ =	shalt  }
0x7b: {  	_ =	shalt  }
0x7c: {  	_ =	shalt  }
0x7d: {  	_ =	shalt  }
0x7e: {  	_ =	shalt  }
0x7f: {  	_ =	shalt  }
0x80: {  	_ =	shalt  }
0x81: {  	_ =	shalt  }
0x82: {  	_ =	shalt  }
0x83: {  	_ =	shalt  }
0x84: {  	_ =	shalt  }
0x85: {  	_ =	shalt  }
0x86: {  	_ =	shalt  }
0x87: {  	_ =	shalt  }
.Lfunc_end0:
.L_simem_size_0:
called_computation_lowered:
.L_overlay_start_0:
0x88: {  	s2 =	sld [smem:$0x3FD9]  }
0x89: {  	s3 =	sld [smem:$0x3FFE];
	_ =	sdelay $0x1  }
0x8a: {  	s1 =	srdreg.scid  }
0x8b: {  	s0 =	sand.u32 $0x1, s1  }
0x8c: {  	s16 =	sshll.u32 s0, $0xA;
	s2 =	sadd.s32 s3, s2  }
0x8d: {  	s2 =	sadd.s32 s2, s16  }
0x8e: {  	[smem:$0x3FC3] =	sst s2  }
0x8f: {  	_ = 	snop  }
0x90: {  	(tm) =	ssettm $0x1  }
0x91: {  	s17 =	sld [smem:$0x3FFB];
	_ =	sdelay $0x3  }
0x92: {  	_ =	strace s17  }
0x93: {  	s2 =	sld [smem:$0x3FFC];
	_ =	sdelay $0x3  }
0x94: {  	_ =	strace s2  }
0x95: {  	s2 =	sld [smem:$0x3FFD];
	_ =	sdelay $0x3  }
0x96: {  	_ =	strace s2  }
0x97: {  	_ =	strace $0x8FFFFFFF  }
0x98: {  	s18 =	sld [smem:$0x3FDB];
	_ =	sdelay $0x1  }
0x99: {  	s19 =	simm.s32 $_scs_section_size  }
0x9a: {  	s4 =	simm.s32 $_size__tile_overlayer_lowered;
	s5 =	simm.s32 $_tile_overlayer_lowered  }
0x9b: {  	s22 =	simm.s32 $0x1BFF;
	s21 =	sshll.u32 s5, $0x1;
	s2 =	sadd.s32 s19, s18  }
0x9c: {  	s6 =	simm.s32 $0x0;
	s20 =	sshll.u32 s4, $0x1;
	s4 =	sadd.s32 s21, s2  }
0x9d: {  	[timem:s6], [sflag:s22] =	dma.local [hbm:s4], s20  }
0x9e: {  	_ =	swait.ge [sflag:s22], s20  }
0x9f: {  	s3 =	ssub.s32 $0x0, s20;
	[sflag:s22] =	ssyncset.done $0x0  }
0xa0: {  	[sflag:s22] =	ssyncadd.s32 s3;
	_ =	sdelay $0x1  }
0xa1: {  	s23 =	simm.s32 $0x1B8B  }
0xa2: {  	_ =	swait.ge [sflag:s23], $0x1  }
0xa3: {  	[sflag:s23] =	ssyncset.done $0x0  }
0xa4: {  	s25 =	simm.s32 $0x1B8E;
	s24 =	sld [smem:$0x3FFE];
	[sflag:s23] =	ssyncadd.s32 $0xFFFFFFFF  }
0xa5: {  	s26 =	simm.s32 $execute0_lowered;
	[smem:$0x3FD2] =	sst s25  }
0xa6: {  	s4 =	sshll.u32 s26, $0x1;
	_ =	strace $0x80000046;
	[dreg:$0x1] =	wrdreg $0xFFFFFFFF  }
0xa7: {  	s28 =	simm.s32 $_size_execute0_lowered;
	s2 =	sadd.s32 s2, s4;
	[dreg:$0x0] =	wrdreg $0x0  }
0xa8: {  	s4 =	sshll.u32 s28, $0x1;
	[dreg:$0x2] =	wrdreg s2  }
0xa9: {  	[dreg:$0x3] =	wrdreg s4  }
0xaa: {  	[dreg:$0x4] =	wrdreg $0xC0  }
0xab: {  	_ =	task [dreg:s6], $0x5FFFF  }
0xac: {  	[dreg:$0x1] =	wrdreg $0xFFFFFFFF  }
0xad: {  	[dreg:$0x0] =	wrdreg $0x60  }
0xae: {  	[dreg:$0x2] =	wrdreg s24  }
0xaf: {  	[dreg:$0x3] =	wrdreg $0x9  }
0xb0: {  	_ =	task.clear_ibuf [dreg:s6], $0x4FFFF;
	_ =	strace $0x90000046  }
0xb1: {  	s29 =	simm.s32 $0x9;
	_ =	strace $0x80000048  }
0xb2: {  	_ =	swait.ge [sflag:s29], $0x1  }
0xb3: {  	[sflag:s29] =	ssyncadd.s32 $0xFFFFFFFF  }
0xb4: {  	_ =	strace $0x90000048  }
0xb5: {  	_ =	sfence  }
0xb6: {  	s30 =	sld [smem:$0x0];
	_ =	sdelay $0x2  }
0xb7: {  	s31 =	sshll.u32 s1, $0xD;
	s1 =	sshrl.u32 s1, $0x2  }
0xb8: {  	s3 =	sand.u32 $0x4000, s31;
	s1 =	sadd.s32 s1, s30  }
0xb9: {  	s0 =	sor.u32 s3, s0;
	s1 =	sshll.u32 s1, $0x11  }
0xba: {  	s0 =	sor.u32 s1, s0  }
0xbb: {  	s0 =	sadd.s32 $0x8F2B, s0  }
0xbc: {  	[sflag:s0] =	ssyncadd.remote.s32 $0x1  }
0xbd: {  	_ =	sfence.sel $0xFFFF  }
0xbe: {  	[dreg:$0x0] =	wrdreg $0xFFFFFFFF;
	(pc) =	sbr.abs _section_cstart, $3  }
0xbf: {  	[dreg:$0x1] =	wrdreg $0xFFFFFFFF  }
0xc0: {  	_ =	task.clear_ibuf [dreg:s6], $0x2FFFF;
	_ =	strace $0x9FFFFFFF  }
0xc1: {  	(tm) =	ssettm $0x7FFFFFFF  }
tec
execute0_lowered:
.L_overlay_start_1:
0x0: {  	(tag) =	ssettag $0x1  }
0x1: {  	s0 =	srdreg.scid;
	s2 =	rddreg [dreg:$0x0];
	s4 =	simm.s32 $0x0  }
0x2: {  	s1 =	stileid.u32;
	s0 =	sand.u32 $0x1, s0;
	[smem:$0x7FF] =	sst s4  }
0x3: {  	s1 =	sshll.u32 s1, $0x1;
	s6 =	sadd.s32 $0xF43200, s2;
	s25 =	sadd.s32 $0x16E4400, s2  }
0x4: {  	s1 =	sor.u32 s0, s1;
	_ =	strace $0x80000047;
	[dreg:$0x2] =	wrdreg s6  }
0x5: {  	s0 =	ssub.s32 $0x2, s0;
	s3 =	smul.u32 $0x500, s1;
	s24 =	sshll.u32 s1, $0x6  }
0x6: {  	[dreg:$0x3] =	wrdreg s25;
	s5 =	smul.u32 $0x600, s1;
	s4 =	sadd.s32 s24, s2  }
0x7: {  	s1 =	sshll.u32 s1, $0xB;
	s26 =	sshrl.u32 s0, $0x1;
	s28 =	sadd.s32 $0x1600, s4  }
0x8: {  	s1 =	sadd.s32 s1, s2;
	s29 =	sadd.s32 $0xE00, s4;
	[dreg:$0x4] =	wrdreg s28  }
0x9: {  	s0 =	ssub.s32 s0, s26;
	s1 =	sadd.s32 $0x17E00, s1;
	[dreg:$0x5] =	wrdreg s29  }
0xa: {  	s3 =	sadd.s32 s3, s2;
	s0 =	smax.u32 s0, $0x1;
	[dreg:$0x8] =	wrdreg s1  }
0xb: {  	s5 =	sadd.s32 s5, s2;
	s30 =	sadd.s32 $0xDE00, s3;
	[dreg:$0x9] =	wrdreg s0  }
0xc: {  	v0 =	vlaneseq.u32;
	vm0 =	vcmask $0x300;
	vm1 =	vcmask $0x704;
	s31 =	sadd.s32 $0x1E00, s5;
	[dreg:$0x6] =	wrdreg s30  }
0xd: {  	vm2 =	vcmask $0xB08;
	vm3 =	vcmask $0xF0C;
	vm4 =	vcmask $0x1310;
	s2 =	simm.s32 $0x0;
	[dreg:$0x7] =	wrdreg s31  }
.LBB2_1:
0xe: {  	[dreg:$0xa] =	wrdreg s2  }
0xf: {  	s0 =	simm.s32 $0x0;
	s1 =	rddreg [dreg:$0x4];
	s11 =	simm.s32 $0x3  }
0x10: {  	[tilespmem:s0], [sflag:$0x3] =	stream.linear.gather [hbm4b:s1+s0], $0x200, $0x38;
	[tilespmem:$0x1BE00] =	vst v63  }
0x11: {  	_ =	swait.ge [sflag:s11], $0x200  }
0x12: {  	[sflag:s11] =	ssyncset.done $0x0  }
0x13: {  	s3 =	simm.s32 $0x200;
	s12 =	rddreg [dreg:$0x5];
	[sflag:s11] =	ssyncadd.s32 $0xFFFFFE00  }
0x14: {  	[tilespmem:s3], [sflag:$0x3] =	stream.linear.gather [hbm4b:s12+s0], $0x200, $0x38;
	[tilespmem:$0x1BE00] =	vst v63  }
0x15: {  	_ =	swait.ge [sflag:s11], $0x200  }
0x16: {  	[sflag:s11] =	ssyncset.done $0x0  }
0x17: {  	s4 =	simm.s32 $0x400;
	s13 =	rddreg [dreg:$0x6];
	[sflag:s11] =	ssyncadd.s32 $0xFFFFFE00  }
0x18: {  	[tilespmem:s4], [sflag:$0x3] =	stream.linear.gather [hbm4b:s13+s0], $0x2800, $0x38;
	[tilespmem:$0x1BE00] =	vst v63  }
0x19: {  	_ =	swait.ge [sflag:s11], $0x2800  }
0x1a: {  	[sflag:s11] =	ssyncset.done $0x0  }
0x1b: {  	s5 =	simm.s32 $0x2C00;
	s14 =	rddreg [dreg:$0x7];
	[sflag:s11] =	ssyncadd.s32 $0xFFFFD800  }
0x1c: {  	[tilespmem:s5], [sflag:$0x3] =	stream.linear.gather [hbm4b:s14+s0], $0x3000, $0x38;
	[tilespmem:$0x1BE00] =	vst v63  }
0x1d: {  	_ =	swait.ge [sflag:s11], $0x3000  }
0x1e: {  	s16 =	simm.s32 $0x10;
	[sflag:s11] =	ssyncset.done $0x0  }
0x1f: {  	s17 =	simm.s32 $0x5C00;
	s15 =	rddreg [dreg:$0x2];
	[sflag:s11] =	ssyncadd.s32 $0xFFFFD000  }
0x20: {  	[tilespmem:s17], [sflag:$0x1] =	stream.indirect.gather [hbm4b:s15+s16], $0x80, s0, s16, $0xb8;
	[tilespmem:$0x1BE00] =	vst v63  }
0x21: {  	s19 =	simm.s32 $0x6400;
	s18 =	rddreg [dreg:$0x3]  }
0x22: {  	[tilespmem:s19], [sflag:$0x1] =	stream.indirect.gather [hbm4b:s18+s16], $0x80, s3, s16, $0xb8;
	[tilespmem:$0x1BE00] =	vst v63  }
0x23: {  	s20 =	simm.s32 $0x40;
	s21 =	simm.s32 $0x6C00  }
0x24: {  	[tilespmem:s21], [sflag:$0x1] =	stream.indirect.gather [hbm4b:s18+s20], $0x80, s4, s20, $0xb8;
	[tilespmem:$0x1BE00] =	vst v63  }
0x25: {  	s22 =	simm.s32 $0x440;
	s23 =	simm.s32 $0x8C00;
	s24 =	simm.s32 $0x480  }
0x26: {  	[tilespmem:s23], [sflag:$0x1] =	stream.indirect.gather [hbm4b:s18+s20], $0x80, s22, s20, $0xb8;
	[tilespmem:$0x1BE00] =	vst v63  }
0x27: {  	s25 =	simm.s32 $0xAC00;
	s26 =	simm.s32 $0x4C0;
	s28 =	simm.s32 $0xCC00  }
0x28: {  	[tilespmem:s25], [sflag:$0x1] =	stream.indirect.gather [hbm4b:s18+s20], $0x80, s24, s20, $0xb8;
	[tilespmem:$0x1BE00] =	vst v63  }
0x29: {  	s29 =	simm.s32 $0x500;
	s30 =	simm.s32 $0xEC00;
	s31 =	simm.s32 $0x2DA0  }
0x2a: {  	[tilespmem:s28], [sflag:$0x1] =	stream.indirect.gather [hbm4b:s18+s20], $0x80, s26, s20, $0xb8;
	[tilespmem:$0x1BE00] =	vst v63  }
0x2b: {  	s6 =	simm.s32 $0x0;
	s5 =	simm.s32 $0x2C20;
	[dreg:$0xc] =	wrdreg s31  }
0x2c: {  	[tilespmem:s30], [sflag:$0x1] =	stream.indirect.gather [hbm4b:s18+s20], $0x80, s29, s20, $0xb8;
	[tilespmem:$0x1BE00] =	vst v63  }
.LBB2_2:
0x2d: {  	s4 =	sshllo.u32 s6, $0x1  }
0x2e: {  	s1 =	rddreg [dreg:$0x2];
	s3 =	simm.s32 $0x10;
	s2 =	simm.s32 $0x10C00  }
0x2f: {  	s17 =	rddreg [dreg:$0x3];
	s0 =	sshll.u32 s4, $0x4;
	s16 =	smul.u32 $0x500, s4  }
0x30: {  	[tilespmem:s2], [sflag:$0x2] =	stream.indirect.gather [hbm4b:s1+s3], $0x80, s0, s3, $0xb8;
	[tilespmem:$0x1BE00] =	vst v63  }
0x31: {  	s18 =	simm.s32 $0x11400;
	s0 =	sadd.s32 $0x200, s0;
	s19 =	sshra.s32 s16, $0x2  }
0x32: {  	[tilespmem:s18], [sflag:$0x2] =	stream.indirect.gather [hbm4b:s17+s3], $0x80, s0, s3, $0xb8;
	[tilespmem:$0x1BE00] =	vst v63  }
0x33: {  	s20 =	simm.s32 $0x40;
	s21 =	simm.s32 $0x11C00;
	s1 =	sadd.s32 $0x400, s19  }
0x34: {  	[tilespmem:s21], [sflag:$0x2] =	stream.indirect.gather [hbm4b:s17+s20], $0x80, s1, s20, $0xb8;
	[tilespmem:$0x1BE00] =	vst v63  }
0x35: {  	s23 =	simm.s32 $0x13C00;
	s22 =	sadd.s32 $0x440, s19  }
0x36: {  	[tilespmem:s23], [sflag:$0x2] =	stream.indirect.gather [hbm4b:s17+s20], $0x80, s22, s20, $0xb8;
	[tilespmem:$0x1BE00] =	vst v63  }
0x37: {  	s25 =	simm.s32 $0x15C00;
	s24 =	sadd.s32 $0x480, s19  }
0x38: {  	[tilespmem:s25], [sflag:$0x2] =	stream.indirect.gather [hbm4b:s17+s20], $0x80, s24, s20, $0xb8;
	[tilespmem:$0x1BE00] =	vst v63  }
0x39: {  	s28 =	simm.s32 $0x17C00;
	s29 =	simm.s32 $0x19C00;
	s26 =	sadd.s32 $0x4C0, s19  }
0x3a: {  	[tilespmem:s28], [sflag:$0x2] =	stream.indirect.gather [hbm4b:s17+s20], $0x80, s26, s20, $0xb8;
	[tilespmem:$0x1BE00] =	vst v63  }
0x3b: {  	s30 =	simm.s32 $0x1;
	[dreg:$0xe] =	wrdreg s4;
	s0 =	sadd.s32 $0x500, s19  }
0x3c: {  	[tilespmem:s29], [sflag:$0x2] =	stream.indirect.gather [hbm4b:s17+s20], $0x80, s0, s20, $0xb8;
	[tilespmem:$0x1BE00] =	vst v63  }
0x3d: {  	_ =	swait.ge [sflag:s30], $0x800  }
0x3e: {  	[sflag:s30] =	ssyncset.done $0x0  }
0x3f: {  	[sflag:s30] =	ssyncadd.s32 $0xFFFFF800  }
0x40: {  	_ =	swait.ge [sflag:s30], $0x800  }
0x41: {  	[sflag:s30] =	ssyncset.done $0x0  }
0x42: {  	[sflag:s30] =	ssyncadd.s32 $0xFFFFF800  }
0x43: {  	_ =	swait.ge [sflag:s30], $0x2000  }
0x44: {  	[sflag:s30] =	ssyncset.done $0x0  }
0x45: {  	[sflag:s30] =	ssyncadd.s32 $0xFFFFE000  }
0x46: {  	_ =	swait.ge [sflag:s30], $0x2000  }
0x47: {  	[sflag:s30] =	ssyncset.done $0x0  }
0x48: {  	[sflag:s30] =	ssyncadd.s32 $0xFFFFE000  }
0x49: {  	_ =	swait.ge [sflag:s30], $0x2000  }
0x4a: {  	[sflag:s30] =	ssyncset.done $0x0  }
0x4b: {  	[sflag:s30] =	ssyncadd.s32 $0xFFFFE000  }
0x4c: {  	_ =	swait.ge [sflag:s30], $0x2000  }
0x4d: {  	[sflag:s30] =	ssyncset.done $0x0  }
0x4e: {  	s31 =	sshll.u32 s6, $0x1;
	s8 =	simm.s32 $0x6C00;
	[sflag:s30] =	ssyncadd.s32 $0xFFFFE000  }
0x4f: {  	s2 =	simm.s32 $0x1BC20;
	_ =	swait.ge [sflag:s30], $0x2000;
	[dreg:$0xd] =	wrdreg s6  }
0x50: {  	s3 =	simm.s32 $0x0;
	[dreg:$0x10] =	wrdreg s31;
	[sflag:s30] =	ssyncset.done $0x0  }
0x51: {  	s0 =	simm.s32 $0xFFFFFFFE;
	[dreg:$0xb] =	wrdreg s5;
	[sflag:s30] =	ssyncadd.s32 $0xFFFFE000  }
.LBB2_3:
0x52: {  	v6 =	vld [tilespmem:s5+$0xFFFFFFE0];
	_ =	sdelay $0x4  }
0x53: {  	(v2sf) =	vpush v6, $0x0;
	_ =	sdelay $0x2  }
0x54: {  	(v2sf) =	vpush v6, $0x1;
	_ =	sdelay $0x3  }
0x55: {  	(v2sf) =	vpush v6, $0x2;
	_ =	sdelay $0x4  }
0x56: {  	[dreg:$0x16] =	wrdreg s5  }
0x57: {  	[dreg:$0x14] =	wrdreg s2  }
0x58: {  	[dreg:$0x12] =	wrdreg s3  }
0x59: {  	[dreg:$0x11] =	wrdreg s0;
	s15 =	spop (v2sf)  }
0x5a: {  	s10 =	sshra.s32 s3, $0x2;
	s1 =	sand.u32 $0x7F, s15;
	s16 =	sshll.u32 s15, $0x2  }
0x5b: {  	s17 =	sadd.s32 $0x10, s15;
	s4 =	sadd.s32 $0x20, s15;
	s0 =	sadd.s32 $0x30, s15  }
0x5c: {  	s23 =	spop (v2sf);
	s2 =	sand.u32 $0xFFFFFE00, s16;
	s1 =	sshll.u32 s1, $0x2  }
0x5d: {  	s18 =	sshll.u32 s17, $0x2;
	s19 =	sand.u32 $0x7F, s4;
	s4 =	sshll.u32 s4, $0x2  }
0x5e: {  	s22 =	sand.u32 $0x7F, s0;
	s0 =	sshll.u32 s0, $0x2;
	s24 =	sand.u32 $0x7F, s23  }
0x5f: {  	s6 =	sshll.u32 s23, $0x2;
	s25 =	sadd.s32 $0x10, s23;
	s9 =	sadd.s32 $0x20, s23  }
0x60: {  	s5 =	sadd.s32 $0x30, s23;
	s29 =	spop (v2sf);
	s1 =	sor.u32 s1, s2  }
0x61: {  	s2 =	sand.u32 $0x7F, s17;
	s3 =	sand.u32 $0xFFFFFE00, s18;
	s20 =	sand.u32 $0xFFFFFE00, s4  }
0x62: {  	s21 =	sshll.u32 s19, $0x2;
	s0 =	sand.u32 $0xFFFFFE00, s0;
	s4 =	sshll.u32 s22, $0x2  }
0x63: {  	s6 =	sand.u32 $0xFFFFFE00, s6;
	s7 =	sand.u32 $0x7F, s25;
	s11 =	sand.u32 $0x7F, s9  }
0x64: {  	s9 =	sshll.u32 s9, $0x2;
	s28 =	sand.u32 $0x7F, s5;
	s5 =	sshll.u32 s5, $0x2  }
0x65: {  	s12 =	sshll.u32 s29, $0x2;
	s14 =	sand.u32 $0x7F, s29;
	s15 =	sadd.s32 $0x10, s29  }
0x66: {  	s17 =	sadd.s32 $0x20, s29;
	s19 =	sadd.s32 $0x30, s29;
	s1 =	sshra.s32 s1, $0x2  }
0x67: {  	s2 =	sshll.u32 s2, $0x2;
	s0 =	sor.u32 s4, s0;
	s4 =	sshll.u32 s24, $0x2  }
0x68: {  	s7 =	sshll.u32 s7, $0x2;
	s9 =	sand.u32 $0xFFFFFE00, s9;
	s11 =	sshll.u32 s11, $0x2  }
0x69: {  	s5 =	sand.u32 $0xFFFFFE00, s5;
	s12 =	sand.u32 $0xFFFFFE00, s12;
	s30 =	sshll.u32 s14, $0x2  }
0x6a: {  	s31 =	sand.u32 $0x7F, s15;
	s15 =	sshll.u32 s15, $0x2;
	s18 =	sand.u32 $0x7F, s17  }
0x6b: {  	s22 =	sshll.u32 s19, $0x2;
	s2 =	sor.u32 s2, s3;
	s1 =	sadd.s32 s10, s1  }
0x6c: {  	s3 =	sor.u32 s21, s20;
	s0 =	sshra.s32 s0, $0x2;
	s4 =	sor.u32 s4, s6  }
0x6d: {  	s6 =	sshll.u32 s25, $0x2;
	s26 =	sor.u32 s11, s9;
	s9 =	sshll.u32 s28, $0x2  }
0x6e: {  	s13 =	sshll.u32 s31, $0x2;
	s21 =	sand.u32 $0x7F, s19;
	s23 =	sand.u32 $0xFFFFFE00, s22  }
0x6f: {  	s2 =	sshra.s32 s2, $0x2;
	s3 =	sshra.s32 s3, $0x2;
	s0 =	sadd.s32 s10, s0  }
0x70: {  	s6 =	sand.u32 $0xFFFFFE00, s6;
	s4 =	sshra.s32 s4, $0x2;
	v2 =	vld [tilespmem:s1+$0x5C00];
	s1 =	sor.u32 s30, s12  }
0x71: {  	s12 =	sand.u32 $0xFFFFFE00, s15;
	s14 =	sor.u32 s9, s5;
	s2 =	sadd.s32 s10, s2;
	v5 =	vld [tilespmem:s0+$0x5C00]  }
0x72: {  	s3 =	sadd.s32 s10, s3;
	s6 =	sor.u32 s7, s6;
	s4 =	sadd.s32 s10, s4;
	v3 =	vld [tilespmem:s2+$0x5C00]  }
0x73: {  	s1 =	sshra.s32 s1, $0x2;
	s6 =	sshra.s32 s6, $0x2;
	v4 =	vld [tilespmem:s3+$0x5C00];
	s2 =	sor.u32 s13, s12  }
0x74: {  	s15 =	sadd.s32 s1, s8;
	v1 =	vld [tilespmem:s4+$0x6400];
	s16 =	sshra.s32 s2, $0x2;
	s2 =	sshll.u32 s17, $0x2  }
0x75: {  	s4 =	sshll.u32 s18, $0x2;
	s6 =	sadd.s32 s10, s6;
	v8 =	vld [tilespmem:s15+$0x0];
	s2 =	sand.u32 $0xFFFFFE00, s2  }
0x76: {  	s7 =	sshra.s32 s26, $0x2;
	s1 =	sadd.s32 s16, s8;
	v7 =	vld [tilespmem:s6+$0x6400];
	s20 =	sor.u32 s4, s2  }
0x77: {  	s7 =	sadd.s32 s10, s7;
	v9 =	vld [tilespmem:s1+$0x0];
	s2 =	sshll.u32 s21, $0x2;
	s0 =	sshra.s32 s20, $0x2  }
0x78: {  	s3 =	sshra.s32 s14, $0x2;
	v10 =	vld [tilespmem:s7+$0x6400];
	s1 =	sor.u32 s2, s23;
	s0 =	sadd.s32 s0, s8  }
0x79: {  	s24 =	sadd.s32 s10, s3;
	s25 =	sshra.s32 s1, $0x2;
	v11 =	vld [tilespmem:s0+$0x0]  }
0x7a: {  	v12 =	vld [tilespmem:s24+$0x6400];
	s0 =	sadd.s32 s25, s8  }
0x7b: {  	v1 =	vmul.f32 v1, v2;
	v7 =	vmul.f32 v7, v3;
	v13 =	vld [tilespmem:s0+$0x0]  }
0x7c: {  	v8 =	vmul.f32 v8, v2;
	v9 =	vmul.f32 v9, v3  }
0x7d: {  	v26 =	vmul.f32 v10, v4;
	v1 =	vadd.f32 v7, v1  }
0x7e: {  	v8 =	vadd.f32 v9, v8;
	v27 =	vmul.f32 v11, v4  }
0x7f: {  	v28 =	vmul.f32 v12, v5;
	v1 =	vadd.f32 v26, v1  }
0x80: {  	v29 =	vmul.f32 v13, v5;
	v8 =	vadd.f32 v27, v8  }
0x81: {  	v1 =	vadd.f32 v28, v1  }
0x82: {  	v30 =	vadd.f32 v29, v8  }
0x83: {  	(xrf2) =	vadd.scan.msk.f32 $0xffff, v1  }
0x84: {  	(xrf2) =	vadd.scan.msk.f32 $0xffff, v30;
	_ =	sdelay $0x8  }
0x85: {  	v1, _, _ =	vpop (xrf2)  }
0x86: {  	v7, _, _ =	vpop (xrf2)  }
0x87: {  	(v2sf) =	vpush v7, $0xF  }
0x88: {  	(v2sf) =	vpush v6, $0x3;
	_ =	sdelay $0xd  }
0x89: {  	s7 =	spop (v2sf)  }
0x8a: {  	s26 =	spop (v2sf)  }
0x8b: {  	s28 =	sshll.u32 s26, $0x2;
	s29 =	sand.u32 $0x7F, s26;
	s30 =	sadd.s32 $0x10, s26  }
0x8c: {  	s6 =	sadd.s32 $0x20, s26;
	s0 =	sadd.s32 $0x30, s26;
	s1 =	sand.u32 $0xFFFFFE00, s28  }
0x8d: {  	s2 =	sshll.u32 s29, $0x2;
	s31 =	sand.u32 $0x7F, s30;
	s3 =	sshll.u32 s30, $0x2  }
0x8e: {  	s9 =	sand.u32 $0x7F, s6;
	s12 =	sand.u32 $0x7F, s0;
	s1 =	sor.u32 s2, s1  }
0x8f: {  	s3 =	sand.u32 $0xFFFFFE00, s3;
	s5 =	sshll.u32 s31, $0x2;
	s4 =	sshll.u32 s9, $0x2  }
0x90: {  	s1 =	sshra.s32 s1, $0x2;
	s2 =	sor.u32 s5, s3;
	s3 =	sshll.u32 s6, $0x2  }
0x91: {  	s1 =	sadd.s32 s1, s8;
	s2 =	sshra.s32 s2, $0x2;
	s3 =	sand.u32 $0xFFFFFE00, s3  }
0x92: {  	s0 =	sshll.u32 s0, $0x2;
	s2 =	sadd.s32 s2, s8;
	v31 =	vld [tilespmem:s1+$0x80];
	s11 =	sor.u32 s4, s3  }
0x93: {  	s0 =	sand.u32 $0xFFFFFE00, s0;
	s13 =	sshll.u32 s12, $0x2;
	v32 =	vld [tilespmem:s2+$0x80];
	s1 =	sshra.s32 s11, $0x2  }
0x94: {  	s0 =	sor.u32 s13, s0;
	s1 =	sadd.s32 s1, s8  }
0x95: {  	s0 =	sshra.s32 s0, $0x2;
	v33 =	vld [tilespmem:s1+$0x80]  }
0x96: {  	s0 =	sadd.s32 s0, s8  }
0x97: {  	v34 =	vld [tilespmem:s0+$0x80]  }
0x98: {  	v7 =	vmul.f32 v31, v2;
	v8 =	vmul.f32 v32, v3;
	_ =	sdelay $0x1  }
0x99: {  	v7 =	vadd.f32 v8, v7;
	v35 =	vmul.f32 v33, v4;
	_ =	sdelay $0x1  }
0x9a: {  	v36 =	vmul.f32 v34, v5;
	v7 =	vadd.f32 v35, v7;
	_ =	sdelay $0x1  }
0x9b: {  	v7 =	vadd.f32 v36, v7;
	_ =	sdelay $0x1  }
0x9c: {  	(xrf2) =	vadd.scan.msk.f32 $0xffff, v7;
	_ =	sdelay $0x9  }
0x9d: {  	v7, _, _ =	vpop (xrf2)  }
0x9e: {  	(v2sf) =	vpush v7, $0xF  }
0x9f: {  	(v2sf) =	vpush v6, $0x4;
	_ =	sdelay $0xd  }
0xa0: {  	s9 =	spop (v2sf)  }
0xa1: {  	s14 =	spop (v2sf)  }
0xa2: {  	s15 =	sshll.u32 s14, $0x2;
	s16 =	sand.u32 $0x7F, s14;
	s17 =	sadd.s32 $0x10, s14  }
0xa3: {  	s21 =	sadd.s32 $0x20, s14;
	s0 =	sadd.s32 $0x30, s14;
	s1 =	sand.u32 $0xFFFFFE00, s15  }
0xa4: {  	s2 =	sshll.u32 s16, $0x2;
	s18 =	sand.u32 $0x7F, s17;
	s3 =	sshll.u32 s17, $0x2  }
0xa5: {  	s22 =	sand.u32 $0x7F, s21;
	s24 =	sand.u32 $0x7F, s0;
	s1 =	sor.u32 s2, s1  }
0xa6: {  	s19 =	sand.u32 $0xFFFFFE00, s3;
	s20 =	sshll.u32 s18, $0x2;
	s3 =	sshll.u32 s21, $0x2  }
0xa7: {  	s4 =	sshll.u32 s22, $0x2;
	s1 =	sshra.s32 s1, $0x2;
	s2 =	sor.u32 s20, s19  }
0xa8: {  	s3 =	sand.u32 $0xFFFFFE00, s3;
	s1 =	sadd.s32 s1, s8;
	s2 =	sshra.s32 s2, $0x2  }
0xa9: {  	s0 =	sshll.u32 s0, $0x2;
	s23 =	sor.u32 s4, s3;
	s2 =	sadd.s32 s2, s8;
	v37 =	vld [tilespmem:s1+$0x100]  }
0xaa: {  	s0 =	sand.u32 $0xFFFFFE00, s0;
	s25 =	sshll.u32 s24, $0x2;
	s1 =	sshra.s32 s23, $0x2;
	v38 =	vld [tilespmem:s2+$0x100]  }
0xab: {  	s0 =	sor.u32 s25, s0;
	s1 =	sadd.s32 s1, s8  }
0xac: {  	s0 =	sshra.s32 s0, $0x2;
	v39 =	vld [tilespmem:s1+$0x100]  }
0xad: {  	s0 =	sadd.s32 s0, s8  }
0xae: {  	v40 =	vld [tilespmem:s0+$0x100]  }
0xaf: {  	v7 =	vmul.f32 v37, v2;
	v8 =	vmul.f32 v38, v3;
	_ =	sdelay $0x1  }
0xb0: {  	v41 =	vmul.f32 v39, v4;
	v7 =	vadd.f32 v8, v7;
	_ =	sdelay $0x1  }
0xb1: {  	v42 =	vmul.f32 v40, v5;
	v7 =	vadd.f32 v41, v7;
	_ =	sdelay $0x1  }
0xb2: {  	v7 =	vadd.f32 v42, v7;
	_ =	sdelay $0x1  }
0xb3: {  	(xrf2) =	vadd.scan.msk.f32 $0xffff, v7;
	_ =	sdelay $0x9  }
0xb4: {  	v7, _, _ =	vpop (xrf2)  }
0xb5: {  	(v2sf) =	vpush v7, $0xF  }
0xb6: {  	(v2sf) =	vpush v6, $0x5;
	_ =	sdelay $0xd  }
0xb7: {  	s13 =	spop (v2sf)  }
0xb8: {  	s26 =	spop (v2sf)  }
0xb9: {  	s28 =	sshll.u32 s26, $0x2;
	s29 =	sand.u32 $0x7F, s26;
	s30 =	sadd.s32 $0x10, s26  }
0xba: {  	s6 =	sadd.s32 $0x20, s26;
	s0 =	sadd.s32 $0x30, s26;
	s1 =	sand.u32 $0xFFFFFE00, s28  }
0xbb: {  	s2 =	sshll.u32 s29, $0x2;
	s31 =	sand.u32 $0x7F, s30;
	s3 =	sshll.u32 s30, $0x2  }
0xbc: {  	s11 =	sand.u32 $0x7F, s6;
	s14 =	sand.u32 $0x7F, s0;
	s1 =	sor.u32 s2, s1  }
0xbd: {  	s3 =	sand.u32 $0xFFFFFE00, s3;
	s5 =	sshll.u32 s31, $0x2;
	s4 =	sshll.u32 s11, $0x2  }
0xbe: {  	s1 =	sshra.s32 s1, $0x2;
	s2 =	sor.u32 s5, s3;
	s3 =	sshll.u32 s6, $0x2  }
0xbf: {  	s1 =	sadd.s32 s1, s8;
	s2 =	sshra.s32 s2, $0x2;
	s3 =	sand.u32 $0xFFFFFE00, s3  }
0xc0: {  	s0 =	sshll.u32 s0, $0x2;
	s2 =	sadd.s32 s2, s8;
	v43 =	vld [tilespmem:s1+$0x180];
	s12 =	sor.u32 s4, s3  }
0xc1: {  	s0 =	sand.u32 $0xFFFFFE00, s0;
	s15 =	sshll.u32 s14, $0x2;
	v44 =	vld [tilespmem:s2+$0x180];
	s1 =	sshra.s32 s12, $0x2  }
0xc2: {  	s0 =	sor.u32 s15, s0;
	s1 =	sadd.s32 s1, s8  }
0xc3: {  	s0 =	sshra.s32 s0, $0x2;
	v45 =	vld [tilespmem:s1+$0x180]  }
0xc4: {  	s0 =	sadd.s32 s0, s8  }
0xc5: {  	v46 =	vld [tilespmem:s0+$0x180]  }
0xc6: {  	v7 =	vmul.f32 v43, v2;
	v8 =	vmul.f32 v44, v3;
	_ =	sdelay $0x1  }
0xc7: {  	v7 =	vadd.f32 v8, v7;
	v47 =	vmul.f32 v45, v4;
	_ =	sdelay $0x1  }
0xc8: {  	v48 =	vmul.f32 v46, v5;
	v7 =	vadd.f32 v47, v7;
	_ =	sdelay $0x1  }
0xc9: {  	v7 =	vadd.f32 v48, v7;
	_ =	sdelay $0x1  }
0xca: {  	(xrf2) =	vadd.scan.msk.f32 $0xffff, v7;
	_ =	sdelay $0x9  }
0xcb: {  	v7, _, _ =	vpop (xrf2)  }
0xcc: {  	(v2sf) =	vpush v7, $0xF  }
0xcd: {  	(v2sf) =	vpush v6, $0x6;
	_ =	sdelay $0xd  }
0xce: {  	s30 =	spop (v2sf)  }
0xcf: {  	s16 =	spop (v2sf)  }
0xd0: {  	s17 =	sshll.u32 s16, $0x2;
	s18 =	sand.u32 $0x7F, s16;
	s19 =	sadd.s32 $0x10, s16  }
0xd1: {  	s23 =	sadd.s32 $0x20, s16;
	s0 =	sadd.s32 $0x30, s16;
	s1 =	sand.u32 $0xFFFFFE00, s17  }
0xd2: {  	s2 =	sshll.u32 s18, $0x2;
	s20 =	sand.u32 $0x7F, s19;
	s3 =	sshll.u32 s19, $0x2  }
0xd3: {  	s24 =	sand.u32 $0x7F, s23;
	s26 =	sand.u32 $0x7F, s0;
	s1 =	sor.u32 s2, s1  }
0xd4: {  	s21 =	sand.u32 $0xFFFFFE00, s3;
	s22 =	sshll.u32 s20, $0x2;
	s3 =	sshll.u32 s23, $0x2  }
0xd5: {  	s4 =	sshll.u32 s24, $0x2;
	s1 =	sshra.s32 s1, $0x2;
	s2 =	sor.u32 s22, s21  }
0xd6: {  	s3 =	sand.u32 $0xFFFFFE00, s3;
	s1 =	sadd.s32 s1, s8;
	s2 =	sshra.s32 s2, $0x2  }
0xd7: {  	s0 =	sshll.u32 s0, $0x2;
	s25 =	sor.u32 s4, s3;
	s2 =	sadd.s32 s2, s8;
	v49 =	vld [tilespmem:s1+$0x200]  }
0xd8: {  	s0 =	sand.u32 $0xFFFFFE00, s0;
	s28 =	sshll.u32 s26, $0x2;
	s1 =	sshra.s32 s25, $0x2;
	v50 =	vld [tilespmem:s2+$0x200]  }
0xd9: {  	s0 =	sor.u32 s28, s0;
	s1 =	sadd.s32 s1, s8  }
0xda: {  	s0 =	sshra.s32 s0, $0x2;
	v51 =	vld [tilespmem:s1+$0x200]  }
0xdb: {  	s0 =	sadd.s32 s0, s8  }
0xdc: {  	v52 =	vld [tilespmem:s0+$0x200]  }
0xdd: {  	v7 =	vmul.f32 v49, v2;
	v8 =	vmul.f32 v50, v3;
	_ =	sdelay $0x1  }
0xde: {  	v53 =	vmul.f32 v51, v4;
	v7 =	vadd.f32 v8, v7;
	_ =	sdelay $0x1  }
0xdf: {  	v54 =	vmul.f32 v52, v5;
	v7 =	vadd.f32 v53, v7;
	_ =	sdelay $0x1  }
0xe0: {  	v7 =	vadd.f32 v54, v7;
	_ =	sdelay $0x1  }
0xe1: {  	(xrf2) =	vadd.scan.msk.f32 $0xffff, v7;
	_ =	sdelay $0x9  }
0xe2: {  	v7, _, _ =	vpop (xrf2)  }
0xe3: {  	(v2sf) =	vpush v7, $0xF  }
0xe4: {  	(v2sf) =	vpush v6, $0x7;
	_ =	sdelay $0xd  }
0xe5: {  	s29 =	spop (v2sf)  }
0xe6: {  	s31 =	spop (v2sf)  }
0xe7: {  	s4 =	sshll.u32 s31, $0x2;
	s5 =	sand.u32 $0x7F, s31;
	s6 =	sadd.s32 $0x10, s31  }
0xe8: {  	s15 =	sadd.s32 $0x20, s31;
	s0 =	sadd.s32 $0x30, s31;
	s1 =	sand.u32 $0xFFFFFE00, s4  }
0xe9: {  	s2 =	sshll.u32 s5, $0x2;
	s11 =	sand.u32 $0x7F, s6;
	s3 =	sshll.u32 s6, $0x2  }
0xea: {  	s16 =	sand.u32 $0x7F, s15;
	s18 =	sand.u32 $0x7F, s0;
	s1 =	sor.u32 s2, s1  }
0xeb: {  	s12 =	sand.u32 $0xFFFFFE00, s3;
	s14 =	sshll.u32 s11, $0x2;
	s3 =	sshll.u32 s15, $0x2  }
0xec: {  	s4 =	sshll.u32 s16, $0x2;
	s1 =	sshra.s32 s1, $0x2;
	s2 =	sor.u32 s14, s12  }
0xed: {  	s3 =	sand.u32 $0xFFFFFE00, s3;
	s1 =	sadd.s32 s1, s8;
	s2 =	sshra.s32 s2, $0x2  }
0xee: {  	s0 =	sshll.u32 s0, $0x2;
	s17 =	sor.u32 s4, s3;
	s2 =	sadd.s32 s2, s8;
	v55 =	vld [tilespmem:s1+$0x280]  }
0xef: {  	s0 =	sand.u32 $0xFFFFFE00, s0;
	s19 =	sshll.u32 s18, $0x2;
	s1 =	sshra.s32 s17, $0x2;
	v56 =	vld [tilespmem:s2+$0x280]  }
0xf0: {  	s0 =	sor.u32 s19, s0;
	s1 =	sadd.s32 s1, s8  }
0xf1: {  	s0 =	sshra.s32 s0, $0x2;
	v57 =	vld [tilespmem:s1+$0x280]  }
0xf2: {  	s0 =	sadd.s32 s0, s8  }
0xf3: {  	v58 =	vld [tilespmem:s0+$0x280]  }
0xf4: {  	v7 =	vmul.f32 v55, v2;
	v8 =	vmul.f32 v56, v3;
	_ =	sdelay $0x1  }
0xf5: {  	v59 =	vmul.f32 v57, v4;
	v7 =	vadd.f32 v8, v7;
	_ =	sdelay $0x1  }
0xf6: {  	v60 =	vmul.f32 v58, v5;
	v7 =	vadd.f32 v59, v7;
	_ =	sdelay $0x1  }
0xf7: {  	v7 =	vadd.f32 v60, v7;
	_ =	sdelay $0x1  }
0xf8: {  	(xrf2) =	vadd.scan.msk.f32 $0xffff, v7;
	_ =	sdelay $0x9  }
0xf9: {  	v7, _, _ =	vpop (xrf2)  }
0xfa: {  	(v2sf) =	vpush v7, $0xF  }
0xfb: {  	(v2sf) =	vpush v6, $0x8;
	_ =	sdelay $0xd  }
0xfc: {  	s20 =	spop (v2sf)  }
0xfd: {  	[dreg:$0x19] =	wrdreg s29;
	s21 =	spop (v2sf)  }
0xfe: {  	s22 =	sshll.u32 s21, $0x2;
	s23 =	sand.u32 $0x7F, s21;
	s24 =	sadd.s32 $0x10, s21  }
0xff: {  	s29 =	sadd.s32 $0x20, s21;
	s0 =	sadd.s32 $0x30, s21;
	s1 =	sand.u32 $0xFFFFFE00, s22  }
0x100: {  	s2 =	sshll.u32 s23, $0x2;
	s25 =	sand.u32 $0x7F, s24;
	s3 =	sshll.u32 s24, $0x2  }
0x101: {  	s31 =	sand.u32 $0x7F, s29;
	s1 =	sor.u32 s2, s1;
	s26 =	sand.u32 $0xFFFFFE00, s3  }
0x102: {  	s28 =	sshll.u32 s25, $0x2;
	s3 =	sshll.u32 s29, $0x2;
	s4 =	sshll.u32 s31, $0x2  }
0x103: {  	s1 =	sshra.s32 s1, $0x2;
	s2 =	sor.u32 s28, s26;
	s3 =	sand.u32 $0xFFFFFE00, s3  }
0x104: {  	s1 =	sadd.s32 s1, s8;
	s2 =	sshra.s32 s2, $0x2;
	s3 =	sor.u32 s4, s3  }
0x105: {  	s4 =	sand.u32 $0x7F, s0;
	s0 =	sshll.u32 s0, $0x2;
	s2 =	sadd.s32 s2, s8;
	v61 =	vld [tilespmem:s1+$0x300]  }
0x106: {  	s1 =	sshra.s32 s3, $0x2;
	s0 =	sand.u32 $0xFFFFFE00, s0;
	s5 =	sshll.u32 s4, $0x2;
	v62 =	vld [tilespmem:s2+$0x300]  }
0x107: {  	s1 =	sadd.s32 s1, s8;
	s0 =	sor.u32 s5, s0  }
0x108: {  	v63 =	vld [tilespmem:s1+$0x300];
	s0 =	sshra.s32 s0, $0x2  }
0x109: {  	s0 =	sadd.s32 s0, s8  }
0x10a: {  	v12 =	vld [tilespmem:s0+$0x300]  }
0x10b: {  	v7 =	vmul.f32 v61, v2;
	v8 =	vmul.f32 v62, v3;
	_ =	sdelay $0x1  }
0x10c: {  	v13 =	vmul.f32 v63, v4;
	v7 =	vadd.f32 v8, v7;
	_ =	sdelay $0x1  }
0x10d: {  	v14 =	vmul.f32 v12, v5;
	v7 =	vadd.f32 v13, v7;
	_ =	sdelay $0x1  }
0x10e: {  	v7 =	vadd.f32 v14, v7;
	_ =	sdelay $0x1  }
0x10f: {  	(xrf2) =	vadd.scan.msk.f32 $0xffff, v7;
	_ =	sdelay $0x9  }
0x110: {  	v7, _, _ =	vpop (xrf2)  }
0x111: {  	(v2sf) =	vpush v7, $0xF  }
0x112: {  	(v2sf) =	vpush v6, $0x9;
	_ =	sdelay $0xd  }
0x113: {  	s6 =	spop (v2sf)  }
0x114: {  	[dreg:$0x1b] =	wrdreg s20;
	s11 =	spop (v2sf)  }
0x115: {  	s12 =	sshll.u32 s11, $0x2;
	s14 =	sand.u32 $0x7F, s11;
	s15 =	sadd.s32 $0x10, s11  }
0x116: {  	s19 =	sadd.s32 $0x20, s11;
	s0 =	sadd.s32 $0x30, s11;
	s1 =	sand.u32 $0xFFFFFE00, s12  }
0x117: {  	s2 =	sshll.u32 s14, $0x2;
	s16 =	sand.u32 $0x7F, s15;
	s3 =	sshll.u32 s15, $0x2  }
0x118: {  	s20 =	sand.u32 $0x7F, s19;
	s22 =	sand.u32 $0x7F, s0;
	s1 =	sor.u32 s2, s1  }
0x119: {  	s17 =	sand.u32 $0xFFFFFE00, s3;
	s18 =	sshll.u32 s16, $0x2;
	s3 =	sshll.u32 s19, $0x2  }
0x11a: {  	s4 =	sshll.u32 s20, $0x2;
	s1 =	sshra.s32 s1, $0x2;
	s2 =	sor.u32 s18, s17  }
0x11b: {  	s3 =	sand.u32 $0xFFFFFE00, s3;
	s1 =	sadd.s32 s1, s8;
	s2 =	sshra.s32 s2, $0x2  }
0x11c: {  	s0 =	sshll.u32 s0, $0x2;
	s21 =	sor.u32 s4, s3;
	s2 =	sadd.s32 s2, s8;
	v15 =	vld [tilespmem:s1+$0x380]  }
0x11d: {  	s0 =	sand.u32 $0xFFFFFE00, s0;
	s23 =	sshll.u32 s22, $0x2;
	s1 =	sshra.s32 s21, $0x2;
	v16 =	vld [tilespmem:s2+$0x380]  }
0x11e: {  	s0 =	sor.u32 s23, s0;
	s1 =	sadd.s32 s1, s8  }
0x11f: {  	s0 =	sshra.s32 s0, $0x2;
	v17 =	vld [tilespmem:s1+$0x380]  }
0x120: {  	s0 =	sadd.s32 s0, s8  }
0x121: {  	v18 =	vld [tilespmem:s0+$0x380]  }
0x122: {  	v7 =	vmul.f32 v15, v2;
	v8 =	vmul.f32 v16, v3;
	_ =	sdelay $0x1  }
0x123: {  	v19 =	vmul.f32 v17, v4;
	v7 =	vadd.f32 v8, v7;
	_ =	sdelay $0x1  }
0x124: {  	v20 =	vmul.f32 v18, v5;
	v7 =	vadd.f32 v19, v7;
	_ =	sdelay $0x1  }
0x125: {  	v7 =	vadd.f32 v20, v7;
	_ =	sdelay $0x1  }
0x126: {  	(xrf2) =	vadd.scan.msk.f32 $0xffff, v7;
	_ =	sdelay $0x9  }
0x127: {  	v7, _, _ =	vpop (xrf2)  }
0x128: {  	(v2sf) =	vpush v7, $0xF  }
0x129: {  	(v2sf) =	vpush v6, $0xA;
	_ =	sdelay $0xd  }
0x12a: {  	s24 =	spop (v2sf)  }
0x12b: {  	[dreg:$0x1d] =	wrdreg s6;
	s25 =	spop (v2sf)  }
0x12c: {  	s26 =	sshll.u32 s25, $0x2;
	s28 =	sand.u32 $0x7F, s25;
	s29 =	sadd.s32 $0x10, s25  }
0x12d: {  	s5 =	sadd.s32 $0x20, s25;
	s0 =	sadd.s32 $0x30, s25;
	s1 =	sand.u32 $0xFFFFFE00, s26  }
0x12e: {  	s2 =	sshll.u32 s28, $0x2;
	s31 =	sand.u32 $0x7F, s29;
	s3 =	sshll.u32 s29, $0x2  }
0x12f: {  	s6 =	sand.u32 $0x7F, s5;
	s12 =	sand.u32 $0x7F, s0;
	s1 =	sor.u32 s2, s1  }
0x130: {  	s3 =	sand.u32 $0xFFFFFE00, s3;
	s4 =	sshll.u32 s31, $0x2;
	s1 =	sshra.s32 s1, $0x2  }
0x131: {  	s2 =	sor.u32 s4, s3;
	s3 =	sshll.u32 s5, $0x2;
	s4 =	sshll.u32 s6, $0x2  }
0x132: {  	s1 =	sadd.s32 s1, s8;
	s2 =	sshra.s32 s2, $0x2;
	s3 =	sand.u32 $0xFFFFFE00, s3  }
0x133: {  	s0 =	sshll.u32 s0, $0x2;
	s2 =	sadd.s32 s2, s8;
	v21 =	vld [tilespmem:s1+$0x400];
	s11 =	sor.u32 s4, s3  }
0x134: {  	s0 =	sand.u32 $0xFFFFFE00, s0;
	s14 =	sshll.u32 s12, $0x2;
	v22 =	vld [tilespmem:s2+$0x400];
	s1 =	sshra.s32 s11, $0x2  }
0x135: {  	s0 =	sor.u32 s14, s0;
	s1 =	sadd.s32 s1, s8  }
0x136: {  	s0 =	sshra.s32 s0, $0x2;
	v23 =	vld [tilespmem:s1+$0x400]  }
0x137: {  	s0 =	sadd.s32 s0, s8  }
0x138: {  	v24 =	vld [tilespmem:s0+$0x400]  }
0x139: {  	v7 =	vmul.f32 v21, v2;
	v8 =	vmul.f32 v22, v3;
	_ =	sdelay $0x1  }
0x13a: {  	v7 =	vadd.f32 v8, v7;
	v25 =	vmul.f32 v23, v4;
	_ =	sdelay $0x1  }
0x13b: {  	v26 =	vmul.f32 v24, v5;
	v7 =	vadd.f32 v25, v7;
	_ =	sdelay $0x1  }
0x13c: {  	v7 =	vadd.f32 v26, v7;
	_ =	sdelay $0x1  }
0x13d: {  	(xrf2) =	vadd.scan.msk.f32 $0xffff, v7;
	_ =	sdelay $0x9  }
0x13e: {  	v7, _, _ =	vpop (xrf2)  }
0x13f: {  	(v2sf) =	vpush v7, $0xF  }
0x140: {  	(v2sf) =	vpush v6, $0xB;
	_ =	sdelay $0xd  }
0x141: {  	s15 =	spop (v2sf)  }
0x142: {  	[dreg:$0x1f] =	wrdreg s24;
	s16 =	spop (v2sf)  }
0x143: {  	s17 =	sshll.u32 s16, $0x2;
	s18 =	sand.u32 $0x7F, s16;
	s19 =	sadd.s32 $0x10, s16  }
0x144: {  	s23 =	sadd.s32 $0x20, s16;
	s0 =	sadd.s32 $0x30, s16;
	s1 =	sand.u32 $0xFFFFFE00, s17  }
0x145: {  	s2 =	sshll.u32 s18, $0x2;
	s20 =	sand.u32 $0x7F, s19;
	s3 =	sshll.u32 s19, $0x2  }
0x146: {  	s24 =	sand.u32 $0x7F, s23;
	s26 =	sand.u32 $0x7F, s0;
	s1 =	sor.u32 s2, s1  }
0x147: {  	s21 =	sand.u32 $0xFFFFFE00, s3;
	s22 =	sshll.u32 s20, $0x2;
	s3 =	sshll.u32 s23, $0x2  }
0x148: {  	s4 =	sshll.u32 s24, $0x2;
	s1 =	sshra.s32 s1, $0x2;
	s2 =	sor.u32 s22, s21  }
0x149: {  	s3 =	sand.u32 $0xFFFFFE00, s3;
	s1 =	sadd.s32 s1, s8;
	s2 =	sshra.s32 s2, $0x2  }
0x14a: {  	s0 =	sshll.u32 s0, $0x2;
	s25 =	sor.u32 s4, s3;
	s2 =	sadd.s32 s2, s8;
	v27 =	vld [tilespmem:s1+$0x480]  }
0x14b: {  	s0 =	sand.u32 $0xFFFFFE00, s0;
	s28 =	sshll.u32 s26, $0x2;
	s1 =	sshra.s32 s25, $0x2;
	v28 =	vld [tilespmem:s2+$0x480]  }
0x14c: {  	s0 =	sor.u32 s28, s0;
	s1 =	sadd.s32 s1, s8  }
0x14d: {  	s0 =	sshra.s32 s0, $0x2;
	v29 =	vld [tilespmem:s1+$0x480]  }
0x14e: {  	s0 =	sadd.s32 s0, s8  }
0x14f: {  	v30 =	vld [tilespmem:s0+$0x480]  }
0x150: {  	v7 =	vmul.f32 v27, v2;
	v8 =	vmul.f32 v28, v3;
	_ =	sdelay $0x1  }
0x151: {  	v31 =	vmul.f32 v29, v4;
	v7 =	vadd.f32 v8, v7;
	_ =	sdelay $0x1  }
0x152: {  	v32 =	vmul.f32 v30, v5;
	v7 =	vadd.f32 v31, v7;
	_ =	sdelay $0x1  }
0x153: {  	v7 =	vadd.f32 v32, v7;
	_ =	sdelay $0x1  }
0x154: {  	(xrf2) =	vadd.scan.msk.f32 $0xffff, v7;
	_ =	sdelay $0x9  }
0x155: {  	v7, _, _ =	vpop (xrf2)  }
0x156: {  	(v2sf) =	vpush v7, $0xF  }
0x157: {  	(v2sf) =	vpush v6, $0xC;
	_ =	sdelay $0xd  }
0x158: {  	s29 =	spop (v2sf)  }
0x159: {  	[smem:$0x7E9] =	sst s15;
	s31 =	spop (v2sf)  }
0x15a: {  	s2 =	sshll.u32 s31, $0x2;
	s3 =	sand.u32 $0x7F, s31;
	s4 =	sadd.s32 $0x10, s31  }
0x15b: {  	s12 =	sadd.s32 $0x20, s31;
	s0 =	sadd.s32 $0x30, s31;
	s1 =	sand.u32 $0xFFFFFE00, s2  }
0x15c: {  	s2 =	sshll.u32 s3, $0x2;
	s5 =	sand.u32 $0x7F, s4;
	s3 =	sshll.u32 s4, $0x2  }
0x15d: {  	s14 =	sand.u32 $0x7F, s12;
	s16 =	sand.u32 $0x7F, s0;
	s1 =	sor.u32 s2, s1  }
0x15e: {  	s6 =	sand.u32 $0xFFFFFE00, s3;
	s11 =	sshll.u32 s5, $0x2;
	s3 =	sshll.u32 s12, $0x2  }
0x15f: {  	s4 =	sshll.u32 s14, $0x2;
	s1 =	sshra.s32 s1, $0x2;
	s2 =	sor.u32 s11, s6  }
0x160: {  	s3 =	sand.u32 $0xFFFFFE00, s3;
	s1 =	sadd.s32 s1, s8;
	s2 =	sshra.s32 s2, $0x2  }
0x161: {  	s0 =	sshll.u32 s0, $0x2;
	s15 =	sor.u32 s4, s3;
	s2 =	sadd.s32 s2, s8;
	v33 =	vld [tilespmem:s1+$0x500]  }
0x162: {  	s0 =	sand.u32 $0xFFFFFE00, s0;
	s17 =	sshll.u32 s16, $0x2;
	s1 =	sshra.s32 s15, $0x2;
	v34 =	vld [tilespmem:s2+$0x500]  }
0x163: {  	s0 =	sor.u32 s17, s0;
	s1 =	sadd.s32 s1, s8  }
0x164: {  	s0 =	sshra.s32 s0, $0x2;
	v35 =	vld [tilespmem:s1+$0x500]  }
0x165: {  	s0 =	sadd.s32 s0, s8  }
0x166: {  	v36 =	vld [tilespmem:s0+$0x500]  }
0x167: {  	v7 =	vmul.f32 v33, v2;
	v8 =	vmul.f32 v34, v3;
	_ =	sdelay $0x1  }
0x168: {  	v37 =	vmul.f32 v35, v4;
	v7 =	vadd.f32 v8, v7;
	_ =	sdelay $0x1  }
0x169: {  	v38 =	vmul.f32 v36, v5;
	v7 =	vadd.f32 v37, v7;
	_ =	sdelay $0x1  }
0x16a: {  	v7 =	vadd.f32 v38, v7;
	_ =	sdelay $0x1  }
0x16b: {  	(xrf2) =	vadd.scan.msk.f32 $0xffff, v7;
	_ =	sdelay $0x9  }
0x16c: {  	v7, _, _ =	vpop (xrf2)  }
0x16d: {  	(v2sf) =	vpush v7, $0xF  }
0x16e: {  	(v2sf) =	vpush v6, $0xD;
	_ =	sdelay $0xd  }
0x16f: {  	s18 =	spop (v2sf)  }
0x170: {  	[smem:$0x7EA] =	sst s29;
	s19 =	spop (v2sf)  }
0x171: {  	s20 =	sshll.u32 s19, $0x2;
	s21 =	sand.u32 $0x7F, s19;
	s22 =	sadd.s32 $0x10, s19  }
0x172: {  	s26 =	sadd.s32 $0x20, s19;
	s0 =	sadd.s32 $0x30, s19;
	s1 =	sand.u32 $0xFFFFFE00, s20  }
0x173: {  	s2 =	sshll.u32 s21, $0x2;
	s23 =	sand.u32 $0x7F, s22;
	s3 =	sshll.u32 s22, $0x2  }
0x174: {  	s28 =	sand.u32 $0x7F, s26;
	s31 =	sand.u32 $0x7F, s0;
	s1 =	sor.u32 s2, s1  }
0x175: {  	s24 =	sand.u32 $0xFFFFFE00, s3;
	s25 =	sshll.u32 s23, $0x2;
	s3 =	sshll.u32 s26, $0x2  }
0x176: {  	s4 =	sshll.u32 s28, $0x2;
	s1 =	sshra.s32 s1, $0x2;
	s2 =	sor.u32 s25, s24  }
0x177: {  	s3 =	sand.u32 $0xFFFFFE00, s3;
	s1 =	sadd.s32 s1, s8;
	s2 =	sshra.s32 s2, $0x2  }
0x178: {  	s0 =	sshll.u32 s0, $0x2;
	s29 =	sor.u32 s4, s3;
	s2 =	sadd.s32 s2, s8;
	v39 =	vld [tilespmem:s1+$0x580]  }
0x179: {  	s0 =	sand.u32 $0xFFFFFE00, s0;
	s3 =	sshll.u32 s31, $0x2;
	s1 =	sshra.s32 s29, $0x2;
	v40 =	vld [tilespmem:s2+$0x580]  }
0x17a: {  	s0 =	sor.u32 s3, s0;
	s1 =	sadd.s32 s1, s8  }
0x17b: {  	s0 =	sshra.s32 s0, $0x2;
	v41 =	vld [tilespmem:s1+$0x580]  }
0x17c: {  	s0 =	sadd.s32 s0, s8  }
0x17d: {  	v42 =	vld [tilespmem:s0+$0x580]  }
0x17e: {  	v7 =	vmul.f32 v39, v2;
	v8 =	vmul.f32 v40, v3;
	_ =	sdelay $0x1  }
0x17f: {  	v43 =	vmul.f32 v41, v4;
	v7 =	vadd.f32 v8, v7;
	_ =	sdelay $0x1  }
0x180: {  	v44 =	vmul.f32 v42, v5;
	v7 =	vadd.f32 v43, v7;
	_ =	sdelay $0x1  }
0x181: {  	v7 =	vadd.f32 v44, v7;
	_ =	sdelay $0x1  }
0x182: {  	(xrf2) =	vadd.scan.msk.f32 $0xffff, v7;
	_ =	sdelay $0x9  }
0x183: {  	v7, _, _ =	vpop (xrf2)  }
0x184: {  	(v2sf) =	vpush v7, $0xF  }
0x185: {  	(v2sf) =	vpush v6, $0xE;
	_ =	sdelay $0xd  }
0x186: {  	[smem:$0x7EB] =	sst s18;
	s4 =	spop (v2sf)  }
0x187: {  	[smem:$0x7EC] =	sst s4;
	s5 =	spop (v2sf)  }
0x188: {  	s6 =	sshll.u32 s5, $0x2;
	s11 =	sand.u32 $0x7F, s5;
	s12 =	sadd.s32 $0x10, s5  }
0x189: {  	s17 =	sadd.s32 $0x20, s5;
	s0 =	sadd.s32 $0x30, s5;
	s1 =	sand.u32 $0xFFFFFE00, s6  }
0x18a: {  	s2 =	sshll.u32 s11, $0x2;
	s14 =	sand.u32 $0x7F, s12;
	s3 =	sshll.u32 s12, $0x2  }
0x18b: {  	s18 =	sand.u32 $0x7F, s17;
	s20 =	sand.u32 $0x7F, s0;
	s1 =	sor.u32 s2, s1  }
0x18c: {  	s15 =	sand.u32 $0xFFFFFE00, s3;
	s16 =	sshll.u32 s14, $0x2;
	s3 =	sshll.u32 s17, $0x2  }
0x18d: {  	s4 =	sshll.u32 s18, $0x2;
	s1 =	sshra.s32 s1, $0x2;
	s2 =	sor.u32 s16, s15  }
0x18e: {  	s3 =	sand.u32 $0xFFFFFE00, s3;
	s1 =	sadd.s32 s1, s8;
	s2 =	sshra.s32 s2, $0x2  }
0x18f: {  	s0 =	sshll.u32 s0, $0x2;
	s19 =	sor.u32 s4, s3;
	s2 =	sadd.s32 s2, s8;
	v45 =	vld [tilespmem:s1+$0x600]  }
0x190: {  	s0 =	sand.u32 $0xFFFFFE00, s0;
	s21 =	sshll.u32 s20, $0x2;
	s1 =	sshra.s32 s19, $0x2;
	v46 =	vld [tilespmem:s2+$0x600]  }
0x191: {  	s0 =	sor.u32 s21, s0;
	s1 =	sadd.s32 s1, s8  }
0x192: {  	s0 =	sshra.s32 s0, $0x2;
	v47 =	vld [tilespmem:s1+$0x600]  }
0x193: {  	s0 =	sadd.s32 s0, s8  }
0x194: {  	v48 =	vld [tilespmem:s0+$0x600]  }
0x195: {  	v7 =	vmul.f32 v45, v2;
	v8 =	vmul.f32 v46, v3;
	_ =	sdelay $0x1  }
0x196: {  	v49 =	vmul.f32 v47, v4;
	v7 =	vadd.f32 v8, v7;
	_ =	sdelay $0x1  }
0x197: {  	v50 =	vmul.f32 v48, v5;
	v7 =	vadd.f32 v49, v7;
	_ =	sdelay $0x1  }
0x198: {  	v7 =	vadd.f32 v50, v7;
	_ =	sdelay $0x1  }
0x199: {  	(xrf2) =	vadd.scan.msk.f32 $0xffff, v7;
	_ =	sdelay $0x9  }
0x19a: {  	v7, _, _ =	vpop (xrf2)  }
0x19b: {  	(v2sf) =	vpush v7, $0xF  }
0x19c: {  	(v2sf) =	vpush v6, $0xF;
	_ =	sdelay $0xd  }
0x19d: {  	s22 =	spop (v2sf)  }
0x19e: {  	s23 =	spop (v2sf)  }
0x19f: {  	s24 =	sshll.u32 s23, $0x2;
	s25 =	sand.u32 $0x7F, s23;
	s26 =	sadd.s32 $0x10, s23  }
0x1a0: {  	s4 =	sadd.s32 $0x20, s23;
	s0 =	sadd.s32 $0x30, s23;
	s1 =	sand.u32 $0xFFFFFE00, s24  }
0x1a1: {  	s2 =	sshll.u32 s25, $0x2;
	s28 =	sand.u32 $0x7F, s26;
	s3 =	sshll.u32 s26, $0x2  }
0x1a2: {  	s5 =	sand.u32 $0x7F, s4;
	s11 =	sand.u32 $0x7F, s0;
	s1 =	sor.u32 s2, s1  }
0x1a3: {  	s29 =	sand.u32 $0xFFFFFE00, s3;
	s31 =	sshll.u32 s28, $0x2;
	s3 =	sshll.u32 s4, $0x2  }
0x1a4: {  	s4 =	sshll.u32 s5, $0x2;
	s1 =	sshra.s32 s1, $0x2;
	s2 =	sor.u32 s31, s29  }
0x1a5: {  	s3 =	sand.u32 $0xFFFFFE00, s3;
	s1 =	sadd.s32 s1, s8;
	s2 =	sshra.s32 s2, $0x2  }
0x1a6: {  	s0 =	sshll.u32 s0, $0x2;
	s6 =	sor.u32 s4, s3;
	s2 =	sadd.s32 s2, s8;
	v51 =	vld [tilespmem:s1+$0x680]  }
0x1a7: {  	s0 =	sand.u32 $0xFFFFFE00, s0;
	s12 =	sshll.u32 s11, $0x2;
	s1 =	sshra.s32 s6, $0x2;
	v52 =	vld [tilespmem:s2+$0x680]  }
0x1a8: {  	s0 =	sor.u32 s12, s0;
	s1 =	sadd.s32 s1, s8  }
0x1a9: {  	s0 =	sshra.s32 s0, $0x2;
	v53 =	vld [tilespmem:s1+$0x680]  }
0x1aa: {  	s0 =	sadd.s32 s0, s8  }
0x1ab: {  	v54 =	vld [tilespmem:s0+$0x680]  }
0x1ac: {  	v6 =	vmul.f32 v51, v2;
	v7 =	vmul.f32 v52, v3;
	_ =	sdelay $0x1  }
0x1ad: {  	v55 =	vmul.f32 v53, v4;
	v6 =	vadd.f32 v7, v6;
	_ =	sdelay $0x1  }
0x1ae: {  	v56 =	vmul.f32 v54, v5;
	v6 =	vadd.f32 v55, v6;
	_ =	sdelay $0x1  }
0x1af: {  	v6 =	vadd.f32 v56, v6;
	_ =	sdelay $0x1  }
0x1b0: {  	(xrf2) =	vadd.scan.msk.f32 $0xffff, v6;
	_ =	sdelay $0x5  }
0x1b1: {  	s14 =	rddreg [dreg:$0x16]  }
0x1b2: {  	v57 =	vld [tilespmem:s14+$0xFFFFFFE8];
	_ =	sdelay $0x2  }
0x1b3: {  	v58, _, _ =	vpop (xrf2)  }
0x1b4: {  	(v2sf) =	vpush v58, $0xF  }
0x1b5: {  	(v2sf) =	vpush v57, $0x8;
	_ =	sdelay $0xd  }
0x1b6: {  	s24 =	spop (v2sf)  }
0x1b7: {  	[smem:$0x7ED] =	sst s22;
	s15 =	spop (v2sf)  }
0x1b8: {  	s16 =	sshll.u32 s15, $0x2;
	s17 =	sand.u32 $0x7F, s15;
	s18 =	sadd.s32 $0x10, s15  }
0x1b9: {  	s22 =	sadd.s32 $0x20, s15;
	s0 =	sadd.s32 $0x30, s15;
	s1 =	sand.u32 $0xFFFFFE00, s16  }
0x1ba: {  	s2 =	sshll.u32 s17, $0x2;
	s19 =	sand.u32 $0x7F, s18;
	s3 =	sshll.u32 s18, $0x2  }
0x1bb: {  	s23 =	sand.u32 $0x7F, s22;
	s26 =	sand.u32 $0x7F, s0;
	s1 =	sor.u32 s2, s1  }
0x1bc: {  	s20 =	sand.u32 $0xFFFFFE00, s3;
	s21 =	sshll.u32 s19, $0x2;
	s3 =	sshll.u32 s22, $0x2  }
0x1bd: {  	s4 =	sshll.u32 s23, $0x2;
	s1 =	sshra.s32 s1, $0x2;
	s2 =	sor.u32 s21, s20  }
0x1be: {  	s3 =	sand.u32 $0xFFFFFE00, s3;
	s1 =	sadd.s32 s1, s8;
	s2 =	sshra.s32 s2, $0x2  }
0x1bf: {  	s0 =	sshll.u32 s0, $0x2;
	s25 =	sor.u32 s4, s3;
	s2 =	sadd.s32 s2, s8;
	v59 =	vld [tilespmem:s1+$0x700]  }
0x1c0: {  	s0 =	sand.u32 $0xFFFFFE00, s0;
	s28 =	sshll.u32 s26, $0x2;
	s1 =	sshra.s32 s25, $0x2;
	v60 =	vld [tilespmem:s2+$0x700]  }
0x1c1: {  	s0 =	sor.u32 s28, s0;
	s1 =	sadd.s32 s1, s8  }
0x1c2: {  	s0 =	sshra.s32 s0, $0x2;
	v61 =	vld [tilespmem:s1+$0x700]  }
0x1c3: {  	s0 =	sadd.s32 s0, s8  }
0x1c4: {  	v62 =	vld [tilespmem:s0+$0x700]  }
0x1c5: {  	v7 =	vmul.f32 v59, v2;
	v8 =	vmul.f32 v60, v3;
	_ =	sdelay $0x1  }
0x1c6: {  	v63 =	vmul.f32 v61, v4;
	v7 =	vadd.f32 v8, v7;
	_ =	sdelay $0x1  }
0x1c7: {  	v12 =	vmul.f32 v62, v5;
	v7 =	vadd.f32 v63, v7;
	_ =	sdelay $0x1  }
0x1c8: {  	v7 =	vadd.f32 v12, v7;
	_ =	sdelay $0x1  }
0x1c9: {  	(xrf2) =	vadd.scan.msk.f32 $0xffff, v7;
	_ =	sdelay $0x9  }
0x1ca: {  	v7, _, _ =	vpop (xrf2)  }
0x1cb: {  	(v2sf) =	vpush v7, $0xF  }
0x1cc: {  	(v2sf) =	vpush v57, $0x9;
	_ =	sdelay $0xd  }
0x1cd: {  	s29 =	spop (v2sf)  }
0x1ce: {  	s31 =	spop (v2sf)  }
0x1cf: {  	s3 =	sshll.u32 s31, $0x2;
	s4 =	sand.u32 $0x7F, s31;
	s5 =	sadd.s32 $0x10, s31  }
0x1d0: {  	s14 =	sadd.s32 $0x20, s31;
	s0 =	sadd.s32 $0x30, s31;
	s1 =	sand.u32 $0xFFFFFE00, s3  }
0x1d1: {  	s2 =	sshll.u32 s4, $0x2;
	s6 =	sand.u32 $0x7F, s5;
	s3 =	sshll.u32 s5, $0x2  }
0x1d2: {  	s15 =	sand.u32 $0x7F, s14;
	s17 =	sand.u32 $0x7F, s0;
	s1 =	sor.u32 s2, s1  }
0x1d3: {  	s11 =	sand.u32 $0xFFFFFE00, s3;
	s12 =	sshll.u32 s6, $0x2;
	s3 =	sshll.u32 s14, $0x2  }
0x1d4: {  	s4 =	sshll.u32 s15, $0x2;
	s1 =	sshra.s32 s1, $0x2;
	s2 =	sor.u32 s12, s11  }
0x1d5: {  	s3 =	sand.u32 $0xFFFFFE00, s3;
	s1 =	sadd.s32 s1, s8;
	s2 =	sshra.s32 s2, $0x2  }
0x1d6: {  	s0 =	sshll.u32 s0, $0x2;
	s16 =	sor.u32 s4, s3;
	s2 =	sadd.s32 s2, s8;
	v13 =	vld [tilespmem:s1+$0x780]  }
0x1d7: {  	s0 =	sand.u32 $0xFFFFFE00, s0;
	s18 =	sshll.u32 s17, $0x2;
	s1 =	sshra.s32 s16, $0x2;
	v14 =	vld [tilespmem:s2+$0x780]  }
0x1d8: {  	s0 =	sor.u32 s18, s0;
	s1 =	sadd.s32 s1, s8  }
0x1d9: {  	s0 =	sshra.s32 s0, $0x2;
	v15 =	vld [tilespmem:s1+$0x780]  }
0x1da: {  	s0 =	sadd.s32 s0, s8  }
0x1db: {  	v16 =	vld [tilespmem:s0+$0x780]  }
0x1dc: {  	v7 =	vmul.f32 v13, v2;
	v8 =	vmul.f32 v14, v3;
	_ =	sdelay $0x1  }
0x1dd: {  	v17 =	vmul.f32 v15, v4;
	v7 =	vadd.f32 v8, v7;
	_ =	sdelay $0x1  }
0x1de: {  	v18 =	vmul.f32 v16, v5;
	v7 =	vadd.f32 v17, v7;
	_ =	sdelay $0x1  }
0x1df: {  	v7 =	vadd.f32 v18, v7;
	_ =	sdelay $0x1  }
0x1e0: {  	(xrf2) =	vadd.scan.msk.f32 $0xffff, v7;
	_ =	sdelay $0x9  }
0x1e1: {  	v7, _, _ =	vpop (xrf2)  }
0x1e2: {  	(v2sf) =	vpush v7, $0xF  }
0x1e3: {  	(v2sf) =	vpush v57, $0xA;
	_ =	sdelay $0xd  }
0x1e4: {  	s19 =	spop (v2sf)  }
0x1e5: {  	[smem:$0x7EE] =	sst s29;
	s20 =	spop (v2sf)  }
0x1e6: {  	s21 =	sshll.u32 s20, $0x2;
	s22 =	sand.u32 $0x7F, s20;
	s23 =	sadd.s32 $0x10, s20  }
0x1e7: {  	s29 =	sadd.s32 $0x20, s20;
	s0 =	sadd.s32 $0x30, s20;
	s1 =	sand.u32 $0xFFFFFE00, s21  }
0x1e8: {  	s2 =	sshll.u32 s22, $0x2;
	s25 =	sand.u32 $0x7F, s23;
	s3 =	sshll.u32 s23, $0x2  }
0x1e9: {  	s31 =	sand.u32 $0x7F, s29;
	s1 =	sor.u32 s2, s1;
	s26 =	sand.u32 $0xFFFFFE00, s3  }
0x1ea: {  	s28 =	sshll.u32 s25, $0x2;
	s3 =	sshll.u32 s29, $0x2;
	s4 =	sshll.u32 s31, $0x2  }
0x1eb: {  	s1 =	sshra.s32 s1, $0x2;
	s2 =	sor.u32 s28, s26;
	s3 =	sand.u32 $0xFFFFFE00, s3  }
0x1ec: {  	s1 =	sadd.s32 s1, s8;
	s2 =	sshra.s32 s2, $0x2;
	s3 =	sor.u32 s4, s3  }
0x1ed: {  	s4 =	sand.u32 $0x7F, s0;
	s0 =	sshll.u32 s0, $0x2;
	s2 =	sadd.s32 s2, s8;
	v19 =	vld [tilespmem:s1+$0x800]  }
0x1ee: {  	s1 =	sshra.s32 s3, $0x2;
	s0 =	sand.u32 $0xFFFFFE00, s0;
	s5 =	sshll.u32 s4, $0x2;
	v20 =	vld [tilespmem:s2+$0x800]  }
0x1ef: {  	s1 =	sadd.s32 s1, s8;
	s0 =	sor.u32 s5, s0  }
0x1f0: {  	v21 =	vld [tilespmem:s1+$0x800];
	s0 =	sshra.s32 s0, $0x2  }
0x1f1: {  	s0 =	sadd.s32 s0, s8  }
0x1f2: {  	v22 =	vld [tilespmem:s0+$0x800]  }
0x1f3: {  	v7 =	vmul.f32 v19, v2;
	v8 =	vmul.f32 v20, v3;
	_ =	sdelay $0x1  }
0x1f4: {  	v23 =	vmul.f32 v21, v4;
	v7 =	vadd.f32 v8, v7;
	_ =	sdelay $0x1  }
0x1f5: {  	v24 =	vmul.f32 v22, v5;
	v7 =	vadd.f32 v23, v7;
	_ =	sdelay $0x1  }
0x1f6: {  	v7 =	vadd.f32 v24, v7;
	_ =	sdelay $0x1  }
0x1f7: {  	(xrf2) =	vadd.scan.msk.f32 $0xffff, v7;
	_ =	sdelay $0x9  }
0x1f8: {  	v7, _, _ =	vpop (xrf2)  }
0x1f9: {  	(v2sf) =	vpush v7, $0xF  }
0x1fa: {  	(v2sf) =	vpush v57, $0xB;
	_ =	sdelay $0xd  }
0x1fb: {  	s15 =	spop (v2sf)  }
0x1fc: {  	[smem:$0x7EF] =	sst s19;
	s6 =	spop (v2sf)  }
0x1fd: {  	s11 =	sshll.u32 s6, $0x2;
	s12 =	sand.u32 $0x7F, s6;
	s14 =	sadd.s32 $0x10, s6  }
0x1fe: {  	s19 =	sadd.s32 $0x20, s6;
	s0 =	sadd.s32 $0x30, s6;
	s1 =	sand.u32 $0xFFFFFE00, s11  }
0x1ff: {  	s2 =	sshll.u32 s12, $0x2;
	s16 =	sand.u32 $0x7F, s14;
	s3 =	sshll.u32 s14, $0x2  }
0x200: {  	s20 =	sand.u32 $0x7F, s19;
	s22 =	sand.u32 $0x7F, s0;
	s1 =	sor.u32 s2, s1  }
0x201: {  	s17 =	sand.u32 $0xFFFFFE00, s3;
	s18 =	sshll.u32 s16, $0x2;
	s3 =	sshll.u32 s19, $0x2  }
0x202: {  	s4 =	sshll.u32 s20, $0x2;
	s1 =	sshra.s32 s1, $0x2;
	s2 =	sor.u32 s18, s17  }
0x203: {  	s3 =	sand.u32 $0xFFFFFE00, s3;
	s1 =	sadd.s32 s1, s8;
	s2 =	sshra.s32 s2, $0x2  }
0x204: {  	s0 =	sshll.u32 s0, $0x2;
	s21 =	sor.u32 s4, s3;
	s2 =	sadd.s32 s2, s8;
	v25 =	vld [tilespmem:s1+$0x880]  }
0x205: {  	s0 =	sand.u32 $0xFFFFFE00, s0;
	s23 =	sshll.u32 s22, $0x2;
	s1 =	sshra.s32 s21, $0x2;
	v26 =	vld [tilespmem:s2+$0x880]  }
0x206: {  	s0 =	sor.u32 s23, s0;
	s1 =	sadd.s32 s1, s8  }
0x207: {  	s0 =	sshra.s32 s0, $0x2;
	v27 =	vld [tilespmem:s1+$0x880]  }
0x208: {  	s0 =	sadd.s32 s0, s8  }
0x209: {  	v28 =	vld [tilespmem:s0+$0x880]  }
0x20a: {  	v7 =	vmul.f32 v25, v2;
	v8 =	vmul.f32 v26, v3;
	_ =	sdelay $0x1  }
0x20b: {  	v29 =	vmul.f32 v27, v4;
	v7 =	vadd.f32 v8, v7;
	_ =	sdelay $0x1  }
0x20c: {  	v30 =	vmul.f32 v28, v5;
	v7 =	vadd.f32 v29, v7;
	_ =	sdelay $0x1  }
0x20d: {  	v7 =	vadd.f32 v30, v7;
	_ =	sdelay $0x1  }
0x20e: {  	(xrf2) =	vadd.scan.msk.f32 $0xffff, v7;
	_ =	sdelay $0x9  }
0x20f: {  	v7, _, _ =	vpop (xrf2)  }
0x210: {  	(v2sf) =	vpush v7, $0xF  }
0x211: {  	(v2sf) =	vpush v57, $0xC;
	_ =	sdelay $0xd  }
0x212: {  	s11 =	spop (v2sf)  }
0x213: {  	s25 =	spop (v2sf)  }
0x214: {  	s26 =	sshll.u32 s25, $0x2;
	s28 =	sand.u32 $0x7F, s25;
	s29 =	sadd.s32 $0x10, s25  }
0x215: {  	s5 =	sadd.s32 $0x20, s25;
	s0 =	sadd.s32 $0x30, s25;
	s1 =	sand.u32 $0xFFFFFE00, s26  }
0x216: {  	s2 =	sshll.u32 s28, $0x2;
	s31 =	sand.u32 $0x7F, s29;
	s3 =	sshll.u32 s29, $0x2  }
0x217: {  	s6 =	sand.u32 $0x7F, s5;
	s14 =	sand.u32 $0x7F, s0;
	s1 =	sor.u32 s2, s1  }
0x218: {  	s3 =	sand.u32 $0xFFFFFE00, s3;
	s4 =	sshll.u32 s31, $0x2;
	s1 =	sshra.s32 s1, $0x2  }
0x219: {  	s2 =	sor.u32 s4, s3;
	s3 =	sshll.u32 s5, $0x2;
	s4 =	sshll.u32 s6, $0x2  }
0x21a: {  	s1 =	sadd.s32 s1, s8;
	s2 =	sshra.s32 s2, $0x2;
	s3 =	sand.u32 $0xFFFFFE00, s3  }
0x21b: {  	s0 =	sshll.u32 s0, $0x2;
	s2 =	sadd.s32 s2, s8;
	v31 =	vld [tilespmem:s1+$0x900];
	s12 =	sor.u32 s4, s3  }
0x21c: {  	s0 =	sand.u32 $0xFFFFFE00, s0;
	s16 =	sshll.u32 s14, $0x2;
	v32 =	vld [tilespmem:s2+$0x900];
	s1 =	sshra.s32 s12, $0x2  }
0x21d: {  	s0 =	sor.u32 s16, s0;
	s1 =	sadd.s32 s1, s8  }
0x21e: {  	s0 =	sshra.s32 s0, $0x2;
	v33 =	vld [tilespmem:s1+$0x900]  }
0x21f: {  	s0 =	sadd.s32 s0, s8  }
0x220: {  	v34 =	vld [tilespmem:s0+$0x900]  }
0x221: {  	v7 =	vmul.f32 v31, v2;
	v8 =	vmul.f32 v32, v3;
	_ =	sdelay $0x1  }
0x222: {  	v7 =	vadd.f32 v8, v7;
	v35 =	vmul.f32 v33, v4;
	_ =	sdelay $0x1  }
0x223: {  	v36 =	vmul.f32 v34, v5;
	v7 =	vadd.f32 v35, v7;
	_ =	sdelay $0x1  }
0x224: {  	v7 =	vadd.f32 v36, v7;
	_ =	sdelay $0x1  }
0x225: {  	(xrf2) =	vadd.scan.msk.f32 $0xffff, v7;
	_ =	sdelay $0x9  }
0x226: {  	v7, _, _ =	vpop (xrf2)  }
0x227: {  	(v2sf) =	vpush v7, $0xF  }
0x228: {  	(v2sf) =	vpush v57, $0xD;
	_ =	sdelay $0xd  }
0x229: {  	s17 =	spop (v2sf)  }
0x22a: {  	s18 =	spop (v2sf)  }
0x22b: {  	s19 =	sshll.u32 s18, $0x2;
	s20 =	sand.u32 $0x7F, s18;
	s21 =	sadd.s32 $0x10, s18  }
0x22c: {  	s26 =	sadd.s32 $0x20, s18;
	s0 =	sadd.s32 $0x30, s18;
	s1 =	sand.u32 $0xFFFFFE00, s19  }
0x22d: {  	s2 =	sshll.u32 s20, $0x2;
	s22 =	sand.u32 $0x7F, s21;
	s3 =	sshll.u32 s21, $0x2  }
0x22e: {  	s28 =	sand.u32 $0x7F, s26;
	s31 =	sand.u32 $0x7F, s0;
	s1 =	sor.u32 s2, s1  }
0x22f: {  	s23 =	sand.u32 $0xFFFFFE00, s3;
	s25 =	sshll.u32 s22, $0x2;
	s3 =	sshll.u32 s26, $0x2  }
0x230: {  	s4 =	sshll.u32 s28, $0x2;
	s1 =	sshra.s32 s1, $0x2;
	s2 =	sor.u32 s25, s23  }
0x231: {  	s3 =	sand.u32 $0xFFFFFE00, s3;
	s1 =	sadd.s32 s1, s8;
	s2 =	sshra.s32 s2, $0x2  }
0x232: {  	s0 =	sshll.u32 s0, $0x2;
	s29 =	sor.u32 s4, s3;
	s2 =	sadd.s32 s2, s8;
	v37 =	vld [tilespmem:s1+$0x980]  }
0x233: {  	s0 =	sand.u32 $0xFFFFFE00, s0;
	s3 =	sshll.u32 s31, $0x2;
	s1 =	sshra.s32 s29, $0x2;
	v38 =	vld [tilespmem:s2+$0x980]  }
0x234: {  	s0 =	sor.u32 s3, s0;
	s1 =	sadd.s32 s1, s8  }
0x235: {  	s0 =	sshra.s32 s0, $0x2;
	v39 =	vld [tilespmem:s1+$0x980]  }
0x236: {  	s0 =	sadd.s32 s0, s8  }
0x237: {  	v40 =	vld [tilespmem:s0+$0x980]  }
0x238: {  	v2 =	vmul.f32 v37, v2;
	v3 =	vmul.f32 v38, v3;
	_ =	sdelay $0x1  }
0x239: {  	v2 =	vadd.f32 v3, v2;
	v3 =	vmul.f32 v39, v4;
	_ =	sdelay $0x1  }
0x23a: {  	v2 =	vadd.f32 v3, v2;
	v3 =	vmul.f32 v40, v5;
	_ =	sdelay $0x1  }
0x23b: {  	v2 =	vadd.f32 v3, v2;
	_ =	sdelay $0x1  }
0x23c: {  	(xrf2) =	vadd.scan.msk.f32 $0xffff, v2;
	_ =	sdelay $0x5  }
0x23d: {  	s4 =	rddreg [dreg:$0x16]  }
0x23e: {  	v7 =	vld [tilespmem:s4+$0xFFFFFFF8];
	_ =	sdelay $0x2  }
0x23f: {  	v2, _, _ =	vpop (xrf2)  }
0x240: {  	(v2sf) =	vpush v2, $0xF  }
0x241: {  	(v2sf) =	vpush v7, $0x0;
	_ =	sdelay $0x2  }
0x242: {  	(v2sf) =	vpush v7, $0x1;
	_ =	sdelay $0xa  }
0x243: {  	s5 =	spop (v2sf)  }
0x244: {  	[smem:$0x7F0] =	sst s17;
	s6 =	spop (v2sf)  }
0x245: {  	[smem:$0x7F1] =	sst s5;
	s12 =	sand.u32 $0x7F, s6;
	s14 =	sshll.u32 s6, $0x2  }
0x246: {  	s16 =	sadd.s32 $0x10, s6;
	s18 =	sadd.s32 $0x20, s6;
	s0 =	sadd.s32 $0x30, s6  }
0x247: {  	s21 =	spop (v2sf);
	s2 =	sand.u32 $0xFFFFFE00, s14;
	s1 =	sshll.u32 s12, $0x2  }
0x248: {  	s17 =	sand.u32 $0x7F, s16;
	s4 =	sshll.u32 s16, $0x2;
	s19 =	sand.u32 $0x7F, s18  }
0x249: {  	(v2sf) =	vpush v7, $0x2;
	s5 =	sshll.u32 s18, $0x2;
	s20 =	sand.u32 $0x7F, s0;
	s0 =	sshll.u32 s0, $0x2  }
0x24a: {  	s22 =	sand.u32 $0x7F, s21;
	s23 =	sshll.u32 s21, $0x2;
	s25 =	sadd.s32 $0x10, s21  }
0x24b: {  	s16 =	sadd.s32 $0x20, s21;
	s6 =	sadd.s32 $0x30, s21;
	s1 =	sor.u32 s1, s2  }
0x24c: {  	s4 =	sand.u32 $0xFFFFFE00, s4;
	s2 =	sshll.u32 s17, $0x2;
	s5 =	sand.u32 $0xFFFFFE00, s5  }
0x24d: {  	s0 =	sand.u32 $0xFFFFFE00, s0;
	s12 =	sand.u32 $0xFFFFFE00, s23;
	s26 =	sand.u32 $0x7F, s25  }
0x24e: {  	s14 =	sshll.u32 s25, $0x2;
	s28 =	sand.u32 $0x7F, s16;
	s16 =	sshll.u32 s16, $0x2  }
0x24f: {  	s29 =	sand.u32 $0x7F, s6;
	s6 =	sshll.u32 s6, $0x2;
	s2 =	sor.u32 s2, s4  }
0x250: {  	s4 =	sshll.u32 s19, $0x2;
	s14 =	sand.u32 $0xFFFFFE00, s14;
	s16 =	sand.u32 $0xFFFFFE00, s16  }
0x251: {  	s6 =	sand.u32 $0xFFFFFE00, s6;
	s1 =	sshra.s32 s1, $0x2;
	s4 =	sor.u32 s4, s5  }
0x252: {  	s5 =	sshll.u32 s20, $0x2;
	s1 =	sadd.s32 s10, s1;
	s2 =	sshra.s32 s2, $0x2  }
0x253: {  	s0 =	sor.u32 s5, s0;
	s5 =	sshll.u32 s22, $0x2;
	s2 =	sadd.s32 s10, s2  }
0x254: {  	s4 =	sshra.s32 s4, $0x2;
	s5 =	sor.u32 s5, s12;
	s12 =	sshll.u32 s26, $0x2  }
0x255: {  	s21 =	sadd.s32 s10, s4;
	s0 =	sshra.s32 s0, $0x2;
	s12 =	sor.u32 s12, s14  }
0x256: {  	s14 =	sshll.u32 s28, $0x2;
	s0 =	sadd.s32 s10, s0;
	s26 =	sshra.s32 s5, $0x2  }
0x257: {  	s14 =	sor.u32 s14, s16;
	s16 =	sshll.u32 s29, $0x2;
	s28 =	sadd.s32 s10, s26  }
0x258: {  	s29 =	sshra.s32 s12, $0x2;
	s6 =	sor.u32 s16, s6;
	s17 =	spop (v2sf)  }
0x259: {  	v3 =	vld [tilespmem:s2+$0x5C80];
	s2 =	sadd.s32 s10, s29;
	s31 =	sand.u32 $0x7F, s17;
	s18 =	sshll.u32 s17, $0x2  }
0x25a: {  	s19 =	sadd.s32 $0x10, s17;
	s20 =	sadd.s32 $0x20, s17;
	s17 =	sadd.s32 $0x30, s17  }
0x25b: {  	s18 =	sand.u32 $0xFFFFFE00, s18;
	s16 =	sshll.u32 s31, $0x2;
	s3 =	sand.u32 $0x7F, s19  }
0x25c: {  	v2 =	vld [tilespmem:s1+$0x5C80];
	s19 =	sshll.u32 s19, $0x2;
	s22 =	sand.u32 $0x7F, s20;
	s31 =	sshra.s32 s14, $0x2  }
0x25d: {  	v4 =	vld [tilespmem:s21+$0x5C80];
	s5 =	sshll.u32 s17, $0x2;
	s16 =	sor.u32 s16, s18;
	s19 =	sand.u32 $0xFFFFFE00, s19  }
0x25e: {  	v5 =	vld [tilespmem:s0+$0x5C80];
	s18 =	sshll.u32 s3, $0x2;
	s4 =	sshll.u32 s22, $0x2;
	s3 =	sadd.s32 s10, s31  }
0x25f: {  	v41 =	vld [tilespmem:s28+$0x6480];
	s18 =	sor.u32 s18, s19;
	s19 =	sshll.u32 s20, $0x2;
	s12 =	sshra.s32 s16, $0x2  }
0x260: {  	v42 =	vld [tilespmem:s2+$0x6480];
	s23 =	sand.u32 $0xFFFFFE00, s19;
	s14 =	sadd.s32 s12, s8;
	s16 =	sshra.s32 s18, $0x2  }
0x261: {  	s19 =	sand.u32 $0x7F, s17;
	s25 =	sor.u32 s4, s23;
	v43 =	vld [tilespmem:s14+$0xA00];
	s18 =	sadd.s32 s16, s8  }
0x262: {  	s21 =	sand.u32 $0xFFFFFE00, s5;
	s4 =	sshll.u32 s19, $0x2;
	v44 =	vld [tilespmem:s18+$0xA00];
	s20 =	sshra.s32 s25, $0x2  }
0x263: {  	s22 =	sshra.s32 s6, $0x2;
	v45 =	vld [tilespmem:s3+$0x6480];
	s1 =	sor.u32 s4, s21;
	s0 =	sadd.s32 s20, s8  }
0x264: {  	s2 =	sadd.s32 s10, s22;
	s23 =	sshra.s32 s1, $0x2;
	v46 =	vld [tilespmem:s0+$0xA00]  }
0x265: {  	v47 =	vld [tilespmem:s2+$0x6480];
	s0 =	sadd.s32 s23, s8  }
0x266: {  	v6 =	vmul.f32 v41, v2;
	v8 =	vmul.f32 v42, v3;
	v14 =	vld [tilespmem:s0+$0xA00]  }
0x267: {  	v9 =	vmul.f32 v43, v2;
	v10 =	vmul.f32 v44, v3  }
0x268: {  	v6 =	vadd.f32 v8, v6;
	v48 =	vmul.f32 v45, v4  }
0x269: {  	v9 =	vadd.f32 v10, v9;
	v49 =	vmul.f32 v46, v4  }
0x26a: {  	v50 =	vmul.f32 v47, v5;
	v6 =	vadd.f32 v48, v6  }
0x26b: {  	v51 =	vmul.f32 v14, v5;
	v9 =	vadd.f32 v49, v9  }
0x26c: {  	v6 =	vadd.f32 v50, v6  }
0x26d: {  	v52 =	vadd.f32 v51, v9  }
0x26e: {  	(xrf2) =	vadd.scan.msk.f32 $0xffff, v6  }
0x26f: {  	(xrf2) =	vadd.scan.msk.f32 $0xffff, v52;
	_ =	sdelay $0x8  }
0x270: {  	v6, _, _ =	vpop (xrf2)  }
0x271: {  	v8, _, _ =	vpop (xrf2)  }
0x272: {  	(v2sf) =	vpush v8, $0xF  }
0x273: {  	(v2sf) =	vpush v7, $0x3;
	_ =	sdelay $0xd  }
0x274: {  	s25 =	spop (v2sf)  }
0x275: {  	s26 =	spop (v2sf)  }
0x276: {  	s28 =	sshll.u32 s26, $0x2;
	s29 =	sand.u32 $0x7F, s26;
	s31 =	sadd.s32 $0x10, s26  }
0x277: {  	s10 =	sadd.s32 $0x20, s26;
	s0 =	sadd.s32 $0x30, s26;
	s1 =	sand.u32 $0xFFFFFE00, s28  }
0x278: {  	s2 =	sshll.u32 s29, $0x2;
	s3 =	sand.u32 $0x7F, s31;
	s4 =	sshll.u32 s31, $0x2  }
0x279: {  	s12 =	sand.u32 $0x7F, s10;
	s16 =	sand.u32 $0x7F, s0;
	s1 =	sor.u32 s2, s1  }
0x27a: {  	s4 =	sand.u32 $0xFFFFFE00, s4;
	s6 =	sshll.u32 s3, $0x2;
	s5 =	sshll.u32 s12, $0x2  }
0x27b: {  	s1 =	sshra.s32 s1, $0x2;
	s2 =	sor.u32 s6, s4;
	s4 =	sshll.u32 s10, $0x2  }
0x27c: {  	s1 =	sadd.s32 s1, s8;
	s2 =	sshra.s32 s2, $0x2;
	s4 =	sand.u32 $0xFFFFFE00, s4  }
0x27d: {  	s0 =	sshll.u32 s0, $0x2;
	s2 =	sadd.s32 s2, s8;
	v53 =	vld [tilespmem:s1+$0xA80];
	s14 =	sor.u32 s5, s4  }
0x27e: {  	s0 =	sand.u32 $0xFFFFFE00, s0;
	s17 =	sshll.u32 s16, $0x2;
	v54 =	vld [tilespmem:s2+$0xA80];
	s1 =	sshra.s32 s14, $0x2  }
0x27f: {  	s0 =	sor.u32 s17, s0;
	s1 =	sadd.s32 s1, s8  }
0x280: {  	s0 =	sshra.s32 s0, $0x2;
	v55 =	vld [tilespmem:s1+$0xA80]  }
0x281: {  	s0 =	sadd.s32 s0, s8  }
0x282: {  	v56 =	vld [tilespmem:s0+$0xA80]  }
0x283: {  	v8 =	vmul.f32 v53, v2;
	v9 =	vmul.f32 v54, v3;
	_ =	sdelay $0x1  }
0x284: {  	v8 =	vadd.f32 v9, v8;
	v57 =	vmul.f32 v55, v4;
	_ =	sdelay $0x1  }
0x285: {  	v58 =	vmul.f32 v56, v5;
	v8 =	vadd.f32 v57, v8;
	_ =	sdelay $0x1  }
0x286: {  	v8 =	vadd.f32 v58, v8;
	_ =	sdelay $0x1  }
0x287: {  	(xrf2) =	vadd.scan.msk.f32 $0xffff, v8;
	_ =	sdelay $0x9  }
0x288: {  	v8, _, _ =	vpop (xrf2)  }
0x289: {  	(v2sf) =	vpush v8, $0xF  }
0x28a: {  	(v2sf) =	vpush v7, $0x4;
	_ =	sdelay $0xd  }
0x28b: {  	s18 =	spop (v2sf)  }
0x28c: {  	[smem:$0x7F2] =	sst s25;
	s19 =	spop (v2sf)  }
0x28d: {  	s20 =	sshll.u32 s19, $0x2;
	s21 =	sand.u32 $0x7F, s19;
	s22 =	sadd.s32 $0x10, s19  }
0x28e: {  	s28 =	sadd.s32 $0x20, s19;
	s0 =	sadd.s32 $0x30, s19;
	s1 =	sand.u32 $0xFFFFFE00, s20  }
0x28f: {  	s2 =	sshll.u32 s21, $0x2;
	s23 =	sand.u32 $0x7F, s22;
	s4 =	sshll.u32 s22, $0x2  }
0x290: {  	s29 =	sand.u32 $0x7F, s28;
	s3 =	sand.u32 $0x7F, s0;
	s1 =	sor.u32 s2, s1  }
0x291: {  	s25 =	sand.u32 $0xFFFFFE00, s4;
	s26 =	sshll.u32 s23, $0x2;
	s4 =	sshll.u32 s28, $0x2  }
0x292: {  	s6 =	sshll.u32 s29, $0x2;
	s1 =	sshra.s32 s1, $0x2;
	s2 =	sor.u32 s26, s25  }
0x293: {  	s4 =	sand.u32 $0xFFFFFE00, s4;
	s1 =	sadd.s32 s1, s8;
	s2 =	sshra.s32 s2, $0x2  }
0x294: {  	s0 =	sshll.u32 s0, $0x2;
	s31 =	sor.u32 s6, s4;
	s2 =	sadd.s32 s2, s8;
	v59 =	vld [tilespmem:s1+$0xB00]  }
0x295: {  	s0 =	sand.u32 $0xFFFFFE00, s0;
	s5 =	sshll.u32 s3, $0x2;
	s1 =	sshra.s32 s31, $0x2;
	v60 =	vld [tilespmem:s2+$0xB00]  }
0x296: {  	s0 =	sor.u32 s5, s0;
	s1 =	sadd.s32 s1, s8  }
0x297: {  	s0 =	sshra.s32 s0, $0x2;
	v61 =	vld [tilespmem:s1+$0xB00]  }
0x298: {  	s0 =	sadd.s32 s0, s8  }
0x299: {  	v62 =	vld [tilespmem:s0+$0xB00]  }
0x29a: {  	v8 =	vmul.f32 v59, v2;
	v9 =	vmul.f32 v60, v3;
	_ =	sdelay $0x1  }
0x29b: {  	v63 =	vmul.f32 v61, v4;
	v8 =	vadd.f32 v9, v8;
	_ =	sdelay $0x1  }
0x29c: {  	v12 =	vmul.f32 v62, v5;
	v8 =	vadd.f32 v63, v8;
	_ =	sdelay $0x1  }
0x29d: {  	v8 =	vadd.f32 v12, v8;
	_ =	sdelay $0x1  }
0x29e: {  	(xrf2) =	vadd.scan.msk.f32 $0xffff, v8;
	_ =	sdelay $0x9  }
0x29f: {  	v8, _, _ =	vpop (xrf2)  }
0x2a0: {  	(v2sf) =	vpush v8, $0xF  }
0x2a1: {  	(v2sf) =	vpush v7, $0x5;
	_ =	sdelay $0xd  }
0x2a2: {  	s6 =	spop (v2sf)  }
0x2a3: {  	[smem:$0x7F3] =	sst s18;
	s10 =	spop (v2sf)  }
0x2a4: {  	s16 =	sand.u32 $0x7F, s10;
	s17 =	sshll.u32 s10, $0x2;
	s18 =	sadd.s32 $0x10, s10  }
0x2a5: {  	s20 =	sadd.s32 $0x20, s10;
	s0 =	sadd.s32 $0x30, s10;
	s2 =	sand.u32 $0xFFFFFE00, s17  }
0x2a6: {  	s1 =	sshll.u32 s16, $0x2;
	s19 =	sand.u32 $0x7F, s18;
	s21 =	sand.u32 $0x7F, s20  }
0x2a7: {  	s12 =	sshll.u32 s20, $0x2;
	s1 =	sor.u32 s1, s2;
	s2 =	sshll.u32 s18, $0x2  }
0x2a8: {  	s25 =	sand.u32 $0x7F, s0;
	s4 =	sshll.u32 s19, $0x2;
	s2 =	sand.u32 $0xFFFFFE00, s2  }
0x2a9: {  	s12 =	sand.u32 $0xFFFFFE00, s12;
	s1 =	sshra.s32 s1, $0x2;
	s2 =	sor.u32 s4, s2  }
0x2aa: {  	s14 =	sshll.u32 s21, $0x2;
	s1 =	sadd.s32 s1, s8;
	s2 =	sshra.s32 s2, $0x2  }
0x2ab: {  	s0 =	sshll.u32 s0, $0x2;
	s22 =	sor.u32 s14, s12;
	v13 =	vld [tilespmem:s1+$0xB80];
	s23 =	sadd.s32 s2, s8  }
0x2ac: {  	s0 =	sand.u32 $0xFFFFFE00, s0;
	s26 =	sshra.s32 s22, $0x2;
	s2 =	sshll.u32 s25, $0x2;
	v14 =	vld [tilespmem:s23+$0xB80]  }
0x2ad: {  	s1 =	sadd.s32 s26, s8;
	s0 =	sor.u32 s2, s0  }
0x2ae: {  	v15 =	vld [tilespmem:s1+$0xB80];
	s0 =	sshra.s32 s0, $0x2  }
0x2af: {  	s0 =	sadd.s32 s0, s8  }
0x2b0: {  	v16 =	vld [tilespmem:s0+$0xB80]  }
0x2b1: {  	v8 =	vmul.f32 v13, v2;
	v9 =	vmul.f32 v14, v3;
	_ =	sdelay $0x1  }
0x2b2: {  	v17 =	vmul.f32 v15, v4;
	v8 =	vadd.f32 v9, v8;
	_ =	sdelay $0x1  }
0x2b3: {  	v18 =	vmul.f32 v16, v5;
	v8 =	vadd.f32 v17, v8;
	_ =	sdelay $0x1  }
0x2b4: {  	v8 =	vadd.f32 v18, v8;
	_ =	sdelay $0x1  }
0x2b5: {  	(xrf2) =	vadd.scan.msk.f32 $0xffff, v8;
	_ =	sdelay $0x9  }
0x2b6: {  	v8, _, _ =	vpop (xrf2)  }
0x2b7: {  	(v2sf) =	vpush v8, $0xF  }
0x2b8: {  	(v2sf) =	vpush v7, $0x6;
	_ =	sdelay $0xd  }
0x2b9: {  	s28 =	spop (v2sf)  }
0x2ba: {  	[smem:$0x7F4] =	sst s6;
	s29 =	spop (v2sf)  }
0x2bb: {  	s31 =	sand.u32 $0x7F, s29;
	s3 =	sshll.u32 s29, $0x2;
	s4 =	sadd.s32 $0x10, s29  }
0x2bc: {  	s6 =	sadd.s32 $0x20, s29;
	s0 =	sadd.s32 $0x30, s29;
	s2 =	sand.u32 $0xFFFFFE00, s3  }
0x2bd: {  	s1 =	sshll.u32 s31, $0x2;
	s5 =	sand.u32 $0x7F, s4;
	s10 =	sand.u32 $0x7F, s6  }
0x2be: {  	s12 =	sshll.u32 s6, $0x2;
	s1 =	sor.u32 s1, s2;
	s2 =	sshll.u32 s4, $0x2  }
0x2bf: {  	s18 =	sand.u32 $0x7F, s0;
	s4 =	sshll.u32 s5, $0x2;
	s2 =	sand.u32 $0xFFFFFE00, s2  }
0x2c0: {  	s12 =	sand.u32 $0xFFFFFE00, s12;
	s1 =	sshra.s32 s1, $0x2;
	s2 =	sor.u32 s4, s2  }
0x2c1: {  	s14 =	sshll.u32 s10, $0x2;
	s1 =	sadd.s32 s1, s8;
	s2 =	sshra.s32 s2, $0x2  }
0x2c2: {  	s0 =	sshll.u32 s0, $0x2;
	s16 =	sor.u32 s14, s12;
	v19 =	vld [tilespmem:s1+$0xC00];
	s17 =	sadd.s32 s2, s8  }
0x2c3: {  	s0 =	sand.u32 $0xFFFFFE00, s0;
	s19 =	sshra.s32 s16, $0x2;
	s2 =	sshll.u32 s18, $0x2;
	v20 =	vld [tilespmem:s17+$0xC00]  }
0x2c4: {  	s1 =	sadd.s32 s19, s8;
	s0 =	sor.u32 s2, s0  }
0x2c5: {  	v21 =	vld [tilespmem:s1+$0xC00];
	s0 =	sshra.s32 s0, $0x2  }
0x2c6: {  	s0 =	sadd.s32 s0, s8  }
0x2c7: {  	v22 =	vld [tilespmem:s0+$0xC00]  }
0x2c8: {  	v8 =	vmul.f32 v19, v2;
	v9 =	vmul.f32 v20, v3;
	_ =	sdelay $0x1  }
0x2c9: {  	v23 =	vmul.f32 v21, v4;
	v8 =	vadd.f32 v9, v8;
	_ =	sdelay $0x1  }
0x2ca: {  	v24 =	vmul.f32 v22, v5;
	v8 =	vadd.f32 v23, v8;
	_ =	sdelay $0x1  }
0x2cb: {  	v8 =	vadd.f32 v24, v8;
	_ =	sdelay $0x1  }
0x2cc: {  	(xrf2) =	vadd.scan.msk.f32 $0xffff, v8;
	_ =	sdelay $0x9  }
0x2cd: {  	v8, _, _ =	vpop (xrf2)  }
0x2ce: {  	(v2sf) =	vpush v8, $0xF  }
0x2cf: {  	(v2sf) =	vpush v7, $0x7;
	_ =	sdelay $0xd  }
0x2d0: {  	s20 =	spop (v2sf)  }
0x2d1: {  	[smem:$0x7F5] =	sst s28;
	s21 =	spop (v2sf)  }
0x2d2: {  	s22 =	sand.u32 $0x7F, s21;
	s23 =	sshll.u32 s21, $0x2;
	s25 =	sadd.s32 $0x10, s21  }
0x2d3: {  	s28 =	sadd.s32 $0x20, s21;
	s0 =	sadd.s32 $0x30, s21;
	s2 =	sand.u32 $0xFFFFFE00, s23  }
0x2d4: {  	s1 =	sshll.u32 s22, $0x2;
	s26 =	sand.u32 $0x7F, s25;
	s29 =	sand.u32 $0x7F, s28  }
0x2d5: {  	s12 =	sshll.u32 s28, $0x2;
	s1 =	sor.u32 s1, s2;
	s2 =	sshll.u32 s25, $0x2  }
0x2d6: {  	s3 =	sand.u32 $0x7F, s0;
	s4 =	sshll.u32 s26, $0x2;
	s2 =	sand.u32 $0xFFFFFE00, s2  }
0x2d7: {  	s12 =	sand.u32 $0xFFFFFE00, s12;
	s1 =	sshra.s32 s1, $0x2;
	s2 =	sor.u32 s4, s2  }
0x2d8: {  	s14 =	sshll.u32 s29, $0x2;
	s1 =	sadd.s32 s1, s8;
	s2 =	sshra.s32 s2, $0x2  }
0x2d9: {  	s0 =	sshll.u32 s0, $0x2;
	s31 =	sor.u32 s14, s12;
	v25 =	vld [tilespmem:s1+$0xC80];
	s2 =	sadd.s32 s2, s8  }
0x2da: {  	s0 =	sand.u32 $0xFFFFFE00, s0;
	s5 =	sshra.s32 s31, $0x2;
	v26 =	vld [tilespmem:s2+$0xC80];
	s2 =	sshll.u32 s3, $0x2  }
0x2db: {  	s1 =	sadd.s32 s5, s8;
	s0 =	sor.u32 s2, s0  }
0x2dc: {  	v27 =	vld [tilespmem:s1+$0xC80];
	s0 =	sshra.s32 s0, $0x2  }
0x2dd: {  	s0 =	sadd.s32 s0, s8  }
0x2de: {  	v28 =	vld [tilespmem:s0+$0xC80]  }
0x2df: {  	v8 =	vmul.f32 v25, v2;
	v9 =	vmul.f32 v26, v3;
	_ =	sdelay $0x1  }
0x2e0: {  	v29 =	vmul.f32 v27, v4;
	v8 =	vadd.f32 v9, v8;
	_ =	sdelay $0x1  }
0x2e1: {  	v8 =	vadd.f32 v29, v8;
	v30 =	vmul.f32 v28, v5;
	_ =	sdelay $0x1  }
0x2e2: {  	v8 =	vadd.f32 v30, v8;
	_ =	sdelay $0x1  }
0x2e3: {  	(xrf2) =	vadd.scan.msk.f32 $0xffff, v8;
	_ =	sdelay $0x9  }
0x2e4: {  	v8, _, _ =	vpop (xrf2)  }
0x2e5: {  	(v2sf) =	vpush v8, $0xF  }
0x2e6: {  	(v2sf) =	vpush v7, $0x8;
	_ =	sdelay $0xd  }
0x2e7: {  	s6 =	spop (v2sf)  }
0x2e8: {  	[smem:$0x7F6] =	sst s20;
	s10 =	spop (v2sf)  }
0x2e9: {  	s17 =	sand.u32 $0x7F, s10;
	s18 =	sshll.u32 s10, $0x2;
	s19 =	sadd.s32 $0x10, s10  }
0x2ea: {  	s21 =	sadd.s32 $0x20, s10;
	s0 =	sadd.s32 $0x30, s10;
	s2 =	sand.u32 $0xFFFFFE00, s18  }
0x2eb: {  	s1 =	sshll.u32 s17, $0x2;
	s20 =	sand.u32 $0x7F, s19;
	s22 =	sand.u32 $0x7F, s21  }
0x2ec: {  	s14 =	sshll.u32 s21, $0x2;
	s1 =	sor.u32 s1, s2;
	s2 =	sshll.u32 s19, $0x2  }
0x2ed: {  	s26 =	sand.u32 $0x7F, s0;
	s12 =	sshll.u32 s20, $0x2;
	s2 =	sand.u32 $0xFFFFFE00, s2  }
0x2ee: {  	s14 =	sand.u32 $0xFFFFFE00, s14;
	s1 =	sshra.s32 s1, $0x2;
	s2 =	sor.u32 s12, s2  }
0x2ef: {  	s16 =	sshll.u32 s22, $0x2;
	s1 =	sadd.s32 s1, s8;
	s2 =	sshra.s32 s2, $0x2  }
0x2f0: {  	s0 =	sshll.u32 s0, $0x2;
	s23 =	sor.u32 s16, s14;
	v31 =	vld [tilespmem:s1+$0xD00];
	s25 =	sadd.s32 s2, s8  }
0x2f1: {  	s0 =	sand.u32 $0xFFFFFE00, s0;
	s28 =	sshra.s32 s23, $0x2;
	s2 =	sshll.u32 s26, $0x2;
	v32 =	vld [tilespmem:s25+$0xD00]  }
0x2f2: {  	s1 =	sadd.s32 s28, s8;
	s0 =	sor.u32 s2, s0  }
0x2f3: {  	v33 =	vld [tilespmem:s1+$0xD00];
	s0 =	sshra.s32 s0, $0x2  }
0x2f4: {  	s0 =	sadd.s32 s0, s8  }
0x2f5: {  	v34 =	vld [tilespmem:s0+$0xD00]  }
0x2f6: {  	v8 =	vmul.f32 v31, v2;
	v9 =	vmul.f32 v32, v3;
	_ =	sdelay $0x1  }
0x2f7: {  	v35 =	vmul.f32 v33, v4;
	v8 =	vadd.f32 v9, v8;
	_ =	sdelay $0x1  }
0x2f8: {  	v36 =	vmul.f32 v34, v5;
	v8 =	vadd.f32 v35, v8;
	_ =	sdelay $0x1  }
0x2f9: {  	v8 =	vadd.f32 v36, v8;
	_ =	sdelay $0x1  }
0x2fa: {  	(xrf2) =	vadd.scan.msk.f32 $0xffff, v8;
	_ =	sdelay $0x9  }
0x2fb: {  	v8, _, _ =	vpop (xrf2)  }
0x2fc: {  	(v2sf) =	vpush v8, $0xF  }
0x2fd: {  	(v2sf) =	vpush v7, $0x9;
	_ =	sdelay $0xd  }
0x2fe: {  	s29 =	spop (v2sf)  }
0x2ff: {  	[smem:$0x7F7] =	sst s6;
	s31 =	spop (v2sf)  }
0x300: {  	s2 =	sand.u32 $0x7F, s31;
	s3 =	sshll.u32 s31, $0x2;
	s4 =	sadd.s32 $0x10, s31  }
0x301: {  	s6 =	sadd.s32 $0x20, s31;
	s0 =	sadd.s32 $0x30, s31;
	s12 =	sand.u32 $0xFFFFFE00, s3  }
0x302: {  	s1 =	sshll.u32 s2, $0x2;
	s5 =	sand.u32 $0x7F, s4;
	s10 =	sand.u32 $0x7F, s6  }
0x303: {  	s16 =	sshll.u32 s6, $0x2;
	s1 =	sor.u32 s1, s12;
	s12 =	sshll.u32 s4, $0x2  }
0x304: {  	s20 =	sand.u32 $0x7F, s0;
	s14 =	sshll.u32 s5, $0x2;
	s12 =	sand.u32 $0xFFFFFE00, s12  }
0x305: {  	s16 =	sand.u32 $0xFFFFFE00, s16;
	s1 =	sshra.s32 s1, $0x2;
	s12 =	sor.u32 s14, s12  }
0x306: {  	s17 =	sshll.u32 s10, $0x2;
	s1 =	sadd.s32 s1, s8;
	s12 =	sshra.s32 s12, $0x2  }
0x307: {  	s0 =	sshll.u32 s0, $0x2;
	s18 =	sor.u32 s17, s16;
	v37 =	vld [tilespmem:s1+$0xD80];
	s19 =	sadd.s32 s12, s8  }
0x308: {  	s0 =	sand.u32 $0xFFFFFE00, s0;
	s21 =	sshra.s32 s18, $0x2;
	s12 =	sshll.u32 s20, $0x2;
	v38 =	vld [tilespmem:s19+$0xD80]  }
0x309: {  	s1 =	sadd.s32 s21, s8;
	s0 =	sor.u32 s12, s0  }
0x30a: {  	v39 =	vld [tilespmem:s1+$0xD80];
	s0 =	sshra.s32 s0, $0x2  }
0x30b: {  	s0 =	sadd.s32 s0, s8  }
0x30c: {  	v40 =	vld [tilespmem:s0+$0xD80]  }
0x30d: {  	v8 =	vmul.f32 v37, v2;
	v9 =	vmul.f32 v38, v3;
	_ =	sdelay $0x1  }
0x30e: {  	v41 =	vmul.f32 v39, v4;
	v8 =	vadd.f32 v9, v8;
	_ =	sdelay $0x1  }
0x30f: {  	v42 =	vmul.f32 v40, v5;
	v8 =	vadd.f32 v41, v8;
	_ =	sdelay $0x1  }
0x310: {  	v8 =	vadd.f32 v42, v8;
	_ =	sdelay $0x1  }
0x311: {  	(xrf2) =	vadd.scan.msk.f32 $0xffff, v8;
	_ =	sdelay $0x9  }
0x312: {  	v8, _, _ =	vpop (xrf2)  }
0x313: {  	(v2sf) =	vpush v8, $0xF  }
0x314: {  	(v2sf) =	vpush v7, $0xA;
	_ =	sdelay $0xd  }
0x315: {  	s22 =	spop (v2sf)  }
0x316: {  	[smem:$0x7F8] =	sst s29;
	s23 =	spop (v2sf)  }
0x317: {  	s25 =	sand.u32 $0x7F, s23;
	s26 =	sshll.u32 s23, $0x2;
	s28 =	sadd.s32 $0x10, s23  }
0x318: {  	s31 =	sadd.s32 $0x20, s23;
	s0 =	sadd.s32 $0x30, s23;
	s14 =	sand.u32 $0xFFFFFE00, s26  }
0x319: {  	s12 =	sshll.u32 s25, $0x2;
	s29 =	sand.u32 $0x7F, s28;
	s1 =	sand.u32 $0x7F, s31  }
0x31a: {  	s17 =	sshll.u32 s31, $0x2;
	s12 =	sor.u32 s12, s14;
	s14 =	sshll.u32 s28, $0x2  }
0x31b: {  	s4 =	sand.u32 $0x7F, s0;
	s16 =	sshll.u32 s29, $0x2;
	s14 =	sand.u32 $0xFFFFFE00, s14  }
0x31c: {  	s17 =	sand.u32 $0xFFFFFE00, s17;
	s12 =	sshra.s32 s12, $0x2;
	s14 =	sor.u32 s16, s14  }
0x31d: {  	s18 =	sshll.u32 s1, $0x2;
	s12 =	sadd.s32 s12, s8;
	s14 =	sshra.s32 s14, $0x2  }
0x31e: {  	s0 =	sshll.u32 s0, $0x2;
	s2 =	sor.u32 s18, s17;
	v43 =	vld [tilespmem:s12+$0xE00];
	s3 =	sadd.s32 s14, s8  }
0x31f: {  	s0 =	sand.u32 $0xFFFFFE00, s0;
	s5 =	sshra.s32 s2, $0x2;
	s14 =	sshll.u32 s4, $0x2;
	v44 =	vld [tilespmem:s3+$0xE00]  }
0x320: {  	s12 =	sadd.s32 s5, s8;
	s0 =	sor.u32 s14, s0  }
0x321: {  	v45 =	vld [tilespmem:s12+$0xE00];
	s0 =	sshra.s32 s0, $0x2  }
0x322: {  	s0 =	sadd.s32 s0, s8  }
0x323: {  	v46 =	vld [tilespmem:s0+$0xE00]  }
0x324: {  	v8 =	vmul.f32 v43, v2;
	v9 =	vmul.f32 v44, v3;
	_ =	sdelay $0x1  }
0x325: {  	v47 =	vmul.f32 v45, v4;
	v8 =	vadd.f32 v9, v8;
	_ =	sdelay $0x1  }
0x326: {  	v48 =	vmul.f32 v46, v5;
	v8 =	vadd.f32 v47, v8;
	_ =	sdelay $0x1  }
0x327: {  	v8 =	vadd.f32 v48, v8;
	_ =	sdelay $0x1  }
0x328: {  	(xrf2) =	vadd.scan.msk.f32 $0xffff, v8;
	_ =	sdelay $0x9  }
0x329: {  	v8, _, _ =	vpop (xrf2)  }
0x32a: {  	(v2sf) =	vpush v8, $0xF  }
0x32b: {  	(v2sf) =	vpush v7, $0xB;
	_ =	sdelay $0xd  }
0x32c: {  	s6 =	spop (v2sf)  }
0x32d: {  	[smem:$0x7F9] =	sst s22;
	s10 =	spop (v2sf)  }
0x32e: {  	s18 =	sand.u32 $0x7F, s10;
	s19 =	sshll.u32 s10, $0x2;
	s20 =	sadd.s32 $0x10, s10  }
0x32f: {  	s22 =	sadd.s32 $0x20, s10;
	s12 =	sadd.s32 $0x30, s10;
	s16 =	sand.u32 $0xFFFFFE00, s19  }
0x330: {  	s14 =	sshll.u32 s18, $0x2;
	s21 =	sand.u32 $0x7F, s20;
	s23 =	sand.u32 $0x7F, s22  }
0x331: {  	s18 =	sshll.u32 s22, $0x2;
	s14 =	sor.u32 s14, s16;
	s16 =	sshll.u32 s20, $0x2  }
0x332: {  	s28 =	sand.u32 $0x7F, s12;
	s17 =	sshll.u32 s21, $0x2;
	s16 =	sand.u32 $0xFFFFFE00, s16  }
0x333: {  	s18 =	sand.u32 $0xFFFFFE00, s18;
	s14 =	sshra.s32 s14, $0x2;
	s16 =	sor.u32 s17, s16  }
0x334: {  	s19 =	sshll.u32 s23, $0x2;
	s14 =	sadd.s32 s14, s8;
	s16 =	sshra.s32 s16, $0x2  }
0x335: {  	s12 =	sshll.u32 s12, $0x2;
	s25 =	sor.u32 s19, s18;
	v49 =	vld [tilespmem:s14+$0xE80];
	s26 =	sadd.s32 s16, s8  }
0x336: {  	s12 =	sand.u32 $0xFFFFFE00, s12;
	s29 =	sshra.s32 s25, $0x2;
	s16 =	sshll.u32 s28, $0x2;
	v50 =	vld [tilespmem:s26+$0xE80]  }
0x337: {  	s14 =	sadd.s32 s29, s8;
	s12 =	sor.u32 s16, s12  }
0x338: {  	v51 =	vld [tilespmem:s14+$0xE80];
	s12 =	sshra.s32 s12, $0x2  }
0x339: {  	s12 =	sadd.s32 s12, s8  }
0x33a: {  	v52 =	vld [tilespmem:s12+$0xE80]  }
0x33b: {  	v8 =	vmul.f32 v49, v2;
	v9 =	vmul.f32 v50, v3;
	_ =	sdelay $0x1  }
0x33c: {  	v53 =	vmul.f32 v51, v4;
	v8 =	vadd.f32 v9, v8;
	_ =	sdelay $0x1  }
0x33d: {  	v54 =	vmul.f32 v52, v5;
	v8 =	vadd.f32 v53, v8;
	_ =	sdelay $0x1  }
0x33e: {  	v8 =	vadd.f32 v54, v8;
	_ =	sdelay $0x1  }
0x33f: {  	(xrf2) =	vadd.scan.msk.f32 $0xffff, v8;
	_ =	sdelay $0x9  }
0x340: {  	v8, _, _ =	vpop (xrf2)  }
0x341: {  	(v2sf) =	vpush v8, $0xF  }
0x342: {  	(v2sf) =	vpush v7, $0xC;
	_ =	sdelay $0xd  }
0x343: {  	s31 =	spop (v2sf)  }
0x344: {  	[smem:$0x7FA] =	sst s6;
	s0 =	spop (v2sf)  }
0x345: {  	s1 =	sand.u32 $0x7F, s0;
	s2 =	sshll.u32 s0, $0x2;
	s3 =	sadd.s32 $0x10, s0  }
0x346: {  	s5 =	sadd.s32 $0x20, s0;
	s14 =	sadd.s32 $0x30, s0;
	s17 =	sand.u32 $0xFFFFFE00, s2  }
0x347: {  	s16 =	sshll.u32 s1, $0x2;
	s4 =	sand.u32 $0x7F, s3;
	s20 =	sand.u32 $0x7F, s5  }
0x348: {  	s19 =	sshll.u32 s5, $0x2;
	s16 =	sor.u32 s16, s17;
	s17 =	sshll.u32 s3, $0x2  }
0x349: {  	s12 =	sand.u32 $0x7F, s14;
	s18 =	sshll.u32 s4, $0x2;
	s17 =	sand.u32 $0xFFFFFE00, s17  }
0x34a: {  	s19 =	sand.u32 $0xFFFFFE00, s19;
	s16 =	sshra.s32 s16, $0x2;
	s17 =	sor.u32 s18, s17  }
0x34b: {  	s20 =	sshll.u32 s20, $0x2;
	s16 =	sadd.s32 s16, s8;
	s17 =	sshra.s32 s17, $0x2  }
0x34c: {  	s14 =	sshll.u32 s14, $0x2;
	s6 =	sor.u32 s20, s19;
	v55 =	vld [tilespmem:s16+$0xF00];
	s10 =	sadd.s32 s17, s8  }
0x34d: {  	s14 =	sand.u32 $0xFFFFFE00, s14;
	s18 =	sshra.s32 s6, $0x2;
	s17 =	sshll.u32 s12, $0x2;
	v56 =	vld [tilespmem:s10+$0xF00]  }
0x34e: {  	s16 =	sadd.s32 s18, s8;
	s14 =	sor.u32 s17, s14  }
0x34f: {  	v57 =	vld [tilespmem:s16+$0xF00];
	s14 =	sshra.s32 s14, $0x2  }
0x350: {  	s14 =	sadd.s32 s14, s8  }
0x351: {  	v58 =	vld [tilespmem:s14+$0xF00]  }
0x352: {  	v8 =	vmul.f32 v55, v2;
	v9 =	vmul.f32 v56, v3;
	_ =	sdelay $0x1  }
0x353: {  	v59 =	vmul.f32 v57, v4;
	v8 =	vadd.f32 v9, v8;
	_ =	sdelay $0x1  }
0x354: {  	v60 =	vmul.f32 v58, v5;
	v8 =	vadd.f32 v59, v8;
	_ =	sdelay $0x1  }
0x355: {  	v8 =	vadd.f32 v60, v8;
	_ =	sdelay $0x1  }
0x356: {  	(xrf2) =	vadd.scan.msk.f32 $0xffff, v8;
	_ =	sdelay $0x9  }
0x357: {  	v8, _, _ =	vpop (xrf2)  }
0x358: {  	(v2sf) =	vpush v8, $0xF  }
0x359: {  	(v2sf) =	vpush v7, $0xD;
	_ =	sdelay $0xd  }
0x35a: {  	[smem:$0x7FB] =	sst s31;
	s19 =	spop (v2sf)  }
0x35b: {  	[smem:$0x7FC] =	sst s19;
	s20 =	spop (v2sf)  }
0x35c: {  	s22 =	sand.u32 $0x7F, s20;
	s23 =	sshll.u32 s20, $0x2;
	s25 =	sadd.s32 $0x10, s20  }
0x35d: {  	s28 =	sadd.s32 $0x20, s20;
	s14 =	sadd.s32 $0x30, s20;
	s17 =	sand.u32 $0xFFFFFE00, s23  }
0x35e: {  	s16 =	sshll.u32 s22, $0x2;
	s26 =	sand.u32 $0x7F, s25;
	s21 =	sand.u32 $0x7F, s28  }
0x35f: {  	s19 =	sshll.u32 s28, $0x2;
	s16 =	sor.u32 s16, s17;
	s17 =	sshll.u32 s25, $0x2  }
0x360: {  	s0 =	sand.u32 $0x7F, s14;
	s18 =	sshll.u32 s26, $0x2;
	s17 =	sand.u32 $0xFFFFFE00, s17  }
0x361: {  	s19 =	sand.u32 $0xFFFFFE00, s19;
	s16 =	sshra.s32 s16, $0x2;
	s17 =	sor.u32 s18, s17  }
0x362: {  	s21 =	sshll.u32 s21, $0x2;
	s16 =	sadd.s32 s16, s8;
	s17 =	sshra.s32 s17, $0x2  }
0x363: {  	s14 =	sshll.u32 s14, $0x2;
	s29 =	sor.u32 s21, s19;
	v61 =	vld [tilespmem:s16+$0xF80];
	s31 =	sadd.s32 s17, s8  }
0x364: {  	s14 =	sand.u32 $0xFFFFFE00, s14;
	s1 =	sshra.s32 s29, $0x2;
	s17 =	sshll.u32 s0, $0x2;
	v62 =	vld [tilespmem:s31+$0xF80]  }
0x365: {  	s16 =	sadd.s32 s1, s8;
	s14 =	sor.u32 s17, s14  }
0x366: {  	v63 =	vld [tilespmem:s16+$0xF80];
	s14 =	sshra.s32 s14, $0x2  }
0x367: {  	s14 =	sadd.s32 s14, s8  }
0x368: {  	v12 =	vld [tilespmem:s14+$0xF80]  }
0x369: {  	v8 =	vmul.f32 v61, v2;
	v9 =	vmul.f32 v62, v3;
	_ =	sdelay $0x1  }
0x36a: {  	v13 =	vmul.f32 v63, v4;
	v8 =	vadd.f32 v9, v8;
	_ =	sdelay $0x1  }
0x36b: {  	v14 =	vmul.f32 v12, v5;
	v8 =	vadd.f32 v13, v8;
	_ =	sdelay $0x1  }
0x36c: {  	v8 =	vadd.f32 v14, v8;
	_ =	sdelay $0x1  }
0x36d: {  	(xrf2) =	vadd.scan.msk.f32 $0xffff, v8;
	_ =	sdelay $0x9  }
0x36e: {  	v8, _, _ =	vpop (xrf2)  }
0x36f: {  	(v2sf) =	vpush v8, $0xF  }
0x370: {  	(v2sf) =	vpush v7, $0xE;
	_ =	sdelay $0xd  }
0x371: {  	s2 =	spop (v2sf)  }
0x372: {  	s3 =	spop (v2sf)  }
0x373: {  	s4 =	sand.u32 $0x7F, s3;
	s5 =	sshll.u32 s3, $0x2;
	s6 =	sadd.s32 $0x10, s3  }
0x374: {  	s12 =	sadd.s32 $0x20, s3;
	s14 =	sadd.s32 $0x30, s3;
	s18 =	sand.u32 $0xFFFFFE00, s5  }
0x375: {  	s17 =	sshll.u32 s4, $0x2;
	s10 =	sand.u32 $0x7F, s6;
	s23 =	sand.u32 $0x7F, s12  }
0x376: {  	s21 =	sshll.u32 s12, $0x2;
	s17 =	sor.u32 s17, s18;
	s18 =	sshll.u32 s6, $0x2  }
0x377: {  	s20 =	sand.u32 $0x7F, s14;
	s19 =	sshll.u32 s10, $0x2;
	s18 =	sand.u32 $0xFFFFFE00, s18  }
0x378: {  	s21 =	sand.u32 $0xFFFFFE00, s21;
	s17 =	sshra.s32 s17, $0x2;
	s18 =	sor.u32 s19, s18  }
0x379: {  	s23 =	sshll.u32 s23, $0x2;
	s17 =	sadd.s32 s17, s8;
	s18 =	sshra.s32 s18, $0x2  }
0x37a: {  	s14 =	sshll.u32 s14, $0x2;
	s16 =	sor.u32 s23, s21;
	v15 =	vld [tilespmem:s17+$0x1000];
	s18 =	sadd.s32 s18, s8  }
0x37b: {  	s14 =	sand.u32 $0xFFFFFE00, s14;
	s21 =	sshra.s32 s16, $0x2;
	v16 =	vld [tilespmem:s18+$0x1000];
	s18 =	sshll.u32 s20, $0x2  }
0x37c: {  	s17 =	sadd.s32 s21, s8;
	s14 =	sor.u32 s18, s14  }
0x37d: {  	v17 =	vld [tilespmem:s17+$0x1000];
	s14 =	sshra.s32 s14, $0x2  }
0x37e: {  	s14 =	sadd.s32 s14, s8  }
0x37f: {  	v18 =	vld [tilespmem:s14+$0x1000]  }
0x380: {  	v8 =	vmul.f32 v15, v2;
	v9 =	vmul.f32 v16, v3;
	_ =	sdelay $0x1  }
0x381: {  	v19 =	vmul.f32 v17, v4;
	v8 =	vadd.f32 v9, v8;
	_ =	sdelay $0x1  }
0x382: {  	v8 =	vadd.f32 v19, v8;
	v20 =	vmul.f32 v18, v5;
	_ =	sdelay $0x1  }
0x383: {  	v8 =	vadd.f32 v20, v8;
	_ =	sdelay $0x1  }
0x384: {  	(xrf2) =	vadd.scan.msk.f32 $0xffff, v8;
	_ =	sdelay $0x9  }
0x385: {  	v8, _, _ =	vpop (xrf2)  }
0x386: {  	(v2sf) =	vpush v8, $0xF  }
0x387: {  	(v2sf) =	vpush v7, $0xF;
	_ =	sdelay $0xd  }
0x388: {  	s20 =	spop (v2sf)  }
0x389: {  	[smem:$0x7FD] =	sst s2;
	s22 =	spop (v2sf)  }
0x38a: {  	s23 =	sand.u32 $0x7F, s22;
	s25 =	sshll.u32 s22, $0x2;
	s26 =	sadd.s32 $0x10, s22  }
0x38b: {  	s29 =	sadd.s32 $0x20, s22;
	s14 =	sadd.s32 $0x30, s22;
	s19 =	sand.u32 $0xFFFFFE00, s25  }
0x38c: {  	s18 =	sshll.u32 s23, $0x2;
	s28 =	sand.u32 $0x7F, s26;
	s25 =	sand.u32 $0x7F, s29  }
0x38d: {  	s23 =	sshll.u32 s29, $0x2;
	s18 =	sor.u32 s18, s19;
	s19 =	sshll.u32 s26, $0x2  }
0x38e: {  	s1 =	sand.u32 $0x7F, s14;
	s21 =	sshll.u32 s28, $0x2;
	s19 =	sand.u32 $0xFFFFFE00, s19  }
0x38f: {  	s23 =	sand.u32 $0xFFFFFE00, s23;
	s18 =	sshra.s32 s18, $0x2;
	s19 =	sor.u32 s21, s19  }
0x390: {  	s25 =	sshll.u32 s25, $0x2;
	s18 =	sadd.s32 s18, s8;
	s19 =	sshra.s32 s19, $0x2  }
0x391: {  	s14 =	sshll.u32 s14, $0x2;
	s31 =	sor.u32 s25, s23;
	v21 =	vld [tilespmem:s18+$0x1080];
	s0 =	sadd.s32 s19, s8  }
0x392: {  	s14 =	sand.u32 $0xFFFFFE00, s14;
	s2 =	sshra.s32 s31, $0x2;
	s19 =	sshll.u32 s1, $0x2;
	v22 =	vld [tilespmem:s0+$0x1080]  }
0x393: {  	s18 =	sadd.s32 s2, s8;
	s14 =	sor.u32 s19, s14  }
0x394: {  	v23 =	vld [tilespmem:s18+$0x1080];
	s14 =	sshra.s32 s14, $0x2  }
0x395: {  	s14 =	sadd.s32 s14, s8  }
0x396: {  	v24 =	vld [tilespmem:s14+$0x1080]  }
0x397: {  	v7 =	vmul.f32 v21, v2;
	v8 =	vmul.f32 v22, v3;
	_ =	sdelay $0x1  }
0x398: {  	v25 =	vmul.f32 v23, v4;
	v7 =	vadd.f32 v8, v7;
	_ =	sdelay $0x1  }
0x399: {  	v26 =	vmul.f32 v24, v5;
	v7 =	vadd.f32 v25, v7;
	_ =	sdelay $0x1  }
0x39a: {  	v7 =	vadd.f32 v26, v7;
	_ =	sdelay $0x1  }
0x39b: {  	(xrf2) =	vadd.scan.msk.f32 $0xffff, v7;
	_ =	sdelay $0x5  }
0x39c: {  	s3 =	rddreg [dreg:$0x16]  }
0x39d: {  	v27 =	vld [tilespmem:s3+$0x0];
	_ =	sdelay $0x2  }
0x39e: {  	v28, _, _ =	vpop (xrf2)  }
0x39f: {  	(v2sf) =	vpush v28, $0xF  }
0x3a0: {  	(v2sf) =	vpush v27, $0x8;
	_ =	sdelay $0xd  }
0x3a1: {  	s19 =	spop (v2sf)  }
0x3a2: {  	s4 =	spop (v2sf)  }
0x3a3: {  	s5 =	sand.u32 $0x7F, s4;
	s6 =	sshll.u32 s4, $0x2;
	s10 =	sadd.s32 $0x10, s4  }
0x3a4: {  	s16 =	sadd.s32 $0x20, s4;
	s14 =	sadd.s32 $0x30, s4;
	s21 =	sand.u32 $0xFFFFFE00, s6  }
0x3a5: {  	s18 =	sshll.u32 s5, $0x2;
	s12 =	sand.u32 $0x7F, s10;
	s28 =	sand.u32 $0x7F, s16  }
0x3a6: {  	s25 =	sshll.u32 s16, $0x2;
	s18 =	sor.u32 s18, s21;
	s21 =	sshll.u32 s10, $0x2  }
0x3a7: {  	s22 =	sand.u32 $0x7F, s14;
	s23 =	sshll.u32 s12, $0x2;
	s21 =	sand.u32 $0xFFFFFE00, s21  }
0x3a8: {  	s25 =	sand.u32 $0xFFFFFE00, s25;
	s18 =	sshra.s32 s18, $0x2;
	s21 =	sor.u32 s23, s21  }
0x3a9: {  	s28 =	sshll.u32 s28, $0x2;
	s18 =	sadd.s32 s18, s8;
	s21 =	sshra.s32 s21, $0x2  }
0x3aa: {  	s14 =	sshll.u32 s14, $0x2;
	s17 =	sor.u32 s28, s25;
	v29 =	vld [tilespmem:s18+$0x1100];
	s21 =	sadd.s32 s21, s8  }
0x3ab: {  	s14 =	sand.u32 $0xFFFFFE00, s14;
	s25 =	sshra.s32 s17, $0x2;
	v30 =	vld [tilespmem:s21+$0x1100];
	s21 =	sshll.u32 s22, $0x2  }
0x3ac: {  	s18 =	sadd.s32 s25, s8;
	s14 =	sor.u32 s21, s14  }
0x3ad: {  	v31 =	vld [tilespmem:s18+$0x1100];
	s14 =	sshra.s32 s14, $0x2  }
0x3ae: {  	s14 =	sadd.s32 s14, s8  }
0x3af: {  	v32 =	vld [tilespmem:s14+$0x1100]  }
0x3b0: {  	v8 =	vmul.f32 v29, v2;
	v9 =	vmul.f32 v30, v3;
	_ =	sdelay $0x1  }
0x3b1: {  	v33 =	vmul.f32 v31, v4;
	v8 =	vadd.f32 v9, v8;
	_ =	sdelay $0x1  }
0x3b2: {  	v8 =	vadd.f32 v33, v8;
	v34 =	vmul.f32 v32, v5;
	_ =	sdelay $0x1  }
0x3b3: {  	v8 =	vadd.f32 v34, v8;
	_ =	sdelay $0x1  }
0x3b4: {  	(xrf2) =	vadd.scan.msk.f32 $0xffff, v8;
	_ =	sdelay $0x9  }
0x3b5: {  	v8, _, _ =	vpop (xrf2)  }
0x3b6: {  	(v2sf) =	vpush v8, $0xF  }
0x3b7: {  	(v2sf) =	vpush v27, $0x9;
	_ =	sdelay $0xd  }
0x3b8: {  	s21 =	spop (v2sf)  }
0x3b9: {  	s26 =	spop (v2sf)  }
0x3ba: {  	s28 =	sand.u32 $0x7F, s26;
	s29 =	sshll.u32 s26, $0x2;
	s31 =	sadd.s32 $0x10, s26  }
0x3bb: {  	s1 =	sadd.s32 $0x20, s26;
	s14 =	sadd.s32 $0x30, s26;
	s23 =	sand.u32 $0xFFFFFE00, s29  }
0x3bc: {  	s18 =	sshll.u32 s28, $0x2;
	s0 =	sand.u32 $0x7F, s31;
	s28 =	sshll.u32 s1, $0x2  }
0x3bd: {  	s4 =	sand.u32 $0x7F, s14;
	s18 =	sor.u32 s18, s23;
	s23 =	sshll.u32 s31, $0x2  }
0x3be: {  	s31 =	sand.u32 $0x7F, s1;
	s25 =	sshll.u32 s0, $0x2;
	s23 =	sand.u32 $0xFFFFFE00, s23  }
0x3bf: {  	s28 =	sand.u32 $0xFFFFFE00, s28;
	s18 =	sshra.s32 s18, $0x2;
	s23 =	sor.u32 s25, s23  }
0x3c0: {  	s31 =	sshll.u32 s31, $0x2;
	s18 =	sadd.s32 s18, s8;
	s23 =	sshra.s32 s23, $0x2  }
0x3c1: {  	s14 =	sshll.u32 s14, $0x2;
	s2 =	sor.u32 s31, s28;
	v35 =	vld [tilespmem:s18+$0x1180];
	s3 =	sadd.s32 s23, s8  }
0x3c2: {  	s14 =	sand.u32 $0xFFFFFE00, s14;
	s5 =	sshra.s32 s2, $0x2;
	s23 =	sshll.u32 s4, $0x2;
	v36 =	vld [tilespmem:s3+$0x1180]  }
0x3c3: {  	s18 =	sadd.s32 s5, s8;
	s14 =	sor.u32 s23, s14  }
0x3c4: {  	v37 =	vld [tilespmem:s18+$0x1180];
	s14 =	sshra.s32 s14, $0x2  }
0x3c5: {  	s14 =	sadd.s32 s14, s8  }
0x3c6: {  	v38 =	vld [tilespmem:s14+$0x1180]  }
0x3c7: {  	v8 =	vmul.f32 v35, v2;
	v9 =	vmul.f32 v36, v3;
	_ =	sdelay $0x1  }
0x3c8: {  	v39 =	vmul.f32 v37, v4;
	v8 =	vadd.f32 v9, v8;
	_ =	sdelay $0x1  }
0x3c9: {  	v40 =	vmul.f32 v38, v5;
	v8 =	vadd.f32 v39, v8;
	_ =	sdelay $0x1  }
0x3ca: {  	v8 =	vadd.f32 v40, v8;
	_ =	sdelay $0x1  }
0x3cb: {  	(xrf2) =	vadd.scan.msk.f32 $0xffff, v8;
	_ =	sdelay $0x9  }
0x3cc: {  	v8, _, _ =	vpop (xrf2)  }
0x3cd: {  	(v2sf) =	vpush v8, $0xF  }
0x3ce: {  	(v2sf) =	vpush v27, $0xA;
	_ =	sdelay $0xd  }
0x3cf: {  	s23 =	spop (v2sf)  }
0x3d0: {  	s6 =	spop (v2sf)  }
0x3d1: {  	s10 =	sand.u32 $0x7F, s6;
	s12 =	sshll.u32 s6, $0x2;
	s16 =	sadd.s32 $0x10, s6  }
0x3d2: {  	s22 =	sadd.s32 $0x20, s6;
	s14 =	sadd.s32 $0x30, s6;
	s25 =	sand.u32 $0xFFFFFE00, s12  }
0x3d3: {  	s18 =	sshll.u32 s10, $0x2;
	s17 =	sand.u32 $0x7F, s16;
	s26 =	sand.u32 $0x7F, s22  }
0x3d4: {  	s31 =	sshll.u32 s22, $0x2;
	s18 =	sor.u32 s18, s25;
	s25 =	sshll.u32 s16, $0x2  }
0x3d5: {  	s29 =	sand.u32 $0x7F, s14;
	s28 =	sshll.u32 s17, $0x2;
	s25 =	sand.u32 $0xFFFFFE00, s25  }
0x3d6: {  	s31 =	sand.u32 $0xFFFFFE00, s31;
	s18 =	sshra.s32 s18, $0x2;
	s25 =	sor.u32 s28, s25  }
0x3d7: {  	s26 =	sshll.u32 s26, $0x2;
	s18 =	sadd.s32 s18, s8;
	s25 =	sshra.s32 s25, $0x2  }
0x3d8: {  	s14 =	sshll.u32 s14, $0x2;
	s26 =	sor.u32 s26, s31;
	v41 =	vld [tilespmem:s18+$0x1200];
	s28 =	sadd.s32 s25, s8  }
0x3d9: {  	s14 =	sand.u32 $0xFFFFFE00, s14;
	s31 =	sshra.s32 s26, $0x2;
	s25 =	sshll.u32 s29, $0x2;
	v42 =	vld [tilespmem:s28+$0x1200]  }
0x3da: {  	s18 =	sadd.s32 s31, s8;
	s14 =	sor.u32 s25, s14  }
0x3db: {  	v43 =	vld [tilespmem:s18+$0x1200];
	s14 =	sshra.s32 s14, $0x2  }
0x3dc: {  	s14 =	sadd.s32 s14, s8  }
0x3dd: {  	v44 =	vld [tilespmem:s14+$0x1200]  }
0x3de: {  	v8 =	vmul.f32 v41, v2;
	v9 =	vmul.f32 v42, v3;
	_ =	sdelay $0x1  }
0x3df: {  	v45 =	vmul.f32 v43, v4;
	v8 =	vadd.f32 v9, v8;
	_ =	sdelay $0x1  }
0x3e0: {  	v46 =	vmul.f32 v44, v5;
	v8 =	vadd.f32 v45, v8;
	_ =	sdelay $0x1  }
0x3e1: {  	v8 =	vadd.f32 v46, v8;
	_ =	sdelay $0x1  }
0x3e2: {  	(xrf2) =	vadd.scan.msk.f32 $0xffff, v8;
	_ =	sdelay $0x9  }
0x3e3: {  	v8, _, _ =	vpop (xrf2)  }
0x3e4: {  	(v2sf) =	vpush v8, $0xF  }
0x3e5: {  	(v2sf) =	vpush v27, $0xB;
	_ =	sdelay $0xd  }
0x3e6: {  	s25 =	spop (v2sf)  }
0x3e7: {  	s0 =	spop (v2sf)  }
0x3e8: {  	s1 =	sand.u32 $0x7F, s0;
	s2 =	sshll.u32 s0, $0x2;
	s3 =	sadd.s32 $0x10, s0  }
0x3e9: {  	s5 =	sadd.s32 $0x20, s0;
	s14 =	sadd.s32 $0x30, s0;
	s26 =	sand.u32 $0xFFFFFE00, s2  }
0x3ea: {  	s18 =	sshll.u32 s1, $0x2;
	s4 =	sand.u32 $0x7F, s3;
	s22 =	sand.u32 $0x7F, s5  }
0x3eb: {  	s31 =	sshll.u32 s5, $0x2;
	s18 =	sor.u32 s18, s26;
	s26 =	sshll.u32 s3, $0x2  }
0x3ec: {  	s10 =	sand.u32 $0x7F, s14;
	s28 =	sshll.u32 s4, $0x2;
	s26 =	sand.u32 $0xFFFFFE00, s26  }
0x3ed: {  	s31 =	sand.u32 $0xFFFFFE00, s31;
	s18 =	sshra.s32 s18, $0x2;
	s26 =	sor.u32 s28, s26  }
0x3ee: {  	s22 =	sshll.u32 s22, $0x2;
	s18 =	sadd.s32 s18, s8;
	s26 =	sshra.s32 s26, $0x2  }
0x3ef: {  	s14 =	sshll.u32 s14, $0x2;
	s22 =	sor.u32 s22, s31;
	v47 =	vld [tilespmem:s18+$0x1280];
	s6 =	sadd.s32 s26, s8  }
0x3f0: {  	s14 =	sand.u32 $0xFFFFFE00, s14;
	s16 =	sshll.u32 s10, $0x2;
	s12 =	sshra.s32 s22, $0x2;
	v48 =	vld [tilespmem:s6+$0x1280]  }
0x3f1: {  	s14 =	sor.u32 s16, s14;
	s18 =	sadd.s32 s12, s8  }
0x3f2: {  	s14 =	sshra.s32 s14, $0x2;
	v49 =	vld [tilespmem:s18+$0x1280]  }
0x3f3: {  	s14 =	sadd.s32 s14, s8  }
0x3f4: {  	v50 =	vld [tilespmem:s14+$0x1280]  }
0x3f5: {  	v8 =	vmul.f32 v47, v2;
	v9 =	vmul.f32 v48, v3;
	_ =	sdelay $0x1  }
0x3f6: {  	v51 =	vmul.f32 v49, v4;
	v8 =	vadd.f32 v9, v8;
	_ =	sdelay $0x1  }
0x3f7: {  	v52 =	vmul.f32 v50, v5;
	v8 =	vadd.f32 v51, v8;
	_ =	sdelay $0x1  }
0x3f8: {  	v8 =	vadd.f32 v52, v8;
	_ =	sdelay $0x1  }
0x3f9: {  	(xrf2) =	vadd.scan.msk.f32 $0xffff, v8;
	_ =	sdelay $0x9  }
0x3fa: {  	v8, _, _ =	vpop (xrf2)  }
0x3fb: {  	(v2sf) =	vpush v8, $0xF  }
0x3fc: {  	(v2sf) =	vpush v27, $0xC;
	_ =	sdelay $0xd  }
0x3fd: {  	s28 =	spop (v2sf)  }
0x3fe: {  	s17 =	spop (v2sf)  }
0x3ff: {  	s0 =	sand.u32 $0x7F, s17;
	s1 =	sshll.u32 s17, $0x2;
	s2 =	sadd.s32 $0x10, s17  }
0x400: {  	s4 =	sadd.s32 $0x20, s17;
	s14 =	sadd.s32 $0x30, s17;
	s22 =	sand.u32 $0xFFFFFE00, s1  }
0x401: {  	s18 =	sshll.u32 s0, $0x2;
	s3 =	sand.u32 $0x7F, s2;
	s29 =	sand.u32 $0x7F, s4  }
0x402: {  	s31 =	sshll.u32 s4, $0x2;
	s18 =	sor.u32 s18, s22;
	s22 =	sshll.u32 s2, $0x2  }
0x403: {  	s10 =	sand.u32 $0x7F, s14;
	s26 =	sshll.u32 s3, $0x2;
	s22 =	sand.u32 $0xFFFFFE00, s22  }
0x404: {  	s31 =	sand.u32 $0xFFFFFE00, s31;
	s18 =	sshra.s32 s18, $0x2;
	s22 =	sor.u32 s26, s22  }
0x405: {  	s29 =	sshll.u32 s29, $0x2;
	s18 =	sadd.s32 s18, s8;
	s22 =	sshra.s32 s22, $0x2  }
0x406: {  	s14 =	sshll.u32 s14, $0x2;
	s5 =	sor.u32 s29, s31;
	v53 =	vld [tilespmem:s18+$0x1300];
	s6 =	sadd.s32 s22, s8  }
0x407: {  	s14 =	sand.u32 $0xFFFFFE00, s14;
	s12 =	sshra.s32 s5, $0x2;
	s22 =	sshll.u32 s10, $0x2;
	v54 =	vld [tilespmem:s6+$0x1300]  }
0x408: {  	s18 =	sadd.s32 s12, s8;
	s14 =	sor.u32 s22, s14  }
0x409: {  	v55 =	vld [tilespmem:s18+$0x1300];
	s14 =	sshra.s32 s14, $0x2  }
0x40a: {  	s14 =	sadd.s32 s14, s8  }
0x40b: {  	v56 =	vld [tilespmem:s14+$0x1300]  }
0x40c: {  	v8 =	vmul.f32 v53, v2;
	v9 =	vmul.f32 v54, v3;
	_ =	sdelay $0x1  }
0x40d: {  	v57 =	vmul.f32 v55, v4;
	v8 =	vadd.f32 v9, v8;
	_ =	sdelay $0x1  }
0x40e: {  	v58 =	vmul.f32 v56, v5;
	v8 =	vadd.f32 v57, v8;
	_ =	sdelay $0x1  }
0x40f: {  	v8 =	vadd.f32 v58, v8;
	_ =	sdelay $0x1  }
0x410: {  	(xrf2) =	vadd.scan.msk.f32 $0xffff, v8;
	_ =	sdelay $0x9  }
0x411: {  	v8, _, _ =	vpop (xrf2)  }
0x412: {  	(v2sf) =	vpush v8, $0xF  }
0x413: {  	(v2sf) =	vpush v27, $0xD;
	_ =	sdelay $0x8  }
0x414: {  	s24 =	ssub.f32 $0.0e+00, s24  }
0x415: {  	s15 =	ssub.f32 $0.0e+00, s15  }
0x416: {  	s11 =	ssub.f32 $0.0e+00, s11  }
0x417: {  	s19 =	ssub.f32 $0.0e+00, s19  }
0x418: {  	s21 =	ssub.f32 $0.0e+00, s21  }
0x419: {  	s12 =	rddreg [dreg:$0x1f];
	s17 =	spop (v2sf)  }
0x41a: {  	s10 =	rddreg [dreg:$0x1d];
	s16 =	spop (v2sf)  }
0x41b: {  	s14 =	sld [smem:$0x7EA];
	s29 =	sand.u32 $0x7F, s16  }
0x41c: {  	s31 =	sshll.u32 s16, $0x2;
	s0 =	sadd.s32 $0x10, s16;
	s2 =	sadd.s32 $0x20, s16  }
0x41d: {  	s18 =	sadd.s32 $0x30, s16;
	s16 =	sld [smem:$0x7EB];
	s26 =	sand.u32 $0xFFFFFE00, s31  }
0x41e: {  	s22 =	sshll.u32 s29, $0x2;
	s1 =	sand.u32 $0x7F, s0;
	s3 =	sand.u32 $0x7F, s2  }
0x41f: {  	s31 =	sshll.u32 s2, $0x2;
	s2 =	sld [smem:$0x7EE];
	s22 =	sor.u32 s22, s26  }
0x420: {  	s26 =	sshll.u32 s0, $0x2;
	s0 =	sshll.u32 s3, $0x2;
	s3 =	ssub.f32 $0.0e+00, s9  }
0x421: {  	s5 =	sand.u32 $0x7F, s18;
	s9 =	rddreg [dreg:$0x1b]  }
0x422: {  	s18 =	sshll.u32 s18, $0x2;
	s6 =	sshll.u32 s5, $0x2;
	s5 =	ssub.f32 $0.0e+00, s10  }
0x423: {  	s29 =	sshll.u32 s1, $0x2;
	s18 =	sand.u32 $0xFFFFFE00, s18;
	s1 =	sld [smem:$0x7ED]  }
0x424: {  	s26 =	sand.u32 $0xFFFFFE00, s26;
	s18 =	sor.u32 s6, s18;
	s6 =	ssub.f32 $0.0e+00, s14  }
0x425: {  	s26 =	sor.u32 s29, s26;
	s29 =	ssub.f32 $0.0e+00, s30  }
0x426: {  	s30 =	ssub.f32 $0.0e+00, s12  }
0x427: {  	s14 =	ssub.f32 $0.0e+00, s2  }
0x428: {  	s22 =	sshra.s32 s22, $0x2;
	s12 =	sld [smem:$0x7F0]  }
0x429: {  	s22 =	sadd.s32 s22, s8;
	s2 =	sld [smem:$0x7F3]  }
0x42a: {  	v59 =	vld [tilespmem:s22+$0x1380];
	s22 =	ssub.f32 $0.0e+00, s7  }
0x42b: {  	s26 =	sshra.s32 s26, $0x2;
	s7 =	rddreg [dreg:$0x19]  }
0x42c: {  	s31 =	sand.u32 $0xFFFFFE00, s31;
	s4 =	sadd.s32 s26, s8;
	s26 =	ssub.f32 $0.0e+00, s13  }
0x42d: {  	s0 =	sor.u32 s0, s31;
	s18 =	sshra.s32 s18, $0x2;
	s31 =	ssub.f32 $0.0e+00, s7  }
0x42e: {  	s18 =	sadd.s32 s18, s8;
	s13 =	sld [smem:$0x7E9]  }
0x42f: {  	v62 =	vld [tilespmem:s18+$0x1380];
	s18 =	sld [smem:$0x7EC]  }
0x430: {  	s7 =	sld [smem:$0x7EF]  }
0x431: {  	s0 =	sshra.s32 s0, $0x2;
	v60 =	vld [tilespmem:s4+$0x1380];
	s4 =	ssub.f32 $0.0e+00, s9  }
0x432: {  	s0 =	sadd.s32 s0, s8;
	s9 =	ssub.f32 $0.0e+00, s16  }
0x433: {  	v1 =	vbroadcast v1, $0xF;
	v61 =	vld [tilespmem:s0+$0x1380];
	s12 =	ssub.f32 $0.0e+00, s12  }
0x434: {  	vm5 =	veq.s32 v0, $0x1;
	s16 =	sld [smem:$0x7F1]  }
0x435: {  	vm6 =	veq.s32 v0, $0x2;
	v1 =	vsel vm5, s22, v1;
	s22 =	sld [smem:$0x7F5]  }
0x436: {  	v1 =	vsel vm6, s3, v1;
	s3 =	sld [smem:$0x7F6];
	v2 =	vmul.f32 v59, v2;
	v3 =	vmul.f32 v60, v3  }
0x437: {  	s10 =	ssub.f32 $0.0e+00, s18  }
0x438: {  	s18 =	ssub.f32 $0.0e+00, s1;
	v2 =	vadd.f32 v3, v2;
	v3 =	vmul.f32 v61, v4  }
0x439: {  	s1 =	sld [smem:$0x7F2]  }
0x43a: {  	s13 =	ssub.f32 $0.0e+00, s13;
	v2 =	vadd.f32 v3, v2;
	v3 =	vmul.f32 v62, v5  }
0x43b: {  	s7 =	ssub.f32 $0.0e+00, s7  }
0x43c: {  	s0 =	ssub.f32 $0.0e+00, s1;
	v2 =	vadd.f32 v3, v2  }
0x43d: {  	s1 =	ssub.f32 $0.0e+00, s2  }
0x43e: {  	s2 =	sld [smem:$0x7F4];
	(xrf2) =	vadd.scan.msk.f32 $0xffff, v2  }
0x43f: {  	s16 =	ssub.f32 $0.0e+00, s16  }
0x440: {  	s22 =	ssub.f32 $0.0e+00, s22;
	v2 =	vbroadcast v6, $0xF  }
0x441: {  	s2 =	ssub.f32 $0.0e+00, s2  }
0x442: {  	v2 =	vsel vm5, s0, v2;
	s0 =	ssub.f32 $0.0e+00, s3  }
0x443: {  	vm5 =	veq.s32 v0, $0x3;
	s3 =	sld [smem:$0x7F8]  }
0x444: {  	v1 =	vsel vm5, s26, v1;
	v2 =	vsel vm6, s1, v2;
	vm6 =	veq.s32 v0, $0x4;
	s26 =	sld [smem:$0x7F7]  }
0x445: {  	v1 =	vsel vm6, s29, v1;
	s29 =	sld [smem:$0x7FA]  }
0x446: {  	v2 =	vsel vm5, s2, v2;
	vm5 =	veq.s32 v0, $0x5;
	s2 =	ssub.f32 $0.0e+00, s3  }
0x447: {  	v1 =	vsel vm5, s31, v1;
	s31 =	sld [smem:$0x7FB]  }
0x448: {  	v2 =	vsel vm6, s22, v2;
	s22 =	ssub.f32 $0.0e+00, s25;
	v3, _, _ =	vpop (xrf2)  }
0x449: {  	s1 =	ssub.f32 $0.0e+00, s26;
	(v2sf) =	vpush v3, $0xF  }
0x44a: {  	vm6 =	veq.s32 v0, $0x6;
	s26 =	sld [smem:$0x7F9]  }
0x44b: {  	v1 =	vsel vm6, s4, v1;
	s4 =	sld [smem:$0x7FC]  }
0x44c: {  	v2 =	vsel vm5, s0, v2;
	vm5 =	veq.s32 v0, $0x7;
	s0 =	ssub.f32 $0.0e+00, s29  }
0x44d: {  	v1 =	vsel vm5, s5, v1;
	s5 =	sld [smem:$0x7FD];
	v2 =	vsel vm6, s1, v2;
	vm6 =	veq.s32 v0, $0x8  }
0x44e: {  	s3 =	ssub.f32 $0.0e+00, s26;
	v1 =	vsel vm6, s30, v1;
	v2 =	vsel vm5, s2, v2;
	vm5 =	veq.s32 v0, $0x9  }
0x44f: {  	v1 =	vsel vm5, s13, v1;
	s13 =	ssub.f32 $0.0e+00, s20  }
0x450: {  	s20 =	ssub.f32 $0.0e+00, s23;
	v2 =	vsel vm6, s3, v2;
	vm6 =	veq.s32 v0, $0xA  }
0x451: {  	s1 =	ssub.f32 $0.0e+00, s31;
	v3 =	vmov s7;
	v1 =	vsel vm6, s6, v1;
	v2 =	vsel vm5, s0, v2  }
0x452: {  	s29 =	rddreg [dreg:$0x11];
	vm5 =	veq.s32 v0, $0xB;
	v3 =	vnsel vm0, $0x0, v3;
	v63 =	vmov s20  }
0x453: {  	s2 =	ssub.f32 $0.0e+00, s4;
	v1 =	vsel vm5, s9, v1;
	v2 =	vsel vm6, s1, v2;
	vm6 =	veq.s32 v0, $0xC  }
0x454: {  	s3 =	ssub.f32 $0.0e+00, s5;
	v3 =	vsel vm1, s15, v3;
	v4 =	vnsel vm0, $0x0, v63;
	v1 =	vsel vm6, s10, v1  }
0x455: {  	s26 =	rddreg [dreg:$0x14];
	v2 =	vsel vm5, s2, v2;
	vm5 =	veq.s32 v0, $0xD;
	v3 =	vsel vm2, s11, v3  }
0x456: {  	s23 =	ssub.f32 $0.0e+00, s28;
	s0 =	sadd.s32 $0x2, s29;
	v1 =	vsel vm5, s18, v1;
	v2 =	vsel vm6, s3, v2;
	vm6 =	veq.s32 v0, $0xE  }
0x457: {  	p0 =	slt.u32 s0, $0xE;
	v1 =	vsel vm6, s24, v1;
	v2 =	vsel vm5, s13, v2;
	vm5 =	veq.s32 v0, $0xF;
	s24 =	ssub.f32 $0.0e+00, s17  }
.Ltmp0:
0x458: {  	v4 =	vsel vm1, s22, v4;
	v3 =	vsel vm3, s12, v3;
	v1 =	vsel vm5, s14, v1;
	s25 =	spop (v2sf);
	(pc) =	sbr.rel @p0 .LBB2_3-.Ltmp0, $4  }
0x459: {  	v3 =	vsel vm4, s16, v3;
	v2 =	vsel vm6, s19, v2;
	[tilespmem:s26+$0xFFFFFFE0] =	vst v1;
	v1 =	vsel vm2, s23, v4;
	s28 =	ssub.f32 $0.0e+00, s25  }
0x45a: {  	s31 =	rddreg [dreg:$0x16];
	[tilespmem:s26+$0xFFFFFFF0] =	vst v3;
	v2 =	vsel vm5, s21, v2;
	v1 =	vsel vm3, s24, v1  }
0x45b: {  	s8 =	sadd.s32 $0x1400, s8;
	s30 =	rddreg [dreg:$0x12];
	[tilespmem:s26+$0x0] =	vst v2;
	v1 =	vsel vm4, s28, v1  }
0x45c: {  	s5 =	sadd.s32 $0x30, s31;
	s2 =	sadd.s32 $0x40, s26;
	s3 =	sadd.s32 $0x400, s30;
	[tilespmem:s26+$0x10] =	vst v1  }
0x45d: {  	s0 =	rddreg [dreg:$0xd]  }
0x45e: {  	s1 =	rddreg [dreg:$0x8];
	s5 =	simm.s32 $0x0;
	s0 =	sshll.u32 s0, $0x7  }
0x45f: {  	s14 =	simm.s32 $0x1BC00;
	s15 =	simm.s32 $0x3;
	s0 =	sadd.s32 s0, s1  }
0x460: {  	[hbm4b:s0+s5] =	stream.linear.scatter [tilespmem:s14], [sflag:$0x3], $0x200, $0x38;
	[tilespmem:$0x1BE00] =	vst v63  }
0x461: {  	_ =	swait.ge [sflag:s15], $0x200  }
0x462: {  	s3 =	simm.s32 $0x10;
	s16 =	rddreg [dreg:$0x10]  }
0x463: {  	s4 =	simm.s32 $0x5C00;
	s19 =	simm.s32 $0x6400;
	s0 =	smin.u32 s16, $0x1D  }
0x464: {  	[sflag:s15] =	ssyncset.done $0x0;
	s2 =	rddreg [dreg:$0x2];
	s0 =	sadd.s32 $0x2, s0  }
0x465: {  	[sflag:s15] =	ssyncadd.s32 $0xFFFFFE00;
	s17 =	sshll.u32 s0, $0x4;
	s0 =	smul.u32 $0x500, s0  }
0x466: {  	[tilespmem:s4], [sflag:$0x1] =	stream.indirect.gather [hbm4b:s2+s3], $0x80, s17, s3, $0xb8;
	[tilespmem:$0x1BE00] =	vst v63  }
0x467: {  	s18 =	rddreg [dreg:$0x3];
	s1 =	sadd.s32 $0x200, s17;
	s0 =	sshrl.u32 s0, $0x2  }
0x468: {  	[tilespmem:s19], [sflag:$0x1] =	stream.indirect.gather [hbm4b:s18+s3], $0x80, s1, s3, $0xb8;
	[tilespmem:$0x1BE00] =	vst v63  }
0x469: {  	s21 =	simm.s32 $0x40;
	s22 =	simm.s32 $0x6C00;
	s20 =	sadd.s32 $0x400, s0  }
0x46a: {  	[tilespmem:s22], [sflag:$0x1] =	stream.indirect.gather [hbm4b:s18+s21], $0x80, s20, s21, $0xb8;
	[tilespmem:$0x1BE00] =	vst v63  }
0x46b: {  	s24 =	simm.s32 $0x8C00;
	s23 =	sadd.s32 $0x440, s0  }
0x46c: {  	[tilespmem:s24], [sflag:$0x1] =	stream.indirect.gather [hbm4b:s18+s21], $0x80, s23, s21, $0xb8;
	[tilespmem:$0x1BE00] =	vst v63  }
0x46d: {  	s26 =	simm.s32 $0xAC00;
	s25 =	sadd.s32 $0x480, s0  }
0x46e: {  	[tilespmem:s26], [sflag:$0x1] =	stream.indirect.gather [hbm4b:s18+s21], $0x80, s25, s21, $0xb8;
	[tilespmem:$0x1BE00] =	vst v63  }
0x46f: {  	s29 =	simm.s32 $0xCC00;
	s28 =	sadd.s32 $0x4C0, s0  }
0x470: {  	[tilespmem:s29], [sflag:$0x1] =	stream.indirect.gather [hbm4b:s18+s21], $0x80, s28, s21, $0xb8;
	[tilespmem:$0x1BE00] =	vst v63  }
0x471: {  	s30 =	simm.s32 $0xEC00;
	s31 =	simm.s32 $0x2;
	s0 =	sadd.s32 $0x500, s0  }
0x472: {  	[tilespmem:s30], [sflag:$0x1] =	stream.indirect.gather [hbm4b:s18+s21], $0x80, s0, s21, $0xb8;
	[tilespmem:$0x1BE00] =	vst v63  }
0x473: {  	_ =	swait.ge [sflag:s31], $0x800  }
0x474: {  	[sflag:s31] =	ssyncset.done $0x0  }
0x475: {  	[sflag:s31] =	ssyncadd.s32 $0xFFFFF800  }
0x476: {  	_ =	swait.ge [sflag:s31], $0x800  }
0x477: {  	[sflag:s31] =	ssyncset.done $0x0  }
0x478: {  	[sflag:s31] =	ssyncadd.s32 $0xFFFFF800  }
0x479: {  	_ =	swait.ge [sflag:s31], $0x2000  }
0x47a: {  	[sflag:s31] =	ssyncset.done $0x0  }
0x47b: {  	[sflag:s31] =	ssyncadd.s32 $0xFFFFE000  }
0x47c: {  	_ =	swait.ge [sflag:s31], $0x2000  }
0x47d: {  	[sflag:s31] =	ssyncset.done $0x0  }
0x47e: {  	[sflag:s31] =	ssyncadd.s32 $0xFFFFE000  }
0x47f: {  	_ =	swait.ge [sflag:s31], $0x2000  }
0x480: {  	[sflag:s31] =	ssyncset.done $0x0  }
0x481: {  	[sflag:s31] =	ssyncadd.s32 $0xFFFFE000  }
0x482: {  	_ =	swait.ge [sflag:s31], $0x2000  }
0x483: {  	[sflag:s31] =	ssyncset.done $0x0  }
0x484: {  	[sflag:s31] =	ssyncadd.s32 $0xFFFFE000  }
0x485: {  	_ =	swait.ge [sflag:s31], $0x2000  }
0x486: {  	s10 =	simm.s32 $0x11C00;
	s2 =	simm.s32 $0x1BC20;
	[sflag:s31] =	ssyncset.done $0x0  }
0x487: {  	s0 =	simm.s32 $0xFFFFFFFE;
	s1 =	rddreg [dreg:$0xc];
	[sflag:s31] =	ssyncadd.s32 $0xFFFFE000  }
.LBB2_5:
0x488: {  	v6 =	vld [tilespmem:s1+$0xFFFFFFE0];
	_ =	sdelay $0x4  }
0x489: {  	(v2sf) =	vpush v6, $0x0;
	_ =	sdelay $0x2  }
0x48a: {  	(v2sf) =	vpush v6, $0x1;
	_ =	sdelay $0x3  }
0x48b: {  	(v2sf) =	vpush v6, $0x2;
	_ =	sdelay $0x4  }
0x48c: {  	[dreg:$0x17] =	wrdreg s1  }
0x48d: {  	[dreg:$0x15] =	wrdreg s2  }
0x48e: {  	[dreg:$0x13] =	wrdreg s0  }
0x48f: {  	[dreg:$0xf] =	wrdreg s5;
	s31 =	spop (v2sf)  }
0x490: {  	s30 =	sshra.s32 s5, $0x2;
	s6 =	sand.u32 $0x7F, s31;
	s7 =	sshll.u32 s31, $0x2  }
0x491: {  	s8 =	sadd.s32 $0x10, s31;
	s4 =	sadd.s32 $0x20, s31;
	s0 =	sadd.s32 $0x30, s31  }
0x492: {  	s14 =	spop (v2sf);
	s2 =	sand.u32 $0xFFFFFE00, s7;
	s1 =	sshll.u32 s6, $0x2  }
0x493: {  	s3 =	sshll.u32 s8, $0x2;
	s9 =	sand.u32 $0x7F, s4;
	s4 =	sshll.u32 s4, $0x2  }
0x494: {  	s13 =	sand.u32 $0x7F, s0;
	s0 =	sshll.u32 s0, $0x2;
	s15 =	sand.u32 $0x7F, s14  }
0x495: {  	s6 =	sshll.u32 s14, $0x2;
	s16 =	sadd.s32 $0x10, s14;
	s5 =	sadd.s32 $0x30, s14  }
0x496: {  	s19 =	spop (v2sf);
	s1 =	sor.u32 s1, s2;
	s2 =	sand.u32 $0x7F, s8  }
0x497: {  	s3 =	sand.u32 $0xFFFFFE00, s3;
	s11 =	sand.u32 $0xFFFFFE00, s4;
	s12 =	sshll.u32 s9, $0x2  }
0x498: {  	s0 =	sand.u32 $0xFFFFFE00, s0;
	s4 =	sshll.u32 s13, $0x2;
	s6 =	sand.u32 $0xFFFFFE00, s6  }
0x499: {  	s7 =	sand.u32 $0x7F, s16;
	s8 =	sadd.s32 $0x20, s14;
	s18 =	sand.u32 $0x7F, s5  }
0x49a: {  	s5 =	sshll.u32 s5, $0x2;
	s14 =	sand.u32 $0x7F, s19;
	s28 =	sadd.s32 $0x20, s19  }
0x49b: {  	s31 =	sadd.s32 $0x30, s19;
	s1 =	sshra.s32 s1, $0x2;
	s2 =	sshll.u32 s2, $0x2  }
0x49c: {  	s0 =	sor.u32 s4, s0;
	s4 =	sshll.u32 s15, $0x2;
	s9 =	sand.u32 $0x7F, s8  }
0x49d: {  	s8 =	sshll.u32 s8, $0x2;
	s7 =	sshll.u32 s7, $0x2;
	s5 =	sand.u32 $0xFFFFFE00, s5  }
0x49e: {  	s15 =	sadd.s32 $0x10, s19;
	s20 =	sshll.u32 s14, $0x2;
	s29 =	sand.u32 $0x7F, s28  }
0x49f: {  	s2 =	sor.u32 s2, s3;
	s1 =	sadd.s32 s30, s1;
	s3 =	sor.u32 s12, s11  }
0x4a0: {  	s0 =	sshra.s32 s0, $0x2;
	s4 =	sor.u32 s4, s6;
	s6 =	sshll.u32 s16, $0x2  }
0x4a1: {  	s8 =	sand.u32 $0xFFFFFE00, s8;
	s9 =	sshll.u32 s9, $0x2;
	s11 =	sshll.u32 s19, $0x2  }
0x4a2: {  	s21 =	sand.u32 $0x7F, s15;
	s15 =	sshll.u32 s15, $0x2;
	s2 =	sshra.s32 s2, $0x2  }
0x4a3: {  	s3 =	sshra.s32 s3, $0x2;
	s0 =	sadd.s32 s30, s0;
	s6 =	sand.u32 $0xFFFFFE00, s6  }
0x4a4: {  	s4 =	sshra.s32 s4, $0x2;
	s17 =	sor.u32 s9, s8;
	s8 =	sshll.u32 s18, $0x2  }
0x4a5: {  	s11 =	sand.u32 $0xFFFFFE00, s11;
	s22 =	sand.u32 $0xFFFFFE00, s15;
	s23 =	sshll.u32 s21, $0x2  }
0x4a6: {  	v2 =	vld [tilespmem:s1+$0x10C00];
	s2 =	sadd.s32 s30, s2;
	s3 =	sadd.s32 s30, s3;
	s6 =	sor.u32 s7, s6  }
0x4a7: {  	s4 =	sadd.s32 s30, s4;
	s7 =	sshra.s32 s17, $0x2;
	s1 =	sor.u32 s20, s11;
	v5 =	vld [tilespmem:s0+$0x10C00]  }
0x4a8: {  	s24 =	sor.u32 s8, s5;
	s8 =	sshll.u32 s31, $0x2;
	s6 =	sshra.s32 s6, $0x2;
	v3 =	vld [tilespmem:s2+$0x10C00]  }
0x4a9: {  	s7 =	sadd.s32 s30, s7;
	v4 =	vld [tilespmem:s3+$0x10C00];
	s1 =	sshra.s32 s1, $0x2;
	s2 =	sor.u32 s23, s22  }
0x4aa: {  	v1 =	vld [tilespmem:s4+$0x11400];
	s6 =	sadd.s32 s30, s6;
	s26 =	sshra.s32 s2, $0x2;
	s2 =	sshll.u32 s28, $0x2  }
0x4ab: {  	s4 =	sshll.u32 s29, $0x2;
	s25 =	sadd.s32 s1, s10;
	v7 =	vld [tilespmem:s6+$0x11400];
	s2 =	sand.u32 $0xFFFFFE00, s2  }
0x4ac: {  	s1 =	sadd.s32 s26, s10;
	v8 =	vld [tilespmem:s25+$0x0];
	s6 =	sand.u32 $0x7F, s31;
	s4 =	sor.u32 s4, s2  }
0x4ad: {  	s9 =	sand.u32 $0xFFFFFE00, s8;
	v9 =	vld [tilespmem:s1+$0x0];
	s2 =	sshll.u32 s6, $0x2;
	s0 =	sshra.s32 s4, $0x2  }
0x4ae: {  	s3 =	sshra.s32 s24, $0x2;
	v10 =	vld [tilespmem:s7+$0x11400];
	s1 =	sor.u32 s2, s9;
	s0 =	sadd.s32 s0, s10  }
0x4af: {  	s11 =	sadd.s32 s30, s3;
	s12 =	sshra.s32 s1, $0x2;
	v11 =	vld [tilespmem:s0+$0x0]  }
0x4b0: {  	v12 =	vld [tilespmem:s11+$0x11400];
	s0 =	sadd.s32 s12, s10  }
0x4b1: {  	v1 =	vmul.f32 v1, v2;
	v7 =	vmul.f32 v7, v3;
	v13 =	vld [tilespmem:s0+$0x0]  }
0x4b2: {  	v8 =	vmul.f32 v8, v2;
	v9 =	vmul.f32 v9, v3  }
0x4b3: {  	v26 =	vmul.f32 v10, v4;
	v1 =	vadd.f32 v7, v1  }
0x4b4: {  	v8 =	vadd.f32 v9, v8;
	v27 =	vmul.f32 v11, v4  }
0x4b5: {  	v28 =	vmul.f32 v12, v5;
	v1 =	vadd.f32 v26, v1  }
0x4b6: {  	v29 =	vmul.f32 v13, v5;
	v8 =	vadd.f32 v27, v8  }
0x4b7: {  	v1 =	vadd.f32 v28, v1  }
0x4b8: {  	v30 =	vadd.f32 v29, v8  }
0x4b9: {  	(xrf2) =	vadd.scan.msk.f32 $0xffff, v1  }
0x4ba: {  	(xrf2) =	vadd.scan.msk.f32 $0xffff, v30;
	_ =	sdelay $0x8  }
0x4bb: {  	v1, _, _ =	vpop (xrf2)  }
0x4bc: {  	v7, _, _ =	vpop (xrf2)  }
0x4bd: {  	(v2sf) =	vpush v7, $0xF  }
0x4be: {  	(v2sf) =	vpush v6, $0x3;
	_ =	sdelay $0xd  }
0x4bf: {  	s9 =	spop (v2sf)  }
0x4c0: {  	s13 =	spop (v2sf)  }
0x4c1: {  	s14 =	sshll.u32 s13, $0x2;
	s15 =	sand.u32 $0x7F, s13;
	s16 =	sadd.s32 $0x10, s13  }
0x4c2: {  	s20 =	sadd.s32 $0x20, s13;
	s0 =	sadd.s32 $0x30, s13;
	s1 =	sand.u32 $0xFFFFFE00, s14  }
0x4c3: {  	s2 =	sshll.u32 s15, $0x2;
	s17 =	sand.u32 $0x7F, s16;
	s3 =	sshll.u32 s16, $0x2  }
0x4c4: {  	s21 =	sand.u32 $0x7F, s20;
	s23 =	sand.u32 $0x7F, s0;
	s1 =	sor.u32 s2, s1  }
0x4c5: {  	s18 =	sand.u32 $0xFFFFFE00, s3;
	s19 =	sshll.u32 s17, $0x2;
	s3 =	sshll.u32 s20, $0x2  }
0x4c6: {  	s4 =	sshll.u32 s21, $0x2;
	s1 =	sshra.s32 s1, $0x2;
	s2 =	sor.u32 s19, s18  }
0x4c7: {  	s3 =	sand.u32 $0xFFFFFE00, s3;
	s1 =	sadd.s32 s1, s10;
	s2 =	sshra.s32 s2, $0x2  }
0x4c8: {  	s0 =	sshll.u32 s0, $0x2;
	s22 =	sor.u32 s4, s3;
	s2 =	sadd.s32 s2, s10;
	v31 =	vld [tilespmem:s1+$0x80]  }
0x4c9: {  	s0 =	sand.u32 $0xFFFFFE00, s0;
	s24 =	sshll.u32 s23, $0x2;
	s1 =	sshra.s32 s22, $0x2;
	v32 =	vld [tilespmem:s2+$0x80]  }
0x4ca: {  	s0 =	sor.u32 s24, s0;
	s1 =	sadd.s32 s1, s10  }
0x4cb: {  	s0 =	sshra.s32 s0, $0x2;
	v33 =	vld [tilespmem:s1+$0x80]  }
0x4cc: {  	s0 =	sadd.s32 s0, s10  }
0x4cd: {  	v34 =	vld [tilespmem:s0+$0x80]  }
0x4ce: {  	v7 =	vmul.f32 v31, v2;
	v8 =	vmul.f32 v32, v3;
	_ =	sdelay $0x1  }
0x4cf: {  	v35 =	vmul.f32 v33, v4;
	v7 =	vadd.f32 v8, v7;
	_ =	sdelay $0x1  }
0x4d0: {  	v36 =	vmul.f32 v34, v5;
	v7 =	vadd.f32 v35, v7;
	_ =	sdelay $0x1  }
0x4d1: {  	v7 =	vadd.f32 v36, v7;
	_ =	sdelay $0x1  }
0x4d2: {  	(xrf2) =	vadd.scan.msk.f32 $0xffff, v7;
	_ =	sdelay $0x9  }
0x4d3: {  	v7, _, _ =	vpop (xrf2)  }
0x4d4: {  	(v2sf) =	vpush v7, $0xF  }
0x4d5: {  	(v2sf) =	vpush v6, $0x4;
	_ =	sdelay $0xd  }
0x4d6: {  	s13 =	spop (v2sf)  }
0x4d7: {  	s25 =	spop (v2sf)  }
0x4d8: {  	s26 =	sshll.u32 s25, $0x2;
	s28 =	sand.u32 $0x7F, s25;
	s29 =	sadd.s32 $0x10, s25  }
0x4d9: {  	s7 =	sadd.s32 $0x20, s25;
	s0 =	sadd.s32 $0x30, s25;
	s1 =	sand.u32 $0xFFFFFE00, s26  }
0x4da: {  	s2 =	sshll.u32 s28, $0x2;
	s31 =	sand.u32 $0x7F, s29;
	s3 =	sshll.u32 s29, $0x2  }
0x4db: {  	s8 =	sand.u32 $0x7F, s7;
	s12 =	sand.u32 $0x7F, s0;
	s1 =	sor.u32 s2, s1  }
0x4dc: {  	s5 =	sand.u32 $0xFFFFFE00, s3;
	s6 =	sshll.u32 s31, $0x2;
	s3 =	sshll.u32 s7, $0x2  }
0x4dd: {  	s4 =	sshll.u32 s8, $0x2;
	s1 =	sshra.s32 s1, $0x2;
	s2 =	sor.u32 s6, s5  }
0x4de: {  	s3 =	sand.u32 $0xFFFFFE00, s3;
	s1 =	sadd.s32 s1, s10;
	s2 =	sshra.s32 s2, $0x2  }
0x4df: {  	s0 =	sshll.u32 s0, $0x2;
	s11 =	sor.u32 s4, s3;
	s2 =	sadd.s32 s2, s10;
	v37 =	vld [tilespmem:s1+$0x100]  }
0x4e0: {  	s0 =	sand.u32 $0xFFFFFE00, s0;
	s14 =	sshll.u32 s12, $0x2;
	s1 =	sshra.s32 s11, $0x2;
	v38 =	vld [tilespmem:s2+$0x100]  }
0x4e1: {  	s0 =	sor.u32 s14, s0;
	s1 =	sadd.s32 s1, s10  }
0x4e2: {  	s0 =	sshra.s32 s0, $0x2;
	v39 =	vld [tilespmem:s1+$0x100]  }
0x4e3: {  	s0 =	sadd.s32 s0, s10  }
0x4e4: {  	v40 =	vld [tilespmem:s0+$0x100]  }
0x4e5: {  	v7 =	vmul.f32 v37, v2;
	v8 =	vmul.f32 v38, v3;
	_ =	sdelay $0x1  }
0x4e6: {  	v41 =	vmul.f32 v39, v4;
	v7 =	vadd.f32 v8, v7;
	_ =	sdelay $0x1  }
0x4e7: {  	v42 =	vmul.f32 v40, v5;
	v7 =	vadd.f32 v41, v7;
	_ =	sdelay $0x1  }
0x4e8: {  	v7 =	vadd.f32 v42, v7;
	_ =	sdelay $0x1  }
0x4e9: {  	(xrf2) =	vadd.scan.msk.f32 $0xffff, v7;
	_ =	sdelay $0x9  }
0x4ea: {  	v7, _, _ =	vpop (xrf2)  }
0x4eb: {  	(v2sf) =	vpush v7, $0xF  }
0x4ec: {  	(v2sf) =	vpush v6, $0x5;
	_ =	sdelay $0xd  }
0x4ed: {  	s29 =	spop (v2sf)  }
0x4ee: {  	s15 =	spop (v2sf)  }
0x4ef: {  	s16 =	sshll.u32 s15, $0x2;
	s17 =	sand.u32 $0x7F, s15;
	s18 =	sadd.s32 $0x10, s15  }
0x4f0: {  	s22 =	sadd.s32 $0x20, s15;
	s0 =	sadd.s32 $0x30, s15;
	s1 =	sand.u32 $0xFFFFFE00, s16  }
0x4f1: {  	s2 =	sshll.u32 s17, $0x2;
	s19 =	sand.u32 $0x7F, s18;
	s3 =	sshll.u32 s18, $0x2  }
0x4f2: {  	s23 =	sand.u32 $0x7F, s22;
	s25 =	sand.u32 $0x7F, s0;
	s1 =	sor.u32 s2, s1  }
0x4f3: {  	s20 =	sand.u32 $0xFFFFFE00, s3;
	s21 =	sshll.u32 s19, $0x2;
	s3 =	sshll.u32 s22, $0x2  }
0x4f4: {  	s4 =	sshll.u32 s23, $0x2;
	s1 =	sshra.s32 s1, $0x2;
	s2 =	sor.u32 s21, s20  }
0x4f5: {  	s3 =	sand.u32 $0xFFFFFE00, s3;
	s1 =	sadd.s32 s1, s10;
	s2 =	sshra.s32 s2, $0x2  }
0x4f6: {  	s0 =	sshll.u32 s0, $0x2;
	s24 =	sor.u32 s4, s3;
	s2 =	sadd.s32 s2, s10;
	v43 =	vld [tilespmem:s1+$0x180]  }
0x4f7: {  	s0 =	sand.u32 $0xFFFFFE00, s0;
	s26 =	sshll.u32 s25, $0x2;
	s1 =	sshra.s32 s24, $0x2;
	v44 =	vld [tilespmem:s2+$0x180]  }
0x4f8: {  	s0 =	sor.u32 s26, s0;
	s1 =	sadd.s32 s1, s10  }
0x4f9: {  	s0 =	sshra.s32 s0, $0x2;
	v45 =	vld [tilespmem:s1+$0x180]  }
0x4fa: {  	s0 =	sadd.s32 s0, s10  }
0x4fb: {  	v46 =	vld [tilespmem:s0+$0x180]  }
0x4fc: {  	v7 =	vmul.f32 v43, v2;
	v8 =	vmul.f32 v44, v3;
	_ =	sdelay $0x1  }
0x4fd: {  	v47 =	vmul.f32 v45, v4;
	v7 =	vadd.f32 v8, v7;
	_ =	sdelay $0x1  }
0x4fe: {  	v48 =	vmul.f32 v46, v5;
	v7 =	vadd.f32 v47, v7;
	_ =	sdelay $0x1  }
0x4ff: {  	v7 =	vadd.f32 v48, v7;
	_ =	sdelay $0x1  }
0x500: {  	(xrf2) =	vadd.scan.msk.f32 $0xffff, v7;
	_ =	sdelay $0x9  }
0x501: {  	v7, _, _ =	vpop (xrf2)  }
0x502: {  	(v2sf) =	vpush v7, $0xF  }
0x503: {  	(v2sf) =	vpush v6, $0x6;
	_ =	sdelay $0xd  }
0x504: {  	s28 =	spop (v2sf)  }
0x505: {  	s31 =	spop (v2sf)  }
0x506: {  	s5 =	sshll.u32 s31, $0x2;
	s6 =	sand.u32 $0x7F, s31;
	s7 =	sadd.s32 $0x10, s31  }
0x507: {  	s14 =	sadd.s32 $0x20, s31;
	s0 =	sadd.s32 $0x30, s31;
	s1 =	sand.u32 $0xFFFFFE00, s5  }
0x508: {  	s2 =	sshll.u32 s6, $0x2;
	s8 =	sand.u32 $0x7F, s7;
	s3 =	sshll.u32 s7, $0x2  }
0x509: {  	s15 =	sand.u32 $0x7F, s14;
	s17 =	sand.u32 $0x7F, s0;
	s1 =	sor.u32 s2, s1  }
0x50a: {  	s11 =	sand.u32 $0xFFFFFE00, s3;
	s12 =	sshll.u32 s8, $0x2;
	s3 =	sshll.u32 s14, $0x2  }
0x50b: {  	s4 =	sshll.u32 s15, $0x2;
	s1 =	sshra.s32 s1, $0x2;
	s2 =	sor.u32 s12, s11  }
0x50c: {  	s3 =	sand.u32 $0xFFFFFE00, s3;
	s1 =	sadd.s32 s1, s10;
	s2 =	sshra.s32 s2, $0x2  }
0x50d: {  	s0 =	sshll.u32 s0, $0x2;
	s16 =	sor.u32 s4, s3;
	s2 =	sadd.s32 s2, s10;
	v49 =	vld [tilespmem:s1+$0x200]  }
0x50e: {  	s0 =	sand.u32 $0xFFFFFE00, s0;
	s18 =	sshll.u32 s17, $0x2;
	s1 =	sshra.s32 s16, $0x2;
	v50 =	vld [tilespmem:s2+$0x200]  }
0x50f: {  	s0 =	sor.u32 s18, s0;
	s1 =	sadd.s32 s1, s10  }
0x510: {  	s0 =	sshra.s32 s0, $0x2;
	v51 =	vld [tilespmem:s1+$0x200]  }
0x511: {  	s0 =	sadd.s32 s0, s10  }
0x512: {  	v52 =	vld [tilespmem:s0+$0x200]  }
0x513: {  	v7 =	vmul.f32 v49, v2;
	v8 =	vmul.f32 v50, v3;
	_ =	sdelay $0x1  }
0x514: {  	v53 =	vmul.f32 v51, v4;
	v7 =	vadd.f32 v8, v7;
	_ =	sdelay $0x1  }
0x515: {  	v54 =	vmul.f32 v52, v5;
	v7 =	vadd.f32 v53, v7;
	_ =	sdelay $0x1  }
0x516: {  	v7 =	vadd.f32 v54, v7;
	_ =	sdelay $0x1  }
0x517: {  	(xrf2) =	vadd.scan.msk.f32 $0xffff, v7;
	_ =	sdelay $0x9  }
0x518: {  	v7, _, _ =	vpop (xrf2)  }
0x519: {  	(v2sf) =	vpush v7, $0xF  }
0x51a: {  	(v2sf) =	vpush v6, $0x7;
	_ =	sdelay $0xd  }
0x51b: {  	s19 =	spop (v2sf)  }
0x51c: {  	[dreg:$0x18] =	wrdreg s28;
	s20 =	spop (v2sf)  }
0x51d: {  	s21 =	sshll.u32 s20, $0x2;
	s22 =	sand.u32 $0x7F, s20;
	s23 =	sadd.s32 $0x10, s20  }
0x51e: {  	s28 =	sadd.s32 $0x20, s20;
	s0 =	sadd.s32 $0x30, s20;
	s1 =	sand.u32 $0xFFFFFE00, s21  }
0x51f: {  	s2 =	sshll.u32 s22, $0x2;
	s24 =	sand.u32 $0x7F, s23;
	s3 =	sshll.u32 s23, $0x2  }
0x520: {  	s31 =	sand.u32 $0x7F, s28;
	s5 =	sand.u32 $0x7F, s0;
	s1 =	sor.u32 s2, s1  }
0x521: {  	s25 =	sand.u32 $0xFFFFFE00, s3;
	s26 =	sshll.u32 s24, $0x2;
	s3 =	sshll.u32 s28, $0x2  }
0x522: {  	s4 =	sshll.u32 s31, $0x2;
	s1 =	sshra.s32 s1, $0x2;
	s2 =	sor.u32 s26, s25  }
0x523: {  	s3 =	sand.u32 $0xFFFFFE00, s3;
	s1 =	sadd.s32 s1, s10;
	s2 =	sshra.s32 s2, $0x2  }
0x524: {  	s0 =	sshll.u32 s0, $0x2;
	s4 =	sor.u32 s4, s3;
	s2 =	sadd.s32 s2, s10;
	v55 =	vld [tilespmem:s1+$0x280]  }
0x525: {  	s0 =	sand.u32 $0xFFFFFE00, s0;
	s6 =	sshll.u32 s5, $0x2;
	s1 =	sshra.s32 s4, $0x2;
	v56 =	vld [tilespmem:s2+$0x280]  }
0x526: {  	s0 =	sor.u32 s6, s0;
	s1 =	sadd.s32 s1, s10  }
0x527: {  	s0 =	sshra.s32 s0, $0x2;
	v57 =	vld [tilespmem:s1+$0x280]  }
0x528: {  	s0 =	sadd.s32 s0, s10  }
0x529: {  	v58 =	vld [tilespmem:s0+$0x280]  }
0x52a: {  	v7 =	vmul.f32 v55, v2;
	v8 =	vmul.f32 v56, v3;
	_ =	sdelay $0x1  }
0x52b: {  	v59 =	vmul.f32 v57, v4;
	v7 =	vadd.f32 v8, v7;
	_ =	sdelay $0x1  }
0x52c: {  	v60 =	vmul.f32 v58, v5;
	v7 =	vadd.f32 v59, v7;
	_ =	sdelay $0x1  }
0x52d: {  	v7 =	vadd.f32 v60, v7;
	_ =	sdelay $0x1  }
0x52e: {  	(xrf2) =	vadd.scan.msk.f32 $0xffff, v7;
	_ =	sdelay $0x9  }
0x52f: {  	v7, _, _ =	vpop (xrf2)  }
0x530: {  	(v2sf) =	vpush v7, $0xF  }
0x531: {  	(v2sf) =	vpush v6, $0x8;
	_ =	sdelay $0xd  }
0x532: {  	s7 =	spop (v2sf)  }
0x533: {  	[dreg:$0x1a] =	wrdreg s19;
	s8 =	spop (v2sf)  }
0x534: {  	s11 =	sshll.u32 s8, $0x2;
	s12 =	sand.u32 $0x7F, s8;
	s14 =	sadd.s32 $0x10, s8  }
0x535: {  	s18 =	sadd.s32 $0x20, s8;
	s0 =	sadd.s32 $0x30, s8;
	s1 =	sand.u32 $0xFFFFFE00, s11  }
0x536: {  	s2 =	sshll.u32 s12, $0x2;
	s15 =	sand.u32 $0x7F, s14;
	s3 =	sshll.u32 s14, $0x2  }
0x537: {  	s19 =	sand.u32 $0x7F, s18;
	s21 =	sand.u32 $0x7F, s0;
	s1 =	sor.u32 s2, s1  }
0x538: {  	s16 =	sand.u32 $0xFFFFFE00, s3;
	s17 =	sshll.u32 s15, $0x2;
	s3 =	sshll.u32 s18, $0x2  }
0x539: {  	s4 =	sshll.u32 s19, $0x2;
	s1 =	sshra.s32 s1, $0x2;
	s2 =	sor.u32 s17, s16  }
0x53a: {  	s3 =	sand.u32 $0xFFFFFE00, s3;
	s1 =	sadd.s32 s1, s10;
	s2 =	sshra.s32 s2, $0x2  }
0x53b: {  	s0 =	sshll.u32 s0, $0x2;
	s20 =	sor.u32 s4, s3;
	s2 =	sadd.s32 s2, s10;
	v61 =	vld [tilespmem:s1+$0x300]  }
0x53c: {  	s0 =	sand.u32 $0xFFFFFE00, s0;
	s22 =	sshll.u32 s21, $0x2;
	s1 =	sshra.s32 s20, $0x2;
	v62 =	vld [tilespmem:s2+$0x300]  }
0x53d: {  	s0 =	sor.u32 s22, s0;
	s1 =	sadd.s32 s1, s10  }
0x53e: {  	s0 =	sshra.s32 s0, $0x2;
	v63 =	vld [tilespmem:s1+$0x300]  }
0x53f: {  	s0 =	sadd.s32 s0, s10  }
0x540: {  	v12 =	vld [tilespmem:s0+$0x300]  }
0x541: {  	v7 =	vmul.f32 v61, v2;
	v8 =	vmul.f32 v62, v3;
	_ =	sdelay $0x1  }
0x542: {  	v13 =	vmul.f32 v63, v4;
	v7 =	vadd.f32 v8, v7;
	_ =	sdelay $0x1  }
0x543: {  	v14 =	vmul.f32 v12, v5;
	v7 =	vadd.f32 v13, v7;
	_ =	sdelay $0x1  }
0x544: {  	v7 =	vadd.f32 v14, v7;
	_ =	sdelay $0x1  }
0x545: {  	(xrf2) =	vadd.scan.msk.f32 $0xffff, v7;
	_ =	sdelay $0x9  }
0x546: {  	v7, _, _ =	vpop (xrf2)  }
0x547: {  	(v2sf) =	vpush v7, $0xF  }
0x548: {  	(v2sf) =	vpush v6, $0x9;
	_ =	sdelay $0xd  }
0x549: {  	s23 =	spop (v2sf)  }
0x54a: {  	[dreg:$0x1c] =	wrdreg s7;
	s24 =	spop (v2sf)  }
0x54b: {  	s25 =	sshll.u32 s24, $0x2;
	s26 =	sand.u32 $0x7F, s24;
	s28 =	sadd.s32 $0x10, s24  }
0x54c: {  	s6 =	sadd.s32 $0x20, s24;
	s0 =	sadd.s32 $0x30, s24;
	s1 =	sand.u32 $0xFFFFFE00, s25  }
0x54d: {  	s2 =	sshll.u32 s26, $0x2;
	s31 =	sand.u32 $0x7F, s28;
	s3 =	sshll.u32 s28, $0x2  }
0x54e: {  	s7 =	sand.u32 $0x7F, s6;
	s11 =	sand.u32 $0x7F, s0;
	s1 =	sor.u32 s2, s1  }
0x54f: {  	s3 =	sand.u32 $0xFFFFFE00, s3;
	s5 =	sshll.u32 s31, $0x2;
	s4 =	sshll.u32 s7, $0x2  }
0x550: {  	s1 =	sshra.s32 s1, $0x2;
	s2 =	sor.u32 s5, s3;
	s3 =	sshll.u32 s6, $0x2  }
0x551: {  	s1 =	sadd.s32 s1, s10;
	s2 =	sshra.s32 s2, $0x2;
	s3 =	sand.u32 $0xFFFFFE00, s3  }
0x552: {  	s0 =	sshll.u32 s0, $0x2;
	s2 =	sadd.s32 s2, s10;
	v15 =	vld [tilespmem:s1+$0x380];
	s8 =	sor.u32 s4, s3  }
0x553: {  	s0 =	sand.u32 $0xFFFFFE00, s0;
	s12 =	sshll.u32 s11, $0x2;
	v16 =	vld [tilespmem:s2+$0x380];
	s1 =	sshra.s32 s8, $0x2  }
0x554: {  	s0 =	sor.u32 s12, s0;
	s1 =	sadd.s32 s1, s10  }
0x555: {  	s0 =	sshra.s32 s0, $0x2;
	v17 =	vld [tilespmem:s1+$0x380]  }
0x556: {  	s0 =	sadd.s32 s0, s10  }
0x557: {  	v18 =	vld [tilespmem:s0+$0x380]  }
0x558: {  	v7 =	vmul.f32 v15, v2;
	v8 =	vmul.f32 v16, v3;
	_ =	sdelay $0x1  }
0x559: {  	v7 =	vadd.f32 v8, v7;
	v19 =	vmul.f32 v17, v4;
	_ =	sdelay $0x1  }
0x55a: {  	v20 =	vmul.f32 v18, v5;
	v7 =	vadd.f32 v19, v7;
	_ =	sdelay $0x1  }
0x55b: {  	v7 =	vadd.f32 v20, v7;
	_ =	sdelay $0x1  }
0x55c: {  	(xrf2) =	vadd.scan.msk.f32 $0xffff, v7;
	_ =	sdelay $0x9  }
0x55d: {  	v7, _, _ =	vpop (xrf2)  }
0x55e: {  	(v2sf) =	vpush v7, $0xF  }
0x55f: {  	(v2sf) =	vpush v6, $0xA;
	_ =	sdelay $0xd  }
0x560: {  	s14 =	spop (v2sf)  }
0x561: {  	[dreg:$0x1e] =	wrdreg s23;
	s15 =	spop (v2sf)  }
0x562: {  	s16 =	sshll.u32 s15, $0x2;
	s17 =	sand.u32 $0x7F, s15;
	s18 =	sadd.s32 $0x10, s15  }
0x563: {  	s22 =	sadd.s32 $0x20, s15;
	s0 =	sadd.s32 $0x30, s15;
	s1 =	sand.u32 $0xFFFFFE00, s16  }
0x564: {  	s2 =	sshll.u32 s17, $0x2;
	s19 =	sand.u32 $0x7F, s18;
	s3 =	sshll.u32 s18, $0x2  }
0x565: {  	s23 =	sand.u32 $0x7F, s22;
	s25 =	sand.u32 $0x7F, s0;
	s1 =	sor.u32 s2, s1  }
0x566: {  	s20 =	sand.u32 $0xFFFFFE00, s3;
	s21 =	sshll.u32 s19, $0x2;
	s3 =	sshll.u32 s22, $0x2  }
0x567: {  	s4 =	sshll.u32 s23, $0x2;
	s1 =	sshra.s32 s1, $0x2;
	s2 =	sor.u32 s21, s20  }
0x568: {  	s3 =	sand.u32 $0xFFFFFE00, s3;
	s1 =	sadd.s32 s1, s10;
	s2 =	sshra.s32 s2, $0x2  }
0x569: {  	s0 =	sshll.u32 s0, $0x2;
	s24 =	sor.u32 s4, s3;
	s2 =	sadd.s32 s2, s10;
	v21 =	vld [tilespmem:s1+$0x400]  }
0x56a: {  	s0 =	sand.u32 $0xFFFFFE00, s0;
	s26 =	sshll.u32 s25, $0x2;
	s1 =	sshra.s32 s24, $0x2;
	v22 =	vld [tilespmem:s2+$0x400]  }
0x56b: {  	s0 =	sor.u32 s26, s0;
	s1 =	sadd.s32 s1, s10  }
0x56c: {  	s0 =	sshra.s32 s0, $0x2;
	v23 =	vld [tilespmem:s1+$0x400]  }
0x56d: {  	s0 =	sadd.s32 s0, s10  }
0x56e: {  	v24 =	vld [tilespmem:s0+$0x400]  }
0x56f: {  	v7 =	vmul.f32 v21, v2;
	v8 =	vmul.f32 v22, v3;
	_ =	sdelay $0x1  }
0x570: {  	v25 =	vmul.f32 v23, v4;
	v7 =	vadd.f32 v8, v7;
	_ =	sdelay $0x1  }
0x571: {  	v26 =	vmul.f32 v24, v5;
	v7 =	vadd.f32 v25, v7;
	_ =	sdelay $0x1  }
0x572: {  	v7 =	vadd.f32 v26, v7;
	_ =	sdelay $0x1  }
0x573: {  	(xrf2) =	vadd.scan.msk.f32 $0xffff, v7;
	_ =	sdelay $0x9  }
0x574: {  	v7, _, _ =	vpop (xrf2)  }
0x575: {  	(v2sf) =	vpush v7, $0xF  }
0x576: {  	(v2sf) =	vpush v6, $0xB;
	_ =	sdelay $0xd  }
0x577: {  	s28 =	spop (v2sf)  }
0x578: {  	[smem:$0x7D4] =	sst s14;
	s31 =	spop (v2sf)  }
0x579: {  	s5 =	sshll.u32 s31, $0x2;
	s6 =	sand.u32 $0x7F, s31;
	s7 =	sadd.s32 $0x10, s31  }
0x57a: {  	s14 =	sadd.s32 $0x20, s31;
	s0 =	sadd.s32 $0x30, s31;
	s1 =	sand.u32 $0xFFFFFE00, s5  }
0x57b: {  	s2 =	sshll.u32 s6, $0x2;
	s8 =	sand.u32 $0x7F, s7;
	s3 =	sshll.u32 s7, $0x2  }
0x57c: {  	s15 =	sand.u32 $0x7F, s14;
	s17 =	sand.u32 $0x7F, s0;
	s1 =	sor.u32 s2, s1  }
0x57d: {  	s11 =	sand.u32 $0xFFFFFE00, s3;
	s12 =	sshll.u32 s8, $0x2;
	s3 =	sshll.u32 s14, $0x2  }
0x57e: {  	s4 =	sshll.u32 s15, $0x2;
	s1 =	sshra.s32 s1, $0x2;
	s2 =	sor.u32 s12, s11  }
0x57f: {  	s3 =	sand.u32 $0xFFFFFE00, s3;
	s1 =	sadd.s32 s1, s10;
	s2 =	sshra.s32 s2, $0x2  }
0x580: {  	s0 =	sshll.u32 s0, $0x2;
	s16 =	sor.u32 s4, s3;
	s2 =	sadd.s32 s2, s10;
	v27 =	vld [tilespmem:s1+$0x480]  }
0x581: {  	s0 =	sand.u32 $0xFFFFFE00, s0;
	s18 =	sshll.u32 s17, $0x2;
	s1 =	sshra.s32 s16, $0x2;
	v28 =	vld [tilespmem:s2+$0x480]  }
0x582: {  	s0 =	sor.u32 s18, s0;
	s1 =	sadd.s32 s1, s10  }
0x583: {  	s0 =	sshra.s32 s0, $0x2;
	v29 =	vld [tilespmem:s1+$0x480]  }
0x584: {  	s0 =	sadd.s32 s0, s10  }
0x585: {  	v30 =	vld [tilespmem:s0+$0x480]  }
0x586: {  	v7 =	vmul.f32 v27, v2;
	v8 =	vmul.f32 v28, v3;
	_ =	sdelay $0x1  }
0x587: {  	v31 =	vmul.f32 v29, v4;
	v7 =	vadd.f32 v8, v7;
	_ =	sdelay $0x1  }
0x588: {  	v32 =	vmul.f32 v30, v5;
	v7 =	vadd.f32 v31, v7;
	_ =	sdelay $0x1  }
0x589: {  	v7 =	vadd.f32 v32, v7;
	_ =	sdelay $0x1  }
0x58a: {  	(xrf2) =	vadd.scan.msk.f32 $0xffff, v7;
	_ =	sdelay $0x9  }
0x58b: {  	v7, _, _ =	vpop (xrf2)  }
0x58c: {  	(v2sf) =	vpush v7, $0xF  }
0x58d: {  	(v2sf) =	vpush v6, $0xC;
	_ =	sdelay $0xd  }
0x58e: {  	s19 =	spop (v2sf)  }
0x58f: {  	[smem:$0x7D5] =	sst s28;
	s20 =	spop (v2sf)  }
0x590: {  	s21 =	sshll.u32 s20, $0x2;
	s22 =	sand.u32 $0x7F, s20;
	s23 =	sadd.s32 $0x10, s20  }
0x591: {  	s28 =	sadd.s32 $0x20, s20;
	s0 =	sadd.s32 $0x30, s20;
	s1 =	sand.u32 $0xFFFFFE00, s21  }
0x592: {  	s2 =	sshll.u32 s22, $0x2;
	s24 =	sand.u32 $0x7F, s23;
	s3 =	sshll.u32 s23, $0x2  }
0x593: {  	s31 =	sand.u32 $0x7F, s28;
	s5 =	sand.u32 $0x7F, s0;
	s1 =	sor.u32 s2, s1  }
0x594: {  	s25 =	sand.u32 $0xFFFFFE00, s3;
	s26 =	sshll.u32 s24, $0x2;
	s3 =	sshll.u32 s28, $0x2  }
0x595: {  	s4 =	sshll.u32 s31, $0x2;
	s1 =	sshra.s32 s1, $0x2;
	s2 =	sor.u32 s26, s25  }
0x596: {  	s3 =	sand.u32 $0xFFFFFE00, s3;
	s1 =	sadd.s32 s1, s10;
	s2 =	sshra.s32 s2, $0x2  }
0x597: {  	s0 =	sshll.u32 s0, $0x2;
	s4 =	sor.u32 s4, s3;
	s2 =	sadd.s32 s2, s10;
	v33 =	vld [tilespmem:s1+$0x500]  }
0x598: {  	s0 =	sand.u32 $0xFFFFFE00, s0;
	s6 =	sshll.u32 s5, $0x2;
	s1 =	sshra.s32 s4, $0x2;
	v34 =	vld [tilespmem:s2+$0x500]  }
0x599: {  	s0 =	sor.u32 s6, s0;
	s1 =	sadd.s32 s1, s10  }
0x59a: {  	s0 =	sshra.s32 s0, $0x2;
	v35 =	vld [tilespmem:s1+$0x500]  }
0x59b: {  	s0 =	sadd.s32 s0, s10  }
0x59c: {  	v36 =	vld [tilespmem:s0+$0x500]  }
0x59d: {  	v7 =	vmul.f32 v33, v2;
	v8 =	vmul.f32 v34, v3;
	_ =	sdelay $0x1  }
0x59e: {  	v37 =	vmul.f32 v35, v4;
	v7 =	vadd.f32 v8, v7;
	_ =	sdelay $0x1  }
0x59f: {  	v38 =	vmul.f32 v36, v5;
	v7 =	vadd.f32 v37, v7;
	_ =	sdelay $0x1  }
0x5a0: {  	v7 =	vadd.f32 v38, v7;
	_ =	sdelay $0x1  }
0x5a1: {  	(xrf2) =	vadd.scan.msk.f32 $0xffff, v7;
	_ =	sdelay $0x9  }
0x5a2: {  	v7, _, _ =	vpop (xrf2)  }
0x5a3: {  	(v2sf) =	vpush v7, $0xF  }
0x5a4: {  	(v2sf) =	vpush v6, $0xD;
	_ =	sdelay $0xd  }
0x5a5: {  	s7 =	spop (v2sf)  }
0x5a6: {  	[smem:$0x7D6] =	sst s19;
	s8 =	spop (v2sf)  }
0x5a7: {  	s11 =	sshll.u32 s8, $0x2;
	s12 =	sand.u32 $0x7F, s8;
	s14 =	sadd.s32 $0x10, s8  }
0x5a8: {  	s18 =	sadd.s32 $0x20, s8;
	s0 =	sadd.s32 $0x30, s8;
	s1 =	sand.u32 $0xFFFFFE00, s11  }
0x5a9: {  	s2 =	sshll.u32 s12, $0x2;
	s15 =	sand.u32 $0x7F, s14;
	s3 =	sshll.u32 s14, $0x2  }
0x5aa: {  	s19 =	sand.u32 $0x7F, s18;
	s21 =	sand.u32 $0x7F, s0;
	s1 =	sor.u32 s2, s1  }
0x5ab: {  	s16 =	sand.u32 $0xFFFFFE00, s3;
	s17 =	sshll.u32 s15, $0x2;
	s3 =	sshll.u32 s18, $0x2  }
0x5ac: {  	s4 =	sshll.u32 s19, $0x2;
	s1 =	sshra.s32 s1, $0x2;
	s2 =	sor.u32 s17, s16  }
0x5ad: {  	s3 =	sand.u32 $0xFFFFFE00, s3;
	s1 =	sadd.s32 s1, s10;
	s2 =	sshra.s32 s2, $0x2  }
0x5ae: {  	s0 =	sshll.u32 s0, $0x2;
	s20 =	sor.u32 s4, s3;
	s2 =	sadd.s32 s2, s10;
	v39 =	vld [tilespmem:s1+$0x580]  }
0x5af: {  	s0 =	sand.u32 $0xFFFFFE00, s0;
	s22 =	sshll.u32 s21, $0x2;
	s1 =	sshra.s32 s20, $0x2;
	v40 =	vld [tilespmem:s2+$0x580]  }
0x5b0: {  	s0 =	sor.u32 s22, s0;
	s1 =	sadd.s32 s1, s10  }
0x5b1: {  	s0 =	sshra.s32 s0, $0x2;
	v41 =	vld [tilespmem:s1+$0x580]  }
0x5b2: {  	s0 =	sadd.s32 s0, s10  }
0x5b3: {  	v42 =	vld [tilespmem:s0+$0x580]  }
0x5b4: {  	v7 =	vmul.f32 v39, v2;
	v8 =	vmul.f32 v40, v3;
	_ =	sdelay $0x1  }
0x5b5: {  	v43 =	vmul.f32 v41, v4;
	v7 =	vadd.f32 v8, v7;
	_ =	sdelay $0x1  }
0x5b6: {  	v44 =	vmul.f32 v42, v5;
	v7 =	vadd.f32 v43, v7;
	_ =	sdelay $0x1  }
0x5b7: {  	v7 =	vadd.f32 v44, v7;
	_ =	sdelay $0x1  }
0x5b8: {  	(xrf2) =	vadd.scan.msk.f32 $0xffff, v7;
	_ =	sdelay $0x9  }
0x5b9: {  	v7, _, _ =	vpop (xrf2)  }
0x5ba: {  	(v2sf) =	vpush v7, $0xF  }
0x5bb: {  	(v2sf) =	vpush v6, $0xE;
	_ =	sdelay $0xd  }
0x5bc: {  	s23 =	spop (v2sf)  }
0x5bd: {  	[smem:$0x7D7] =	sst s7;
	s24 =	spop (v2sf)  }
0x5be: {  	s25 =	sshll.u32 s24, $0x2;
	s26 =	sand.u32 $0x7F, s24;
	s28 =	sadd.s32 $0x10, s24  }
0x5bf: {  	s6 =	sadd.s32 $0x20, s24;
	s0 =	sadd.s32 $0x30, s24;
	s1 =	sand.u32 $0xFFFFFE00, s25  }
0x5c0: {  	s2 =	sshll.u32 s26, $0x2;
	s31 =	sand.u32 $0x7F, s28;
	s3 =	sshll.u32 s28, $0x2  }
0x5c1: {  	s7 =	sand.u32 $0x7F, s6;
	s11 =	sand.u32 $0x7F, s0;
	s1 =	sor.u32 s2, s1  }
0x5c2: {  	s3 =	sand.u32 $0xFFFFFE00, s3;
	s5 =	sshll.u32 s31, $0x2;
	s4 =	sshll.u32 s7, $0x2  }
0x5c3: {  	s1 =	sshra.s32 s1, $0x2;
	s2 =	sor.u32 s5, s3;
	s3 =	sshll.u32 s6, $0x2  }
0x5c4: {  	s1 =	sadd.s32 s1, s10;
	s2 =	sshra.s32 s2, $0x2;
	s3 =	sand.u32 $0xFFFFFE00, s3  }
0x5c5: {  	s0 =	sshll.u32 s0, $0x2;
	s2 =	sadd.s32 s2, s10;
	v45 =	vld [tilespmem:s1+$0x600];
	s8 =	sor.u32 s4, s3  }
0x5c6: {  	s0 =	sand.u32 $0xFFFFFE00, s0;
	s12 =	sshll.u32 s11, $0x2;
	v46 =	vld [tilespmem:s2+$0x600];
	s1 =	sshra.s32 s8, $0x2  }
0x5c7: {  	s0 =	sor.u32 s12, s0;
	s1 =	sadd.s32 s1, s10  }
0x5c8: {  	s0 =	sshra.s32 s0, $0x2;
	v47 =	vld [tilespmem:s1+$0x600]  }
0x5c9: {  	s0 =	sadd.s32 s0, s10  }
0x5ca: {  	v48 =	vld [tilespmem:s0+$0x600]  }
0x5cb: {  	v7 =	vmul.f32 v45, v2;
	v8 =	vmul.f32 v46, v3;
	_ =	sdelay $0x1  }
0x5cc: {  	v7 =	vadd.f32 v8, v7;
	v49 =	vmul.f32 v47, v4;
	_ =	sdelay $0x1  }
0x5cd: {  	v50 =	vmul.f32 v48, v5;
	v7 =	vadd.f32 v49, v7;
	_ =	sdelay $0x1  }
0x5ce: {  	v7 =	vadd.f32 v50, v7;
	_ =	sdelay $0x1  }
0x5cf: {  	(xrf2) =	vadd.scan.msk.f32 $0xffff, v7;
	_ =	sdelay $0x9  }
0x5d0: {  	v7, _, _ =	vpop (xrf2)  }
0x5d1: {  	(v2sf) =	vpush v7, $0xF  }
0x5d2: {  	(v2sf) =	vpush v6, $0xF;
	_ =	sdelay $0xd  }
0x5d3: {  	s14 =	spop (v2sf)  }
0x5d4: {  	[smem:$0x7D8] =	sst s23;
	s15 =	spop (v2sf)  }
0x5d5: {  	s16 =	sshll.u32 s15, $0x2;
	s17 =	sand.u32 $0x7F, s15;
	s18 =	sadd.s32 $0x10, s15  }
0x5d6: {  	s22 =	sadd.s32 $0x20, s15;
	s0 =	sadd.s32 $0x30, s15;
	s1 =	sand.u32 $0xFFFFFE00, s16  }
0x5d7: {  	s2 =	sshll.u32 s17, $0x2;
	s19 =	sand.u32 $0x7F, s18;
	s3 =	sshll.u32 s18, $0x2  }
0x5d8: {  	s23 =	sand.u32 $0x7F, s22;
	s25 =	sand.u32 $0x7F, s0;
	s1 =	sor.u32 s2, s1  }
0x5d9: {  	s20 =	sand.u32 $0xFFFFFE00, s3;
	s21 =	sshll.u32 s19, $0x2;
	s3 =	sshll.u32 s22, $0x2  }
0x5da: {  	s4 =	sshll.u32 s23, $0x2;
	s1 =	sshra.s32 s1, $0x2;
	s2 =	sor.u32 s21, s20  }
0x5db: {  	s3 =	sand.u32 $0xFFFFFE00, s3;
	s1 =	sadd.s32 s1, s10;
	s2 =	sshra.s32 s2, $0x2  }
0x5dc: {  	s0 =	sshll.u32 s0, $0x2;
	s24 =	sor.u32 s4, s3;
	s2 =	sadd.s32 s2, s10;
	v51 =	vld [tilespmem:s1+$0x680]  }
0x5dd: {  	s0 =	sand.u32 $0xFFFFFE00, s0;
	s26 =	sshll.u32 s25, $0x2;
	s1 =	sshra.s32 s24, $0x2;
	v52 =	vld [tilespmem:s2+$0x680]  }
0x5de: {  	s0 =	sor.u32 s26, s0;
	s1 =	sadd.s32 s1, s10  }
0x5df: {  	s0 =	sshra.s32 s0, $0x2;
	v53 =	vld [tilespmem:s1+$0x680]  }
0x5e0: {  	s0 =	sadd.s32 s0, s10  }
0x5e1: {  	v54 =	vld [tilespmem:s0+$0x680]  }
0x5e2: {  	v6 =	vmul.f32 v51, v2;
	v7 =	vmul.f32 v52, v3;
	_ =	sdelay $0x1  }
0x5e3: {  	v55 =	vmul.f32 v53, v4;
	v6 =	vadd.f32 v7, v6;
	_ =	sdelay $0x1  }
0x5e4: {  	v56 =	vmul.f32 v54, v5;
	v6 =	vadd.f32 v55, v6;
	_ =	sdelay $0x1  }
0x5e5: {  	v6 =	vadd.f32 v56, v6;
	_ =	sdelay $0x1  }
0x5e6: {  	(xrf2) =	vadd.scan.msk.f32 $0xffff, v6;
	_ =	sdelay $0x5  }
0x5e7: {  	s28 =	rddreg [dreg:$0x17]  }
0x5e8: {  	v57 =	vld [tilespmem:s28+$0xFFFFFFE8];
	_ =	sdelay $0x2  }
0x5e9: {  	v58, _, _ =	vpop (xrf2)  }
0x5ea: {  	(v2sf) =	vpush v58, $0xF  }
0x5eb: {  	(v2sf) =	vpush v57, $0x8;
	_ =	sdelay $0xd  }
0x5ec: {  	s24 =	spop (v2sf)  }
0x5ed: {  	[smem:$0x7D9] =	sst s14;
	s31 =	spop (v2sf)  }
0x5ee: {  	s3 =	sshll.u32 s31, $0x2;
	s4 =	sand.u32 $0x7F, s31;
	s5 =	sadd.s32 $0x10, s31  }
0x5ef: {  	s11 =	sadd.s32 $0x20, s31;
	s0 =	sadd.s32 $0x30, s31;
	s1 =	sand.u32 $0xFFFFFE00, s3  }
0x5f0: {  	s2 =	sshll.u32 s4, $0x2;
	s6 =	sand.u32 $0x7F, s5;
	s3 =	sshll.u32 s5, $0x2  }
0x5f1: {  	s12 =	sand.u32 $0x7F, s11;
	s15 =	sand.u32 $0x7F, s0;
	s1 =	sor.u32 s2, s1  }
0x5f2: {  	s7 =	sand.u32 $0xFFFFFE00, s3;
	s8 =	sshll.u32 s6, $0x2;
	s3 =	sshll.u32 s11, $0x2  }
0x5f3: {  	s4 =	sshll.u32 s12, $0x2;
	s1 =	sshra.s32 s1, $0x2;
	s2 =	sor.u32 s8, s7  }
0x5f4: {  	s3 =	sand.u32 $0xFFFFFE00, s3;
	s1 =	sadd.s32 s1, s10;
	s2 =	sshra.s32 s2, $0x2  }
0x5f5: {  	s0 =	sshll.u32 s0, $0x2;
	s14 =	sor.u32 s4, s3;
	s2 =	sadd.s32 s2, s10;
	v59 =	vld [tilespmem:s1+$0x700]  }
0x5f6: {  	s0 =	sand.u32 $0xFFFFFE00, s0;
	s16 =	sshll.u32 s15, $0x2;
	s1 =	sshra.s32 s14, $0x2;
	v60 =	vld [tilespmem:s2+$0x700]  }
0x5f7: {  	s0 =	sor.u32 s16, s0;
	s1 =	sadd.s32 s1, s10  }
0x5f8: {  	s0 =	sshra.s32 s0, $0x2;
	v61 =	vld [tilespmem:s1+$0x700]  }
0x5f9: {  	s0 =	sadd.s32 s0, s10  }
0x5fa: {  	v62 =	vld [tilespmem:s0+$0x700]  }
0x5fb: {  	v7 =	vmul.f32 v59, v2;
	v8 =	vmul.f32 v60, v3;
	_ =	sdelay $0x1  }
0x5fc: {  	v63 =	vmul.f32 v61, v4;
	v7 =	vadd.f32 v8, v7;
	_ =	sdelay $0x1  }
0x5fd: {  	v12 =	vmul.f32 v62, v5;
	v7 =	vadd.f32 v63, v7;
	_ =	sdelay $0x1  }
0x5fe: {  	v7 =	vadd.f32 v12, v7;
	_ =	sdelay $0x1  }
0x5ff: {  	(xrf2) =	vadd.scan.msk.f32 $0xffff, v7;
	_ =	sdelay $0x9  }
0x600: {  	v7, _, _ =	vpop (xrf2)  }
0x601: {  	(v2sf) =	vpush v7, $0xF  }
0x602: {  	(v2sf) =	vpush v57, $0x9;
	_ =	sdelay $0xd  }
0x603: {  	s7 =	spop (v2sf)  }
0x604: {  	s17 =	spop (v2sf)  }
0x605: {  	s18 =	sshll.u32 s17, $0x2;
	s19 =	sand.u32 $0x7F, s17;
	s20 =	sadd.s32 $0x10, s17  }
0x606: {  	s25 =	sadd.s32 $0x20, s17;
	s0 =	sadd.s32 $0x30, s17;
	s1 =	sand.u32 $0xFFFFFE00, s18  }
0x607: {  	s2 =	sshll.u32 s19, $0x2;
	s21 =	sand.u32 $0x7F, s20;
	s3 =	sshll.u32 s20, $0x2  }
0x608: {  	s26 =	sand.u32 $0x7F, s25;
	s31 =	sand.u32 $0x7F, s0;
	s1 =	sor.u32 s2, s1  }
0x609: {  	s22 =	sand.u32 $0xFFFFFE00, s3;
	s23 =	sshll.u32 s21, $0x2;
	s3 =	sshll.u32 s25, $0x2  }
0x60a: {  	s4 =	sshll.u32 s26, $0x2;
	s1 =	sshra.s32 s1, $0x2;
	s2 =	sor.u32 s23, s22  }
0x60b: {  	s3 =	sand.u32 $0xFFFFFE00, s3;
	s1 =	sadd.s32 s1, s10;
	s2 =	sshra.s32 s2, $0x2  }
0x60c: {  	s0 =	sshll.u32 s0, $0x2;
	s28 =	sor.u32 s4, s3;
	s2 =	sadd.s32 s2, s10;
	v13 =	vld [tilespmem:s1+$0x780]  }
0x60d: {  	s0 =	sand.u32 $0xFFFFFE00, s0;
	s3 =	sshll.u32 s31, $0x2;
	s1 =	sshra.s32 s28, $0x2;
	v14 =	vld [tilespmem:s2+$0x780]  }
0x60e: {  	s0 =	sor.u32 s3, s0;
	s1 =	sadd.s32 s1, s10  }
0x60f: {  	s0 =	sshra.s32 s0, $0x2;
	v15 =	vld [tilespmem:s1+$0x780]  }
0x610: {  	s0 =	sadd.s32 s0, s10  }
0x611: {  	v16 =	vld [tilespmem:s0+$0x780]  }
0x612: {  	v7 =	vmul.f32 v13, v2;
	v8 =	vmul.f32 v14, v3;
	_ =	sdelay $0x1  }
0x613: {  	v17 =	vmul.f32 v15, v4;
	v7 =	vadd.f32 v8, v7;
	_ =	sdelay $0x1  }
0x614: {  	v18 =	vmul.f32 v16, v5;
	v7 =	vadd.f32 v17, v7;
	_ =	sdelay $0x1  }
0x615: {  	v7 =	vadd.f32 v18, v7;
	_ =	sdelay $0x1  }
0x616: {  	(xrf2) =	vadd.scan.msk.f32 $0xffff, v7;
	_ =	sdelay $0x9  }
0x617: {  	v7, _, _ =	vpop (xrf2)  }
0x618: {  	(v2sf) =	vpush v7, $0xF  }
0x619: {  	(v2sf) =	vpush v57, $0xA;
	_ =	sdelay $0xd  }
0x61a: {  	s4 =	spop (v2sf)  }
0x61b: {  	[smem:$0x7DA] =	sst s4;
	s5 =	spop (v2sf)  }
0x61c: {  	s6 =	sshll.u32 s5, $0x2;
	s8 =	sand.u32 $0x7F, s5;
	s11 =	sadd.s32 $0x10, s5  }
0x61d: {  	s16 =	sadd.s32 $0x20, s5;
	s0 =	sadd.s32 $0x30, s5;
	s1 =	sand.u32 $0xFFFFFE00, s6  }
0x61e: {  	s2 =	sshll.u32 s8, $0x2;
	s12 =	sand.u32 $0x7F, s11;
	s3 =	sshll.u32 s11, $0x2  }
0x61f: {  	s17 =	sand.u32 $0x7F, s16;
	s19 =	sand.u32 $0x7F, s0;
	s1 =	sor.u32 s2, s1  }
0x620: {  	s14 =	sand.u32 $0xFFFFFE00, s3;
	s15 =	sshll.u32 s12, $0x2;
	s3 =	sshll.u32 s16, $0x2  }
0x621: {  	s4 =	sshll.u32 s17, $0x2;
	s1 =	sshra.s32 s1, $0x2;
	s2 =	sor.u32 s15, s14  }
0x622: {  	s3 =	sand.u32 $0xFFFFFE00, s3;
	s1 =	sadd.s32 s1, s10;
	s2 =	sshra.s32 s2, $0x2  }
0x623: {  	s0 =	sshll.u32 s0, $0x2;
	s18 =	sor.u32 s4, s3;
	s2 =	sadd.s32 s2, s10;
	v19 =	vld [tilespmem:s1+$0x800]  }
0x624: {  	s0 =	sand.u32 $0xFFFFFE00, s0;
	s20 =	sshll.u32 s19, $0x2;
	s1 =	sshra.s32 s18, $0x2;
	v20 =	vld [tilespmem:s2+$0x800]  }
0x625: {  	s0 =	sor.u32 s20, s0;
	s1 =	sadd.s32 s1, s10  }
0x626: {  	s0 =	sshra.s32 s0, $0x2;
	v21 =	vld [tilespmem:s1+$0x800]  }
0x627: {  	s0 =	sadd.s32 s0, s10  }
0x628: {  	v22 =	vld [tilespmem:s0+$0x800]  }
0x629: {  	v7 =	vmul.f32 v19, v2;
	v8 =	vmul.f32 v20, v3;
	_ =	sdelay $0x1  }
0x62a: {  	v23 =	vmul.f32 v21, v4;
	v7 =	vadd.f32 v8, v7;
	_ =	sdelay $0x1  }
0x62b: {  	v24 =	vmul.f32 v22, v5;
	v7 =	vadd.f32 v23, v7;
	_ =	sdelay $0x1  }
0x62c: {  	v7 =	vadd.f32 v24, v7;
	_ =	sdelay $0x1  }
0x62d: {  	(xrf2) =	vadd.scan.msk.f32 $0xffff, v7;
	_ =	sdelay $0x9  }
0x62e: {  	v7, _, _ =	vpop (xrf2)  }
0x62f: {  	(v2sf) =	vpush v7, $0xF  }
0x630: {  	(v2sf) =	vpush v57, $0xB;
	_ =	sdelay $0xd  }
0x631: {  	s15 =	spop (v2sf)  }
0x632: {  	s21 =	spop (v2sf)  }
0x633: {  	s22 =	sshll.u32 s21, $0x2;
	s23 =	sand.u32 $0x7F, s21;
	s25 =	sadd.s32 $0x10, s21  }
0x634: {  	s4 =	sadd.s32 $0x20, s21;
	s0 =	sadd.s32 $0x30, s21;
	s1 =	sand.u32 $0xFFFFFE00, s22  }
0x635: {  	s2 =	sshll.u32 s23, $0x2;
	s26 =	sand.u32 $0x7F, s25;
	s3 =	sshll.u32 s25, $0x2  }
0x636: {  	s5 =	sand.u32 $0x7F, s4;
	s8 =	sand.u32 $0x7F, s0;
	s1 =	sor.u32 s2, s1  }
0x637: {  	s28 =	sand.u32 $0xFFFFFE00, s3;
	s31 =	sshll.u32 s26, $0x2;
	s3 =	sshll.u32 s4, $0x2  }
0x638: {  	s4 =	sshll.u32 s5, $0x2;
	s1 =	sshra.s32 s1, $0x2;
	s2 =	sor.u32 s31, s28  }
0x639: {  	s3 =	sand.u32 $0xFFFFFE00, s3;
	s1 =	sadd.s32 s1, s10;
	s2 =	sshra.s32 s2, $0x2  }
0x63a: {  	s0 =	sshll.u32 s0, $0x2;
	s6 =	sor.u32 s4, s3;
	s2 =	sadd.s32 s2, s10;
	v25 =	vld [tilespmem:s1+$0x880]  }
0x63b: {  	s0 =	sand.u32 $0xFFFFFE00, s0;
	s11 =	sshll.u32 s8, $0x2;
	s1 =	sshra.s32 s6, $0x2;
	v26 =	vld [tilespmem:s2+$0x880]  }
0x63c: {  	s0 =	sor.u32 s11, s0;
	s1 =	sadd.s32 s1, s10  }
0x63d: {  	s0 =	sshra.s32 s0, $0x2;
	v27 =	vld [tilespmem:s1+$0x880]  }
0x63e: {  	s0 =	sadd.s32 s0, s10  }
0x63f: {  	v28 =	vld [tilespmem:s0+$0x880]  }
0x640: {  	v7 =	vmul.f32 v25, v2;
	v8 =	vmul.f32 v26, v3;
	_ =	sdelay $0x1  }
0x641: {  	v29 =	vmul.f32 v27, v4;
	v7 =	vadd.f32 v8, v7;
	_ =	sdelay $0x1  }
0x642: {  	v30 =	vmul.f32 v28, v5;
	v7 =	vadd.f32 v29, v7;
	_ =	sdelay $0x1  }
0x643: {  	v7 =	vadd.f32 v30, v7;
	_ =	sdelay $0x1  }
0x644: {  	(xrf2) =	vadd.scan.msk.f32 $0xffff, v7;
	_ =	sdelay $0x9  }
0x645: {  	v7, _, _ =	vpop (xrf2)  }
0x646: {  	(v2sf) =	vpush v7, $0xF  }
0x647: {  	(v2sf) =	vpush v57, $0xC;
	_ =	sdelay $0xd  }
0x648: {  	s11 =	spop (v2sf)  }
0x649: {  	s12 =	spop (v2sf)  }
0x64a: {  	s14 =	sshll.u32 s12, $0x2;
	s16 =	sand.u32 $0x7F, s12;
	s17 =	sadd.s32 $0x10, s12  }
0x64b: {  	s21 =	sadd.s32 $0x20, s12;
	s0 =	sadd.s32 $0x30, s12;
	s1 =	sand.u32 $0xFFFFFE00, s14  }
0x64c: {  	s2 =	sshll.u32 s16, $0x2;
	s18 =	sand.u32 $0x7F, s17;
	s3 =	sshll.u32 s17, $0x2  }
0x64d: {  	s22 =	sand.u32 $0x7F, s21;
	s25 =	sand.u32 $0x7F, s0;
	s1 =	sor.u32 s2, s1  }
0x64e: {  	s19 =	sand.u32 $0xFFFFFE00, s3;
	s20 =	sshll.u32 s18, $0x2;
	s3 =	sshll.u32 s21, $0x2  }
0x64f: {  	s4 =	sshll.u32 s22, $0x2;
	s1 =	sshra.s32 s1, $0x2;
	s2 =	sor.u32 s20, s19  }
0x650: {  	s3 =	sand.u32 $0xFFFFFE00, s3;
	s1 =	sadd.s32 s1, s10;
	s2 =	sshra.s32 s2, $0x2  }
0x651: {  	s0 =	sshll.u32 s0, $0x2;
	s23 =	sor.u32 s4, s3;
	s2 =	sadd.s32 s2, s10;
	v31 =	vld [tilespmem:s1+$0x900]  }
0x652: {  	s0 =	sand.u32 $0xFFFFFE00, s0;
	s26 =	sshll.u32 s25, $0x2;
	s1 =	sshra.s32 s23, $0x2;
	v32 =	vld [tilespmem:s2+$0x900]  }
0x653: {  	s0 =	sor.u32 s26, s0;
	s1 =	sadd.s32 s1, s10  }
0x654: {  	s0 =	sshra.s32 s0, $0x2;
	v33 =	vld [tilespmem:s1+$0x900]  }
0x655: {  	s0 =	sadd.s32 s0, s10  }
0x656: {  	v34 =	vld [tilespmem:s0+$0x900]  }
0x657: {  	v7 =	vmul.f32 v31, v2;
	v8 =	vmul.f32 v32, v3;
	_ =	sdelay $0x1  }
0x658: {  	v35 =	vmul.f32 v33, v4;
	v7 =	vadd.f32 v8, v7;
	_ =	sdelay $0x1  }
0x659: {  	v36 =	vmul.f32 v34, v5;
	v7 =	vadd.f32 v35, v7;
	_ =	sdelay $0x1  }
0x65a: {  	v7 =	vadd.f32 v36, v7;
	_ =	sdelay $0x1  }
0x65b: {  	(xrf2) =	vadd.scan.msk.f32 $0xffff, v7;
	_ =	sdelay $0x9  }
0x65c: {  	v7, _, _ =	vpop (xrf2)  }
0x65d: {  	(v2sf) =	vpush v7, $0xF  }
0x65e: {  	(v2sf) =	vpush v57, $0xD;
	_ =	sdelay $0xd  }
0x65f: {  	s28 =	spop (v2sf)  }
0x660: {  	s31 =	spop (v2sf)  }
0x661: {  	s4 =	sshll.u32 s31, $0x2;
	s5 =	sand.u32 $0x7F, s31;
	s6 =	sadd.s32 $0x10, s31  }
0x662: {  	s16 =	sadd.s32 $0x20, s31;
	s0 =	sadd.s32 $0x30, s31;
	s1 =	sand.u32 $0xFFFFFE00, s4  }
0x663: {  	s2 =	sshll.u32 s5, $0x2;
	s8 =	sand.u32 $0x7F, s6;
	s3 =	sshll.u32 s6, $0x2  }
0x664: {  	s17 =	sand.u32 $0x7F, s16;
	s19 =	sand.u32 $0x7F, s0;
	s1 =	sor.u32 s2, s1  }
0x665: {  	s12 =	sand.u32 $0xFFFFFE00, s3;
	s14 =	sshll.u32 s8, $0x2;
	s3 =	sshll.u32 s16, $0x2  }
0x666: {  	s4 =	sshll.u32 s17, $0x2;
	s1 =	sshra.s32 s1, $0x2;
	s2 =	sor.u32 s14, s12  }
0x667: {  	s3 =	sand.u32 $0xFFFFFE00, s3;
	s1 =	sadd.s32 s1, s10;
	s2 =	sshra.s32 s2, $0x2  }
0x668: {  	s0 =	sshll.u32 s0, $0x2;
	s18 =	sor.u32 s4, s3;
	s2 =	sadd.s32 s2, s10;
	v37 =	vld [tilespmem:s1+$0x980]  }
0x669: {  	s0 =	sand.u32 $0xFFFFFE00, s0;
	s20 =	sshll.u32 s19, $0x2;
	s1 =	sshra.s32 s18, $0x2;
	v38 =	vld [tilespmem:s2+$0x980]  }
0x66a: {  	s0 =	sor.u32 s20, s0;
	s1 =	sadd.s32 s1, s10  }
0x66b: {  	s0 =	sshra.s32 s0, $0x2;
	v39 =	vld [tilespmem:s1+$0x980]  }
0x66c: {  	s0 =	sadd.s32 s0, s10  }
0x66d: {  	v40 =	vld [tilespmem:s0+$0x980]  }
0x66e: {  	v2 =	vmul.f32 v37, v2;
	v3 =	vmul.f32 v38, v3;
	_ =	sdelay $0x1  }
0x66f: {  	v2 =	vadd.f32 v3, v2;
	v3 =	vmul.f32 v39, v4;
	_ =	sdelay $0x1  }
0x670: {  	v2 =	vadd.f32 v3, v2;
	v3 =	vmul.f32 v40, v5;
	_ =	sdelay $0x1  }
0x671: {  	v2 =	vadd.f32 v3, v2;
	_ =	sdelay $0x1  }
0x672: {  	(xrf2) =	vadd.scan.msk.f32 $0xffff, v2;
	_ =	sdelay $0x5  }
0x673: {  	s21 =	rddreg [dreg:$0x17]  }
0x674: {  	v7 =	vld [tilespmem:s21+$0xFFFFFFF8];
	_ =	sdelay $0x2  }
0x675: {  	v2, _, _ =	vpop (xrf2)  }
0x676: {  	(v2sf) =	vpush v2, $0xF  }
0x677: {  	(v2sf) =	vpush v7, $0x0;
	_ =	sdelay $0x2  }
0x678: {  	(v2sf) =	vpush v7, $0x1;
	_ =	sdelay $0xa  }
0x679: {  	s22 =	spop (v2sf)  }
0x67a: {  	[smem:$0x7DB] =	sst s28;
	s23 =	spop (v2sf)  }
0x67b: {  	[smem:$0x7DC] =	sst s22;
	s25 =	sand.u32 $0x7F, s23;
	s26 =	sshll.u32 s23, $0x2  }
0x67c: {  	s28 =	sadd.s32 $0x10, s23;
	s3 =	sadd.s32 $0x20, s23;
	s0 =	sadd.s32 $0x30, s23  }
0x67d: {  	s12 =	spop (v2sf);
	s2 =	sand.u32 $0xFFFFFE00, s26;
	s1 =	sshll.u32 s25, $0x2  }
0x67e: {  	s31 =	sand.u32 $0x7F, s28;
	s4 =	sshll.u32 s28, $0x2;
	s6 =	sand.u32 $0x7F, s3  }
0x67f: {  	(v2sf) =	vpush v7, $0x2;
	s5 =	sshll.u32 s3, $0x2;
	s8 =	sand.u32 $0x7F, s0;
	s0 =	sshll.u32 s0, $0x2  }
0x680: {  	s16 =	sand.u32 $0x7F, s12;
	s17 =	sshll.u32 s12, $0x2;
	s18 =	sadd.s32 $0x10, s12  }
0x681: {  	s1 =	sor.u32 s1, s2;
	s4 =	sand.u32 $0xFFFFFE00, s4;
	s2 =	sshll.u32 s31, $0x2  }
0x682: {  	s5 =	sand.u32 $0xFFFFFE00, s5;
	s0 =	sand.u32 $0xFFFFFE00, s0;
	s19 =	sand.u32 $0x7F, s18  }
0x683: {  	s14 =	sshll.u32 s18, $0x2;
	s2 =	sor.u32 s2, s4;
	s4 =	sshll.u32 s6, $0x2  }
0x684: {  	s14 =	sand.u32 $0xFFFFFE00, s14;
	s6 =	sadd.s32 $0x30, s12;
	s1 =	sshra.s32 s1, $0x2  }
0x685: {  	s4 =	sor.u32 s4, s5;
	s5 =	sshll.u32 s8, $0x2;
	s8 =	sand.u32 $0xFFFFFE00, s17  }
0x686: {  	s21 =	sand.u32 $0x7F, s6;
	s6 =	sshll.u32 s6, $0x2;
	s1 =	sadd.s32 s30, s1  }
0x687: {  	s2 =	sshra.s32 s2, $0x2;
	s0 =	sor.u32 s5, s0;
	s5 =	sshll.u32 s16, $0x2  }
0x688: {  	s16 =	sadd.s32 $0x20, s12;
	s6 =	sand.u32 $0xFFFFFE00, s6;
	s2 =	sadd.s32 s30, s2  }
0x689: {  	s4 =	sshra.s32 s4, $0x2;
	s5 =	sor.u32 s5, s8;
	s8 =	sshll.u32 s19, $0x2  }
0x68a: {  	s20 =	sand.u32 $0x7F, s16;
	s16 =	sshll.u32 s16, $0x2;
	s26 =	sadd.s32 s30, s4  }
0x68b: {  	s8 =	sor.u32 s8, s14;
	s16 =	sand.u32 $0xFFFFFE00, s16;
	s14 =	sshll.u32 s20, $0x2  }
0x68c: {  	s0 =	sshra.s32 s0, $0x2;
	s14 =	sor.u32 s14, s16;
	s16 =	sshll.u32 s21, $0x2  }
0x68d: {  	s0 =	sadd.s32 s30, s0;
	s8 =	sshra.s32 s8, $0x2;
	s6 =	sor.u32 s16, s6  }
0x68e: {  	s12 =	sshra.s32 s14, $0x2;
	s14 =	sadd.s32 s30, s8;
	s17 =	spop (v2sf)  }
0x68f: {  	s22 =	sand.u32 $0x7F, s17;
	s18 =	sshll.u32 s17, $0x2;
	s19 =	sadd.s32 $0x10, s17  }
0x690: {  	s25 =	sadd.s32 $0x20, s17;
	s18 =	sand.u32 $0xFFFFFE00, s18;
	s16 =	sshll.u32 s22, $0x2  }
0x691: {  	v2 =	vld [tilespmem:s1+$0x10C80];
	s23 =	sand.u32 $0x7F, s19;
	s19 =	sshll.u32 s19, $0x2;
	s28 =	sand.u32 $0x7F, s25  }
0x692: {  	v3 =	vld [tilespmem:s2+$0x10C80];
	s16 =	sor.u32 s16, s18;
	s19 =	sand.u32 $0xFFFFFE00, s19;
	s18 =	sshll.u32 s23, $0x2  }
0x693: {  	v4 =	vld [tilespmem:s26+$0x10C80];
	s4 =	sshll.u32 s28, $0x2;
	s18 =	sor.u32 s18, s19;
	s19 =	sshll.u32 s25, $0x2  }
0x694: {  	v5 =	vld [tilespmem:s0+$0x10C80];
	s23 =	sadd.s32 $0x30, s17;
	s20 =	sshra.s32 s16, $0x2;
	s31 =	sand.u32 $0xFFFFFE00, s19  }
0x695: {  	v42 =	vld [tilespmem:s14+$0x11480];
	s21 =	sadd.s32 s20, s10;
	s3 =	sor.u32 s4, s31;
	s4 =	sshra.s32 s5, $0x2  }
0x696: {  	s26 =	sand.u32 $0x7F, s23;
	s22 =	sshra.s32 s18, $0x2;
	v43 =	vld [tilespmem:s21+$0xA00];
	s5 =	sadd.s32 s30, s4  }
0x697: {  	s19 =	sadd.s32 s30, s12;
	s25 =	sadd.s32 s22, s10;
	v41 =	vld [tilespmem:s5+$0x11480];
	s5 =	sshll.u32 s23, $0x2  }
0x698: {  	v44 =	vld [tilespmem:s25+$0xA00];
	s28 =	sshra.s32 s3, $0x2;
	s4 =	sshll.u32 s26, $0x2;
	s31 =	sand.u32 $0xFFFFFE00, s5  }
0x699: {  	v45 =	vld [tilespmem:s19+$0x11480];
	s3 =	sshra.s32 s6, $0x2;
	s0 =	sadd.s32 s28, s10;
	s1 =	sor.u32 s4, s31  }
0x69a: {  	s2 =	sadd.s32 s30, s3;
	v46 =	vld [tilespmem:s0+$0xA00];
	s5 =	sshra.s32 s1, $0x2  }
0x69b: {  	v47 =	vld [tilespmem:s2+$0x11480];
	s0 =	sadd.s32 s5, s10  }
0x69c: {  	v8 =	vmul.f32 v42, v3;
	v6 =	vmul.f32 v41, v2;
	v14 =	vld [tilespmem:s0+$0xA00]  }
0x69d: {  	v9 =	vmul.f32 v43, v2;
	v10 =	vmul.f32 v44, v3  }
0x69e: {  	v48 =	vmul.f32 v45, v4;
	v6 =	vadd.f32 v8, v6  }
0x69f: {  	v9 =	vadd.f32 v10, v9;
	v49 =	vmul.f32 v46, v4  }
0x6a0: {  	v50 =	vmul.f32 v47, v5;
	v6 =	vadd.f32 v48, v6  }
0x6a1: {  	v9 =	vadd.f32 v49, v9;
	v51 =	vmul.f32 v14, v5  }
0x6a2: {  	v6 =	vadd.f32 v50, v6  }
0x6a3: {  	v52 =	vadd.f32 v51, v9  }
0x6a4: {  	(xrf2) =	vadd.scan.msk.f32 $0xffff, v6  }
0x6a5: {  	(xrf2) =	vadd.scan.msk.f32 $0xffff, v52;
	_ =	sdelay $0x8  }
0x6a6: {  	v6, _, _ =	vpop (xrf2)  }
0x6a7: {  	v8, _, _ =	vpop (xrf2)  }
0x6a8: {  	(v2sf) =	vpush v8, $0xF  }
0x6a9: {  	(v2sf) =	vpush v7, $0x3;
	_ =	sdelay $0xd  }
0x6aa: {  	s6 =	spop (v2sf)  }
0x6ab: {  	s8 =	spop (v2sf)  }
0x6ac: {  	s12 =	sshll.u32 s8, $0x2;
	s14 =	sand.u32 $0x7F, s8;
	s16 =	sadd.s32 $0x10, s8  }
0x6ad: {  	s20 =	sadd.s32 $0x20, s8;
	s0 =	sadd.s32 $0x30, s8;
	s1 =	sand.u32 $0xFFFFFE00, s12  }
0x6ae: {  	s2 =	sshll.u32 s14, $0x2;
	s17 =	sand.u32 $0x7F, s16;
	s4 =	sshll.u32 s16, $0x2  }
0x6af: {  	s21 =	sand.u32 $0x7F, s20;
	s23 =	sand.u32 $0x7F, s0;
	s1 =	sor.u32 s2, s1  }
0x6b0: {  	s18 =	sand.u32 $0xFFFFFE00, s4;
	s19 =	sshll.u32 s17, $0x2;
	s4 =	sshll.u32 s20, $0x2  }
0x6b1: {  	s5 =	sshll.u32 s21, $0x2;
	s1 =	sshra.s32 s1, $0x2;
	s2 =	sor.u32 s19, s18  }
0x6b2: {  	s4 =	sand.u32 $0xFFFFFE00, s4;
	s1 =	sadd.s32 s1, s10;
	s2 =	sshra.s32 s2, $0x2  }
0x6b3: {  	s0 =	sshll.u32 s0, $0x2;
	s22 =	sor.u32 s5, s4;
	s2 =	sadd.s32 s2, s10;
	v53 =	vld [tilespmem:s1+$0xA80]  }
0x6b4: {  	s0 =	sand.u32 $0xFFFFFE00, s0;
	s25 =	sshll.u32 s23, $0x2;
	s1 =	sshra.s32 s22, $0x2;
	v54 =	vld [tilespmem:s2+$0xA80]  }
0x6b5: {  	s0 =	sor.u32 s25, s0;
	s1 =	sadd.s32 s1, s10  }
0x6b6: {  	s0 =	sshra.s32 s0, $0x2;
	v55 =	vld [tilespmem:s1+$0xA80]  }
0x6b7: {  	s0 =	sadd.s32 s0, s10  }
0x6b8: {  	v56 =	vld [tilespmem:s0+$0xA80]  }
0x6b9: {  	v8 =	vmul.f32 v53, v2;
	v9 =	vmul.f32 v54, v3;
	_ =	sdelay $0x1  }
0x6ba: {  	v57 =	vmul.f32 v55, v4;
	v8 =	vadd.f32 v9, v8;
	_ =	sdelay $0x1  }
0x6bb: {  	v58 =	vmul.f32 v56, v5;
	v8 =	vadd.f32 v57, v8;
	_ =	sdelay $0x1  }
0x6bc: {  	v8 =	vadd.f32 v58, v8;
	_ =	sdelay $0x1  }
0x6bd: {  	(xrf2) =	vadd.scan.msk.f32 $0xffff, v8;
	_ =	sdelay $0x9  }
0x6be: {  	v8, _, _ =	vpop (xrf2)  }
0x6bf: {  	(v2sf) =	vpush v8, $0xF  }
0x6c0: {  	(v2sf) =	vpush v7, $0x4;
	_ =	sdelay $0xd  }
0x6c1: {  	s26 =	spop (v2sf)  }
0x6c2: {  	[smem:$0x7DD] =	sst s6;
	s28 =	spop (v2sf)  }
0x6c3: {  	s30 =	sshll.u32 s28, $0x2;
	s31 =	sand.u32 $0x7F, s28;
	s3 =	sadd.s32 $0x10, s28  }
0x6c4: {  	s14 =	sadd.s32 $0x20, s28;
	s0 =	sadd.s32 $0x30, s28;
	s1 =	sand.u32 $0xFFFFFE00, s30  }
0x6c5: {  	s2 =	sshll.u32 s31, $0x2;
	s5 =	sand.u32 $0x7F, s3;
	s4 =	sshll.u32 s3, $0x2  }
0x6c6: {  	s16 =	sand.u32 $0x7F, s14;
	s18 =	sand.u32 $0x7F, s0;
	s1 =	sor.u32 s2, s1  }
0x6c7: {  	s8 =	sand.u32 $0xFFFFFE00, s4;
	s12 =	sshll.u32 s5, $0x2;
	s4 =	sshll.u32 s14, $0x2  }
0x6c8: {  	s6 =	sshll.u32 s16, $0x2;
	s1 =	sshra.s32 s1, $0x2;
	s2 =	sor.u32 s12, s8  }
0x6c9: {  	s4 =	sand.u32 $0xFFFFFE00, s4;
	s1 =	sadd.s32 s1, s10;
	s2 =	sshra.s32 s2, $0x2  }
0x6ca: {  	s0 =	sshll.u32 s0, $0x2;
	s17 =	sor.u32 s6, s4;
	s2 =	sadd.s32 s2, s10;
	v59 =	vld [tilespmem:s1+$0xB00]  }
0x6cb: {  	s0 =	sand.u32 $0xFFFFFE00, s0;
	s19 =	sshll.u32 s18, $0x2;
	s1 =	sshra.s32 s17, $0x2;
	v60 =	vld [tilespmem:s2+$0xB00]  }
0x6cc: {  	s0 =	sor.u32 s19, s0;
	s1 =	sadd.s32 s1, s10  }
0x6cd: {  	s0 =	sshra.s32 s0, $0x2;
	v61 =	vld [tilespmem:s1+$0xB00]  }
0x6ce: {  	s0 =	sadd.s32 s0, s10  }
0x6cf: {  	v62 =	vld [tilespmem:s0+$0xB00]  }
0x6d0: {  	v8 =	vmul.f32 v59, v2;
	v9 =	vmul.f32 v60, v3;
	_ =	sdelay $0x1  }
0x6d1: {  	v63 =	vmul.f32 v61, v4;
	v8 =	vadd.f32 v9, v8;
	_ =	sdelay $0x1  }
0x6d2: {  	v12 =	vmul.f32 v62, v5;
	v8 =	vadd.f32 v63, v8;
	_ =	sdelay $0x1  }
0x6d3: {  	v8 =	vadd.f32 v12, v8;
	_ =	sdelay $0x1  }
0x6d4: {  	(xrf2) =	vadd.scan.msk.f32 $0xffff, v8;
	_ =	sdelay $0x9  }
0x6d5: {  	v8, _, _ =	vpop (xrf2)  }
0x6d6: {  	(v2sf) =	vpush v8, $0xF  }
0x6d7: {  	(v2sf) =	vpush v7, $0x5;
	_ =	sdelay $0xd  }
0x6d8: {  	s20 =	spop (v2sf)  }
0x6d9: {  	[smem:$0x7DE] =	sst s26;
	s21 =	spop (v2sf)  }
0x6da: {  	s22 =	sand.u32 $0x7F, s21;
	s23 =	sshll.u32 s21, $0x2;
	s25 =	sadd.s32 $0x10, s21  }
0x6db: {  	s28 =	sadd.s32 $0x20, s21;
	s0 =	sadd.s32 $0x30, s21;
	s2 =	sand.u32 $0xFFFFFE00, s23  }
0x6dc: {  	s1 =	sshll.u32 s22, $0x2;
	s26 =	sand.u32 $0x7F, s25;
	s30 =	sand.u32 $0x7F, s28  }
0x6dd: {  	s8 =	sshll.u32 s28, $0x2;
	s1 =	sor.u32 s1, s2;
	s2 =	sshll.u32 s25, $0x2  }
0x6de: {  	s3 =	sand.u32 $0x7F, s0;
	s4 =	sshll.u32 s26, $0x2;
	s2 =	sand.u32 $0xFFFFFE00, s2  }
0x6df: {  	s8 =	sand.u32 $0xFFFFFE00, s8;
	s1 =	sshra.s32 s1, $0x2;
	s2 =	sor.u32 s4, s2  }
0x6e0: {  	s14 =	sshll.u32 s30, $0x2;
	s1 =	sadd.s32 s1, s10;
	s2 =	sshra.s32 s2, $0x2  }
0x6e1: {  	s0 =	sshll.u32 s0, $0x2;
	s31 =	sor.u32 s14, s8;
	v13 =	vld [tilespmem:s1+$0xB80];
	s2 =	sadd.s32 s2, s10  }
0x6e2: {  	s0 =	sand.u32 $0xFFFFFE00, s0;
	s4 =	sshra.s32 s31, $0x2;
	v14 =	vld [tilespmem:s2+$0xB80];
	s2 =	sshll.u32 s3, $0x2  }
0x6e3: {  	s1 =	sadd.s32 s4, s10;
	s0 =	sor.u32 s2, s0  }
0x6e4: {  	v15 =	vld [tilespmem:s1+$0xB80];
	s0 =	sshra.s32 s0, $0x2  }
0x6e5: {  	s0 =	sadd.s32 s0, s10  }
0x6e6: {  	v16 =	vld [tilespmem:s0+$0xB80]  }
0x6e7: {  	v8 =	vmul.f32 v13, v2;
	v9 =	vmul.f32 v14, v3;
	_ =	sdelay $0x1  }
0x6e8: {  	v17 =	vmul.f32 v15, v4;
	v8 =	vadd.f32 v9, v8;
	_ =	sdelay $0x1  }
0x6e9: {  	v8 =	vadd.f32 v17, v8;
	v18 =	vmul.f32 v16, v5;
	_ =	sdelay $0x1  }
0x6ea: {  	v8 =	vadd.f32 v18, v8;
	_ =	sdelay $0x1  }
0x6eb: {  	(xrf2) =	vadd.scan.msk.f32 $0xffff, v8;
	_ =	sdelay $0x9  }
0x6ec: {  	v8, _, _ =	vpop (xrf2)  }
0x6ed: {  	(v2sf) =	vpush v8, $0xF  }
0x6ee: {  	(v2sf) =	vpush v7, $0x6;
	_ =	sdelay $0xd  }
0x6ef: {  	s5 =	spop (v2sf)  }
0x6f0: {  	[smem:$0x7DF] =	sst s20;
	s6 =	spop (v2sf)  }
0x6f1: {  	s12 =	sand.u32 $0x7F, s6;
	s14 =	sshll.u32 s6, $0x2;
	s16 =	sadd.s32 $0x10, s6  }
0x6f2: {  	s18 =	sadd.s32 $0x20, s6;
	s0 =	sadd.s32 $0x30, s6;
	s2 =	sand.u32 $0xFFFFFE00, s14  }
0x6f3: {  	s1 =	sshll.u32 s12, $0x2;
	s17 =	sand.u32 $0x7F, s16;
	s19 =	sand.u32 $0x7F, s18  }
0x6f4: {  	s8 =	sshll.u32 s18, $0x2;
	s1 =	sor.u32 s1, s2;
	s2 =	sshll.u32 s16, $0x2  }
0x6f5: {  	s22 =	sand.u32 $0x7F, s0;
	s4 =	sshll.u32 s17, $0x2;
	s2 =	sand.u32 $0xFFFFFE00, s2  }
0x6f6: {  	s8 =	sand.u32 $0xFFFFFE00, s8;
	s1 =	sshra.s32 s1, $0x2;
	s2 =	sor.u32 s4, s2  }
0x6f7: {  	s14 =	sshll.u32 s19, $0x2;
	s1 =	sadd.s32 s1, s10;
	s2 =	sshra.s32 s2, $0x2  }
0x6f8: {  	s0 =	sshll.u32 s0, $0x2;
	s20 =	sor.u32 s14, s8;
	v19 =	vld [tilespmem:s1+$0xC00];
	s21 =	sadd.s32 s2, s10  }
0x6f9: {  	s0 =	sand.u32 $0xFFFFFE00, s0;
	s23 =	sshra.s32 s20, $0x2;
	s2 =	sshll.u32 s22, $0x2;
	v20 =	vld [tilespmem:s21+$0xC00]  }
0x6fa: {  	s1 =	sadd.s32 s23, s10;
	s0 =	sor.u32 s2, s0  }
0x6fb: {  	v21 =	vld [tilespmem:s1+$0xC00];
	s0 =	sshra.s32 s0, $0x2  }
0x6fc: {  	s0 =	sadd.s32 s0, s10  }
0x6fd: {  	v22 =	vld [tilespmem:s0+$0xC00]  }
0x6fe: {  	v8 =	vmul.f32 v19, v2;
	v9 =	vmul.f32 v20, v3;
	_ =	sdelay $0x1  }
0x6ff: {  	v23 =	vmul.f32 v21, v4;
	v8 =	vadd.f32 v9, v8;
	_ =	sdelay $0x1  }
0x700: {  	v24 =	vmul.f32 v22, v5;
	v8 =	vadd.f32 v23, v8;
	_ =	sdelay $0x1  }
0x701: {  	v8 =	vadd.f32 v24, v8;
	_ =	sdelay $0x1  }
0x702: {  	(xrf2) =	vadd.scan.msk.f32 $0xffff, v8;
	_ =	sdelay $0x9  }
0x703: {  	v8, _, _ =	vpop (xrf2)  }
0x704: {  	(v2sf) =	vpush v8, $0xF  }
0x705: {  	(v2sf) =	vpush v7, $0x7;
	_ =	sdelay $0xd  }
0x706: {  	s25 =	spop (v2sf)  }
0x707: {  	[smem:$0x7E0] =	sst s5;
	s26 =	spop (v2sf)  }
0x708: {  	s28 =	sand.u32 $0x7F, s26;
	s30 =	sshll.u32 s26, $0x2;
	s31 =	sadd.s32 $0x10, s26  }
0x709: {  	s5 =	sadd.s32 $0x20, s26;
	s0 =	sadd.s32 $0x30, s26;
	s2 =	sand.u32 $0xFFFFFE00, s30  }
0x70a: {  	s1 =	sshll.u32 s28, $0x2;
	s3 =	sand.u32 $0x7F, s31;
	s6 =	sand.u32 $0x7F, s5  }
0x70b: {  	s8 =	sshll.u32 s5, $0x2;
	s1 =	sor.u32 s1, s2;
	s2 =	sshll.u32 s31, $0x2  }
0x70c: {  	s4 =	sshll.u32 s3, $0x2;
	s8 =	sand.u32 $0xFFFFFE00, s8;
	s2 =	sand.u32 $0xFFFFFE00, s2  }
0x70d: {  	s14 =	sshll.u32 s6, $0x2;
	s1 =	sshra.s32 s1, $0x2;
	s2 =	sor.u32 s4, s2  }
0x70e: {  	s8 =	sor.u32 s14, s8;
	s1 =	sadd.s32 s1, s10;
	s2 =	sshra.s32 s2, $0x2  }
0x70f: {  	s14 =	sand.u32 $0x7F, s0;
	s0 =	sshll.u32 s0, $0x2;
	v25 =	vld [tilespmem:s1+$0xC80];
	s12 =	sadd.s32 s2, s10  }
0x710: {  	s16 =	sshra.s32 s8, $0x2;
	s0 =	sand.u32 $0xFFFFFE00, s0;
	s2 =	sshll.u32 s14, $0x2;
	v26 =	vld [tilespmem:s12+$0xC80]  }
0x711: {  	s1 =	sadd.s32 s16, s10;
	s0 =	sor.u32 s2, s0  }
0x712: {  	v27 =	vld [tilespmem:s1+$0xC80];
	s0 =	sshra.s32 s0, $0x2  }
0x713: {  	s0 =	sadd.s32 s0, s10  }
0x714: {  	v28 =	vld [tilespmem:s0+$0xC80]  }
0x715: {  	v8 =	vmul.f32 v25, v2;
	v9 =	vmul.f32 v26, v3;
	_ =	sdelay $0x1  }
0x716: {  	v29 =	vmul.f32 v27, v4;
	v8 =	vadd.f32 v9, v8;
	_ =	sdelay $0x1  }
0x717: {  	v30 =	vmul.f32 v28, v5;
	v8 =	vadd.f32 v29, v8;
	_ =	sdelay $0x1  }
0x718: {  	v8 =	vadd.f32 v30, v8;
	_ =	sdelay $0x1  }
0x719: {  	(xrf2) =	vadd.scan.msk.f32 $0xffff, v8;
	_ =	sdelay $0x9  }
0x71a: {  	v8, _, _ =	vpop (xrf2)  }
0x71b: {  	(v2sf) =	vpush v8, $0xF  }
0x71c: {  	(v2sf) =	vpush v7, $0x8;
	_ =	sdelay $0xd  }
0x71d: {  	s17 =	spop (v2sf)  }
0x71e: {  	[smem:$0x7E1] =	sst s25;
	s18 =	spop (v2sf)  }
0x71f: {  	s19 =	sand.u32 $0x7F, s18;
	s20 =	sshll.u32 s18, $0x2;
	s21 =	sadd.s32 $0x10, s18  }
0x720: {  	s23 =	sadd.s32 $0x20, s18;
	s0 =	sadd.s32 $0x30, s18;
	s2 =	sand.u32 $0xFFFFFE00, s20  }
0x721: {  	s1 =	sshll.u32 s19, $0x2;
	s22 =	sand.u32 $0x7F, s21;
	s25 =	sand.u32 $0x7F, s23  }
0x722: {  	s14 =	sshll.u32 s23, $0x2;
	s1 =	sor.u32 s1, s2;
	s2 =	sshll.u32 s21, $0x2  }
0x723: {  	s30 =	sand.u32 $0x7F, s0;
	s8 =	sshll.u32 s22, $0x2;
	s2 =	sand.u32 $0xFFFFFE00, s2  }
0x724: {  	s14 =	sand.u32 $0xFFFFFE00, s14;
	s1 =	sshra.s32 s1, $0x2;
	s2 =	sor.u32 s8, s2  }
0x725: {  	s16 =	sshll.u32 s25, $0x2;
	s1 =	sadd.s32 s1, s10;
	s2 =	sshra.s32 s2, $0x2  }
0x726: {  	s0 =	sshll.u32 s0, $0x2;
	s26 =	sor.u32 s16, s14;
	v31 =	vld [tilespmem:s1+$0xD00];
	s28 =	sadd.s32 s2, s10  }
0x727: {  	s0 =	sand.u32 $0xFFFFFE00, s0;
	s31 =	sshra.s32 s26, $0x2;
	s2 =	sshll.u32 s30, $0x2;
	v32 =	vld [tilespmem:s28+$0xD00]  }
0x728: {  	s1 =	sadd.s32 s31, s10;
	s0 =	sor.u32 s2, s0  }
0x729: {  	v33 =	vld [tilespmem:s1+$0xD00];
	s0 =	sshra.s32 s0, $0x2  }
0x72a: {  	s0 =	sadd.s32 s0, s10  }
0x72b: {  	v34 =	vld [tilespmem:s0+$0xD00]  }
0x72c: {  	v8 =	vmul.f32 v31, v2;
	v9 =	vmul.f32 v32, v3;
	_ =	sdelay $0x1  }
0x72d: {  	v35 =	vmul.f32 v33, v4;
	v8 =	vadd.f32 v9, v8;
	_ =	sdelay $0x1  }
0x72e: {  	v36 =	vmul.f32 v34, v5;
	v8 =	vadd.f32 v35, v8;
	_ =	sdelay $0x1  }
0x72f: {  	v8 =	vadd.f32 v36, v8;
	_ =	sdelay $0x1  }
0x730: {  	(xrf2) =	vadd.scan.msk.f32 $0xffff, v8;
	_ =	sdelay $0x9  }
0x731: {  	v8, _, _ =	vpop (xrf2)  }
0x732: {  	(v2sf) =	vpush v8, $0xF  }
0x733: {  	(v2sf) =	vpush v7, $0x9;
	_ =	sdelay $0xd  }
0x734: {  	s2 =	spop (v2sf)  }
0x735: {  	[smem:$0x7E2] =	sst s17;
	s3 =	spop (v2sf)  }
0x736: {  	s4 =	sand.u32 $0x7F, s3;
	s5 =	sshll.u32 s3, $0x2;
	s6 =	sadd.s32 $0x10, s3  }
0x737: {  	s17 =	sadd.s32 $0x20, s3;
	s0 =	sadd.s32 $0x30, s3;
	s8 =	sand.u32 $0xFFFFFE00, s5  }
0x738: {  	s1 =	sshll.u32 s4, $0x2;
	s12 =	sand.u32 $0x7F, s6;
	s18 =	sand.u32 $0x7F, s17  }
0x739: {  	s16 =	sshll.u32 s17, $0x2;
	s1 =	sor.u32 s1, s8;
	s8 =	sshll.u32 s6, $0x2  }
0x73a: {  	s21 =	sand.u32 $0x7F, s0;
	s14 =	sshll.u32 s12, $0x2;
	s8 =	sand.u32 $0xFFFFFE00, s8  }
0x73b: {  	s16 =	sand.u32 $0xFFFFFE00, s16;
	s1 =	sshra.s32 s1, $0x2;
	s8 =	sor.u32 s14, s8  }
0x73c: {  	s17 =	sshll.u32 s18, $0x2;
	s1 =	sadd.s32 s1, s10;
	s8 =	sshra.s32 s8, $0x2  }
0x73d: {  	s0 =	sshll.u32 s0, $0x2;
	s19 =	sor.u32 s17, s16;
	v37 =	vld [tilespmem:s1+$0xD80];
	s20 =	sadd.s32 s8, s10  }
0x73e: {  	s0 =	sand.u32 $0xFFFFFE00, s0;
	s22 =	sshra.s32 s19, $0x2;
	s8 =	sshll.u32 s21, $0x2;
	v38 =	vld [tilespmem:s20+$0xD80]  }
0x73f: {  	s1 =	sadd.s32 s22, s10;
	s0 =	sor.u32 s8, s0  }
0x740: {  	v39 =	vld [tilespmem:s1+$0xD80];
	s0 =	sshra.s32 s0, $0x2  }
0x741: {  	s0 =	sadd.s32 s0, s10  }
0x742: {  	v40 =	vld [tilespmem:s0+$0xD80]  }
0x743: {  	v8 =	vmul.f32 v37, v2;
	v9 =	vmul.f32 v38, v3;
	_ =	sdelay $0x1  }
0x744: {  	v41 =	vmul.f32 v39, v4;
	v8 =	vadd.f32 v9, v8;
	_ =	sdelay $0x1  }
0x745: {  	v42 =	vmul.f32 v40, v5;
	v8 =	vadd.f32 v41, v8;
	_ =	sdelay $0x1  }
0x746: {  	v8 =	vadd.f32 v42, v8;
	_ =	sdelay $0x1  }
0x747: {  	(xrf2) =	vadd.scan.msk.f32 $0xffff, v8;
	_ =	sdelay $0x9  }
0x748: {  	v8, _, _ =	vpop (xrf2)  }
0x749: {  	(v2sf) =	vpush v8, $0xF  }
0x74a: {  	(v2sf) =	vpush v7, $0xA;
	_ =	sdelay $0xd  }
0x74b: {  	s23 =	spop (v2sf)  }
0x74c: {  	[smem:$0x7E3] =	sst s2;
	s25 =	spop (v2sf)  }
0x74d: {  	s26 =	sand.u32 $0x7F, s25;
	s28 =	sshll.u32 s25, $0x2;
	s30 =	sadd.s32 $0x10, s25  }
0x74e: {  	s1 =	sadd.s32 $0x20, s25;
	s0 =	sadd.s32 $0x30, s25;
	s14 =	sand.u32 $0xFFFFFE00, s28  }
0x74f: {  	s8 =	sshll.u32 s26, $0x2;
	s31 =	sand.u32 $0x7F, s30;
	s2 =	sand.u32 $0x7F, s1  }
0x750: {  	s17 =	sshll.u32 s1, $0x2;
	s8 =	sor.u32 s8, s14;
	s14 =	sshll.u32 s30, $0x2  }
0x751: {  	s5 =	sand.u32 $0x7F, s0;
	s16 =	sshll.u32 s31, $0x2;
	s14 =	sand.u32 $0xFFFFFE00, s14  }
0x752: {  	s17 =	sand.u32 $0xFFFFFE00, s17;
	s8 =	sshra.s32 s8, $0x2;
	s14 =	sor.u32 s16, s14  }
0x753: {  	s18 =	sshll.u32 s2, $0x2;
	s8 =	sadd.s32 s8, s10;
	s14 =	sshra.s32 s14, $0x2  }
0x754: {  	s0 =	sshll.u32 s0, $0x2;
	s3 =	sor.u32 s18, s17;
	v43 =	vld [tilespmem:s8+$0xE00];
	s4 =	sadd.s32 s14, s10  }
0x755: {  	s0 =	sand.u32 $0xFFFFFE00, s0;
	s6 =	sshra.s32 s3, $0x2;
	s14 =	sshll.u32 s5, $0x2;
	v44 =	vld [tilespmem:s4+$0xE00]  }
0x756: {  	s8 =	sadd.s32 s6, s10;
	s0 =	sor.u32 s14, s0  }
0x757: {  	v45 =	vld [tilespmem:s8+$0xE00];
	s0 =	sshra.s32 s0, $0x2  }
0x758: {  	s0 =	sadd.s32 s0, s10  }
0x759: {  	v46 =	vld [tilespmem:s0+$0xE00]  }
0x75a: {  	v8 =	vmul.f32 v43, v2;
	v9 =	vmul.f32 v44, v3;
	_ =	sdelay $0x1  }
0x75b: {  	v47 =	vmul.f32 v45, v4;
	v8 =	vadd.f32 v9, v8;
	_ =	sdelay $0x1  }
0x75c: {  	v48 =	vmul.f32 v46, v5;
	v8 =	vadd.f32 v47, v8;
	_ =	sdelay $0x1  }
0x75d: {  	v8 =	vadd.f32 v48, v8;
	_ =	sdelay $0x1  }
0x75e: {  	(xrf2) =	vadd.scan.msk.f32 $0xffff, v8;
	_ =	sdelay $0x9  }
0x75f: {  	v8, _, _ =	vpop (xrf2)  }
0x760: {  	(v2sf) =	vpush v8, $0xF  }
0x761: {  	(v2sf) =	vpush v7, $0xB;
	_ =	sdelay $0xd  }
0x762: {  	[smem:$0x7E4] =	sst s23;
	s8 =	spop (v2sf)  }
0x763: {  	[smem:$0x7E5] =	sst s8;
	s12 =	spop (v2sf)  }
0x764: {  	s18 =	sand.u32 $0x7F, s12;
	s19 =	sshll.u32 s12, $0x2;
	s20 =	sadd.s32 $0x10, s12  }
0x765: {  	s22 =	sadd.s32 $0x20, s12;
	s8 =	sadd.s32 $0x30, s12;
	s16 =	sand.u32 $0xFFFFFE00, s19  }
0x766: {  	s14 =	sshll.u32 s18, $0x2;
	s21 =	sand.u32 $0x7F, s20;
	s23 =	sand.u32 $0x7F, s22  }
0x767: {  	s18 =	sshll.u32 s22, $0x2;
	s14 =	sor.u32 s14, s16;
	s16 =	sshll.u32 s20, $0x2  }
0x768: {  	s28 =	sand.u32 $0x7F, s8;
	s17 =	sshll.u32 s21, $0x2;
	s16 =	sand.u32 $0xFFFFFE00, s16  }
0x769: {  	s18 =	sand.u32 $0xFFFFFE00, s18;
	s14 =	sshra.s32 s14, $0x2;
	s16 =	sor.u32 s17, s16  }
0x76a: {  	s19 =	sshll.u32 s23, $0x2;
	s14 =	sadd.s32 s14, s10;
	s16 =	sshra.s32 s16, $0x2  }
0x76b: {  	s8 =	sshll.u32 s8, $0x2;
	s25 =	sor.u32 s19, s18;
	v49 =	vld [tilespmem:s14+$0xE80];
	s26 =	sadd.s32 s16, s10  }
0x76c: {  	s8 =	sand.u32 $0xFFFFFE00, s8;
	s30 =	sshra.s32 s25, $0x2;
	s16 =	sshll.u32 s28, $0x2;
	v50 =	vld [tilespmem:s26+$0xE80]  }
0x76d: {  	s14 =	sadd.s32 s30, s10;
	s8 =	sor.u32 s16, s8  }
0x76e: {  	v51 =	vld [tilespmem:s14+$0xE80];
	s8 =	sshra.s32 s8, $0x2  }
0x76f: {  	s8 =	sadd.s32 s8, s10  }
0x770: {  	v52 =	vld [tilespmem:s8+$0xE80]  }
0x771: {  	v8 =	vmul.f32 v49, v2;
	v9 =	vmul.f32 v50, v3;
	_ =	sdelay $0x1  }
0x772: {  	v53 =	vmul.f32 v51, v4;
	v8 =	vadd.f32 v9, v8;
	_ =	sdelay $0x1  }
0x773: {  	v54 =	vmul.f32 v52, v5;
	v8 =	vadd.f32 v53, v8;
	_ =	sdelay $0x1  }
0x774: {  	v8 =	vadd.f32 v54, v8;
	_ =	sdelay $0x1  }
0x775: {  	(xrf2) =	vadd.scan.msk.f32 $0xffff, v8;
	_ =	sdelay $0x9  }
0x776: {  	v8, _, _ =	vpop (xrf2)  }
0x777: {  	(v2sf) =	vpush v8, $0xF  }
0x778: {  	(v2sf) =	vpush v7, $0xC;
	_ =	sdelay $0xd  }
0x779: {  	s31 =	spop (v2sf)  }
0x77a: {  	s0 =	spop (v2sf)  }
0x77b: {  	s1 =	sand.u32 $0x7F, s0;
	s2 =	sshll.u32 s0, $0x2;
	s3 =	sadd.s32 $0x10, s0  }
0x77c: {  	s5 =	sadd.s32 $0x20, s0;
	s14 =	sadd.s32 $0x30, s0;
	s17 =	sand.u32 $0xFFFFFE00, s2  }
0x77d: {  	s16 =	sshll.u32 s1, $0x2;
	s4 =	sand.u32 $0x7F, s3;
	s20 =	sand.u32 $0x7F, s5  }
0x77e: {  	s19 =	sshll.u32 s5, $0x2;
	s16 =	sor.u32 s16, s17;
	s17 =	sshll.u32 s3, $0x2  }
0x77f: {  	s12 =	sand.u32 $0x7F, s14;
	s18 =	sshll.u32 s4, $0x2;
	s17 =	sand.u32 $0xFFFFFE00, s17  }
0x780: {  	s19 =	sand.u32 $0xFFFFFE00, s19;
	s16 =	sshra.s32 s16, $0x2;
	s17 =	sor.u32 s18, s17  }
0x781: {  	s20 =	sshll.u32 s20, $0x2;
	s16 =	sadd.s32 s16, s10;
	s17 =	sshra.s32 s17, $0x2  }
0x782: {  	s14 =	sshll.u32 s14, $0x2;
	s6 =	sor.u32 s20, s19;
	v55 =	vld [tilespmem:s16+$0xF00];
	s8 =	sadd.s32 s17, s10  }
0x783: {  	s14 =	sand.u32 $0xFFFFFE00, s14;
	s18 =	sshra.s32 s6, $0x2;
	s17 =	sshll.u32 s12, $0x2;
	v56 =	vld [tilespmem:s8+$0xF00]  }
0x784: {  	s16 =	sadd.s32 s18, s10;
	s14 =	sor.u32 s17, s14  }
0x785: {  	v57 =	vld [tilespmem:s16+$0xF00];
	s14 =	sshra.s32 s14, $0x2  }
0x786: {  	s14 =	sadd.s32 s14, s10  }
0x787: {  	v58 =	vld [tilespmem:s14+$0xF00]  }
0x788: {  	v8 =	vmul.f32 v55, v2;
	v9 =	vmul.f32 v56, v3;
	_ =	sdelay $0x1  }
0x789: {  	v59 =	vmul.f32 v57, v4;
	v8 =	vadd.f32 v9, v8;
	_ =	sdelay $0x1  }
0x78a: {  	v60 =	vmul.f32 v58, v5;
	v8 =	vadd.f32 v59, v8;
	_ =	sdelay $0x1  }
0x78b: {  	v8 =	vadd.f32 v60, v8;
	_ =	sdelay $0x1  }
0x78c: {  	(xrf2) =	vadd.scan.msk.f32 $0xffff, v8;
	_ =	sdelay $0x9  }
0x78d: {  	v8, _, _ =	vpop (xrf2)  }
0x78e: {  	(v2sf) =	vpush v8, $0xF  }
0x78f: {  	(v2sf) =	vpush v7, $0xD;
	_ =	sdelay $0xd  }
0x790: {  	[smem:$0x7E6] =	sst s31;
	s19 =	spop (v2sf)  }
0x791: {  	[smem:$0x7E7] =	sst s19;
	s20 =	spop (v2sf)  }
0x792: {  	s22 =	sand.u32 $0x7F, s20;
	s23 =	sshll.u32 s20, $0x2;
	s25 =	sadd.s32 $0x10, s20  }
0x793: {  	s28 =	sadd.s32 $0x20, s20;
	s14 =	sadd.s32 $0x30, s20;
	s17 =	sand.u32 $0xFFFFFE00, s23  }
0x794: {  	s16 =	sshll.u32 s22, $0x2;
	s26 =	sand.u32 $0x7F, s25;
	s21 =	sand.u32 $0x7F, s28  }
0x795: {  	s19 =	sshll.u32 s28, $0x2;
	s16 =	sor.u32 s16, s17;
	s17 =	sshll.u32 s25, $0x2  }
0x796: {  	s0 =	sand.u32 $0x7F, s14;
	s18 =	sshll.u32 s26, $0x2;
	s17 =	sand.u32 $0xFFFFFE00, s17  }
0x797: {  	s19 =	sand.u32 $0xFFFFFE00, s19;
	s16 =	sshra.s32 s16, $0x2;
	s17 =	sor.u32 s18, s17  }
0x798: {  	s21 =	sshll.u32 s21, $0x2;
	s16 =	sadd.s32 s16, s10;
	s17 =	sshra.s32 s17, $0x2  }
0x799: {  	s14 =	sshll.u32 s14, $0x2;
	s30 =	sor.u32 s21, s19;
	v61 =	vld [tilespmem:s16+$0xF80];
	s31 =	sadd.s32 s17, s10  }
0x79a: {  	s14 =	sand.u32 $0xFFFFFE00, s14;
	s1 =	sshra.s32 s30, $0x2;
	s17 =	sshll.u32 s0, $0x2;
	v62 =	vld [tilespmem:s31+$0xF80]  }
0x79b: {  	s16 =	sadd.s32 s1, s10;
	s14 =	sor.u32 s17, s14  }
0x79c: {  	v63 =	vld [tilespmem:s16+$0xF80];
	s14 =	sshra.s32 s14, $0x2  }
0x79d: {  	s14 =	sadd.s32 s14, s10  }
0x79e: {  	v12 =	vld [tilespmem:s14+$0xF80]  }
0x79f: {  	v8 =	vmul.f32 v61, v2;
	v9 =	vmul.f32 v62, v3;
	_ =	sdelay $0x1  }
0x7a0: {  	v13 =	vmul.f32 v63, v4;
	v8 =	vadd.f32 v9, v8;
	_ =	sdelay $0x1  }
0x7a1: {  	v14 =	vmul.f32 v12, v5;
	v8 =	vadd.f32 v13, v8;
	_ =	sdelay $0x1  }
0x7a2: {  	v8 =	vadd.f32 v14, v8;
	_ =	sdelay $0x1  }
0x7a3: {  	(xrf2) =	vadd.scan.msk.f32 $0xffff, v8;
	_ =	sdelay $0x9  }
0x7a4: {  	v8, _, _ =	vpop (xrf2)  }
0x7a5: {  	(v2sf) =	vpush v8, $0xF  }
0x7a6: {  	(v2sf) =	vpush v7, $0xE;
	_ =	sdelay $0xd  }
0x7a7: {  	s2 =	spop (v2sf)  }
0x7a8: {  	s3 =	spop (v2sf)  }
0x7a9: {  	s4 =	sand.u32 $0x7F, s3;
	s5 =	sshll.u32 s3, $0x2;
	s6 =	sadd.s32 $0x10, s3  }
0x7aa: {  	s12 =	sadd.s32 $0x20, s3;
	s14 =	sadd.s32 $0x30, s3;
	s18 =	sand.u32 $0xFFFFFE00, s5  }
0x7ab: {  	s17 =	sshll.u32 s4, $0x2;
	s8 =	sand.u32 $0x7F, s6;
	s23 =	sand.u32 $0x7F, s12  }
0x7ac: {  	s21 =	sshll.u32 s12, $0x2;
	s17 =	sor.u32 s17, s18;
	s18 =	sshll.u32 s6, $0x2  }
0x7ad: {  	s20 =	sand.u32 $0x7F, s14;
	s19 =	sshll.u32 s8, $0x2;
	s18 =	sand.u32 $0xFFFFFE00, s18  }
0x7ae: {  	s21 =	sand.u32 $0xFFFFFE00, s21;
	s17 =	sshra.s32 s17, $0x2;
	s18 =	sor.u32 s19, s18  }
0x7af: {  	s23 =	sshll.u32 s23, $0x2;
	s17 =	sadd.s32 s17, s10;
	s18 =	sshra.s32 s18, $0x2  }
0x7b0: {  	s14 =	sshll.u32 s14, $0x2;
	s16 =	sor.u32 s23, s21;
	v15 =	vld [tilespmem:s17+$0x1000];
	s18 =	sadd.s32 s18, s10  }
0x7b1: {  	s14 =	sand.u32 $0xFFFFFE00, s14;
	s21 =	sshra.s32 s16, $0x2;
	v16 =	vld [tilespmem:s18+$0x1000];
	s18 =	sshll.u32 s20, $0x2  }
0x7b2: {  	s17 =	sadd.s32 s21, s10;
	s14 =	sor.u32 s18, s14  }
0x7b3: {  	v17 =	vld [tilespmem:s17+$0x1000];
	s14 =	sshra.s32 s14, $0x2  }
0x7b4: {  	s14 =	sadd.s32 s14, s10  }
0x7b5: {  	v18 =	vld [tilespmem:s14+$0x1000]  }
0x7b6: {  	v8 =	vmul.f32 v15, v2;
	v9 =	vmul.f32 v16, v3;
	_ =	sdelay $0x1  }
0x7b7: {  	v19 =	vmul.f32 v17, v4;
	v8 =	vadd.f32 v9, v8;
	_ =	sdelay $0x1  }
0x7b8: {  	v8 =	vadd.f32 v19, v8;
	v20 =	vmul.f32 v18, v5;
	_ =	sdelay $0x1  }
0x7b9: {  	v8 =	vadd.f32 v20, v8;
	_ =	sdelay $0x1  }
0x7ba: {  	(xrf2) =	vadd.scan.msk.f32 $0xffff, v8;
	_ =	sdelay $0x9  }
0x7bb: {  	v8, _, _ =	vpop (xrf2)  }
0x7bc: {  	(v2sf) =	vpush v8, $0xF  }
0x7bd: {  	(v2sf) =	vpush v7, $0xF;
	_ =	sdelay $0xd  }
0x7be: {  	s30 =	spop (v2sf)  }
0x7bf: {  	[smem:$0x7E8] =	sst s2;
	s22 =	spop (v2sf)  }
0x7c0: {  	s23 =	sand.u32 $0x7F, s22;
	s25 =	sshll.u32 s22, $0x2;
	s26 =	sadd.s32 $0x10, s22  }
0x7c1: {  	s31 =	sadd.s32 $0x20, s22;
	s14 =	sadd.s32 $0x30, s22;
	s19 =	sand.u32 $0xFFFFFE00, s25  }
0x7c2: {  	s18 =	sshll.u32 s23, $0x2;
	s28 =	sand.u32 $0x7F, s26;
	s25 =	sand.u32 $0x7F, s31  }
0x7c3: {  	s23 =	sshll.u32 s31, $0x2;
	s18 =	sor.u32 s18, s19;
	s19 =	sshll.u32 s26, $0x2  }
0x7c4: {  	s2 =	sand.u32 $0x7F, s14;
	s21 =	sshll.u32 s28, $0x2;
	s19 =	sand.u32 $0xFFFFFE00, s19  }
0x7c5: {  	s23 =	sand.u32 $0xFFFFFE00, s23;
	s18 =	sshra.s32 s18, $0x2;
	s19 =	sor.u32 s21, s19  }
0x7c6: {  	s25 =	sshll.u32 s25, $0x2;
	s18 =	sadd.s32 s18, s10;
	s19 =	sshra.s32 s19, $0x2  }
0x7c7: {  	s14 =	sshll.u32 s14, $0x2;
	s0 =	sor.u32 s25, s23;
	v21 =	vld [tilespmem:s18+$0x1080];
	s1 =	sadd.s32 s19, s10  }
0x7c8: {  	s14 =	sand.u32 $0xFFFFFE00, s14;
	s3 =	sshra.s32 s0, $0x2;
	s19 =	sshll.u32 s2, $0x2;
	v22 =	vld [tilespmem:s1+$0x1080]  }
0x7c9: {  	s18 =	sadd.s32 s3, s10;
	s14 =	sor.u32 s19, s14  }
0x7ca: {  	v23 =	vld [tilespmem:s18+$0x1080];
	s14 =	sshra.s32 s14, $0x2  }
0x7cb: {  	s14 =	sadd.s32 s14, s10  }
0x7cc: {  	v24 =	vld [tilespmem:s14+$0x1080]  }
0x7cd: {  	v7 =	vmul.f32 v21, v2;
	v8 =	vmul.f32 v22, v3;
	_ =	sdelay $0x1  }
0x7ce: {  	v25 =	vmul.f32 v23, v4;
	v7 =	vadd.f32 v8, v7;
	_ =	sdelay $0x1  }
0x7cf: {  	v26 =	vmul.f32 v24, v5;
	v7 =	vadd.f32 v25, v7;
	_ =	sdelay $0x1  }
0x7d0: {  	v7 =	vadd.f32 v26, v7;
	_ =	sdelay $0x1  }
0x7d1: {  	(xrf2) =	vadd.scan.msk.f32 $0xffff, v7;
	_ =	sdelay $0x5  }
0x7d2: {  	s4 =	rddreg [dreg:$0x17]  }
0x7d3: {  	v27 =	vld [tilespmem:s4+$0x0];
	_ =	sdelay $0x2  }
0x7d4: {  	v28, _, _ =	vpop (xrf2)  }
0x7d5: {  	(v2sf) =	vpush v28, $0xF  }
0x7d6: {  	(v2sf) =	vpush v27, $0x8;
	_ =	sdelay $0xd  }
0x7d7: {  	s20 =	spop (v2sf)  }
0x7d8: {  	s5 =	spop (v2sf)  }
0x7d9: {  	s6 =	sand.u32 $0x7F, s5;
	s8 =	sshll.u32 s5, $0x2;
	s12 =	sadd.s32 $0x10, s5  }
0x7da: {  	s17 =	sadd.s32 $0x20, s5;
	s14 =	sadd.s32 $0x30, s5;
	s21 =	sand.u32 $0xFFFFFE00, s8  }
0x7db: {  	s18 =	sshll.u32 s6, $0x2;
	s16 =	sand.u32 $0x7F, s12;
	s28 =	sand.u32 $0x7F, s17  }
0x7dc: {  	s25 =	sshll.u32 s17, $0x2;
	s18 =	sor.u32 s18, s21;
	s21 =	sshll.u32 s12, $0x2  }
0x7dd: {  	s22 =	sand.u32 $0x7F, s14;
	s23 =	sshll.u32 s16, $0x2;
	s21 =	sand.u32 $0xFFFFFE00, s21  }
0x7de: {  	s25 =	sand.u32 $0xFFFFFE00, s25;
	s18 =	sshra.s32 s18, $0x2;
	s21 =	sor.u32 s23, s21  }
0x7df: {  	s28 =	sshll.u32 s28, $0x2;
	s18 =	sadd.s32 s18, s10;
	s21 =	sshra.s32 s21, $0x2  }
0x7e0: {  	s14 =	sshll.u32 s14, $0x2;
	s19 =	sor.u32 s28, s25;
	v29 =	vld [tilespmem:s18+$0x1100];
	s21 =	sadd.s32 s21, s10  }
0x7e1: {  	s14 =	sand.u32 $0xFFFFFE00, s14;
	s25 =	sshra.s32 s19, $0x2;
	v30 =	vld [tilespmem:s21+$0x1100];
	s21 =	sshll.u32 s22, $0x2  }
0x7e2: {  	s18 =	sadd.s32 s25, s10;
	s14 =	sor.u32 s21, s14  }
0x7e3: {  	v31 =	vld [tilespmem:s18+$0x1100];
	s14 =	sshra.s32 s14, $0x2  }
0x7e4: {  	s14 =	sadd.s32 s14, s10  }
0x7e5: {  	v32 =	vld [tilespmem:s14+$0x1100]  }
0x7e6: {  	v8 =	vmul.f32 v29, v2;
	v9 =	vmul.f32 v30, v3;
	_ =	sdelay $0x1  }
0x7e7: {  	v33 =	vmul.f32 v31, v4;
	v8 =	vadd.f32 v9, v8;
	_ =	sdelay $0x1  }
0x7e8: {  	v8 =	vadd.f32 v33, v8;
	v34 =	vmul.f32 v32, v5;
	_ =	sdelay $0x1  }
0x7e9: {  	v8 =	vadd.f32 v34, v8;
	_ =	sdelay $0x1  }
0x7ea: {  	(xrf2) =	vadd.scan.msk.f32 $0xffff, v8;
	_ =	sdelay $0x9  }
0x7eb: {  	v8, _, _ =	vpop (xrf2)  }
0x7ec: {  	(v2sf) =	vpush v8, $0xF  }
0x7ed: {  	(v2sf) =	vpush v27, $0x9;
	_ =	sdelay $0xd  }
0x7ee: {  	s21 =	spop (v2sf)  }
0x7ef: {  	s26 =	spop (v2sf)  }
0x7f0: {  	s28 =	sand.u32 $0x7F, s26;
	s31 =	sshll.u32 s26, $0x2;
	s0 =	sadd.s32 $0x10, s26  }
0x7f1: {  	s2 =	sadd.s32 $0x20, s26;
	s14 =	sadd.s32 $0x30, s26;
	s23 =	sand.u32 $0xFFFFFE00, s31  }
0x7f2: {  	s18 =	sshll.u32 s28, $0x2;
	s1 =	sand.u32 $0x7F, s0;
	s31 =	sand.u32 $0x7F, s2  }
0x7f3: {  	s28 =	sshll.u32 s2, $0x2;
	s18 =	sor.u32 s18, s23;
	s23 =	sshll.u32 s0, $0x2  }
0x7f4: {  	s5 =	sand.u32 $0x7F, s14;
	s25 =	sshll.u32 s1, $0x2;
	s23 =	sand.u32 $0xFFFFFE00, s23  }
0x7f5: {  	s28 =	sand.u32 $0xFFFFFE00, s28;
	s18 =	sshra.s32 s18, $0x2;
	s23 =	sor.u32 s25, s23  }
0x7f6: {  	s31 =	sshll.u32 s31, $0x2;
	s18 =	sadd.s32 s18, s10;
	s23 =	sshra.s32 s23, $0x2  }
0x7f7: {  	s14 =	sshll.u32 s14, $0x2;
	s3 =	sor.u32 s31, s28;
	v35 =	vld [tilespmem:s18+$0x1180];
	s4 =	sadd.s32 s23, s10  }
0x7f8: {  	s14 =	sand.u32 $0xFFFFFE00, s14;
	s6 =	sshra.s32 s3, $0x2;
	s23 =	sshll.u32 s5, $0x2;
	v36 =	vld [tilespmem:s4+$0x1180]  }
0x7f9: {  	s18 =	sadd.s32 s6, s10;
	s14 =	sor.u32 s23, s14  }
0x7fa: {  	v37 =	vld [tilespmem:s18+$0x1180];
	s14 =	sshra.s32 s14, $0x2  }
0x7fb: {  	s14 =	sadd.s32 s14, s10  }
0x7fc: {  	v38 =	vld [tilespmem:s14+$0x1180]  }
0x7fd: {  	v8 =	vmul.f32 v35, v2;
	v9 =	vmul.f32 v36, v3;
	_ =	sdelay $0x1  }
0x7fe: {  	v39 =	vmul.f32 v37, v4;
	v8 =	vadd.f32 v9, v8;
	_ =	sdelay $0x1  }
0x7ff: {  	v40 =	vmul.f32 v38, v5;
	v8 =	vadd.f32 v39, v8;
	_ =	sdelay $0x1  }
0x800: {  	v8 =	vadd.f32 v40, v8;
	_ =	sdelay $0x1  }
0x801: {  	(xrf2) =	vadd.scan.msk.f32 $0xffff, v8;
	_ =	sdelay $0x9  }
0x802: {  	v8, _, _ =	vpop (xrf2)  }
0x803: {  	(v2sf) =	vpush v8, $0xF  }
0x804: {  	(v2sf) =	vpush v27, $0xA;
	_ =	sdelay $0xd  }
0x805: {  	s23 =	spop (v2sf)  }
0x806: {  	s8 =	spop (v2sf)  }
0x807: {  	s12 =	sand.u32 $0x7F, s8;
	s16 =	sshll.u32 s8, $0x2;
	s17 =	sadd.s32 $0x10, s8  }
0x808: {  	s22 =	sadd.s32 $0x20, s8;
	s14 =	sadd.s32 $0x30, s8;
	s25 =	sand.u32 $0xFFFFFE00, s16  }
0x809: {  	s18 =	sshll.u32 s12, $0x2;
	s19 =	sand.u32 $0x7F, s17;
	s26 =	sand.u32 $0x7F, s22  }
0x80a: {  	s31 =	sshll.u32 s22, $0x2;
	s18 =	sor.u32 s18, s25;
	s25 =	sshll.u32 s17, $0x2  }
0x80b: {  	s28 =	sshll.u32 s19, $0x2;
	s31 =	sand.u32 $0xFFFFFE00, s31;
	s25 =	sand.u32 $0xFFFFFE00, s25  }
0x80c: {  	s26 =	sshll.u32 s26, $0x2;
	s18 =	sshra.s32 s18, $0x2;
	s25 =	sor.u32 s28, s25  }
0x80d: {  	s26 =	sor.u32 s26, s31;
	s18 =	sadd.s32 s18, s10;
	s25 =	sshra.s32 s25, $0x2  }
0x80e: {  	s31 =	sand.u32 $0x7F, s14;
	s14 =	sshll.u32 s14, $0x2;
	v41 =	vld [tilespmem:s18+$0x1200];
	s28 =	sadd.s32 s25, s10  }
0x80f: {  	s0 =	sshra.s32 s26, $0x2;
	s14 =	sand.u32 $0xFFFFFE00, s14;
	s25 =	sshll.u32 s31, $0x2;
	v42 =	vld [tilespmem:s28+$0x1200]  }
0x810: {  	s18 =	sadd.s32 s0, s10;
	s14 =	sor.u32 s25, s14  }
0x811: {  	v43 =	vld [tilespmem:s18+$0x1200];
	s14 =	sshra.s32 s14, $0x2  }
0x812: {  	s14 =	sadd.s32 s14, s10  }
0x813: {  	v44 =	vld [tilespmem:s14+$0x1200]  }
0x814: {  	v8 =	vmul.f32 v41, v2;
	v9 =	vmul.f32 v42, v3;
	_ =	sdelay $0x1  }
0x815: {  	v45 =	vmul.f32 v43, v4;
	v8 =	vadd.f32 v9, v8;
	_ =	sdelay $0x1  }
0x816: {  	v46 =	vmul.f32 v44, v5;
	v8 =	vadd.f32 v45, v8;
	_ =	sdelay $0x1  }
0x817: {  	v8 =	vadd.f32 v46, v8;
	_ =	sdelay $0x1  }
0x818: {  	(xrf2) =	vadd.scan.msk.f32 $0xffff, v8;
	_ =	sdelay $0x9  }
0x819: {  	v8, _, _ =	vpop (xrf2)  }
0x81a: {  	(v2sf) =	vpush v8, $0xF  }
0x81b: {  	(v2sf) =	vpush v27, $0xB;
	_ =	sdelay $0xd  }
0x81c: {  	s25 =	spop (v2sf)  }
0x81d: {  	s1 =	spop (v2sf)  }
0x81e: {  	s2 =	sand.u32 $0x7F, s1;
	s3 =	sshll.u32 s1, $0x2;
	s4 =	sadd.s32 $0x10, s1  }
0x81f: {  	s6 =	sadd.s32 $0x20, s1;
	s14 =	sadd.s32 $0x30, s1;
	s26 =	sand.u32 $0xFFFFFE00, s3  }
0x820: {  	s18 =	sshll.u32 s2, $0x2;
	s5 =	sand.u32 $0x7F, s4;
	s22 =	sand.u32 $0x7F, s6  }
0x821: {  	s31 =	sshll.u32 s6, $0x2;
	s18 =	sor.u32 s18, s26;
	s26 =	sshll.u32 s4, $0x2  }
0x822: {  	s12 =	sand.u32 $0x7F, s14;
	s28 =	sshll.u32 s5, $0x2;
	s26 =	sand.u32 $0xFFFFFE00, s26  }
0x823: {  	s31 =	sand.u32 $0xFFFFFE00, s31;
	s18 =	sshra.s32 s18, $0x2;
	s26 =	sor.u32 s28, s26  }
0x824: {  	s22 =	sshll.u32 s22, $0x2;
	s18 =	sadd.s32 s18, s10;
	s26 =	sshra.s32 s26, $0x2  }
0x825: {  	s14 =	sshll.u32 s14, $0x2;
	s22 =	sor.u32 s22, s31;
	v47 =	vld [tilespmem:s18+$0x1280];
	s8 =	sadd.s32 s26, s10  }
0x826: {  	s14 =	sand.u32 $0xFFFFFE00, s14;
	s17 =	sshll.u32 s12, $0x2;
	s16 =	sshra.s32 s22, $0x2;
	v48 =	vld [tilespmem:s8+$0x1280]  }
0x827: {  	s14 =	sor.u32 s17, s14;
	s18 =	sadd.s32 s16, s10  }
0x828: {  	s14 =	sshra.s32 s14, $0x2;
	v49 =	vld [tilespmem:s18+$0x1280]  }
0x829: {  	s14 =	sadd.s32 s14, s10  }
0x82a: {  	v50 =	vld [tilespmem:s14+$0x1280]  }
0x82b: {  	v8 =	vmul.f32 v47, v2;
	v9 =	vmul.f32 v48, v3;
	_ =	sdelay $0x1  }
0x82c: {  	v51 =	vmul.f32 v49, v4;
	v8 =	vadd.f32 v9, v8;
	_ =	sdelay $0x1  }
0x82d: {  	v52 =	vmul.f32 v50, v5;
	v8 =	vadd.f32 v51, v8;
	_ =	sdelay $0x1  }
0x82e: {  	v8 =	vadd.f32 v52, v8;
	_ =	sdelay $0x1  }
0x82f: {  	(xrf2) =	vadd.scan.msk.f32 $0xffff, v8;
	_ =	sdelay $0x9  }
0x830: {  	v8, _, _ =	vpop (xrf2)  }
0x831: {  	(v2sf) =	vpush v8, $0xF  }
0x832: {  	(v2sf) =	vpush v27, $0xC;
	_ =	sdelay $0xd  }
0x833: {  	s28 =	spop (v2sf)  }
0x834: {  	s19 =	spop (v2sf)  }
0x835: {  	s0 =	sand.u32 $0x7F, s19;
	s1 =	sshll.u32 s19, $0x2;
	s2 =	sadd.s32 $0x10, s19  }
0x836: {  	s4 =	sadd.s32 $0x20, s19;
	s14 =	sadd.s32 $0x30, s19;
	s22 =	sand.u32 $0xFFFFFE00, s1  }
0x837: {  	s18 =	sshll.u32 s0, $0x2;
	s3 =	sand.u32 $0x7F, s2;
	s12 =	sand.u32 $0x7F, s4  }
0x838: {  	s31 =	sshll.u32 s4, $0x2;
	s18 =	sor.u32 s18, s22;
	s22 =	sshll.u32 s2, $0x2  }
0x839: {  	s6 =	sand.u32 $0x7F, s14;
	s26 =	sshll.u32 s3, $0x2;
	s22 =	sand.u32 $0xFFFFFE00, s22  }
0x83a: {  	s31 =	sand.u32 $0xFFFFFE00, s31;
	s18 =	sshra.s32 s18, $0x2;
	s22 =	sor.u32 s26, s22  }
0x83b: {  	s12 =	sshll.u32 s12, $0x2;
	s18 =	sadd.s32 s18, s10;
	s22 =	sshra.s32 s22, $0x2  }
0x83c: {  	s14 =	sshll.u32 s14, $0x2;
	s12 =	sor.u32 s12, s31;
	v53 =	vld [tilespmem:s18+$0x1300];
	s5 =	sadd.s32 s22, s10  }
0x83d: {  	s14 =	sand.u32 $0xFFFFFE00, s14;
	s8 =	sshll.u32 s6, $0x2;
	s12 =	sshra.s32 s12, $0x2;
	v54 =	vld [tilespmem:s5+$0x1300]  }
0x83e: {  	s14 =	sor.u32 s8, s14;
	s12 =	sadd.s32 s12, s10  }
0x83f: {  	s14 =	sshra.s32 s14, $0x2;
	v55 =	vld [tilespmem:s12+$0x1300]  }
0x840: {  	s12 =	sadd.s32 s14, s10  }
0x841: {  	v56 =	vld [tilespmem:s12+$0x1300]  }
0x842: {  	v8 =	vmul.f32 v53, v2;
	v9 =	vmul.f32 v54, v3;
	_ =	sdelay $0x1  }
0x843: {  	v57 =	vmul.f32 v55, v4;
	v8 =	vadd.f32 v9, v8;
	_ =	sdelay $0x1  }
0x844: {  	v58 =	vmul.f32 v56, v5;
	v8 =	vadd.f32 v57, v8;
	_ =	sdelay $0x1  }
0x845: {  	v8 =	vadd.f32 v58, v8;
	_ =	sdelay $0x1  }
0x846: {  	(xrf2) =	vadd.scan.msk.f32 $0xffff, v8;
	_ =	sdelay $0x9  }
0x847: {  	v8, _, _ =	vpop (xrf2)  }
0x848: {  	(v2sf) =	vpush v8, $0xF  }
0x849: {  	(v2sf) =	vpush v27, $0xD;
	_ =	sdelay $0x8  }
0x84a: {  	s24 =	ssub.f32 $0.0e+00, s24  }
0x84b: {  	s15 =	ssub.f32 $0.0e+00, s15  }
0x84c: {  	s11 =	ssub.f32 $0.0e+00, s11  }
0x84d: {  	s21 =	ssub.f32 $0.0e+00, s21  }
0x84e: {  	s6 =	rddreg [dreg:$0x18]  }
0x84f: {  	s8 =	rddreg [dreg:$0x1a];
	s19 =	spop (v2sf)  }
0x850: {  	s14 =	sld [smem:$0x7D4];
	s16 =	spop (v2sf)  }
0x851: {  	s17 =	sand.u32 $0x7F, s16;
	s26 =	sshll.u32 s16, $0x2;
	s31 =	sadd.s32 $0x10, s16  }
0x852: {  	s1 =	sadd.s32 $0x20, s16;
	s12 =	sadd.s32 $0x30, s16;
	s16 =	sld [smem:$0x7D5]  }
0x853: {  	s22 =	sand.u32 $0xFFFFFE00, s26;
	s18 =	sshll.u32 s17, $0x2;
	s0 =	sand.u32 $0x7F, s31  }
0x854: {  	s2 =	sand.u32 $0x7F, s1;
	s4 =	sand.u32 $0x7F, s12;
	s12 =	sshll.u32 s12, $0x2  }
0x855: {  	s17 =	sld [smem:$0x7D6];
	s18 =	sor.u32 s18, s22;
	s22 =	sshll.u32 s31, $0x2  }
0x856: {  	s31 =	sshll.u32 s1, $0x2;
	s26 =	sshll.u32 s0, $0x2;
	s1 =	sld [smem:$0x7D8]  }
0x857: {  	s0 =	sshll.u32 s2, $0x2;
	s2 =	sld [smem:$0x7D9];
	s22 =	sand.u32 $0xFFFFFE00, s22  }
0x858: {  	s31 =	sand.u32 $0xFFFFFE00, s31;
	s22 =	sor.u32 s26, s22;
	s26 =	ssub.f32 $0.0e+00, s29  }
0x859: {  	s12 =	sand.u32 $0xFFFFFE00, s12;
	s0 =	sor.u32 s0, s31;
	s31 =	ssub.f32 $0.0e+00, s8  }
0x85a: {  	s5 =	sshll.u32 s4, $0x2;
	s18 =	sshra.s32 s18, $0x2;
	s29 =	ssub.f32 $0.0e+00, s14  }
0x85b: {  	s12 =	sor.u32 s5, s12;
	s18 =	sadd.s32 s18, s10;
	s14 =	sld [smem:$0x7DB]  }
0x85c: {  	s12 =	sshra.s32 s12, $0x2;
	s22 =	sshra.s32 s22, $0x2;
	v59 =	vld [tilespmem:s18+$0x1380];
	s18 =	sld [smem:$0x7D7]  }
0x85d: {  	s12 =	sadd.s32 s12, s10;
	s3 =	sadd.s32 s22, s10;
	s22 =	ssub.f32 $0.0e+00, s9  }
0x85e: {  	v62 =	vld [tilespmem:s12+$0x1380];
	s12 =	ssub.f32 $0.0e+00, s6  }
0x85f: {  	s9 =	rddreg [dreg:$0x1c]  }
0x860: {  	s6 =	ssub.f32 $0.0e+00, s17  }
0x861: {  	s17 =	sld [smem:$0x7DC]  }
0x862: {  	v60 =	vld [tilespmem:s3+$0x1380];
	s3 =	ssub.f32 $0.0e+00, s13  }
0x863: {  	s4 =	ssub.f32 $0.0e+00, s9  }
0x864: {  	s13 =	rddreg [dreg:$0x1e]  }
0x865: {  	s9 =	ssub.f32 $0.0e+00, s1  }
0x866: {  	s14 =	ssub.f32 $0.0e+00, s14  }
0x867: {  	s1 =	sld [smem:$0x7DD]  }
0x868: {  	s0 =	sshra.s32 s0, $0x2;
	s5 =	ssub.f32 $0.0e+00, s13  }
0x869: {  	s0 =	sadd.s32 s0, s10;
	s13 =	ssub.f32 $0.0e+00, s16  }
0x86a: {  	v61 =	vld [tilespmem:s0+$0x1380];
	s8 =	ssub.f32 $0.0e+00, s18  }
0x86b: {  	s18 =	ssub.f32 $0.0e+00, s2  }
0x86c: {  	v1 =	vbroadcast v1, $0xF;
	s16 =	ssub.f32 $0.0e+00, s7  }
0x86d: {  	s7 =	sld [smem:$0x7DA];
	v2 =	vmul.f32 v59, v2;
	v3 =	vmul.f32 v60, v3  }
0x86e: {  	vm5 =	veq.s32 v0, $0x1;
	s2 =	sld [smem:$0x7DE]  }
0x86f: {  	v1 =	vsel vm5, s22, v1;
	s22 =	sld [smem:$0x7E0];
	v2 =	vadd.f32 v3, v2;
	v3 =	vmul.f32 v61, v4  }
0x870: {  	vm6 =	veq.s32 v0, $0x2;
	s17 =	ssub.f32 $0.0e+00, s17  }
0x871: {  	v1 =	vsel vm6, s3, v1;
	s3 =	sld [smem:$0x7E1];
	v2 =	vadd.f32 v3, v2;
	v3 =	vmul.f32 v62, v5  }
0x872: {  	s0 =	ssub.f32 $0.0e+00, s1  }
0x873: {  	s1 =	ssub.f32 $0.0e+00, s2;
	v2 =	vadd.f32 v3, v2  }
0x874: {  	s2 =	sld [smem:$0x7DF]  }
0x875: {  	s7 =	ssub.f32 $0.0e+00, s7;
	(xrf2) =	vadd.scan.msk.f32 $0xffff, v2  }
0x876: {  	s22 =	ssub.f32 $0.0e+00, s22;
	v2 =	vbroadcast v6, $0xF  }
0x877: {  	s2 =	ssub.f32 $0.0e+00, s2  }
0x878: {  	v2 =	vsel vm5, s0, v2;
	s0 =	ssub.f32 $0.0e+00, s3  }
0x879: {  	vm5 =	veq.s32 v0, $0x3;
	s3 =	sld [smem:$0x7E2]  }
0x87a: {  	v1 =	vsel vm5, s26, v1;
	v2 =	vsel vm6, s1, v2;
	vm6 =	veq.s32 v0, $0x4;
	s26 =	sld [smem:$0x7E5]  }
0x87b: {  	v1 =	vsel vm6, s12, v1;
	s12 =	sld [smem:$0x7E3]  }
0x87c: {  	v2 =	vsel vm5, s2, v2;
	s1 =	ssub.f32 $0.0e+00, s3  }
0x87d: {  	vm5 =	veq.s32 v0, $0x5;
	v2 =	vsel vm6, s22, v2;
	s22 =	sld [smem:$0x7E4]  }
0x87e: {  	v1 =	vsel vm5, s31, v1;
	s31 =	sld [smem:$0x7E6]  }
0x87f: {  	vm6 =	veq.s32 v0, $0x6;
	v2 =	vsel vm5, s0, v2;
	s0 =	ssub.f32 $0.0e+00, s26;
	v3, _, _ =	vpop (xrf2)  }
0x880: {  	v1 =	vsel vm6, s4, v1;
	s4 =	sld [smem:$0x7E7];
	(v2sf) =	vpush v3, $0xF  }
0x881: {  	s26 =	rddreg [dreg:$0x15]  }
0x882: {  	vm5 =	veq.s32 v0, $0x7;
	s2 =	ssub.f32 $0.0e+00, s12  }
0x883: {  	v1 =	vsel vm5, s5, v1;
	s5 =	sld [smem:$0x7E8]  }
0x884: {  	s12 =	ssub.f32 $0.0e+00, s30  }
0x885: {  	v2 =	vsel vm6, s1, v2;
	vm6 =	veq.s32 v0, $0x8;
	s3 =	ssub.f32 $0.0e+00, s22  }
0x886: {  	s1 =	ssub.f32 $0.0e+00, s31;
	v1 =	vsel vm6, s29, v1;
	v2 =	vsel vm5, s2, v2;
	vm5 =	veq.s32 v0, $0x9  }
0x887: {  	v1 =	vsel vm5, s13, v1;
	v2 =	vsel vm6, s3, v2;
	vm6 =	veq.s32 v0, $0xA;
	s13 =	ssub.f32 $0.0e+00, s20  }
0x888: {  	s20 =	ssub.f32 $0.0e+00, s23;
	v1 =	vsel vm6, s6, v1;
	v2 =	vsel vm5, s0, v2;
	vm5 =	veq.s32 v0, $0xB  }
0x889: {  	s2 =	ssub.f32 $0.0e+00, s4;
	v3 =	vmov s7;
	v1 =	vsel vm5, s8, v1;
	v2 =	vsel vm6, s1, v2  }
0x88a: {  	s30 =	rddreg [dreg:$0x13];
	vm6 =	veq.s32 v0, $0xC;
	v3 =	vnsel vm0, $0x0, v3;
	v63 =	vmov s20  }
0x88b: {  	s3 =	ssub.f32 $0.0e+00, s5;
	v1 =	vsel vm6, s9, v1;
	v2 =	vsel vm5, s2, v2;
	vm5 =	veq.s32 v0, $0xD  }
0x88c: {  	s22 =	ssub.f32 $0.0e+00, s25;
	v3 =	vsel vm1, s15, v3;
	v4 =	vnsel vm0, $0x0, v63;
	v1 =	vsel vm5, s18, v1  }
0x88d: {  	s23 =	ssub.f32 $0.0e+00, s28;
	s0 =	sadd.s32 $0x2, s30;
	v2 =	vsel vm6, s3, v2;
	vm6 =	veq.s32 v0, $0xE;
	v3 =	vsel vm2, s11, v3  }
0x88e: {  	p0 =	slt.u32 s0, $0xE;
	v1 =	vsel vm6, s24, v1;
	v2 =	vsel vm5, s12, v2;
	vm5 =	veq.s32 v0, $0xF;
	s24 =	ssub.f32 $0.0e+00, s19  }
.Ltmp1:
0x88f: {  	v4 =	vsel vm1, s22, v4;
	v3 =	vsel vm3, s14, v3;
	v1 =	vsel vm5, s16, v1;
	s25 =	spop (v2sf);
	(pc) =	sbr.rel @p0 .LBB2_5-.Ltmp1, $4  }
0x890: {  	v2 =	vsel vm6, s13, v2;
	v3 =	vsel vm4, s17, v3;
	[tilespmem:s26+$0xFFFFFFE0] =	vst v1;
	v1 =	vsel vm2, s23, v4;
	s28 =	ssub.f32 $0.0e+00, s25  }
0x891: {  	s29 =	rddreg [dreg:$0xf];
	v2 =	vsel vm5, s21, v2;
	[tilespmem:s26+$0xFFFFFFF0] =	vst v3;
	v1 =	vsel vm3, s24, v1  }
0x892: {  	s10 =	sadd.s32 $0x1400, s10;
	s31 =	rddreg [dreg:$0x17];
	[tilespmem:s26+$0x0] =	vst v2;
	v1 =	vsel vm4, s28, v1  }
0x893: {  	s5 =	sadd.s32 $0x400, s29;
	s1 =	sadd.s32 $0x30, s31;
	s2 =	sadd.s32 $0x40, s26;
	[tilespmem:s26+$0x10] =	vst v1  }
0x894: {  	s0 =	rddreg [dreg:$0xe]  }
0x895: {  	s1 =	rddreg [dreg:$0x8];
	s29 =	simm.s32 $0x0;
	s0 =	sshll.u32 s0, $0x6  }
0x896: {  	s2 =	simm.s32 $0x1BC00;
	s30 =	simm.s32 $0x3;
	s0 =	sadd.s32 s0, s1  }
0x897: {  	[hbm4b:s0+s29] =	stream.linear.scatter [tilespmem:s2], [sflag:$0x3], $0x200, $0x38;
	[tilespmem:$0x1BE00] =	vst v63  }
0x898: {  	_ =	swait.ge [sflag:s30], $0x200  }
0x899: {  	s6 =	rddreg [dreg:$0xd]  }
0x89a: {  	s6 =	sadd.s32 $0x1, s6  }
0x89b: {  	p0 =	sne.s32 s6, $0x10  }
.Ltmp2:
0x89c: {  	_ = 	snop;
	(pc) =	sbr.rel @p0 .LBB2_2-.Ltmp2, $4  }
0x89d: {  	_ = 	snop  }
0x89e: {  	s31 =	rddreg [dreg:$0xc]  }
0x89f: {  	[sflag:s30] =	ssyncset.done $0x0;
	s5 =	rddreg [dreg:$0xb];
	s0 =	sadd.s32 $0x300, s31  }
0x8a0: {  	[sflag:s30] =	ssyncadd.s32 $0xFFFFFE00;
	s5 =	sadd.s32 $0x300, s5;
	[dreg:$0xc] =	wrdreg s0  }
0x8a1: {  	s1 =	simm.s32 $0x1  }
0x8a2: {  	_ =	swait.ge [sflag:s1], $0x800  }
0x8a3: {  	[sflag:s1] =	ssyncset.done $0x0  }
0x8a4: {  	[sflag:s1] =	ssyncadd.s32 $0xFFFFF800  }
0x8a5: {  	_ =	swait.ge [sflag:s1], $0x800  }
0x8a6: {  	[sflag:s1] =	ssyncset.done $0x0  }
0x8a7: {  	[sflag:s1] =	ssyncadd.s32 $0xFFFFF800  }
0x8a8: {  	_ =	swait.ge [sflag:s1], $0x2000  }
0x8a9: {  	[sflag:s1] =	ssyncset.done $0x0  }
0x8aa: {  	[sflag:s1] =	ssyncadd.s32 $0xFFFFE000  }
0x8ab: {  	_ =	swait.ge [sflag:s1], $0x2000  }
0x8ac: {  	[sflag:s1] =	ssyncset.done $0x0  }
0x8ad: {  	[sflag:s1] =	ssyncadd.s32 $0xFFFFE000  }
0x8ae: {  	_ =	swait.ge [sflag:s1], $0x2000  }
0x8af: {  	[sflag:s1] =	ssyncset.done $0x0  }
0x8b0: {  	[sflag:s1] =	ssyncadd.s32 $0xFFFFE000  }
0x8b1: {  	_ =	swait.ge [sflag:s1], $0x2000  }
0x8b2: {  	[sflag:s1] =	ssyncset.done $0x0  }
0x8b3: {  	[sflag:s1] =	ssyncadd.s32 $0xFFFFE000  }
0x8b4: {  	_ =	swait.ge [sflag:s1], $0x2000  }
0x8b5: {  	s2 =	rddreg [dreg:$0xa]  }
0x8b6: {  	s0 =	rddreg [dreg:$0x9];
	s2 =	sadd.s32 $0x1, s2  }
0x8b7: {  	p0 =	sne.s32 s2, s0  }
.Ltmp3:
0x8b8: {  	_ = 	snop;
	(pc) =	sbr.rel @p0 .LBB2_1-.Ltmp3, $3  }
0x8b9: {  	_ =	sdelay $0x1  }
0x8ba: {  	[sflag:s1] =	ssyncset.done $0x0  }
0x8bb: {  	[sflag:s1] =	ssyncadd.s32 $0xFFFFE000  }
0x8bc: {  	_ =	sfence.sel $0x180000  }
0x8bd: {  	[bflag:$0x0] =	sbarrier.arrive $0xFFFF  }
0x8be: {  	_ =	strace $0x90000047  }
0x8bf: {  	s0 =	stileid.u32;
	[bflag:$0x2] =	sbarrier.arrive $0xFFFF  }
0x8c0: {  	p0 =	sne.s32 s0, $0x0;
	s0 =	rddreg [dreg:$0x1]  }
0x8c1: {  	s0 =	sadd.s32 @!p0 $0x100000, s0  }
0x8c2: {  	[sflag:s0] =	ssyncadd.tile.s32 @!p0 $0x1;
	_ =	shalt  }
.Lfunc_end2:
_tile_overlayer_lowered:
.L_overlay_start_2:
0x8c3: {  	(tag) =	ssettag $0x2  }
0x8c4: {  	s0 =	rddreg [dreg:$0x0];
	s2 =	stileid.u32  }
0x8c5: {  	s1 =	rddreg [dreg:$0x1];
	p0 =	sne.s32 s2, $0x0  }
0x8c6: {  	s3 =	rddreg [dreg:$0x2];
	[bflag:$0x3] =	sbarrier.arrive $0xFFFF;
	s2 =	simm.s32 @!p0 $0x1C03  }
0x8c7: {  	[timem:s3], [sflag:s2] =	dma.local @!p0 [hbm:s0], s1  }
0x8c8: {  	s0 =	simm.s32 @!p0 $0x3  }
0x8c9: {  	_ =	swait.ge @!p0 [sflag:s0], s1  }
0x8ca: {  	s1 =	ssub.s32 @!p0 $0x0, s1;
	[sflag:s0] =	ssyncset.done @!p0 $0x0  }
0x8cb: {  	[sflag:s0] =	ssyncadd.s32 @!p0 s1  }
0x8cc: {  	[bflag:$0x3] =	sbarrier.arrive $0xFFFF  }
0x8cd: {  	_ =	shalt  }

</sc_bundles>
